<compile_context>
chip_gen: v7x
topology: tpu7x:2x2x1
jax: 0.10.2.dev20260603
libtpu: 0.0.44.dev20260713+nightly
codegen_flags: <defaults>
</compile_context>

<pallas_src>
import functools

import jax
import jax.numpy as jnp
from jax import lax
from jax.experimental import pallas as pl
from jax.experimental.pallas import tpu as pltpu
from jax.experimental.pallas import tpu_sc as plsc

NUM_FACTORS = 64
BATCH = 16384
NC = 2
NS = 16
NW = NC * NS
B_PER_W = BATCH // NW
H_ROWS = B_PER_W // 2
C_ROWS = 128
G_ROWS = 16
NSUB = NUM_FACTORS // 16


def _gmf_body(users_h, items_h, utab_h, itab_h, wb_h,
              out_h,
              uidx, iidx, urp, irp, urows, irows, outv, wbv, tbuf, sem):
    wid = lax.axis_index("s") * NC + lax.axis_index("c")
    base = wid * B_PER_W

    pltpu.sync_copy(users_h.at[pl.ds(base, B_PER_W)], uidx)
    pltpu.sync_copy(items_h.at[pl.ds(base, B_PER_W)], iidx)
    pltpu.sync_copy(wb_h, wbv)

    for c in range(B_PER_W // 16):
        sl = pl.ds(16 * c, 16)
        urp[sl] = uidx[sl] >> 1
        irp[sl] = iidx[sl] >> 1

    iota = lax.iota(jnp.int32, G_ROWS)
    wvecs = [wbv[pl.ds(16 * j, 16)] for j in range(5)]
    bias = wvecs[4][0]

    for h in range(2):
        copies = []
        for j in range(H_ROWS // C_ROWS):
            src = pl.ds(h * H_ROWS + j * C_ROWS, C_ROWS)
            dst = pl.ds(j * C_ROWS, C_ROWS)
            copies.append(pltpu.async_copy(utab_h.at[urp.at[src]], urows.at[dst], sem))
            copies.append(pltpu.async_copy(itab_h.at[irp.at[src]], irows.at[dst], sem))
        for c in copies:
            c.wait()

        def group(g, _):
            offu = (uidx[pl.ds(h * H_ROWS + g * G_ROWS, G_ROWS)] & 1) * NUM_FACTORS
            offi = (iidx[pl.ds(h * H_ROWS + g * G_ROWS, G_ROWS)] & 1) * NUM_FACTORS
            for rr in range(G_ROWS):
                r = g * G_ROWS + rr
                ou = offu[rr]
                oi = offi[rr]
                t = jnp.zeros((16,), jnp.float32)
                for j in range(NSUB):
                    uv = urows[r, pl.ds(ou + 16 * j, 16)]
                    iv = irows[r, pl.ds(oi + 16 * j, 16)]
                    t = t + (uv * iv) * wvecs[j]
                plsc.store_scatter(tbuf, [iota * G_ROWS + rr], t)
            acc = jnp.full((G_ROWS,), bias, jnp.float32)
            for j in range(G_ROWS):
                acc = acc + tbuf[pl.ds(16 * j, 16)]
            outv[pl.ds(h * H_ROWS + g * G_ROWS, G_ROWS)] = acc
            return _

        lax.fori_loop(0, H_ROWS // G_ROWS, group, None)

    pltpu.sync_copy(outv, out_h.at[pl.ds(base, B_PER_W)])


_gmf_sc = functools.partial(
    pl.kernel,
    out_type=jax.ShapeDtypeStruct((BATCH,), jnp.float32),
    mesh=plsc.VectorSubcoreMesh(core_axis_name="c", subcore_axis_name="s",
                                num_cores=NC, num_subcores=NS),
    compiler_params=pltpu.CompilerParams(needs_layout_passes=False,
                                         use_tc_tiling_on_sc=True),
    scratch_types=[
        pltpu.VMEM((B_PER_W,), jnp.int32),
        pltpu.VMEM((B_PER_W,), jnp.int32),
        pltpu.VMEM((B_PER_W,), jnp.int32),
        pltpu.VMEM((B_PER_W,), jnp.int32),
        pltpu.VMEM((H_ROWS, 2 * NUM_FACTORS), jnp.float32),
        pltpu.VMEM((H_ROWS, 2 * NUM_FACTORS), jnp.float32),
        pltpu.VMEM((B_PER_W,), jnp.float32),
        pltpu.VMEM((80,), jnp.float32),
        pltpu.VMEM((G_ROWS * G_ROWS,), jnp.float32),
        pltpu.SemaphoreType.DMA,
    ],
)(_gmf_body)


def kernel(users, items, user_emb_table, item_emb_table, fc_w, fc_b):
    wb = jnp.pad(jnp.concatenate([fc_w.reshape(-1), fc_b.reshape(-1)]), (0, 15))
    upairs = user_emb_table.reshape(-1, 2 * NUM_FACTORS)
    ipairs = item_emb_table.reshape(-1, 2 * NUM_FACTORS)
    return _gmf_sc(users.astype(jnp.int32), items.astype(jnp.int32),
                   upairs, ipairs, wb)

# --- scband reference (transcript-rebuilt; emitter-appended) ---
"""Pipeline reference for scband-gmf-1554778161358 (READ-ONLY COPY).

The authoritative reference and input builder live on the scoring server;
editing this copy changes nothing except your own understanding.
"""

import jax, jax.numpy as jnp
import numpy as np

NUM_USER = 1000000
NUM_ITEM = 1000000
NUM_FACTORS = 64
BATCH = 16384


def setup_inputs(seed: int = 0) -> dict:
    key = jax.random.key(seed)
    k1, k2, k3, k4, k5, k6 = jax.random.split(key, 6)
    users = jax.random.randint(k1, (BATCH,), 0, NUM_USER, dtype=jnp.int64 if jax.config.jax_enable_x64 else jnp.int32)
    items = jax.random.randint(k2, (BATCH,), 0, NUM_ITEM, dtype=jnp.int64 if jax.config.jax_enable_x64 else jnp.int32)
    user_emb_table = jax.random.normal(k3, (NUM_USER, NUM_FACTORS), dtype=jnp.float32) * 0.01
    item_emb_table = jax.random.normal(k4, (NUM_ITEM, NUM_FACTORS), dtype=jnp.float32) * 0.01
    # nn.Linear(num_factors, 1): weight [1, num_factors], bias [1]
    bound = 1.0 / np.sqrt(NUM_FACTORS)
    fc_w = jax.random.uniform(k5, (1, NUM_FACTORS), dtype=jnp.float32, minval=-bound, maxval=bound)
    fc_b = jax.random.uniform(k6, (1,), dtype=jnp.float32, minval=-bound, maxval=bound)
    return {"users": users, "items": items, "user_emb_table": user_emb_table, "item_emb_table": item_emb_table, "fc_w": fc_w, "fc_b": fc_b}


def reference(users, items, user_emb_table, item_emb_table, fc_w, fc_b):
    # Embedding lookups (gather)
    user_emb = jnp.take(user_emb_table, users, axis=0)  # [B, F]
    item_emb = jnp.take(item_emb_table, items, axis=0)  # [B, F]
    out = user_emb * item_emb                            # [B, F]
    out = out @ fc_w.T + fc_b                            # [B, 1]
    return jnp.squeeze(out, axis=-1)                     # [B]

if __name__ == "__main__":
    import jax
    _d = setup_inputs()
    print(jax.jit(kernel)(*tuple(_d.values())))

</pallas_src>

<mosaic_0001>
#map = affine_map<(d0, d1) -> (0)>
#map1 = affine_map<(d0, d1) -> (0, 0)>
module attributes {stable_mosaic.version = 14 : i64} {
  func.func @_gmf_body(%arg0: i32, %arg1: i32, %arg2: memref<16384xi32, #tpu.memory_space<hbm>>, %arg3: memref<16384xi32, #tpu.memory_space<hbm>>, %arg4: memref<500000x128xf32, #tpu.memory_space<hbm>>, %arg5: memref<500000x128xf32, #tpu.memory_space<hbm>>, %arg6: memref<80xf32, #tpu.memory_space<hbm>>, %arg7: memref<16384xf32, #tpu.memory_space<hbm>>, %arg8: memref<512xi32, #tpu.memory_space<vmem>>, %arg9: memref<512xi32, #tpu.memory_space<vmem>>, %arg10: memref<512xi32, #tpu.memory_space<vmem>>, %arg11: memref<512xi32, #tpu.memory_space<vmem>>, %arg12: memref<256x128xf32, #tpu.memory_space<vmem>>, %arg13: memref<256x128xf32, #tpu.memory_space<vmem>>, %arg14: memref<512xf32, #tpu.memory_space<vmem>>, %arg15: memref<80xf32, #tpu.memory_space<vmem>>, %arg16: memref<256xf32, #tpu.memory_space<vmem>>, %arg17: memref<!tpu.dma_semaphore, #tpu.memory_space<semaphore_mem>>) attributes {dimension_semantics = [#tpu.dimension_semantics<core_parallel>, #tpu.dimension_semantics<subcore_parallel>], iteration_bounds = array<i64: 2, 16>, scalar_prefetch = 0 : i64, scratch_operands = 10 : i64, tpu.core_type = #tpu.core_type<sc_vector_subcore>, window_params = [{transform_indices = #map}, {transform_indices = #map}, {transform_indices = #map1}, {transform_indices = #map1}, {transform_indices = #map}, {transform_indices = #map}]} {
    %mul3A = arith.constant 2 : i32
    %mul3A_0 = arith.muli %arg1, %mul3A : i32
    %add3A = arith.addi %mul3A_0, %arg0 : i32
    %mul3A_1 = arith.constant 512 : i32
    %mul3A_2 = arith.muli %add3A, %mul3A_1 : i32
    "tpu.region"() ({
      %run_scoped3A = tpu.sem_alloc : memref<!tpu.dma_semaphore, #tpu.memory_space<semaphore_mem>>
      %dma_start3A_593 = tpu.memref_slice %arg2[%mul3A_2] : memref<16384xi32, #tpu.memory_space<hbm>> -> memref<512xi32, #tpu.memory_space<hbm>>
      %dma_start3A_594 = tpu.memref_slice %arg2[%mul3A_2] : memref<16384xi32, #tpu.memory_space<hbm>> -> memref<512xi32, #tpu.memory_space<hbm>>
      tpu.enqueue_dma source(%dma_start3A_594 : memref<512xi32, #tpu.memory_space<hbm>>) target(%arg8 : memref<512xi32, #tpu.memory_space<vmem>>) target_semaphore(%run_scoped3A : memref<!tpu.dma_semaphore, #tpu.memory_space<semaphore_mem>>)
      %dma_wait3A_595 = tpu.memref_slice %arg2[%mul3A_2] : memref<16384xi32, #tpu.memory_space<hbm>> -> memref<512xi32, #tpu.memory_space<hbm>>
      %dma_wait3A_596 = tpu.memref_slice %arg2[%mul3A_2] : memref<16384xi32, #tpu.memory_space<hbm>> -> memref<512xi32, #tpu.memory_space<hbm>>
      tpu.wait_dma2 semaphore(%run_scoped3A : memref<!tpu.dma_semaphore, #tpu.memory_space<semaphore_mem>>) src(%dma_wait3A_596 : memref<512xi32, #tpu.memory_space<hbm>>) dst(%arg8 : memref<512xi32, #tpu.memory_space<vmem>>)
      tpu.yield
    }) : () -> ()
    "tpu.region"() ({
      %run_scoped3A = tpu.sem_alloc : memref<!tpu.dma_semaphore, #tpu.memory_space<semaphore_mem>>
      %dma_start3A_593 = tpu.memref_slice %arg3[%mul3A_2] : memref<16384xi32, #tpu.memory_space<hbm>> -> memref<512xi32, #tpu.memory_space<hbm>>
      %dma_start3A_594 = tpu.memref_slice %arg3[%mul3A_2] : memref<16384xi32, #tpu.memory_space<hbm>> -> memref<512xi32, #tpu.memory_space<hbm>>
      tpu.enqueue_dma source(%dma_start3A_594 : memref<512xi32, #tpu.memory_space<hbm>>) target(%arg9 : memref<512xi32, #tpu.memory_space<vmem>>) target_semaphore(%run_scoped3A : memref<!tpu.dma_semaphore, #tpu.memory_space<semaphore_mem>>)
      %dma_wait3A_595 = tpu.memref_slice %arg3[%mul3A_2] : memref<16384xi32, #tpu.memory_space<hbm>> -> memref<512xi32, #tpu.memory_space<hbm>>
      %dma_wait3A_596 = tpu.memref_slice %arg3[%mul3A_2] : memref<16384xi32, #tpu.memory_space<hbm>> -> memref<512xi32, #tpu.memory_space<hbm>>
      tpu.wait_dma2 semaphore(%run_scoped3A : memref<!tpu.dma_semaphore, #tpu.memory_space<semaphore_mem>>) src(%dma_wait3A_596 : memref<512xi32, #tpu.memory_space<hbm>>) dst(%arg9 : memref<512xi32, #tpu.memory_space<vmem>>)
      tpu.yield
    }) : () -> ()
    "tpu.region"() ({
      %run_scoped3A = tpu.sem_alloc : memref<!tpu.dma_semaphore, #tpu.memory_space<semaphore_mem>>
      tpu.enqueue_dma source(%arg6 : memref<80xf32, #tpu.memory_space<hbm>>) target(%arg15 : memref<80xf32, #tpu.memory_space<vmem>>) target_semaphore(%run_scoped3A : memref<!tpu.dma_semaphore, #tpu.memory_space<semaphore_mem>>)
      tpu.wait_dma2 semaphore(%run_scoped3A : memref<!tpu.dma_semaphore, #tpu.memory_space<semaphore_mem>>) src(%arg6 : memref<80xf32, #tpu.memory_space<hbm>>) dst(%arg15 : memref<80xf32, #tpu.memory_space<vmem>>)
      tpu.yield
    }) : () -> ()
    %get3A = arith.constant 0 : index
    %get3A_3 = tpu.vector_load %arg8[%get3A] {strides = array<i32>} : memref<512xi32, #tpu.memory_space<vmem>>, vector<16xi32>,
    %shift_right_arithmetic3A = arith.constant 1 : i32
    %shift_right_arithmetic3A_4 = vector.broadcast %shift_right_arithmetic3A : i32 to vector<16xi32>
    %shift_right_arithmetic3A_5 = arith.shrsi %get3A_3, %shift_right_arithmetic3A_4 : vector<16xi32>
    %swap3A = arith.constant 0 : index
    %swap3A_6 = tpu.vector_load %arg10[%swap3A] {strides = array<i32>} : memref<512xi32, #tpu.memory_space<vmem>>, vector<16xi32>,
    tpu.vector_store %arg10[%swap3A], %shift_right_arithmetic3A_5 {strides = array<i32>} : memref<512xi32, #tpu.memory_space<vmem>>, vector<16xi32>,
    %get3A_7 = arith.constant 0 : index
    %get3A_8 = tpu.vector_load %arg9[%get3A_7] {strides = array<i32>} : memref<512xi32, #tpu.memory_space<vmem>>, vector<16xi32>,
    %shift_right_arithmetic3A_9 = arith.constant 1 : i32
    %shift_right_arithmetic3A_10 = vector.broadcast %shift_right_arithmetic3A_9 : i32 to vector<16xi32>
    %shift_right_arithmetic3A_11 = arith.shrsi %get3A_8, %shift_right_arithmetic3A_10 : vector<16xi32>
    %swap3A_12 = arith.constant 0 : index
    %swap3A_13 = tpu.vector_load %arg11[%swap3A_12] {strides = array<i32>} : memref<512xi32, #tpu.memory_space<vmem>>, vector<16xi32>,
    tpu.vector_store %arg11[%swap3A_12], %shift_right_arithmetic3A_11 {strides = array<i32>} : memref<512xi32, #tpu.memory_space<vmem>>, vector<16xi32>,
    %get3A_14 = arith.constant 16 : index
    %get3A_15 = tpu.vector_load %arg8[%get3A_14] {strides = array<i32>} : memref<512xi32, #tpu.memory_space<vmem>>, vector<16xi32>,
    %shift_right_arithmetic3A_16 = arith.constant 1 : i32
    %shift_right_arithmetic3A_17 = vector.broadcast %shift_right_arithmetic3A_16 : i32 to vector<16xi32>
    %shift_right_arithmetic3A_18 = arith.shrsi %get3A_15, %shift_right_arithmetic3A_17 : vector<16xi32>
    %swap3A_19 = arith.constant 16 : index
    %swap3A_20 = tpu.vector_load %arg10[%swap3A_19] {strides = array<i32>} : memref<512xi32, #tpu.memory_space<vmem>>, vector<16xi32>,
    tpu.vector_store %arg10[%swap3A_19], %shift_right_arithmetic3A_18 {strides = array<i32>} : memref<512xi32, #tpu.memory_space<vmem>>, vector<16xi32>,
    %get3A_21 = arith.constant 16 : index
    %get3A_22 = tpu.vector_load %arg9[%get3A_21] {strides = array<i32>} : memref<512xi32, #tpu.memory_space<vmem>>, vector<16xi32>,
    %shift_right_arithmetic3A_23 = arith.constant 1 : i32
    %shift_right_arithmetic3A_24 = vector.broadcast %shift_right_arithmetic3A_23 : i32 to vector<16xi32>
    %shift_right_arithmetic3A_25 = arith.shrsi %get3A_22, %shift_right_arithmetic3A_24 : vector<16xi32>
    %swap3A_26 = arith.constant 16 : index
    %swap3A_27 = tpu.vector_load %arg11[%swap3A_26] {strides = array<i32>} : memref<512xi32, #tpu.memory_space<vmem>>, vector<16xi32>,
    tpu.vector_store %arg11[%swap3A_26], %shift_right_arithmetic3A_25 {strides = array<i32>} : memref<512xi32, #tpu.memory_space<vmem>>, vector<16xi32>,
    %get3A_28 = arith.constant 32 : index
    %get3A_29 = tpu.vector_load %arg8[%get3A_28] {strides = array<i32>} : memref<512xi32, #tpu.memory_space<vmem>>, vector<16xi32>,
    %shift_right_arithmetic3A_30 = arith.constant 1 : i32
    %shift_right_arithmetic3A_31 = vector.broadcast %shift_right_arithmetic3A_30 : i32 to vector<16xi32>
    %shift_right_arithmetic3A_32 = arith.shrsi %get3A_29, %shift_right_arithmetic3A_31 : vector<16xi32>
    %swap3A_33 = arith.constant 32 : index
    %swap3A_34 = tpu.vector_load %arg10[%swap3A_33] {strides = array<i32>} : memref<512xi32, #tpu.memory_space<vmem>>, vector<16xi32>,
    tpu.vector_store %arg10[%swap3A_33], %shift_right_arithmetic3A_32 {strides = array<i32>} : memref<512xi32, #tpu.memory_space<vmem>>, vector<16xi32>,
    %get3A_35 = arith.constant 32 : index
    %get3A_36 = tpu.vector_load %arg9[%get3A_35] {strides = array<i32>} : memref<512xi32, #tpu.memory_space<vmem>>, vector<16xi32>,
    %shift_right_arithmetic3A_37 = arith.constant 1 : i32
    %shift_right_arithmetic3A_38 = vector.broadcast %shift_right_arithmetic3A_37 : i32 to vector<16xi32>
    %shift_right_arithmetic3A_39 = arith.shrsi %get3A_36, %shift_right_arithmetic3A_38 : vector<16xi32>
    %swap3A_40 = arith.constant 32 : index
    %swap3A_41 = tpu.vector_load %arg11[%swap3A_40] {strides = array<i32>} : memref<512xi32, #tpu.memory_space<vmem>>, vector<16xi32>,
    tpu.vector_store %arg11[%swap3A_40], %shift_right_arithmetic3A_39 {strides = array<i32>} : memref<512xi32, #tpu.memory_space<vmem>>, vector<16xi32>,
    %get3A_42 = arith.constant 48 : index
    %get3A_43 = tpu.vector_load %arg8[%get3A_42] {strides = array<i32>} : memref<512xi32, #tpu.memory_space<vmem>>, vector<16xi32>,
    %shift_right_arithmetic3A_44 = arith.constant 1 : i32
    %shift_right_arithmetic3A_45 = vector.broadcast %shift_right_arithmetic3A_44 : i32 to vector<16xi32>
    %shift_right_arithmetic3A_46 = arith.shrsi %get3A_43, %shift_right_arithmetic3A_45 : vector<16xi32>
    %swap3A_47 = arith.constant 48 : index
    %swap3A_48 = tpu.vector_load %arg10[%swap3A_47] {strides = array<i32>} : memref<512xi32, #tpu.memory_space<vmem>>, vector<16xi32>,
    tpu.vector_store %arg10[%swap3A_47], %shift_right_arithmetic3A_46 {strides = array<i32>} : memref<512xi32, #tpu.memory_space<vmem>>, vector<16xi32>,
    %get3A_49 = arith.constant 48 : index
    %get3A_50 = tpu.vector_load %arg9[%get3A_49] {strides = array<i32>} : memref<512xi32, #tpu.memory_space<vmem>>, vector<16xi32>,
    %shift_right_arithmetic3A_51 = arith.constant 1 : i32
    %shift_right_arithmetic3A_52 = vector.broadcast %shift_right_arithmetic3A_51 : i32 to vector<16xi32>
    %shift_right_arithmetic3A_53 = arith.shrsi %get3A_50, %shift_right_arithmetic3A_52 : vector<16xi32>
    %swap3A_54 = arith.constant 48 : index
    %swap3A_55 = tpu.vector_load %arg11[%swap3A_54] {strides = array<i32>} : memref<512xi32, #tpu.memory_space<vmem>>, vector<16xi32>,
    tpu.vector_store %arg11[%swap3A_54], %shift_right_arithmetic3A_53 {strides = array<i32>} : memref<512xi32, #tpu.memory_space<vmem>>, vector<16xi32>,
    %get3A_56 = arith.constant 64 : index
    %get3A_57 = tpu.vector_load %arg8[%get3A_56] {strides = array<i32>} : memref<512xi32, #tpu.memory_space<vmem>>, vector<16xi32>,
    %shift_right_arithmetic3A_58 = arith.constant 1 : i32
    %shift_right_arithmetic3A_59 = vector.broadcast %shift_right_arithmetic3A_58 : i32 to vector<16xi32>
    %shift_right_arithmetic3A_60 = arith.shrsi %get3A_57, %shift_right_arithmetic3A_59 : vector<16xi32>
    %swap3A_61 = arith.constant 64 : index
    %swap3A_62 = tpu.vector_load %arg10[%swap3A_61] {strides = array<i32>} : memref<512xi32, #tpu.memory_space<vmem>>, vector<16xi32>,
    tpu.vector_store %arg10[%swap3A_61], %shift_right_arithmetic3A_60 {strides = array<i32>} : memref<512xi32, #tpu.memory_space<vmem>>, vector<16xi32>,
    %get3A_63 = arith.constant 64 : index
    %get3A_64 = tpu.vector_load %arg9[%get3A_63] {strides = array<i32>} : memref<512xi32, #tpu.memory_space<vmem>>, vector<16xi32>,
    %shift_right_arithmetic3A_65 = arith.constant 1 : i32
    %shift_right_arithmetic3A_66 = vector.broadcast %shift_right_arithmetic3A_65 : i32 to vector<16xi32>
    %shift_right_arithmetic3A_67 = arith.shrsi %get3A_64, %shift_right_arithmetic3A_66 : vector<16xi32>
    %swap3A_68 = arith.constant 64 : index
    %swap3A_69 = tpu.vector_load %arg11[%swap3A_68] {strides = array<i32>} : memref<512xi32, #tpu.memory_space<vmem>>, vector<16xi32>,
    tpu.vector_store %arg11[%swap3A_68], %shift_right_arithmetic3A_67 {strides = array<i32>} : memref<512xi32, #tpu.memory_space<vmem>>, vector<16xi32>,
    %get3A_70 = arith.constant 80 : index
    %get3A_71 = tpu.vector_load %arg8[%get3A_70] {strides = array<i32>} : memref<512xi32, #tpu.memory_space<vmem>>, vector<16xi32>,
    %shift_right_arithmetic3A_72 = arith.constant 1 : i32
    %shift_right_arithmetic3A_73 = vector.broadcast %shift_right_arithmetic3A_72 : i32 to vector<16xi32>
    %shift_right_arithmetic3A_74 = arith.shrsi %get3A_71, %shift_right_arithmetic3A_73 : vector<16xi32>
    %swap3A_75 = arith.constant 80 : index
    %swap3A_76 = tpu.vector_load %arg10[%swap3A_75] {strides = array<i32>} : memref<512xi32, #tpu.memory_space<vmem>>, vector<16xi32>,
    tpu.vector_store %arg10[%swap3A_75], %shift_right_arithmetic3A_74 {strides = array<i32>} : memref<512xi32, #tpu.memory_space<vmem>>, vector<16xi32>,
    %get3A_77 = arith.constant 80 : index
    %get3A_78 = tpu.vector_load %arg9[%get3A_77] {strides = array<i32>} : memref<512xi32, #tpu.memory_space<vmem>>, vector<16xi32>,
    %shift_right_arithmetic3A_79 = arith.constant 1 : i32
    %shift_right_arithmetic3A_80 = vector.broadcast %shift_right_arithmetic3A_79 : i32 to vector<16xi32>
    %shift_right_arithmetic3A_81 = arith.shrsi %get3A_78, %shift_right_arithmetic3A_80 : vector<16xi32>
    %swap3A_82 = arith.constant 80 : index
    %swap3A_83 = tpu.vector_load %arg11[%swap3A_82] {strides = array<i32>} : memref<512xi32, #tpu.memory_space<vmem>>, vector<16xi32>,
    tpu.vector_store %arg11[%swap3A_82], %shift_right_arithmetic3A_81 {strides = array<i32>} : memref<512xi32, #tpu.memory_space<vmem>>, vector<16xi32>,
    %get3A_84 = arith.constant 96 : index
    %get3A_85 = tpu.vector_load %arg8[%get3A_84] {strides = array<i32>} : memref<512xi32, #tpu.memory_space<vmem>>, vector<16xi32>,
    %shift_right_arithmetic3A_86 = arith.constant 1 : i32
    %shift_right_arithmetic3A_87 = vector.broadcast %shift_right_arithmetic3A_86 : i32 to vector<16xi32>
    %shift_right_arithmetic3A_88 = arith.shrsi %get3A_85, %shift_right_arithmetic3A_87 : vector<16xi32>
    %swap3A_89 = arith.constant 96 : index
    %swap3A_90 = tpu.vector_load %arg10[%swap3A_89] {strides = array<i32>} : memref<512xi32, #tpu.memory_space<vmem>>, vector<16xi32>,
    tpu.vector_store %arg10[%swap3A_89], %shift_right_arithmetic3A_88 {strides = array<i32>} : memref<512xi32, #tpu.memory_space<vmem>>, vector<16xi32>,
    %get3A_91 = arith.constant 96 : index
    %get3A_92 = tpu.vector_load %arg9[%get3A_91] {strides = array<i32>} : memref<512xi32, #tpu.memory_space<vmem>>, vector<16xi32>,
    %shift_right_arithmetic3A_93 = arith.constant 1 : i32
    %shift_right_arithmetic3A_94 = vector.broadcast %shift_right_arithmetic3A_93 : i32 to vector<16xi32>
    %shift_right_arithmetic3A_95 = arith.shrsi %get3A_92, %shift_right_arithmetic3A_94 : vector<16xi32>
    %swap3A_96 = arith.constant 96 : index
    %swap3A_97 = tpu.vector_load %arg11[%swap3A_96] {strides = array<i32>} : memref<512xi32, #tpu.memory_space<vmem>>, vector<16xi32>,
    tpu.vector_store %arg11[%swap3A_96], %shift_right_arithmetic3A_95 {strides = array<i32>} : memref<512xi32, #tpu.memory_space<vmem>>, vector<16xi32>,
    %get3A_98 = arith.constant 112 : index
    %get3A_99 = tpu.vector_load %arg8[%get3A_98] {strides = array<i32>} : memref<512xi32, #tpu.memory_space<vmem>>, vector<16xi32>,
    %shift_right_arithmetic3A_100 = arith.constant 1 : i32
    %shift_right_arithmetic3A_101 = vector.broadcast %shift_right_arithmetic3A_100 : i32 to vector<16xi32>
    %shift_right_arithmetic3A_102 = arith.shrsi %get3A_99, %shift_right_arithmetic3A_101 : vector<16xi32>
    %swap3A_103 = arith.constant 112 : index
    %swap3A_104 = tpu.vector_load %arg10[%swap3A_103] {strides = array<i32>} : memref<512xi32, #tpu.memory_space<vmem>>, vector<16xi32>,
    tpu.vector_store %arg10[%swap3A_103], %shift_right_arithmetic3A_102 {strides = array<i32>} : memref<512xi32, #tpu.memory_space<vmem>>, vector<16xi32>,
    %get3A_105 = arith.constant 112 : index
    %get3A_106 = tpu.vector_load %arg9[%get3A_105] {strides = array<i32>} : memref<512xi32, #tpu.memory_space<vmem>>, vector<16xi32>,
    %shift_right_arithmetic3A_107 = arith.constant 1 : i32
    %shift_right_arithmetic3A_108 = vector.broadcast %shift_right_arithmetic3A_107 : i32 to vector<16xi32>
    %shift_right_arithmetic3A_109 = arith.shrsi %get3A_106, %shift_right_arithmetic3A_108 : vector<16xi32>
    %swap3A_110 = arith.constant 112 : index
    %swap3A_111 = tpu.vector_load %arg11[%swap3A_110] {strides = array<i32>} : memref<512xi32, #tpu.memory_space<vmem>>, vector<16xi32>,
    tpu.vector_store %arg11[%swap3A_110], %shift_right_arithmetic3A_109 {strides = array<i32>} : memref<512xi32, #tpu.memory_space<vmem>>, vector<16xi32>,
    %get3A_112 = arith.constant 128 : index
    %get3A_113 = tpu.vector_load %arg8[%get3A_112] {strides = array<i32>} : memref<512xi32, #tpu.memory_space<vmem>>, vector<16xi32>,
    %shift_right_arithmetic3A_114 = arith.constant 1 : i32
    %shift_right_arithmetic3A_115 = vector.broadcast %shift_right_arithmetic3A_114 : i32 to vector<16xi32>
    %shift_right_arithmetic3A_116 = arith.shrsi %get3A_113, %shift_right_arithmetic3A_115 : vector<16xi32>
    %swap3A_117 = arith.constant 128 : index
    %swap3A_118 = tpu.vector_load %arg10[%swap3A_117] {strides = array<i32>} : memref<512xi32, #tpu.memory_space<vmem>>, vector<16xi32>,
    tpu.vector_store %arg10[%swap3A_117], %shift_right_arithmetic3A_116 {strides = array<i32>} : memref<512xi32, #tpu.memory_space<vmem>>, vector<16xi32>,
    %get3A_119 = arith.constant 128 : index
    %get3A_120 = tpu.vector_load %arg9[%get3A_119] {strides = array<i32>} : memref<512xi32, #tpu.memory_space<vmem>>, vector<16xi32>,
    %shift_right_arithmetic3A_121 = arith.constant 1 : i32
    %shift_right_arithmetic3A_122 = vector.broadcast %shift_right_arithmetic3A_121 : i32 to vector<16xi32>
    %shift_right_arithmetic3A_123 = arith.shrsi %get3A_120, %shift_right_arithmetic3A_122 : vector<16xi32>
    %swap3A_124 = arith.constant 128 : index
    %swap3A_125 = tpu.vector_load %arg11[%swap3A_124] {strides = array<i32>} : memref<512xi32, #tpu.memory_space<vmem>>, vector<16xi32>,
    tpu.vector_store %arg11[%swap3A_124], %shift_right_arithmetic3A_123 {strides = array<i32>} : memref<512xi32, #tpu.memory_space<vmem>>, vector<16xi32>,
    %get3A_126 = arith.constant 144 : index
    %get3A_127 = tpu.vector_load %arg8[%get3A_126] {strides = array<i32>} : memref<512xi32, #tpu.memory_space<vmem>>, vector<16xi32>,
    %shift_right_arithmetic3A_128 = arith.constant 1 : i32
    %shift_right_arithmetic3A_129 = vector.broadcast %shift_right_arithmetic3A_128 : i32 to vector<16xi32>
    %shift_right_arithmetic3A_130 = arith.shrsi %get3A_127, %shift_right_arithmetic3A_129 : vector<16xi32>
    %swap3A_131 = arith.constant 144 : index
    %swap3A_132 = tpu.vector_load %arg10[%swap3A_131] {strides = array<i32>} : memref<512xi32, #tpu.memory_space<vmem>>, vector<16xi32>,
    tpu.vector_store %arg10[%swap3A_131], %shift_right_arithmetic3A_130 {strides = array<i32>} : memref<512xi32, #tpu.memory_space<vmem>>, vector<16xi32>,
    %get3A_133 = arith.constant 144 : index
    %get3A_134 = tpu.vector_load %arg9[%get3A_133] {strides = array<i32>} : memref<512xi32, #tpu.memory_space<vmem>>, vector<16xi32>,
    %shift_right_arithmetic3A_135 = arith.constant 1 : i32
    %shift_right_arithmetic3A_136 = vector.broadcast %shift_right_arithmetic3A_135 : i32 to vector<16xi32>
    %shift_right_arithmetic3A_137 = arith.shrsi %get3A_134, %shift_right_arithmetic3A_136 : vector<16xi32>
    %swap3A_138 = arith.constant 144 : index
    %swap3A_139 = tpu.vector_load %arg11[%swap3A_138] {strides = array<i32>} : memref<512xi32, #tpu.memory_space<vmem>>, vector<16xi32>,
    tpu.vector_store %arg11[%swap3A_138], %shift_right_arithmetic3A_137 {strides = array<i32>} : memref<512xi32, #tpu.memory_space<vmem>>, vector<16xi32>,
    %get3A_140 = arith.constant 160 : index
    %get3A_141 = tpu.vector_load %arg8[%get3A_140] {strides = array<i32>} : memref<512xi32, #tpu.memory_space<vmem>>, vector<16xi32>,
    %shift_right_arithmetic3A_142 = arith.constant 1 : i32
    %shift_right_arithmetic3A_143 = vector.broadcast %shift_right_arithmetic3A_142 : i32 to vector<16xi32>
    %shift_right_arithmetic3A_144 = arith.shrsi %get3A_141, %shift_right_arithmetic3A_143 : vector<16xi32>
    %swap3A_145 = arith.constant 160 : index
    %swap3A_146 = tpu.vector_load %arg10[%swap3A_145] {strides = array<i32>} : memref<512xi32, #tpu.memory_space<vmem>>, vector<16xi32>,
    tpu.vector_store %arg10[%swap3A_145], %shift_right_arithmetic3A_144 {strides = array<i32>} : memref<512xi32, #tpu.memory_space<vmem>>, vector<16xi32>,
    %get3A_147 = arith.constant 160 : index
    %get3A_148 = tpu.vector_load %arg9[%get3A_147] {strides = array<i32>} : memref<512xi32, #tpu.memory_space<vmem>>, vector<16xi32>,
    %shift_right_arithmetic3A_149 = arith.constant 1 : i32
    %shift_right_arithmetic3A_150 = vector.broadcast %shift_right_arithmetic3A_149 : i32 to vector<16xi32>
    %shift_right_arithmetic3A_151 = arith.shrsi %get3A_148, %shift_right_arithmetic3A_150 : vector<16xi32>
    %swap3A_152 = arith.constant 160 : index
    %swap3A_153 = tpu.vector_load %arg11[%swap3A_152] {strides = array<i32>} : memref<512xi32, #tpu.memory_space<vmem>>, vector<16xi32>,
    tpu.vector_store %arg11[%swap3A_152], %shift_right_arithmetic3A_151 {strides = array<i32>} : memref<512xi32, #tpu.memory_space<vmem>>, vector<16xi32>,
    %get3A_154 = arith.constant 176 : index
    %get3A_155 = tpu.vector_load %arg8[%get3A_154] {strides = array<i32>} : memref<512xi32, #tpu.memory_space<vmem>>, vector<16xi32>,
    %shift_right_arithmetic3A_156 = arith.constant 1 : i32
    %shift_right_arithmetic3A_157 = vector.broadcast %shift_right_arithmetic3A_156 : i32 to vector<16xi32>
    %shift_right_arithmetic3A_158 = arith.shrsi %get3A_155, %shift_right_arithmetic3A_157 : vector<16xi32>
    %swap3A_159 = arith.constant 176 : index
    %swap3A_160 = tpu.vector_load %arg10[%swap3A_159] {strides = array<i32>} : memref<512xi32, #tpu.memory_space<vmem>>, vector<16xi32>,
    tpu.vector_store %arg10[%swap3A_159], %shift_right_arithmetic3A_158 {strides = array<i32>} : memref<512xi32, #tpu.memory_space<vmem>>, vector<16xi32>,
    %get3A_161 = arith.constant 176 : index
    %get3A_162 = tpu.vector_load %arg9[%get3A_161] {strides = array<i32>} : memref<512xi32, #tpu.memory_space<vmem>>, vector<16xi32>,
    %shift_right_arithmetic3A_163 = arith.constant 1 : i32
    %shift_right_arithmetic3A_164 = vector.broadcast %shift_right_arithmetic3A_163 : i32 to vector<16xi32>
    %shift_right_arithmetic3A_165 = arith.shrsi %get3A_162, %shift_right_arithmetic3A_164 : vector<16xi32>
    %swap3A_166 = arith.constant 176 : index
    %swap3A_167 = tpu.vector_load %arg11[%swap3A_166] {strides = array<i32>} : memref<512xi32, #tpu.memory_space<vmem>>, vector<16xi32>,
    tpu.vector_store %arg11[%swap3A_166], %shift_right_arithmetic3A_165 {strides = array<i32>} : memref<512xi32, #tpu.memory_space<vmem>>, vector<16xi32>,
    %get3A_168 = arith.constant 192 : index
    %get3A_169 = tpu.vector_load %arg8[%get3A_168] {strides = array<i32>} : memref<512xi32, #tpu.memory_space<vmem>>, vector<16xi32>,
    %shift_right_arithmetic3A_170 = arith.constant 1 : i32
    %shift_right_arithmetic3A_171 = vector.broadcast %shift_right_arithmetic3A_170 : i32 to vector<16xi32>
    %shift_right_arithmetic3A_172 = arith.shrsi %get3A_169, %shift_right_arithmetic3A_171 : vector<16xi32>
    %swap3A_173 = arith.constant 192 : index
    %swap3A_174 = tpu.vector_load %arg10[%swap3A_173] {strides = array<i32>} : memref<512xi32, #tpu.memory_space<vmem>>, vector<16xi32>,
    tpu.vector_store %arg10[%swap3A_173], %shift_right_arithmetic3A_172 {strides = array<i32>} : memref<512xi32, #tpu.memory_space<vmem>>, vector<16xi32>,
    %get3A_175 = arith.constant 192 : index
    %get3A_176 = tpu.vector_load %arg9[%get3A_175] {strides = array<i32>} : memref<512xi32, #tpu.memory_space<vmem>>, vector<16xi32>,
    %shift_right_arithmetic3A_177 = arith.constant 1 : i32
    %shift_right_arithmetic3A_178 = vector.broadcast %shift_right_arithmetic3A_177 : i32 to vector<16xi32>
    %shift_right_arithmetic3A_179 = arith.shrsi %get3A_176, %shift_right_arithmetic3A_178 : vector<16xi32>
    %swap3A_180 = arith.constant 192 : index
    %swap3A_181 = tpu.vector_load %arg11[%swap3A_180] {strides = array<i32>} : memref<512xi32, #tpu.memory_space<vmem>>, vector<16xi32>,
    tpu.vector_store %arg11[%swap3A_180], %shift_right_arithmetic3A_179 {strides = array<i32>} : memref<512xi32, #tpu.memory_space<vmem>>, vector<16xi32>,
    %get3A_182 = arith.constant 208 : index
    %get3A_183 = tpu.vector_load %arg8[%get3A_182] {strides = array<i32>} : memref<512xi32, #tpu.memory_space<vmem>>, vector<16xi32>,
    %shift_right_arithmetic3A_184 = arith.constant 1 : i32
    %shift_right_arithmetic3A_185 = vector.broadcast %shift_right_arithmetic3A_184 : i32 to vector<16xi32>
    %shift_right_arithmetic3A_186 = arith.shrsi %get3A_183, %shift_right_arithmetic3A_185 : vector<16xi32>
    %swap3A_187 = arith.constant 208 : index
    %swap3A_188 = tpu.vector_load %arg10[%swap3A_187] {strides = array<i32>} : memref<512xi32, #tpu.memory_space<vmem>>, vector<16xi32>,
    tpu.vector_store %arg10[%swap3A_187], %shift_right_arithmetic3A_186 {strides = array<i32>} : memref<512xi32, #tpu.memory_space<vmem>>, vector<16xi32>,
    %get3A_189 = arith.constant 208 : index
    %get3A_190 = tpu.vector_load %arg9[%get3A_189] {strides = array<i32>} : memref<512xi32, #tpu.memory_space<vmem>>, vector<16xi32>,
    %shift_right_arithmetic3A_191 = arith.constant 1 : i32
    %shift_right_arithmetic3A_192 = vector.broadcast %shift_right_arithmetic3A_191 : i32 to vector<16xi32>
    %shift_right_arithmetic3A_193 = arith.shrsi %get3A_190, %shift_right_arithmetic3A_192 : vector<16xi32>
    %swap3A_194 = arith.constant 208 : index
    %swap3A_195 = tpu.vector_load %arg11[%swap3A_194] {strides = array<i32>} : memref<512xi32, #tpu.memory_space<vmem>>, vector<16xi32>,
    tpu.vector_store %arg11[%swap3A_194], %shift_right_arithmetic3A_193 {strides = array<i32>} : memref<512xi32, #tpu.memory_space<vmem>>, vector<16xi32>,
    %get3A_196 = arith.constant 224 : index
    %get3A_197 = tpu.vector_load %arg8[%get3A_196] {strides = array<i32>} : memref<512xi32, #tpu.memory_space<vmem>>, vector<16xi32>,
    %shift_right_arithmetic3A_198 = arith.constant 1 : i32
    %shift_right_arithmetic3A_199 = vector.broadcast %shift_right_arithmetic3A_198 : i32 to vector<16xi32>
    %shift_right_arithmetic3A_200 = arith.shrsi %get3A_197, %shift_right_arithmetic3A_199 : vector<16xi32>
    %swap3A_201 = arith.constant 224 : index
    %swap3A_202 = tpu.vector_load %arg10[%swap3A_201] {strides = array<i32>} : memref<512xi32, #tpu.memory_space<vmem>>, vector<16xi32>,
    tpu.vector_store %arg10[%swap3A_201], %shift_right_arithmetic3A_200 {strides = array<i32>} : memref<512xi32, #tpu.memory_space<vmem>>, vector<16xi32>,
    %get3A_203 = arith.constant 224 : index
    %get3A_204 = tpu.vector_load %arg9[%get3A_203] {strides = array<i32>} : memref<512xi32, #tpu.memory_space<vmem>>, vector<16xi32>,
    %shift_right_arithmetic3A_205 = arith.constant 1 : i32
    %shift_right_arithmetic3A_206 = vector.broadcast %shift_right_arithmetic3A_205 : i32 to vector<16xi32>
    %shift_right_arithmetic3A_207 = arith.shrsi %get3A_204, %shift_right_arithmetic3A_206 : vector<16xi32>
    %swap3A_208 = arith.constant 224 : index
    %swap3A_209 = tpu.vector_load %arg11[%swap3A_208] {strides = array<i32>} : memref<512xi32, #tpu.memory_space<vmem>>, vector<16xi32>,
    tpu.vector_store %arg11[%swap3A_208], %shift_right_arithmetic3A_207 {strides = array<i32>} : memref<512xi32, #tpu.memory_space<vmem>>, vector<16xi32>,
    %get3A_210 = arith.constant 240 : index
    %get3A_211 = tpu.vector_load %arg8[%get3A_210] {strides = array<i32>} : memref<512xi32, #tpu.memory_space<vmem>>, vector<16xi32>,
    %shift_right_arithmetic3A_212 = arith.constant 1 : i32
    %shift_right_arithmetic3A_213 = vector.broadcast %shift_right_arithmetic3A_212 : i32 to vector<16xi32>
    %shift_right_arithmetic3A_214 = arith.shrsi %get3A_211, %shift_right_arithmetic3A_213 : vector<16xi32>
    %swap3A_215 = arith.constant 240 : index
    %swap3A_216 = tpu.vector_load %arg10[%swap3A_215] {strides = array<i32>} : memref<512xi32, #tpu.memory_space<vmem>>, vector<16xi32>,
    tpu.vector_store %arg10[%swap3A_215], %shift_right_arithmetic3A_214 {strides = array<i32>} : memref<512xi32, #tpu.memory_space<vmem>>, vector<16xi32>,
    %get3A_217 = arith.constant 240 : index
    %get3A_218 = tpu.vector_load %arg9[%get3A_217] {strides = array<i32>} : memref<512xi32, #tpu.memory_space<vmem>>, vector<16xi32>,
    %shift_right_arithmetic3A_219 = arith.constant 1 : i32
    %shift_right_arithmetic3A_220 = vector.broadcast %shift_right_arithmetic3A_219 : i32 to vector<16xi32>
    %shift_right_arithmetic3A_221 = arith.shrsi %get3A_218, %shift_right_arithmetic3A_220 : vector<16xi32>
    %swap3A_222 = arith.constant 240 : index
    %swap3A_223 = tpu.vector_load %arg11[%swap3A_222] {strides = array<i32>} : memref<512xi32, #tpu.memory_space<vmem>>, vector<16xi32>,
    tpu.vector_store %arg11[%swap3A_222], %shift_right_arithmetic3A_221 {strides = array<i32>} : memref<512xi32, #tpu.memory_space<vmem>>, vector<16xi32>,
    %get3A_224 = arith.constant 256 : index
    %get3A_225 = tpu.vector_load %arg8[%get3A_224] {strides = array<i32>} : memref<512xi32, #tpu.memory_space<vmem>>, vector<16xi32>,
    %shift_right_arithmetic3A_226 = arith.constant 1 : i32
    %shift_right_arithmetic3A_227 = vector.broadcast %shift_right_arithmetic3A_226 : i32 to vector<16xi32>
    %shift_right_arithmetic3A_228 = arith.shrsi %get3A_225, %shift_right_arithmetic3A_227 : vector<16xi32>
    %swap3A_229 = arith.constant 256 : index
    %swap3A_230 = tpu.vector_load %arg10[%swap3A_229] {strides = array<i32>} : memref<512xi32, #tpu.memory_space<vmem>>, vector<16xi32>,
    tpu.vector_store %arg10[%swap3A_229], %shift_right_arithmetic3A_228 {strides = array<i32>} : memref<512xi32, #tpu.memory_space<vmem>>, vector<16xi32>,
    %get3A_231 = arith.constant 256 : index
    %get3A_232 = tpu.vector_load %arg9[%get3A_231] {strides = array<i32>} : memref<512xi32, #tpu.memory_space<vmem>>, vector<16xi32>,
    %shift_right_arithmetic3A_233 = arith.constant 1 : i32
    %shift_right_arithmetic3A_234 = vector.broadcast %shift_right_arithmetic3A_233 : i32 to vector<16xi32>
    %shift_right_arithmetic3A_235 = arith.shrsi %get3A_232, %shift_right_arithmetic3A_234 : vector<16xi32>
    %swap3A_236 = arith.constant 256 : index
    %swap3A_237 = tpu.vector_load %arg11[%swap3A_236] {strides = array<i32>} : memref<512xi32, #tpu.memory_space<vmem>>, vector<16xi32>,
    tpu.vector_store %arg11[%swap3A_236], %shift_right_arithmetic3A_235 {strides = array<i32>} : memref<512xi32, #tpu.memory_space<vmem>>, vector<16xi32>,
    %get3A_238 = arith.constant 272 : index
    %get3A_239 = tpu.vector_load %arg8[%get3A_238] {strides = array<i32>} : memref<512xi32, #tpu.memory_space<vmem>>, vector<16xi32>,
    %shift_right_arithmetic3A_240 = arith.constant 1 : i32
    %shift_right_arithmetic3A_241 = vector.broadcast %shift_right_arithmetic3A_240 : i32 to vector<16xi32>
    %shift_right_arithmetic3A_242 = arith.shrsi %get3A_239, %shift_right_arithmetic3A_241 : vector<16xi32>
    %swap3A_243 = arith.constant 272 : index
    %swap3A_244 = tpu.vector_load %arg10[%swap3A_243] {strides = array<i32>} : memref<512xi32, #tpu.memory_space<vmem>>, vector<16xi32>,
    tpu.vector_store %arg10[%swap3A_243], %shift_right_arithmetic3A_242 {strides = array<i32>} : memref<512xi32, #tpu.memory_space<vmem>>, vector<16xi32>,
    %get3A_245 = arith.constant 272 : index
    %get3A_246 = tpu.vector_load %arg9[%get3A_245] {strides = array<i32>} : memref<512xi32, #tpu.memory_space<vmem>>, vector<16xi32>,
    %shift_right_arithmetic3A_247 = arith.constant 1 : i32
    %shift_right_arithmetic3A_248 = vector.broadcast %shift_right_arithmetic3A_247 : i32 to vector<16xi32>
    %shift_right_arithmetic3A_249 = arith.shrsi %get3A_246, %shift_right_arithmetic3A_248 : vector<16xi32>
    %swap3A_250 = arith.constant 272 : index
    %swap3A_251 = tpu.vector_load %arg11[%swap3A_250] {strides = array<i32>} : memref<512xi32, #tpu.memory_space<vmem>>, vector<16xi32>,
    tpu.vector_store %arg11[%swap3A_250], %shift_right_arithmetic3A_249 {strides = array<i32>} : memref<512xi32, #tpu.memory_space<vmem>>, vector<16xi32>,
    %get3A_252 = arith.constant 288 : index
    %get3A_253 = tpu.vector_load %arg8[%get3A_252] {strides = array<i32>} : memref<512xi32, #tpu.memory_space<vmem>>, vector<16xi32>,
    %shift_right_arithmetic3A_254 = arith.constant 1 : i32
    %shift_right_arithmetic3A_255 = vector.broadcast %shift_right_arithmetic3A_254 : i32 to vector<16xi32>
    %shift_right_arithmetic3A_256 = arith.shrsi %get3A_253, %shift_right_arithmetic3A_255 : vector<16xi32>
    %swap3A_257 = arith.constant 288 : index
    %swap3A_258 = tpu.vector_load %arg10[%swap3A_257] {strides = array<i32>} : memref<512xi32, #tpu.memory_space<vmem>>, vector<16xi32>,
    tpu.vector_store %arg10[%swap3A_257], %shift_right_arithmetic3A_256 {strides = array<i32>} : memref<512xi32, #tpu.memory_space<vmem>>, vector<16xi32>,
    %get3A_259 = arith.constant 288 : index
    %get3A_260 = tpu.vector_load %arg9[%get3A_259] {strides = array<i32>} : memref<512xi32, #tpu.memory_space<vmem>>, vector<16xi32>,
    %shift_right_arithmetic3A_261 = arith.constant 1 : i32
    %shift_right_arithmetic3A_262 = vector.broadcast %shift_right_arithmetic3A_261 : i32 to vector<16xi32>
    %shift_right_arithmetic3A_263 = arith.shrsi %get3A_260, %shift_right_arithmetic3A_262 : vector<16xi32>
    %swap3A_264 = arith.constant 288 : index
    %swap3A_265 = tpu.vector_load %arg11[%swap3A_264] {strides = array<i32>} : memref<512xi32, #tpu.memory_space<vmem>>, vector<16xi32>,
    tpu.vector_store %arg11[%swap3A_264], %shift_right_arithmetic3A_263 {strides = array<i32>} : memref<512xi32, #tpu.memory_space<vmem>>, vector<16xi32>,
    %get3A_266 = arith.constant 304 : index
    %get3A_267 = tpu.vector_load %arg8[%get3A_266] {strides = array<i32>} : memref<512xi32, #tpu.memory_space<vmem>>, vector<16xi32>,
    %shift_right_arithmetic3A_268 = arith.constant 1 : i32
    %shift_right_arithmetic3A_269 = vector.broadcast %shift_right_arithmetic3A_268 : i32 to vector<16xi32>
    %shift_right_arithmetic3A_270 = arith.shrsi %get3A_267, %shift_right_arithmetic3A_269 : vector<16xi32>
    %swap3A_271 = arith.constant 304 : index
    %swap3A_272 = tpu.vector_load %arg10[%swap3A_271] {strides = array<i32>} : memref<512xi32, #tpu.memory_space<vmem>>, vector<16xi32>,
    tpu.vector_store %arg10[%swap3A_271], %shift_right_arithmetic3A_270 {strides = array<i32>} : memref<512xi32, #tpu.memory_space<vmem>>, vector<16xi32>,
    %get3A_273 = arith.constant 304 : index
    %get3A_274 = tpu.vector_load %arg9[%get3A_273] {strides = array<i32>} : memref<512xi32, #tpu.memory_space<vmem>>, vector<16xi32>,
    %shift_right_arithmetic3A_275 = arith.constant 1 : i32
    %shift_right_arithmetic3A_276 = vector.broadcast %shift_right_arithmetic3A_275 : i32 to vector<16xi32>
    %shift_right_arithmetic3A_277 = arith.shrsi %get3A_274, %shift_right_arithmetic3A_276 : vector<16xi32>
    %swap3A_278 = arith.constant 304 : index
    %swap3A_279 = tpu.vector_load %arg11[%swap3A_278] {strides = array<i32>} : memref<512xi32, #tpu.memory_space<vmem>>, vector<16xi32>,
    tpu.vector_store %arg11[%swap3A_278], %shift_right_arithmetic3A_277 {strides = array<i32>} : memref<512xi32, #tpu.memory_space<vmem>>, vector<16xi32>,
    %get3A_280 = arith.constant 320 : index
    %get3A_281 = tpu.vector_load %arg8[%get3A_280] {strides = array<i32>} : memref<512xi32, #tpu.memory_space<vmem>>, vector<16xi32>,
    %shift_right_arithmetic3A_282 = arith.constant 1 : i32
    %shift_right_arithmetic3A_283 = vector.broadcast %shift_right_arithmetic3A_282 : i32 to vector<16xi32>
    %shift_right_arithmetic3A_284 = arith.shrsi %get3A_281, %shift_right_arithmetic3A_283 : vector<16xi32>
    %swap3A_285 = arith.constant 320 : index
    %swap3A_286 = tpu.vector_load %arg10[%swap3A_285] {strides = array<i32>} : memref<512xi32, #tpu.memory_space<vmem>>, vector<16xi32>,
    tpu.vector_store %arg10[%swap3A_285], %shift_right_arithmetic3A_284 {strides = array<i32>} : memref<512xi32, #tpu.memory_space<vmem>>, vector<16xi32>,
    %get3A_287 = arith.constant 320 : index
    %get3A_288 = tpu.vector_load %arg9[%get3A_287] {strides = array<i32>} : memref<512xi32, #tpu.memory_space<vmem>>, vector<16xi32>,
    %shift_right_arithmetic3A_289 = arith.constant 1 : i32
    %shift_right_arithmetic3A_290 = vector.broadcast %shift_right_arithmetic3A_289 : i32 to vector<16xi32>
    %shift_right_arithmetic3A_291 = arith.shrsi %get3A_288, %shift_right_arithmetic3A_290 : vector<16xi32>
    %swap3A_292 = arith.constant 320 : index
    %swap3A_293 = tpu.vector_load %arg11[%swap3A_292] {strides = array<i32>} : memref<512xi32, #tpu.memory_space<vmem>>, vector<16xi32>,
    tpu.vector_store %arg11[%swap3A_292], %shift_right_arithmetic3A_291 {strides = array<i32>} : memref<512xi32, #tpu.memory_space<vmem>>, vector<16xi32>,
    %get3A_294 = arith.constant 336 : index
    %get3A_295 = tpu.vector_load %arg8[%get3A_294] {strides = array<i32>} : memref<512xi32, #tpu.memory_space<vmem>>, vector<16xi32>,
    %shift_right_arithmetic3A_296 = arith.constant 1 : i32
    %shift_right_arithmetic3A_297 = vector.broadcast %shift_right_arithmetic3A_296 : i32 to vector<16xi32>
    %shift_right_arithmetic3A_298 = arith.shrsi %get3A_295, %shift_right_arithmetic3A_297 : vector<16xi32>
    %swap3A_299 = arith.constant 336 : index
    %swap3A_300 = tpu.vector_load %arg10[%swap3A_299] {strides = array<i32>} : memref<512xi32, #tpu.memory_space<vmem>>, vector<16xi32>,
    tpu.vector_store %arg10[%swap3A_299], %shift_right_arithmetic3A_298 {strides = array<i32>} : memref<512xi32, #tpu.memory_space<vmem>>, vector<16xi32>,
    %get3A_301 = arith.constant 336 : index
    %get3A_302 = tpu.vector_load %arg9[%get3A_301] {strides = array<i32>} : memref<512xi32, #tpu.memory_space<vmem>>, vector<16xi32>,
    %shift_right_arithmetic3A_303 = arith.constant 1 : i32
    %shift_right_arithmetic3A_304 = vector.broadcast %shift_right_arithmetic3A_303 : i32 to vector<16xi32>
    %shift_right_arithmetic3A_305 = arith.shrsi %get3A_302, %shift_right_arithmetic3A_304 : vector<16xi32>
    %swap3A_306 = arith.constant 336 : index
    %swap3A_307 = tpu.vector_load %arg11[%swap3A_306] {strides = array<i32>} : memref<512xi32, #tpu.memory_space<vmem>>, vector<16xi32>,
    tpu.vector_store %arg11[%swap3A_306], %shift_right_arithmetic3A_305 {strides = array<i32>} : memref<512xi32, #tpu.memory_space<vmem>>, vector<16xi32>,
    %get3A_308 = arith.constant 352 : index
    %get3A_309 = tpu.vector_load %arg8[%get3A_308] {strides = array<i32>} : memref<512xi32, #tpu.memory_space<vmem>>, vector<16xi32>,
    %shift_right_arithmetic3A_310 = arith.constant 1 : i32
    %shift_right_arithmetic3A_311 = vector.broadcast %shift_right_arithmetic3A_310 : i32 to vector<16xi32>
    %shift_right_arithmetic3A_312 = arith.shrsi %get3A_309, %shift_right_arithmetic3A_311 : vector<16xi32>
    %swap3A_313 = arith.constant 352 : index
    %swap3A_314 = tpu.vector_load %arg10[%swap3A_313] {strides = array<i32>} : memref<512xi32, #tpu.memory_space<vmem>>, vector<16xi32>,
    tpu.vector_store %arg10[%swap3A_313], %shift_right_arithmetic3A_312 {strides = array<i32>} : memref<512xi32, #tpu.memory_space<vmem>>, vector<16xi32>,
    %get3A_315 = arith.constant 352 : index
    %get3A_316 = tpu.vector_load %arg9[%get3A_315] {strides = array<i32>} : memref<512xi32, #tpu.memory_space<vmem>>, vector<16xi32>,
    %shift_right_arithmetic3A_317 = arith.constant 1 : i32
    %shift_right_arithmetic3A_318 = vector.broadcast %shift_right_arithmetic3A_317 : i32 to vector<16xi32>
    %shift_right_arithmetic3A_319 = arith.shrsi %get3A_316, %shift_right_arithmetic3A_318 : vector<16xi32>
    %swap3A_320 = arith.constant 352 : index
    %swap3A_321 = tpu.vector_load %arg11[%swap3A_320] {strides = array<i32>} : memref<512xi32, #tpu.memory_space<vmem>>, vector<16xi32>,
    tpu.vector_store %arg11[%swap3A_320], %shift_right_arithmetic3A_319 {strides = array<i32>} : memref<512xi32, #tpu.memory_space<vmem>>, vector<16xi32>,
    %get3A_322 = arith.constant 368 : index
    %get3A_323 = tpu.vector_load %arg8[%get3A_322] {strides = array<i32>} : memref<512xi32, #tpu.memory_space<vmem>>, vector<16xi32>,
    %shift_right_arithmetic3A_324 = arith.constant 1 : i32
    %shift_right_arithmetic3A_325 = vector.broadcast %shift_right_arithmetic3A_324 : i32 to vector<16xi32>
    %shift_right_arithmetic3A_326 = arith.shrsi %get3A_323, %shift_right_arithmetic3A_325 : vector<16xi32>
    %swap3A_327 = arith.constant 368 : index
    %swap3A_328 = tpu.vector_load %arg10[%swap3A_327] {strides = array<i32>} : memref<512xi32, #tpu.memory_space<vmem>>, vector<16xi32>,
    tpu.vector_store %arg10[%swap3A_327], %shift_right_arithmetic3A_326 {strides = array<i32>} : memref<512xi32, #tpu.memory_space<vmem>>, vector<16xi32>,
    %get3A_329 = arith.constant 368 : index
    %get3A_330 = tpu.vector_load %arg9[%get3A_329] {strides = array<i32>} : memref<512xi32, #tpu.memory_space<vmem>>, vector<16xi32>,
    %shift_right_arithmetic3A_331 = arith.constant 1 : i32
    %shift_right_arithmetic3A_332 = vector.broadcast %shift_right_arithmetic3A_331 : i32 to vector<16xi32>
    %shift_right_arithmetic3A_333 = arith.shrsi %get3A_330, %shift_right_arithmetic3A_332 : vector<16xi32>
    %swap3A_334 = arith.constant 368 : index
    %swap3A_335 = tpu.vector_load %arg11[%swap3A_334] {strides = array<i32>} : memref<512xi32, #tpu.memory_space<vmem>>, vector<16xi32>,
    tpu.vector_store %arg11[%swap3A_334], %shift_right_arithmetic3A_333 {strides = array<i32>} : memref<512xi32, #tpu.memory_space<vmem>>, vector<16xi32>,
    %get3A_336 = arith.constant 384 : index
    %get3A_337 = tpu.vector_load %arg8[%get3A_336] {strides = array<i32>} : memref<512xi32, #tpu.memory_space<vmem>>, vector<16xi32>,
    %shift_right_arithmetic3A_338 = arith.constant 1 : i32
    %shift_right_arithmetic3A_339 = vector.broadcast %shift_right_arithmetic3A_338 : i32 to vector<16xi32>
    %shift_right_arithmetic3A_340 = arith.shrsi %get3A_337, %shift_right_arithmetic3A_339 : vector<16xi32>
    %swap3A_341 = arith.constant 384 : index
    %swap3A_342 = tpu.vector_load %arg10[%swap3A_341] {strides = array<i32>} : memref<512xi32, #tpu.memory_space<vmem>>, vector<16xi32>,
    tpu.vector_store %arg10[%swap3A_341], %shift_right_arithmetic3A_340 {strides = array<i32>} : memref<512xi32, #tpu.memory_space<vmem>>, vector<16xi32>,
    %get3A_343 = arith.constant 384 : index
    %get3A_344 = tpu.vector_load %arg9[%get3A_343] {strides = array<i32>} : memref<512xi32, #tpu.memory_space<vmem>>, vector<16xi32>,
    %shift_right_arithmetic3A_345 = arith.constant 1 : i32
    %shift_right_arithmetic3A_346 = vector.broadcast %shift_right_arithmetic3A_345 : i32 to vector<16xi32>
    %shift_right_arithmetic3A_347 = arith.shrsi %get3A_344, %shift_right_arithmetic3A_346 : vector<16xi32>
    %swap3A_348 = arith.constant 384 : index
    %swap3A_349 = tpu.vector_load %arg11[%swap3A_348] {strides = array<i32>} : memref<512xi32, #tpu.memory_space<vmem>>, vector<16xi32>,
    tpu.vector_store %arg11[%swap3A_348], %shift_right_arithmetic3A_347 {strides = array<i32>} : memref<512xi32, #tpu.memory_space<vmem>>, vector<16xi32>,
    %get3A_350 = arith.constant 400 : index
    %get3A_351 = tpu.vector_load %arg8[%get3A_350] {strides = array<i32>} : memref<512xi32, #tpu.memory_space<vmem>>, vector<16xi32>,
    %shift_right_arithmetic3A_352 = arith.constant 1 : i32
    %shift_right_arithmetic3A_353 = vector.broadcast %shift_right_arithmetic3A_352 : i32 to vector<16xi32>
    %shift_right_arithmetic3A_354 = arith.shrsi %get3A_351, %shift_right_arithmetic3A_353 : vector<16xi32>
    %swap3A_355 = arith.constant 400 : index
    %swap3A_356 = tpu.vector_load %arg10[%swap3A_355] {strides = array<i32>} : memref<512xi32, #tpu.memory_space<vmem>>, vector<16xi32>,
    tpu.vector_store %arg10[%swap3A_355], %shift_right_arithmetic3A_354 {strides = array<i32>} : memref<512xi32, #tpu.memory_space<vmem>>, vector<16xi32>,
    %get3A_357 = arith.constant 400 : index
    %get3A_358 = tpu.vector_load %arg9[%get3A_357] {strides = array<i32>} : memref<512xi32, #tpu.memory_space<vmem>>, vector<16xi32>,
    %shift_right_arithmetic3A_359 = arith.constant 1 : i32
    %shift_right_arithmetic3A_360 = vector.broadcast %shift_right_arithmetic3A_359 : i32 to vector<16xi32>
    %shift_right_arithmetic3A_361 = arith.shrsi %get3A_358, %shift_right_arithmetic3A_360 : vector<16xi32>
    %swap3A_362 = arith.constant 400 : index
    %swap3A_363 = tpu.vector_load %arg11[%swap3A_362] {strides = array<i32>} : memref<512xi32, #tpu.memory_space<vmem>>, vector<16xi32>,
    tpu.vector_store %arg11[%swap3A_362], %shift_right_arithmetic3A_361 {strides = array<i32>} : memref<512xi32, #tpu.memory_space<vmem>>, vector<16xi32>,
    %get3A_364 = arith.constant 416 : index
    %get3A_365 = tpu.vector_load %arg8[%get3A_364] {strides = array<i32>} : memref<512xi32, #tpu.memory_space<vmem>>, vector<16xi32>,
    %shift_right_arithmetic3A_366 = arith.constant 1 : i32
    %shift_right_arithmetic3A_367 = vector.broadcast %shift_right_arithmetic3A_366 : i32 to vector<16xi32>
    %shift_right_arithmetic3A_368 = arith.shrsi %get3A_365, %shift_right_arithmetic3A_367 : vector<16xi32>
    %swap3A_369 = arith.constant 416 : index
    %swap3A_370 = tpu.vector_load %arg10[%swap3A_369] {strides = array<i32>} : memref<512xi32, #tpu.memory_space<vmem>>, vector<16xi32>,
    tpu.vector_store %arg10[%swap3A_369], %shift_right_arithmetic3A_368 {strides = array<i32>} : memref<512xi32, #tpu.memory_space<vmem>>, vector<16xi32>,
    %get3A_371 = arith.constant 416 : index
    %get3A_372 = tpu.vector_load %arg9[%get3A_371] {strides = array<i32>} : memref<512xi32, #tpu.memory_space<vmem>>, vector<16xi32>,
    %shift_right_arithmetic3A_373 = arith.constant 1 : i32
    %shift_right_arithmetic3A_374 = vector.broadcast %shift_right_arithmetic3A_373 : i32 to vector<16xi32>
    %shift_right_arithmetic3A_375 = arith.shrsi %get3A_372, %shift_right_arithmetic3A_374 : vector<16xi32>
    %swap3A_376 = arith.constant 416 : index
    %swap3A_377 = tpu.vector_load %arg11[%swap3A_376] {strides = array<i32>} : memref<512xi32, #tpu.memory_space<vmem>>, vector<16xi32>,
    tpu.vector_store %arg11[%swap3A_376], %shift_right_arithmetic3A_375 {strides = array<i32>} : memref<512xi32, #tpu.memory_space<vmem>>, vector<16xi32>,
    %get3A_378 = arith.constant 432 : index
    %get3A_379 = tpu.vector_load %arg8[%get3A_378] {strides = array<i32>} : memref<512xi32, #tpu.memory_space<vmem>>, vector<16xi32>,
    %shift_right_arithmetic3A_380 = arith.constant 1 : i32
    %shift_right_arithmetic3A_381 = vector.broadcast %shift_right_arithmetic3A_380 : i32 to vector<16xi32>
    %shift_right_arithmetic3A_382 = arith.shrsi %get3A_379, %shift_right_arithmetic3A_381 : vector<16xi32>
    %swap3A_383 = arith.constant 432 : index
    %swap3A_384 = tpu.vector_load %arg10[%swap3A_383] {strides = array<i32>} : memref<512xi32, #tpu.memory_space<vmem>>, vector<16xi32>,
    tpu.vector_store %arg10[%swap3A_383], %shift_right_arithmetic3A_382 {strides = array<i32>} : memref<512xi32, #tpu.memory_space<vmem>>, vector<16xi32>,
    %get3A_385 = arith.constant 432 : index
    %get3A_386 = tpu.vector_load %arg9[%get3A_385] {strides = array<i32>} : memref<512xi32, #tpu.memory_space<vmem>>, vector<16xi32>,
    %shift_right_arithmetic3A_387 = arith.constant 1 : i32
    %shift_right_arithmetic3A_388 = vector.broadcast %shift_right_arithmetic3A_387 : i32 to vector<16xi32>
    %shift_right_arithmetic3A_389 = arith.shrsi %get3A_386, %shift_right_arithmetic3A_388 : vector<16xi32>
    %swap3A_390 = arith.constant 432 : index
    %swap3A_391 = tpu.vector_load %arg11[%swap3A_390] {strides = array<i32>} : memref<512xi32, #tpu.memory_space<vmem>>, vector<16xi32>,
    tpu.vector_store %arg11[%swap3A_390], %shift_right_arithmetic3A_389 {strides = array<i32>} : memref<512xi32, #tpu.memory_space<vmem>>, vector<16xi32>,
    %get3A_392 = arith.constant 448 : index
    %get3A_393 = tpu.vector_load %arg8[%get3A_392] {strides = array<i32>} : memref<512xi32, #tpu.memory_space<vmem>>, vector<16xi32>,
    %shift_right_arithmetic3A_394 = arith.constant 1 : i32
    %shift_right_arithmetic3A_395 = vector.broadcast %shift_right_arithmetic3A_394 : i32 to vector<16xi32>
    %shift_right_arithmetic3A_396 = arith.shrsi %get3A_393, %shift_right_arithmetic3A_395 : vector<16xi32>
    %swap3A_397 = arith.constant 448 : index
    %swap3A_398 = tpu.vector_load %arg10[%swap3A_397] {strides = array<i32>} : memref<512xi32, #tpu.memory_space<vmem>>, vector<16xi32>,
    tpu.vector_store %arg10[%swap3A_397], %shift_right_arithmetic3A_396 {strides = array<i32>} : memref<512xi32, #tpu.memory_space<vmem>>, vector<16xi32>,
    %get3A_399 = arith.constant 448 : index
    %get3A_400 = tpu.vector_load %arg9[%get3A_399] {strides = array<i32>} : memref<512xi32, #tpu.memory_space<vmem>>, vector<16xi32>,
    %shift_right_arithmetic3A_401 = arith.constant 1 : i32
    %shift_right_arithmetic3A_402 = vector.broadcast %shift_right_arithmetic3A_401 : i32 to vector<16xi32>
    %shift_right_arithmetic3A_403 = arith.shrsi %get3A_400, %shift_right_arithmetic3A_402 : vector<16xi32>
    %swap3A_404 = arith.constant 448 : index
    %swap3A_405 = tpu.vector_load %arg11[%swap3A_404] {strides = array<i32>} : memref<512xi32, #tpu.memory_space<vmem>>, vector<16xi32>,
    tpu.vector_store %arg11[%swap3A_404], %shift_right_arithmetic3A_403 {strides = array<i32>} : memref<512xi32, #tpu.memory_space<vmem>>, vector<16xi32>,
    %get3A_406 = arith.constant 464 : index
    %get3A_407 = tpu.vector_load %arg8[%get3A_406] {strides = array<i32>} : memref<512xi32, #tpu.memory_space<vmem>>, vector<16xi32>,
    %shift_right_arithmetic3A_408 = arith.constant 1 : i32
    %shift_right_arithmetic3A_409 = vector.broadcast %shift_right_arithmetic3A_408 : i32 to vector<16xi32>
    %shift_right_arithmetic3A_410 = arith.shrsi %get3A_407, %shift_right_arithmetic3A_409 : vector<16xi32>
    %swap3A_411 = arith.constant 464 : index
    %swap3A_412 = tpu.vector_load %arg10[%swap3A_411] {strides = array<i32>} : memref<512xi32, #tpu.memory_space<vmem>>, vector<16xi32>,
    tpu.vector_store %arg10[%swap3A_411], %shift_right_arithmetic3A_410 {strides = array<i32>} : memref<512xi32, #tpu.memory_space<vmem>>, vector<16xi32>,
    %get3A_413 = arith.constant 464 : index
    %get3A_414 = tpu.vector_load %arg9[%get3A_413] {strides = array<i32>} : memref<512xi32, #tpu.memory_space<vmem>>, vector<16xi32>,
    %shift_right_arithmetic3A_415 = arith.constant 1 : i32
    %shift_right_arithmetic3A_416 = vector.broadcast %shift_right_arithmetic3A_415 : i32 to vector<16xi32>
    %shift_right_arithmetic3A_417 = arith.shrsi %get3A_414, %shift_right_arithmetic3A_416 : vector<16xi32>
    %swap3A_418 = arith.constant 464 : index
    %swap3A_419 = tpu.vector_load %arg11[%swap3A_418] {strides = array<i32>} : memref<512xi32, #tpu.memory_space<vmem>>, vector<16xi32>,
    tpu.vector_store %arg11[%swap3A_418], %shift_right_arithmetic3A_417 {strides = array<i32>} : memref<512xi32, #tpu.memory_space<vmem>>, vector<16xi32>,
    %get3A_420 = arith.constant 480 : index
    %get3A_421 = tpu.vector_load %arg8[%get3A_420] {strides = array<i32>} : memref<512xi32, #tpu.memory_space<vmem>>, vector<16xi32>,
    %shift_right_arithmetic3A_422 = arith.constant 1 : i32
    %shift_right_arithmetic3A_423 = vector.broadcast %shift_right_arithmetic3A_422 : i32 to vector<16xi32>
    %shift_right_arithmetic3A_424 = arith.shrsi %get3A_421, %shift_right_arithmetic3A_423 : vector<16xi32>
    %swap3A_425 = arith.constant 480 : index
    %swap3A_426 = tpu.vector_load %arg10[%swap3A_425] {strides = array<i32>} : memref<512xi32, #tpu.memory_space<vmem>>, vector<16xi32>,
    tpu.vector_store %arg10[%swap3A_425], %shift_right_arithmetic3A_424 {strides = array<i32>} : memref<512xi32, #tpu.memory_space<vmem>>, vector<16xi32>,
    %get3A_427 = arith.constant 480 : index
    %get3A_428 = tpu.vector_load %arg9[%get3A_427] {strides = array<i32>} : memref<512xi32, #tpu.memory_space<vmem>>, vector<16xi32>,
    %shift_right_arithmetic3A_429 = arith.constant 1 : i32
    %shift_right_arithmetic3A_430 = vector.broadcast %shift_right_arithmetic3A_429 : i32 to vector<16xi32>
    %shift_right_arithmetic3A_431 = arith.shrsi %get3A_428, %shift_right_arithmetic3A_430 : vector<16xi32>
    %swap3A_432 = arith.constant 480 : index
    %swap3A_433 = tpu.vector_load %arg11[%swap3A_432] {strides = array<i32>} : memref<512xi32, #tpu.memory_space<vmem>>, vector<16xi32>,
    tpu.vector_store %arg11[%swap3A_432], %shift_right_arithmetic3A_431 {strides = array<i32>} : memref<512xi32, #tpu.memory_space<vmem>>, vector<16xi32>,
    %get3A_434 = arith.constant 496 : index
    %get3A_435 = tpu.vector_load %arg8[%get3A_434] {strides = array<i32>} : memref<512xi32, #tpu.memory_space<vmem>>, vector<16xi32>,
    %shift_right_arithmetic3A_436 = arith.constant 1 : i32
    %shift_right_arithmetic3A_437 = vector.broadcast %shift_right_arithmetic3A_436 : i32 to vector<16xi32>
    %shift_right_arithmetic3A_438 = arith.shrsi %get3A_435, %shift_right_arithmetic3A_437 : vector<16xi32>
    %swap3A_439 = arith.constant 496 : index
    %swap3A_440 = tpu.vector_load %arg10[%swap3A_439] {strides = array<i32>} : memref<512xi32, #tpu.memory_space<vmem>>, vector<16xi32>,
    tpu.vector_store %arg10[%swap3A_439], %shift_right_arithmetic3A_438 {strides = array<i32>} : memref<512xi32, #tpu.memory_space<vmem>>, vector<16xi32>,
    %get3A_441 = arith.constant 496 : index
    %get3A_442 = tpu.vector_load %arg9[%get3A_441] {strides = array<i32>} : memref<512xi32, #tpu.memory_space<vmem>>, vector<16xi32>,
    %shift_right_arithmetic3A_443 = arith.constant 1 : i32
    %shift_right_arithmetic3A_444 = vector.broadcast %shift_right_arithmetic3A_443 : i32 to vector<16xi32>
    %shift_right_arithmetic3A_445 = arith.shrsi %get3A_442, %shift_right_arithmetic3A_444 : vector<16xi32>
    %swap3A_446 = arith.constant 496 : index
    %swap3A_447 = tpu.vector_load %arg11[%swap3A_446] {strides = array<i32>} : memref<512xi32, #tpu.memory_space<vmem>>, vector<16xi32>,
    tpu.vector_store %arg11[%swap3A_446], %shift_right_arithmetic3A_445 {strides = array<i32>} : memref<512xi32, #tpu.memory_space<vmem>>, vector<16xi32>,
    %iota3A = tpu.iota {dimensions = array<i32: 0>} : vector<16xi32>
    %get3A_448 = arith.constant 0 : index
    %get3A_449 = tpu.vector_load %arg15[%get3A_448] {strides = array<i32>} : memref<80xf32, #tpu.memory_space<vmem>>, vector<16xf32>,
    %get3A_450 = arith.constant 16 : index
    %get3A_451 = tpu.vector_load %arg15[%get3A_450] {strides = array<i32>} : memref<80xf32, #tpu.memory_space<vmem>>, vector<16xf32>,
    %get3A_452 = arith.constant 32 : index
    %get3A_453 = tpu.vector_load %arg15[%get3A_452] {strides = array<i32>} : memref<80xf32, #tpu.memory_space<vmem>>, vector<16xf32>,
    %get3A_454 = arith.constant 48 : index
    %get3A_455 = tpu.vector_load %arg15[%get3A_454] {strides = array<i32>} : memref<80xf32, #tpu.memory_space<vmem>>, vector<16xf32>,
    %get3A_456 = arith.constant 64 : index
    %get3A_457 = tpu.vector_load %arg15[%get3A_456] {strides = array<i32>} : memref<80xf32, #tpu.memory_space<vmem>>, vector<16xf32>,
    %slice3A = vector.extract_strided_slice %get3A_457 {offsets = [0], sizes = [1], strides = [1]} : vector<16xf32> to vector<1xf32>
    %squeeze3A = vector.extract %slice3A[0] : f32 from vector<1xf32>
    %dma_start3A = arith.constant 0 : i32
    %dma_start3A_458 = arith.constant 0 : i32
    %dma_start3A_459 = tpu.memref_slice %arg12[%dma_start3A, %dma_start3A_458] : memref<256x128xf32, #tpu.memory_space<vmem>> -> memref<128x128xf32, #tpu.memory_space<vmem>>
    %dma_start3A_460 = arith.constant 0 : i32
    %dma_start3A_461 = tpu.memref_slice %arg10[%dma_start3A_460] : memref<512xi32, #tpu.memory_space<vmem>> -> memref<128xi32, #tpu.memory_space<vmem>>
    %dma_start3A_462 = arith.constant 0 : i32
    %dma_start3A_463 = arith.constant 0 : i32
    %dma_start3A_464 = tpu.memref_slice %arg4[%dma_start3A_462, %dma_start3A_463] : memref<500000x128xf32, #tpu.memory_space<hbm>> -> memref<500000x128xf32, #tpu.memory_space<hbm>>
    tpu.enqueue_indirect_dma source(%dma_start3A_464 : memref<500000x128xf32, #tpu.memory_space<hbm>>) target(%dma_start3A_459 : memref<128x128xf32, #tpu.memory_space<vmem>>) offsets(%dma_start3A_461 : memref<128xi32, #tpu.memory_space<vmem>>) semaphore(%arg17 : memref<!tpu.dma_semaphore, #tpu.memory_space<semaphore_mem>>)
    %dma_start3A_465 = arith.constant 0 : i32
    %dma_start3A_466 = arith.constant 0 : i32
    %dma_start3A_467 = tpu.memref_slice %arg13[%dma_start3A_465, %dma_start3A_466] : memref<256x128xf32, #tpu.memory_space<vmem>> -> memref<128x128xf32, #tpu.memory_space<vmem>>
    %dma_start3A_468 = arith.constant 0 : i32
    %dma_start3A_469 = tpu.memref_slice %arg11[%dma_start3A_468] : memref<512xi32, #tpu.memory_space<vmem>> -> memref<128xi32, #tpu.memory_space<vmem>>
    %dma_start3A_470 = arith.constant 0 : i32
    %dma_start3A_471 = arith.constant 0 : i32
    %dma_start3A_472 = tpu.memref_slice %arg5[%dma_start3A_470, %dma_start3A_471] : memref<500000x128xf32, #tpu.memory_space<hbm>> -> memref<500000x128xf32, #tpu.memory_space<hbm>>
    tpu.enqueue_indirect_dma source(%dma_start3A_472 : memref<500000x128xf32, #tpu.memory_space<hbm>>) target(%dma_start3A_467 : memref<128x128xf32, #tpu.memory_space<vmem>>) offsets(%dma_start3A_469 : memref<128xi32, #tpu.memory_space<vmem>>) semaphore(%arg17 : memref<!tpu.dma_semaphore, #tpu.memory_space<semaphore_mem>>)
    %dma_start3A_473 = arith.constant 128 : i32
    %dma_start3A_474 = arith.constant 0 : i32
    %dma_start3A_475 = tpu.memref_slice %arg12[%dma_start3A_473, %dma_start3A_474] : memref<256x128xf32, #tpu.memory_space<vmem>> -> memref<128x128xf32, #tpu.memory_space<vmem>>
    %dma_start3A_476 = arith.constant 128 : i32
    %dma_start3A_477 = tpu.memref_slice %arg10[%dma_start3A_476] : memref<512xi32, #tpu.memory_space<vmem>> -> memref<128xi32, #tpu.memory_space<vmem>>
    %dma_start3A_478 = arith.constant 0 : i32
    %dma_start3A_479 = arith.constant 0 : i32
    %dma_start3A_480 = tpu.memref_slice %arg4[%dma_start3A_478, %dma_start3A_479] : memref<500000x128xf32, #tpu.memory_space<hbm>> -> memref<500000x128xf32, #tpu.memory_space<hbm>>
    tpu.enqueue_indirect_dma source(%dma_start3A_480 : memref<500000x128xf32, #tpu.memory_space<hbm>>) target(%dma_start3A_475 : memref<128x128xf32, #tpu.memory_space<vmem>>) offsets(%dma_start3A_477 : memref<128xi32, #tpu.memory_space<vmem>>) semaphore(%arg17 : memref<!tpu.dma_semaphore, #tpu.memory_space<semaphore_mem>>)
    %dma_start3A_481 = arith.constant 128 : i32
    %dma_start3A_482 = arith.constant 0 : i32
    %dma_start3A_483 = tpu.memref_slice %arg13[%dma_start3A_481, %dma_start3A_482] : memref<256x128xf32, #tpu.memory_space<vmem>> -> memref<128x128xf32, #tpu.memory_space<vmem>>
    %dma_start3A_484 = arith.constant 128 : i32
    %dma_start3A_485 = tpu.memref_slice %arg11[%dma_start3A_484] : memref<512xi32, #tpu.memory_space<vmem>> -> memref<128xi32, #tpu.memory_space<vmem>>
    %dma_start3A_486 = arith.constant 0 : i32
    %dma_start3A_487 = arith.constant 0 : i32
    %dma_start3A_488 = tpu.memref_slice %arg5[%dma_start3A_486, %dma_start3A_487] : memref<500000x128xf32, #tpu.memory_space<hbm>> -> memref<500000x128xf32, #tpu.memory_space<hbm>>
    tpu.enqueue_indirect_dma source(%dma_start3A_488 : memref<500000x128xf32, #tpu.memory_space<hbm>>) target(%dma_start3A_483 : memref<128x128xf32, #tpu.memory_space<vmem>>) offsets(%dma_start3A_485 : memref<128xi32, #tpu.memory_space<vmem>>) semaphore(%arg17 : memref<!tpu.dma_semaphore, #tpu.memory_space<semaphore_mem>>)
    %dma_wait3A = arith.constant 0 : i32
    %dma_wait3A_489 = arith.constant 0 : i32
    %dma_wait3A_490 = tpu.memref_slice %arg12[%dma_wait3A, %dma_wait3A_489] : memref<256x128xf32, #tpu.memory_space<vmem>> -> memref<128x128xf32, #tpu.memory_space<vmem>>
    %dma_wait3A_491 = arith.constant 0 : i32
    %dma_wait3A_492 = tpu.memref_slice %arg10[%dma_wait3A_491] : memref<512xi32, #tpu.memory_space<vmem>> -> memref<128xi32, #tpu.memory_space<vmem>>
    %dma_wait3A_493 = arith.constant 0 : i32
    %dma_wait3A_494 = arith.constant 0 : i32
    %dma_wait3A_495 = tpu.memref_slice %arg4[%dma_wait3A_493, %dma_wait3A_494] : memref<500000x128xf32, #tpu.memory_space<hbm>> -> memref<500000x128xf32, #tpu.memory_space<hbm>>
    tpu.wait_indirect_dma semaphore(%arg17 : memref<!tpu.dma_semaphore, #tpu.memory_space<semaphore_mem>>) src(%dma_wait3A_495 : memref<500000x128xf32, #tpu.memory_space<hbm>>) dst(%dma_wait3A_490 : memref<128x128xf32, #tpu.memory_space<vmem>>)
    %dma_wait3A_496 = arith.constant 0 : i32
    %dma_wait3A_497 = arith.constant 0 : i32
    %dma_wait3A_498 = tpu.memref_slice %arg13[%dma_wait3A_496, %dma_wait3A_497] : memref<256x128xf32, #tpu.memory_space<vmem>> -> memref<128x128xf32, #tpu.memory_space<vmem>>
    %dma_wait3A_499 = arith.constant 0 : i32
    %dma_wait3A_500 = tpu.memref_slice %arg11[%dma_wait3A_499] : memref<512xi32, #tpu.memory_space<vmem>> -> memref<128xi32, #tpu.memory_space<vmem>>
    %dma_wait3A_501 = arith.constant 0 : i32
    %dma_wait3A_502 = arith.constant 0 : i32
    %dma_wait3A_503 = tpu.memref_slice %arg5[%dma_wait3A_501, %dma_wait3A_502] : memref<500000x128xf32, #tpu.memory_space<hbm>> -> memref<500000x128xf32, #tpu.memory_space<hbm>>
    tpu.wait_indirect_dma semaphore(%arg17 : memref<!tpu.dma_semaphore, #tpu.memory_space<semaphore_mem>>) src(%dma_wait3A_503 : memref<500000x128xf32, #tpu.memory_space<hbm>>) dst(%dma_wait3A_498 : memref<128x128xf32, #tpu.memory_space<vmem>>)
    %dma_wait3A_504 = arith.constant 128 : i32
    %dma_wait3A_505 = arith.constant 0 : i32
    %dma_wait3A_506 = tpu.memref_slice %arg12[%dma_wait3A_504, %dma_wait3A_505] : memref<256x128xf32, #tpu.memory_space<vmem>> -> memref<128x128xf32, #tpu.memory_space<vmem>>
    %dma_wait3A_507 = arith.constant 128 : i32
    %dma_wait3A_508 = tpu.memref_slice %arg10[%dma_wait3A_507] : memref<512xi32, #tpu.memory_space<vmem>> -> memref<128xi32, #tpu.memory_space<vmem>>
    %dma_wait3A_509 = arith.constant 0 : i32
    %dma_wait3A_510 = arith.constant 0 : i32
    %dma_wait3A_511 = tpu.memref_slice %arg4[%dma_wait3A_509, %dma_wait3A_510] : memref<500000x128xf32, #tpu.memory_space<hbm>> -> memref<500000x128xf32, #tpu.memory_space<hbm>>
    tpu.wait_indirect_dma semaphore(%arg17 : memref<!tpu.dma_semaphore, #tpu.memory_space<semaphore_mem>>) src(%dma_wait3A_511 : memref<500000x128xf32, #tpu.memory_space<hbm>>) dst(%dma_wait3A_506 : memref<128x128xf32, #tpu.memory_space<vmem>>)
    %dma_wait3A_512 = arith.constant 128 : i32
    %dma_wait3A_513 = arith.constant 0 : i32
    %dma_wait3A_514 = tpu.memref_slice %arg13[%dma_wait3A_512, %dma_wait3A_513] : memref<256x128xf32, #tpu.memory_space<vmem>> -> memref<128x128xf32, #tpu.memory_space<vmem>>
    %dma_wait3A_515 = arith.constant 128 : i32
    %dma_wait3A_516 = tpu.memref_slice %arg11[%dma_wait3A_515] : memref<512xi32, #tpu.memory_space<vmem>> -> memref<128xi32, #tpu.memory_space<vmem>>
    %dma_wait3A_517 = arith.constant 0 : i32
    %dma_wait3A_518 = arith.constant 0 : i32
    %dma_wait3A_519 = tpu.memref_slice %arg5[%dma_wait3A_517, %dma_wait3A_518] : memref<500000x128xf32, #tpu.memory_space<hbm>> -> memref<500000x128xf32, #tpu.memory_space<hbm>>
    tpu.wait_indirect_dma semaphore(%arg17 : memref<!tpu.dma_semaphore, #tpu.memory_space<semaphore_mem>>) src(%dma_wait3A_519 : memref<500000x128xf32, #tpu.memory_space<hbm>>) dst(%dma_wait3A_514 : memref<128x128xf32, #tpu.memory_space<vmem>>)
    %scan3A = arith.constant 0 : i32
    %scan3A_520 = arith.constant 16 : i32
    %scan3A_521 = arith.addi %scan3A, %scan3A_520 : i32
    %scan3A_522 = arith.constant 1 : i32
    scf.for %scan3A_593 = %scan3A to %scan3A_521 step %scan3A_522  : i32 {
      %mul3A_594 = arith.constant 16 : i32
      %mul3A_595 = arith.muli %scan3A_593, %mul3A_594 : i32
      %add3A_596 = arith.constant 0 : i32
      %add3A_597 = arith.addi %add3A_596, %mul3A_595 : i32
      %get3A_598 = arith.index_cast %add3A_597 : i32 to index
      %get3A_599 = tpu.vector_load %arg8[%get3A_598] {strides = array<i32>} : memref<512xi32, #tpu.memory_space<vmem>>, vector<16xi32>,
      %and3A = arith.constant 1 : i32
      %and3A_600 = vector.broadcast %and3A : i32 to vector<16xi32>
      %and3A_601 = arith.andi %get3A_599, %and3A_600 : vector<16xi32>
      %mul3A_602 = arith.constant 64 : i32
      %mul3A_603 = vector.broadcast %mul3A_602 : i32 to vector<16xi32>
      %mul3A_604 = arith.muli %and3A_601, %mul3A_603 : vector<16xi32>
      %mul3A_605 = arith.constant 16 : i32
      %mul3A_606 = arith.muli %scan3A_593, %mul3A_605 : i32
      %add3A_607 = arith.constant 0 : i32
      %add3A_608 = arith.addi %add3A_607, %mul3A_606 : i32
      %get3A_609 = arith.index_cast %add3A_608 : i32 to index
      %get3A_610 = tpu.vector_load %arg9[%get3A_609] {strides = array<i32>} : memref<512xi32, #tpu.memory_space<vmem>>, vector<16xi32>,
      %and3A_611 = arith.constant 1 : i32
      %and3A_612 = vector.broadcast %and3A_611 : i32 to vector<16xi32>
      %and3A_613 = arith.andi %get3A_610, %and3A_612 : vector<16xi32>
      %mul3A_614 = arith.constant 64 : i32
      %mul3A_615 = vector.broadcast %mul3A_614 : i32 to vector<16xi32>
      %mul3A_616 = arith.muli %and3A_613, %mul3A_615 : vector<16xi32>
      %mul3A_617 = arith.constant 16 : i32
      %mul3A_618 = arith.muli %scan3A_593, %mul3A_617 : i32
      %add3A_619 = arith.constant 0 : i32
      %add3A_620 = arith.addi %mul3A_618, %add3A_619 : i32
      %slice3A_621 = vector.extract_strided_slice %mul3A_604 {offsets = [0], sizes = [1], strides = [1]} : vector<16xi32> to vector<1xi32>
      %squeeze3A_622 = vector.extract %slice3A_621[0] : i32 from vector<1xi32>
      %slice3A_623 = vector.extract_strided_slice %mul3A_616 {offsets = [0], sizes = [1], strides = [1]} : vector<16xi32> to vector<1xi32>
      %squeeze3A_624 = vector.extract %slice3A_623[0] : i32 from vector<1xi32>
      %broadcast_in_dim3A = arith.constant 0.000000e+00 : f32
      %broadcast_in_dim3A_625 = vector.broadcast %broadcast_in_dim3A : f32 to vector<16xf32>
      %add3A_626 = arith.constant 0 : i32
      %add3A_627 = arith.addi %squeeze3A_622, %add3A_626 : i32
      %get3A_628 = arith.index_cast %add3A_620 : i32 to index
      %get3A_629 = arith.index_cast %add3A_627 : i32 to index
      %get3A_630 = tpu.vector_load %arg12[%get3A_628, %get3A_629] {strides = array<i32>} : memref<256x128xf32, #tpu.memory_space<vmem>>, vector<16xf32>,
      %add3A_631 = arith.constant 0 : i32
      %add3A_632 = arith.addi %squeeze3A_624, %add3A_631 : i32
      %get3A_633 = arith.index_cast %add3A_620 : i32 to index
      %get3A_634 = arith.index_cast %add3A_632 : i32 to index
      %get3A_635 = tpu.vector_load %arg13[%get3A_633, %get3A_634] {strides = array<i32>} : memref<256x128xf32, #tpu.memory_space<vmem>>, vector<16xf32>,
      %mul3A_636 = arith.mulf %get3A_630, %get3A_635 : vector<16xf32>
      %mul3A_637 = arith.mulf %mul3A_636, %get3A_449 : vector<16xf32>
      %add3A_638 = arith.addf %broadcast_in_dim3A_625, %mul3A_637 : vector<16xf32>
      %add3A_639 = arith.constant 16 : i32
      %add3A_640 = arith.addi %squeeze3A_622, %add3A_639 : i32
      %get3A_641 = arith.index_cast %add3A_620 : i32 to index
      %get3A_642 = arith.index_cast %add3A_640 : i32 to index
      %get3A_643 = tpu.vector_load %arg12[%get3A_641, %get3A_642] {strides = array<i32>} : memref<256x128xf32, #tpu.memory_space<vmem>>, vector<16xf32>,
      %add3A_644 = arith.constant 16 : i32
      %add3A_645 = arith.addi %squeeze3A_624, %add3A_644 : i32
      %get3A_646 = arith.index_cast %add3A_620 : i32 to index
      %get3A_647 = arith.index_cast %add3A_645 : i32 to index
      %get3A_648 = tpu.vector_load %arg13[%get3A_646, %get3A_647] {strides = array<i32>} : memref<256x128xf32, #tpu.memory_space<vmem>>, vector<16xf32>,
      %mul3A_649 = arith.mulf %get3A_643, %get3A_648 : vector<16xf32>
      %mul3A_650 = arith.mulf %mul3A_649, %get3A_451 : vector<16xf32>
      %add3A_651 = arith.addf %add3A_638, %mul3A_650 : vector<16xf32>
      %add3A_652 = arith.constant 32 : i32
      %add3A_653 = arith.addi %squeeze3A_622, %add3A_652 : i32
      %get3A_654 = arith.index_cast %add3A_620 : i32 to index
      %get3A_655 = arith.index_cast %add3A_653 : i32 to index
      %get3A_656 = tpu.vector_load %arg12[%get3A_654, %get3A_655] {strides = array<i32>} : memref<256x128xf32, #tpu.memory_space<vmem>>, vector<16xf32>,
      %add3A_657 = arith.constant 32 : i32
      %add3A_658 = arith.addi %squeeze3A_624, %add3A_657 : i32
      %get3A_659 = arith.index_cast %add3A_620 : i32 to index
      %get3A_660 = arith.index_cast %add3A_658 : i32 to index
      %get3A_661 = tpu.vector_load %arg13[%get3A_659, %get3A_660] {strides = array<i32>} : memref<256x128xf32, #tpu.memory_space<vmem>>, vector<16xf32>,
      %mul3A_662 = arith.mulf %get3A_656, %get3A_661 : vector<16xf32>
      %mul3A_663 = arith.mulf %mul3A_662, %get3A_453 : vector<16xf32>
      %add3A_664 = arith.addf %add3A_651, %mul3A_663 : vector<16xf32>
      %add3A_665 = arith.constant 48 : i32
      %add3A_666 = arith.addi %squeeze3A_622, %add3A_665 : i32
      %get3A_667 = arith.index_cast %add3A_620 : i32 to index
      %get3A_668 = arith.index_cast %add3A_666 : i32 to index
      %get3A_669 = tpu.vector_load %arg12[%get3A_667, %get3A_668] {strides = array<i32>} : memref<256x128xf32, #tpu.memory_space<vmem>>, vector<16xf32>,
      %add3A_670 = arith.constant 48 : i32
      %add3A_671 = arith.addi %squeeze3A_624, %add3A_670 : i32
      %get3A_672 = arith.index_cast %add3A_620 : i32 to index
      %get3A_673 = arith.index_cast %add3A_671 : i32 to index
      %get3A_674 = tpu.vector_load %arg13[%get3A_672, %get3A_673] {strides = array<i32>} : memref<256x128xf32, #tpu.memory_space<vmem>>, vector<16xf32>,
      %mul3A_675 = arith.mulf %get3A_669, %get3A_674 : vector<16xf32>
      %mul3A_676 = arith.mulf %mul3A_675, %get3A_455 : vector<16xf32>
      %add3A_677 = arith.addf %add3A_664, %mul3A_676 : vector<16xf32>
      %mul3A_678 = arith.constant 16 : i32
      %mul3A_679 = vector.broadcast %mul3A_678 : i32 to vector<16xi32>
      %mul3A_680 = arith.muli %iota3A, %mul3A_679 : vector<16xi32>
      %add3A_681 = arith.constant 0 : i32
      %add3A_682 = vector.broadcast %add3A_681 : i32 to vector<16xi32>
      %add3A_683 = arith.addi %mul3A_680, %add3A_682 : vector<16xi32>
      tpu.vector_store_idx %arg16[%add3A_683], %add3A_677 : memref<256xf32, #tpu.memory_space<vmem>>[vector<16xi32>], vector<16xf32>,
      %mul3A_684 = arith.constant 16 : i32
      %mul3A_685 = arith.muli %scan3A_593, %mul3A_684 : i32
      %add3A_686 = arith.constant 1 : i32
      %add3A_687 = arith.addi %mul3A_685, %add3A_686 : i32
      %slice3A_688 = vector.extract_strided_slice %mul3A_604 {offsets = [1], sizes = [1], strides = [1]} : vector<16xi32> to vector<1xi32>
      %squeeze3A_689 = vector.extract %slice3A_688[0] : i32 from vector<1xi32>
      %slice3A_690 = vector.extract_strided_slice %mul3A_616 {offsets = [1], sizes = [1], strides = [1]} : vector<16xi32> to vector<1xi32>
      %squeeze3A_691 = vector.extract %slice3A_690[0] : i32 from vector<1xi32>
      %broadcast_in_dim3A_692 = arith.constant 0.000000e+00 : f32
      %broadcast_in_dim3A_693 = vector.broadcast %broadcast_in_dim3A_692 : f32 to vector<16xf32>
      %add3A_694 = arith.constant 0 : i32
      %add3A_695 = arith.addi %squeeze3A_689, %add3A_694 : i32
      %get3A_696 = arith.index_cast %add3A_687 : i32 to index
      %get3A_697 = arith.index_cast %add3A_695 : i32 to index
      %get3A_698 = tpu.vector_load %arg12[%get3A_696, %get3A_697] {strides = array<i32>} : memref<256x128xf32, #tpu.memory_space<vmem>>, vector<16xf32>,
      %add3A_699 = arith.constant 0 : i32
      %add3A_700 = arith.addi %squeeze3A_691, %add3A_699 : i32
      %get3A_701 = arith.index_cast %add3A_687 : i32 to index
      %get3A_702 = arith.index_cast %add3A_700 : i32 to index
      %get3A_703 = tpu.vector_load %arg13[%get3A_701, %get3A_702] {strides = array<i32>} : memref<256x128xf32, #tpu.memory_space<vmem>>, vector<16xf32>,
      %mul3A_704 = arith.mulf %get3A_698, %get3A_703 : vector<16xf32>
      %mul3A_705 = arith.mulf %mul3A_704, %get3A_449 : vector<16xf32>
      %add3A_706 = arith.addf %broadcast_in_dim3A_693, %mul3A_705 : vector<16xf32>
      %add3A_707 = arith.constant 16 : i32
      %add3A_708 = arith.addi %squeeze3A_689, %add3A_707 : i32
      %get3A_709 = arith.index_cast %add3A_687 : i32 to index
      %get3A_710 = arith.index_cast %add3A_708 : i32 to index
      %get3A_711 = tpu.vector_load %arg12[%get3A_709, %get3A_710] {strides = array<i32>} : memref<256x128xf32, #tpu.memory_space<vmem>>, vector<16xf32>,
      %add3A_712 = arith.constant 16 : i32
      %add3A_713 = arith.addi %squeeze3A_691, %add3A_712 : i32
      %get3A_714 = arith.index_cast %add3A_687 : i32 to index
      %get3A_715 = arith.index_cast %add3A_713 : i32 to index
      %get3A_716 = tpu.vector_load %arg13[%get3A_714, %get3A_715] {strides = array<i32>} : memref<256x128xf32, #tpu.memory_space<vmem>>, vector<16xf32>,
      %mul3A_717 = arith.mulf %get3A_711, %get3A_716 : vector<16xf32>
      %mul3A_718 = arith.mulf %mul3A_717, %get3A_451 : vector<16xf32>
      %add3A_719 = arith.addf %add3A_706, %mul3A_718 : vector<16xf32>
      %add3A_720 = arith.constant 32 : i32
      %add3A_721 = arith.addi %squeeze3A_689, %add3A_720 : i32
      %get3A_722 = arith.index_cast %add3A_687 : i32 to index
      %get3A_723 = arith.index_cast %add3A_721 : i32 to index
      %get3A_724 = tpu.vector_load %arg12[%get3A_722, %get3A_723] {strides = array<i32>} : memref<256x128xf32, #tpu.memory_space<vmem>>, vector<16xf32>,
      %add3A_725 = arith.constant 32 : i32
      %add3A_726 = arith.addi %squeeze3A_691, %add3A_725 : i32
      %get3A_727 = arith.index_cast %add3A_687 : i32 to index
      %get3A_728 = arith.index_cast %add3A_726 : i32 to index
      %get3A_729 = tpu.vector_load %arg13[%get3A_727, %get3A_728] {strides = array<i32>} : memref<256x128xf32, #tpu.memory_space<vmem>>, vector<16xf32>,
      %mul3A_730 = arith.mulf %get3A_724, %get3A_729 : vector<16xf32>
      %mul3A_731 = arith.mulf %mul3A_730, %get3A_453 : vector<16xf32>
      %add3A_732 = arith.addf %add3A_719, %mul3A_731 : vector<16xf32>
      %add3A_733 = arith.constant 48 : i32
      %add3A_734 = arith.addi %squeeze3A_689, %add3A_733 : i32
      %get3A_735 = arith.index_cast %add3A_687 : i32 to index
      %get3A_736 = arith.index_cast %add3A_734 : i32 to index
      %get3A_737 = tpu.vector_load %arg12[%get3A_735, %get3A_736] {strides = array<i32>} : memref<256x128xf32, #tpu.memory_space<vmem>>, vector<16xf32>,
      %add3A_738 = arith.constant 48 : i32
      %add3A_739 = arith.addi %squeeze3A_691, %add3A_738 : i32
      %get3A_740 = arith.index_cast %add3A_687 : i32 to index
      %get3A_741 = arith.index_cast %add3A_739 : i32 to index
      %get3A_742 = tpu.vector_load %arg13[%get3A_740, %get3A_741] {strides = array<i32>} : memref<256x128xf32, #tpu.memory_space<vmem>>, vector<16xf32>,
      %mul3A_743 = arith.mulf %get3A_737, %get3A_742 : vector<16xf32>
      %mul3A_744 = arith.mulf %mul3A_743, %get3A_455 : vector<16xf32>
      %add3A_745 = arith.addf %add3A_732, %mul3A_744 : vector<16xf32>
      %mul3A_746 = arith.constant 16 : i32
      %mul3A_747 = vector.broadcast %mul3A_746 : i32 to vector<16xi32>
      %mul3A_748 = arith.muli %iota3A, %mul3A_747 : vector<16xi32>
      %add3A_749 = arith.constant 1 : i32
      %add3A_750 = vector.broadcast %add3A_749 : i32 to vector<16xi32>
      %add3A_751 = arith.addi %mul3A_748, %add3A_750 : vector<16xi32>
      tpu.vector_store_idx %arg16[%add3A_751], %add3A_745 : memref<256xf32, #tpu.memory_space<vmem>>[vector<16xi32>], vector<16xf32>,
      %mul3A_752 = arith.constant 16 : i32
      %mul3A_753 = arith.muli %scan3A_593, %mul3A_752 : i32
      %add3A_754 = arith.constant 2 : i32
      %add3A_755 = arith.addi %mul3A_753, %add3A_754 : i32
      %slice3A_756 = vector.extract_strided_slice %mul3A_604 {offsets = [2], sizes = [1], strides = [1]} : vector<16xi32> to vector<1xi32>
      %squeeze3A_757 = vector.extract %slice3A_756[0] : i32 from vector<1xi32>
      %slice3A_758 = vector.extract_strided_slice %mul3A_616 {offsets = [2], sizes = [1], strides = [1]} : vector<16xi32> to vector<1xi32>
      %squeeze3A_759 = vector.extract %slice3A_758[0] : i32 from vector<1xi32>
      %broadcast_in_dim3A_760 = arith.constant 0.000000e+00 : f32
      %broadcast_in_dim3A_761 = vector.broadcast %broadcast_in_dim3A_760 : f32 to vector<16xf32>
      %add3A_762 = arith.constant 0 : i32
      %add3A_763 = arith.addi %squeeze3A_757, %add3A_762 : i32
      %get3A_764 = arith.index_cast %add3A_755 : i32 to index
      %get3A_765 = arith.index_cast %add3A_763 : i32 to index
      %get3A_766 = tpu.vector_load %arg12[%get3A_764, %get3A_765] {strides = array<i32>} : memref<256x128xf32, #tpu.memory_space<vmem>>, vector<16xf32>,
      %add3A_767 = arith.constant 0 : i32
      %add3A_768 = arith.addi %squeeze3A_759, %add3A_767 : i32
      %get3A_769 = arith.index_cast %add3A_755 : i32 to index
      %get3A_770 = arith.index_cast %add3A_768 : i32 to index
      %get3A_771 = tpu.vector_load %arg13[%get3A_769, %get3A_770] {strides = array<i32>} : memref<256x128xf32, #tpu.memory_space<vmem>>, vector<16xf32>,
      %mul3A_772 = arith.mulf %get3A_766, %get3A_771 : vector<16xf32>
      %mul3A_773 = arith.mulf %mul3A_772, %get3A_449 : vector<16xf32>
      %add3A_774 = arith.addf %broadcast_in_dim3A_761, %mul3A_773 : vector<16xf32>
      %add3A_775 = arith.constant 16 : i32
      %add3A_776 = arith.addi %squeeze3A_757, %add3A_775 : i32
      %get3A_777 = arith.index_cast %add3A_755 : i32 to index
      %get3A_778 = arith.index_cast %add3A_776 : i32 to index
      %get3A_779 = tpu.vector_load %arg12[%get3A_777, %get3A_778] {strides = array<i32>} : memref<256x128xf32, #tpu.memory_space<vmem>>, vector<16xf32>,
      %add3A_780 = arith.constant 16 : i32
      %add3A_781 = arith.addi %squeeze3A_759, %add3A_780 : i32
      %get3A_782 = arith.index_cast %add3A_755 : i32 to index
      %get3A_783 = arith.index_cast %add3A_781 : i32 to index
      %get3A_784 = tpu.vector_load %arg13[%get3A_782, %get3A_783] {strides = array<i32>} : memref<256x128xf32, #tpu.memory_space<vmem>>, vector<16xf32>,
      %mul3A_785 = arith.mulf %get3A_779, %get3A_784 : vector<16xf32>
      %mul3A_786 = arith.mulf %mul3A_785, %get3A_451 : vector<16xf32>
      %add3A_787 = arith.addf %add3A_774, %mul3A_786 : vector<16xf32>
      %add3A_788 = arith.constant 32 : i32
      %add3A_789 = arith.addi %squeeze3A_757, %add3A_788 : i32
      %get3A_790 = arith.index_cast %add3A_755 : i32 to index
      %get3A_791 = arith.index_cast %add3A_789 : i32 to index
      %get3A_792 = tpu.vector_load %arg12[%get3A_790, %get3A_791] {strides = array<i32>} : memref<256x128xf32, #tpu.memory_space<vmem>>, vector<16xf32>,
      %add3A_793 = arith.constant 32 : i32
      %add3A_794 = arith.addi %squeeze3A_759, %add3A_793 : i32
      %get3A_795 = arith.index_cast %add3A_755 : i32 to index
      %get3A_796 = arith.index_cast %add3A_794 : i32 to index
      %get3A_797 = tpu.vector_load %arg13[%get3A_795, %get3A_796] {strides = array<i32>} : memref<256x128xf32, #tpu.memory_space<vmem>>, vector<16xf32>,
      %mul3A_798 = arith.mulf %get3A_792, %get3A_797 : vector<16xf32>
      %mul3A_799 = arith.mulf %mul3A_798, %get3A_453 : vector<16xf32>
      %add3A_800 = arith.addf %add3A_787, %mul3A_799 : vector<16xf32>
      %add3A_801 = arith.constant 48 : i32
      %add3A_802 = arith.addi %squeeze3A_757, %add3A_801 : i32
      %get3A_803 = arith.index_cast %add3A_755 : i32 to index
      %get3A_804 = arith.index_cast %add3A_802 : i32 to index
      %get3A_805 = tpu.vector_load %arg12[%get3A_803, %get3A_804] {strides = array<i32>} : memref<256x128xf32, #tpu.memory_space<vmem>>, vector<16xf32>,
      %add3A_806 = arith.constant 48 : i32
      %add3A_807 = arith.addi %squeeze3A_759, %add3A_806 : i32
      %get3A_808 = arith.index_cast %add3A_755 : i32 to index
      %get3A_809 = arith.index_cast %add3A_807 : i32 to index
      %get3A_810 = tpu.vector_load %arg13[%get3A_808, %get3A_809] {strides = array<i32>} : memref<256x128xf32, #tpu.memory_space<vmem>>, vector<16xf32>,
      %mul3A_811 = arith.mulf %get3A_805, %get3A_810 : vector<16xf32>
      %mul3A_812 = arith.mulf %mul3A_811, %get3A_455 : vector<16xf32>
      %add3A_813 = arith.addf %add3A_800, %mul3A_812 : vector<16xf32>
      %mul3A_814 = arith.constant 16 : i32
      %mul3A_815 = vector.broadcast %mul3A_814 : i32 to vector<16xi32>
      %mul3A_816 = arith.muli %iota3A, %mul3A_815 : vector<16xi32>
      %add3A_817 = arith.constant 2 : i32
      %add3A_818 = vector.broadcast %add3A_817 : i32 to vector<16xi32>
      %add3A_819 = arith.addi %mul3A_816, %add3A_818 : vector<16xi32>
      tpu.vector_store_idx %arg16[%add3A_819], %add3A_813 : memref<256xf32, #tpu.memory_space<vmem>>[vector<16xi32>], vector<16xf32>,
      %mul3A_820 = arith.constant 16 : i32
      %mul3A_821 = arith.muli %scan3A_593, %mul3A_820 : i32
      %add3A_822 = arith.constant 3 : i32
      %add3A_823 = arith.addi %mul3A_821, %add3A_822 : i32
      %slice3A_824 = vector.extract_strided_slice %mul3A_604 {offsets = [3], sizes = [1], strides = [1]} : vector<16xi32> to vector<1xi32>
      %squeeze3A_825 = vector.extract %slice3A_824[0] : i32 from vector<1xi32>
      %slice3A_826 = vector.extract_strided_slice %mul3A_616 {offsets = [3], sizes = [1], strides = [1]} : vector<16xi32> to vector<1xi32>
      %squeeze3A_827 = vector.extract %slice3A_826[0] : i32 from vector<1xi32>
      %broadcast_in_dim3A_828 = arith.constant 0.000000e+00 : f32
      %broadcast_in_dim3A_829 = vector.broadcast %broadcast_in_dim3A_828 : f32 to vector<16xf32>
      %add3A_830 = arith.constant 0 : i32
      %add3A_831 = arith.addi %squeeze3A_825, %add3A_830 : i32
      %get3A_832 = arith.index_cast %add3A_823 : i32 to index
      %get3A_833 = arith.index_cast %add3A_831 : i32 to index
      %get3A_834 = tpu.vector_load %arg12[%get3A_832, %get3A_833] {strides = array<i32>} : memref<256x128xf32, #tpu.memory_space<vmem>>, vector<16xf32>,
      %add3A_835 = arith.constant 0 : i32
      %add3A_836 = arith.addi %squeeze3A_827, %add3A_835 : i32
      %get3A_837 = arith.index_cast %add3A_823 : i32 to index
      %get3A_838 = arith.index_cast %add3A_836 : i32 to index
      %get3A_839 = tpu.vector_load %arg13[%get3A_837, %get3A_838] {strides = array<i32>} : memref<256x128xf32, #tpu.memory_space<vmem>>, vector<16xf32>,
      %mul3A_840 = arith.mulf %get3A_834, %get3A_839 : vector<16xf32>
      %mul3A_841 = arith.mulf %mul3A_840, %get3A_449 : vector<16xf32>
      %add3A_842 = arith.addf %broadcast_in_dim3A_829, %mul3A_841 : vector<16xf32>
      %add3A_843 = arith.constant 16 : i32
      %add3A_844 = arith.addi %squeeze3A_825, %add3A_843 : i32
      %get3A_845 = arith.index_cast %add3A_823 : i32 to index
      %get3A_846 = arith.index_cast %add3A_844 : i32 to index
      %get3A_847 = tpu.vector_load %arg12[%get3A_845, %get3A_846] {strides = array<i32>} : memref<256x128xf32, #tpu.memory_space<vmem>>, vector<16xf32>,
      %add3A_848 = arith.constant 16 : i32
      %add3A_849 = arith.addi %squeeze3A_827, %add3A_848 : i32
      %get3A_850 = arith.index_cast %add3A_823 : i32 to index
      %get3A_851 = arith.index_cast %add3A_849 : i32 to index
      %get3A_852 = tpu.vector_load %arg13[%get3A_850, %get3A_851] {strides = array<i32>} : memref<256x128xf32, #tpu.memory_space<vmem>>, vector<16xf32>,
      %mul3A_853 = arith.mulf %get3A_847, %get3A_852 : vector<16xf32>
      %mul3A_854 = arith.mulf %mul3A_853, %get3A_451 : vector<16xf32>
      %add3A_855 = arith.addf %add3A_842, %mul3A_854 : vector<16xf32>
      %add3A_856 = arith.constant 32 : i32
      %add3A_857 = arith.addi %squeeze3A_825, %add3A_856 : i32
      %get3A_858 = arith.index_cast %add3A_823 : i32 to index
      %get3A_859 = arith.index_cast %add3A_857 : i32 to index
      %get3A_860 = tpu.vector_load %arg12[%get3A_858, %get3A_859] {strides = array<i32>} : memref<256x128xf32, #tpu.memory_space<vmem>>, vector<16xf32>,
      %add3A_861 = arith.constant 32 : i32
      %add3A_862 = arith.addi %squeeze3A_827, %add3A_861 : i32
      %get3A_863 = arith.index_cast %add3A_823 : i32 to index
      %get3A_864 = arith.index_cast %add3A_862 : i32 to index
      %get3A_865 = tpu.vector_load %arg13[%get3A_863, %get3A_864] {strides = array<i32>} : memref<256x128xf32, #tpu.memory_space<vmem>>, vector<16xf32>,
      %mul3A_866 = arith.mulf %get3A_860, %get3A_865 : vector<16xf32>
      %mul3A_867 = arith.mulf %mul3A_866, %get3A_453 : vector<16xf32>
      %add3A_868 = arith.addf %add3A_855, %mul3A_867 : vector<16xf32>
      %add3A_869 = arith.constant 48 : i32
      %add3A_870 = arith.addi %squeeze3A_825, %add3A_869 : i32
      %get3A_871 = arith.index_cast %add3A_823 : i32 to index
      %get3A_872 = arith.index_cast %add3A_870 : i32 to index
      %get3A_873 = tpu.vector_load %arg12[%get3A_871, %get3A_872] {strides = array<i32>} : memref<256x128xf32, #tpu.memory_space<vmem>>, vector<16xf32>,
      %add3A_874 = arith.constant 48 : i32
      %add3A_875 = arith.addi %squeeze3A_827, %add3A_874 : i32
      %get3A_876 = arith.index_cast %add3A_823 : i32 to index
      %get3A_877 = arith.index_cast %add3A_875 : i32 to index
      %get3A_878 = tpu.vector_load %arg13[%get3A_876, %get3A_877] {strides = array<i32>} : memref<256x128xf32, #tpu.memory_space<vmem>>, vector<16xf32>,
      %mul3A_879 = arith.mulf %get3A_873, %get3A_878 : vector<16xf32>
      %mul3A_880 = arith.mulf %mul3A_879, %get3A_455 : vector<16xf32>
      %add3A_881 = arith.addf %add3A_868, %mul3A_880 : vector<16xf32>
      %mul3A_882 = arith.constant 16 : i32
      %mul3A_883 = vector.broadcast %mul3A_882 : i32 to vector<16xi32>
      %mul3A_884 = arith.muli %iota3A, %mul3A_883 : vector<16xi32>
      %add3A_885 = arith.constant 3 : i32
      %add3A_886 = vector.broadcast %add3A_885 : i32 to vector<16xi32>
      %add3A_887 = arith.addi %mul3A_884, %add3A_886 : vector<16xi32>
      tpu.vector_store_idx %arg16[%add3A_887], %add3A_881 : memref<256xf32, #tpu.memory_space<vmem>>[vector<16xi32>], vector<16xf32>,
      %mul3A_888 = arith.constant 16 : i32
      %mul3A_889 = arith.muli %scan3A_593, %mul3A_888 : i32
      %add3A_890 = arith.constant 4 : i32
      %add3A_891 = arith.addi %mul3A_889, %add3A_890 : i32
      %slice3A_892 = vector.extract_strided_slice %mul3A_604 {offsets = [4], sizes = [1], strides = [1]} : vector<16xi32> to vector<1xi32>
      %squeeze3A_893 = vector.extract %slice3A_892[0] : i32 from vector<1xi32>
      %slice3A_894 = vector.extract_strided_slice %mul3A_616 {offsets = [4], sizes = [1], strides = [1]} : vector<16xi32> to vector<1xi32>
      %squeeze3A_895 = vector.extract %slice3A_894[0] : i32 from vector<1xi32>
      %broadcast_in_dim3A_896 = arith.constant 0.000000e+00 : f32
      %broadcast_in_dim3A_897 = vector.broadcast %broadcast_in_dim3A_896 : f32 to vector<16xf32>
      %add3A_898 = arith.constant 0 : i32
      %add3A_899 = arith.addi %squeeze3A_893, %add3A_898 : i32
      %get3A_900 = arith.index_cast %add3A_891 : i32 to index
      %get3A_901 = arith.index_cast %add3A_899 : i32 to index
      %get3A_902 = tpu.vector_load %arg12[%get3A_900, %get3A_901] {strides = array<i32>} : memref<256x128xf32, #tpu.memory_space<vmem>>, vector<16xf32>,
      %add3A_903 = arith.constant 0 : i32
      %add3A_904 = arith.addi %squeeze3A_895, %add3A_903 : i32
      %get3A_905 = arith.index_cast %add3A_891 : i32 to index
      %get3A_906 = arith.index_cast %add3A_904 : i32 to index
      %get3A_907 = tpu.vector_load %arg13[%get3A_905, %get3A_906] {strides = array<i32>} : memref<256x128xf32, #tpu.memory_space<vmem>>, vector<16xf32>,
      %mul3A_908 = arith.mulf %get3A_902, %get3A_907 : vector<16xf32>
      %mul3A_909 = arith.mulf %mul3A_908, %get3A_449 : vector<16xf32>
      %add3A_910 = arith.addf %broadcast_in_dim3A_897, %mul3A_909 : vector<16xf32>
      %add3A_911 = arith.constant 16 : i32
      %add3A_912 = arith.addi %squeeze3A_893, %add3A_911 : i32
      %get3A_913 = arith.index_cast %add3A_891 : i32 to index
      %get3A_914 = arith.index_cast %add3A_912 : i32 to index
      %get3A_915 = tpu.vector_load %arg12[%get3A_913, %get3A_914] {strides = array<i32>} : memref<256x128xf32, #tpu.memory_space<vmem>>, vector<16xf32>,
      %add3A_916 = arith.constant 16 : i32
      %add3A_917 = arith.addi %squeeze3A_895, %add3A_916 : i32
      %get3A_918 = arith.index_cast %add3A_891 : i32 to index
      %get3A_919 = arith.index_cast %add3A_917 : i32 to index
      %get3A_920 = tpu.vector_load %arg13[%get3A_918, %get3A_919] {strides = array<i32>} : memref<256x128xf32, #tpu.memory_space<vmem>>, vector<16xf32>,
      %mul3A_921 = arith.mulf %get3A_915, %get3A_920 : vector<16xf32>
      %mul3A_922 = arith.mulf %mul3A_921, %get3A_451 : vector<16xf32>
      %add3A_923 = arith.addf %add3A_910, %mul3A_922 : vector<16xf32>
      %add3A_924 = arith.constant 32 : i32
      %add3A_925 = arith.addi %squeeze3A_893, %add3A_924 : i32
      %get3A_926 = arith.index_cast %add3A_891 : i32 to index
      %get3A_927 = arith.index_cast %add3A_925 : i32 to index
      %get3A_928 = tpu.vector_load %arg12[%get3A_926, %get3A_927] {strides = array<i32>} : memref<256x128xf32, #tpu.memory_space<vmem>>, vector<16xf32>,
      %add3A_929 = arith.constant 32 : i32
      %add3A_930 = arith.addi %squeeze3A_895, %add3A_929 : i32
      %get3A_931 = arith.index_cast %add3A_891 : i32 to index
      %get3A_932 = arith.index_cast %add3A_930 : i32 to index
      %get3A_933 = tpu.vector_load %arg13[%get3A_931, %get3A_932] {strides = array<i32>} : memref<256x128xf32, #tpu.memory_space<vmem>>, vector<16xf32>,
      %mul3A_934 = arith.mulf %get3A_928, %get3A_933 : vector<16xf32>
      %mul3A_935 = arith.mulf %mul3A_934, %get3A_453 : vector<16xf32>
      %add3A_936 = arith.addf %add3A_923, %mul3A_935 : vector<16xf32>
      %add3A_937 = arith.constant 48 : i32
      %add3A_938 = arith.addi %squeeze3A_893, %add3A_937 : i32
      %get3A_939 = arith.index_cast %add3A_891 : i32 to index
      %get3A_940 = arith.index_cast %add3A_938 : i32 to index
      %get3A_941 = tpu.vector_load %arg12[%get3A_939, %get3A_940] {strides = array<i32>} : memref<256x128xf32, #tpu.memory_space<vmem>>, vector<16xf32>,
      %add3A_942 = arith.constant 48 : i32
      %add3A_943 = arith.addi %squeeze3A_895, %add3A_942 : i32
      %get3A_944 = arith.index_cast %add3A_891 : i32 to index
      %get3A_945 = arith.index_cast %add3A_943 : i32 to index
      %get3A_946 = tpu.vector_load %arg13[%get3A_944, %get3A_945] {strides = array<i32>} : memref<256x128xf32, #tpu.memory_space<vmem>>, vector<16xf32>,
      %mul3A_947 = arith.mulf %get3A_941, %get3A_946 : vector<16xf32>
      %mul3A_948 = arith.mulf %mul3A_947, %get3A_455 : vector<16xf32>
      %add3A_949 = arith.addf %add3A_936, %mul3A_948 : vector<16xf32>
      %mul3A_950 = arith.constant 16 : i32
      %mul3A_951 = vector.broadcast %mul3A_950 : i32 to vector<16xi32>
      %mul3A_952 = arith.muli %iota3A, %mul3A_951 : vector<16xi32>
      %add3A_953 = arith.constant 4 : i32
      %add3A_954 = vector.broadcast %add3A_953 : i32 to vector<16xi32>
      %add3A_955 = arith.addi %mul3A_952, %add3A_954 : vector<16xi32>
      tpu.vector_store_idx %arg16[%add3A_955], %add3A_949 : memref<256xf32, #tpu.memory_space<vmem>>[vector<16xi32>], vector<16xf32>,
      %mul3A_956 = arith.constant 16 : i32
      %mul3A_957 = arith.muli %scan3A_593, %mul3A_956 : i32
      %add3A_958 = arith.constant 5 : i32
      %add3A_959 = arith.addi %mul3A_957, %add3A_958 : i32
      %slice3A_960 = vector.extract_strided_slice %mul3A_604 {offsets = [5], sizes = [1], strides = [1]} : vector<16xi32> to vector<1xi32>
      %squeeze3A_961 = vector.extract %slice3A_960[0] : i32 from vector<1xi32>
      %slice3A_962 = vector.extract_strided_slice %mul3A_616 {offsets = [5], sizes = [1], strides = [1]} : vector<16xi32> to vector<1xi32>
      %squeeze3A_963 = vector.extract %slice3A_962[0] : i32 from vector<1xi32>
      %broadcast_in_dim3A_964 = arith.constant 0.000000e+00 : f32
      %broadcast_in_dim3A_965 = vector.broadcast %broadcast_in_dim3A_964 : f32 to vector<16xf32>
      %add3A_966 = arith.constant 0 : i32
      %add3A_967 = arith.addi %squeeze3A_961, %add3A_966 : i32
      %get3A_968 = arith.index_cast %add3A_959 : i32 to index
      %get3A_969 = arith.index_cast %add3A_967 : i32 to index
      %get3A_970 = tpu.vector_load %arg12[%get3A_968, %get3A_969] {strides = array<i32>} : memref<256x128xf32, #tpu.memory_space<vmem>>, vector<16xf32>,
      %add3A_971 = arith.constant 0 : i32
      %add3A_972 = arith.addi %squeeze3A_963, %add3A_971 : i32
      %get3A_973 = arith.index_cast %add3A_959 : i32 to index
      %get3A_974 = arith.index_cast %add3A_972 : i32 to index
      %get3A_975 = tpu.vector_load %arg13[%get3A_973, %get3A_974] {strides = array<i32>} : memref<256x128xf32, #tpu.memory_space<vmem>>, vector<16xf32>,
      %mul3A_976 = arith.mulf %get3A_970, %get3A_975 : vector<16xf32>
      %mul3A_977 = arith.mulf %mul3A_976, %get3A_449 : vector<16xf32>
      %add3A_978 = arith.addf %broadcast_in_dim3A_965, %mul3A_977 : vector<16xf32>
      %add3A_979 = arith.constant 16 : i32
      %add3A_980 = arith.addi %squeeze3A_961, %add3A_979 : i32
      %get3A_981 = arith.index_cast %add3A_959 : i32 to index
      %get3A_982 = arith.index_cast %add3A_980 : i32 to index
      %get3A_983 = tpu.vector_load %arg12[%get3A_981, %get3A_982] {strides = array<i32>} : memref<256x128xf32, #tpu.memory_space<vmem>>, vector<16xf32>,
      %add3A_984 = arith.constant 16 : i32
      %add3A_985 = arith.addi %squeeze3A_963, %add3A_984 : i32
      %get3A_986 = arith.index_cast %add3A_959 : i32 to index
      %get3A_987 = arith.index_cast %add3A_985 : i32 to index
      %get3A_988 = tpu.vector_load %arg13[%get3A_986, %get3A_987] {strides = array<i32>} : memref<256x128xf32, #tpu.memory_space<vmem>>, vector<16xf32>,
      %mul3A_989 = arith.mulf %get3A_983, %get3A_988 : vector<16xf32>
      %mul3A_990 = arith.mulf %mul3A_989, %get3A_451 : vector<16xf32>
      %add3A_991 = arith.addf %add3A_978, %mul3A_990 : vector<16xf32>
      %add3A_992 = arith.constant 32 : i32
      %add3A_993 = arith.addi %squeeze3A_961, %add3A_992 : i32
      %get3A_994 = arith.index_cast %add3A_959 : i32 to index
      %get3A_995 = arith.index_cast %add3A_993 : i32 to index
      %get3A_996 = tpu.vector_load %arg12[%get3A_994, %get3A_995] {strides = array<i32>} : memref<256x128xf32, #tpu.memory_space<vmem>>, vector<16xf32>,
      %add3A_997 = arith.constant 32 : i32
      %add3A_998 = arith.addi %squeeze3A_963, %add3A_997 : i32
      %get3A_999 = arith.index_cast %add3A_959 : i32 to index
      %get3A_1000 = arith.index_cast %add3A_998 : i32 to index
      %get3A_1001 = tpu.vector_load %arg13[%get3A_999, %get3A_1000] {strides = array<i32>} : memref<256x128xf32, #tpu.memory_space<vmem>>, vector<16xf32>,
      %mul3A_1002 = arith.mulf %get3A_996, %get3A_1001 : vector<16xf32>
      %mul3A_1003 = arith.mulf %mul3A_1002, %get3A_453 : vector<16xf32>
      %add3A_1004 = arith.addf %add3A_991, %mul3A_1003 : vector<16xf32>
      %add3A_1005 = arith.constant 48 : i32
      %add3A_1006 = arith.addi %squeeze3A_961, %add3A_1005 : i32
      %get3A_1007 = arith.index_cast %add3A_959 : i32 to index
      %get3A_1008 = arith.index_cast %add3A_1006 : i32 to index
      %get3A_1009 = tpu.vector_load %arg12[%get3A_1007, %get3A_1008] {strides = array<i32>} : memref<256x128xf32, #tpu.memory_space<vmem>>, vector<16xf32>,
      %add3A_1010 = arith.constant 48 : i32
      %add3A_1011 = arith.addi %squeeze3A_963, %add3A_1010 : i32
      %get3A_1012 = arith.index_cast %add3A_959 : i32 to index
      %get3A_1013 = arith.index_cast %add3A_1011 : i32 to index
      %get3A_1014 = tpu.vector_load %arg13[%get3A_1012, %get3A_1013] {strides = array<i32>} : memref<256x128xf32, #tpu.memory_space<vmem>>, vector<16xf32>,
      %mul3A_1015 = arith.mulf %get3A_1009, %get3A_1014 : vector<16xf32>
      %mul3A_1016 = arith.mulf %mul3A_1015, %get3A_455 : vector<16xf32>
      %add3A_1017 = arith.addf %add3A_1004, %mul3A_1016 : vector<16xf32>
      %mul3A_1018 = arith.constant 16 : i32
      %mul3A_1019 = vector.broadcast %mul3A_1018 : i32 to vector<16xi32>
      %mul3A_1020 = arith.muli %iota3A, %mul3A_1019 : vector<16xi32>
      %add3A_1021 = arith.constant 5 : i32
      %add3A_1022 = vector.broadcast %add3A_1021 : i32 to vector<16xi32>
      %add3A_1023 = arith.addi %mul3A_1020, %add3A_1022 : vector<16xi32>
      tpu.vector_store_idx %arg16[%add3A_1023], %add3A_1017 : memref<256xf32, #tpu.memory_space<vmem>>[vector<16xi32>], vector<16xf32>,
      %mul3A_1024 = arith.constant 16 : i32
      %mul3A_1025 = arith.muli %scan3A_593, %mul3A_1024 : i32
      %add3A_1026 = arith.constant 6 : i32
      %add3A_1027 = arith.addi %mul3A_1025, %add3A_1026 : i32
      %slice3A_1028 = vector.extract_strided_slice %mul3A_604 {offsets = [6], sizes = [1], strides = [1]} : vector<16xi32> to vector<1xi32>
      %squeeze3A_1029 = vector.extract %slice3A_1028[0] : i32 from vector<1xi32>
      %slice3A_1030 = vector.extract_strided_slice %mul3A_616 {offsets = [6], sizes = [1], strides = [1]} : vector<16xi32> to vector<1xi32>
      %squeeze3A_1031 = vector.extract %slice3A_1030[0] : i32 from vector<1xi32>
      %broadcast_in_dim3A_1032 = arith.constant 0.000000e+00 : f32
      %broadcast_in_dim3A_1033 = vector.broadcast %broadcast_in_dim3A_1032 : f32 to vector<16xf32>
      %add3A_1034 = arith.constant 0 : i32
      %add3A_1035 = arith.addi %squeeze3A_1029, %add3A_1034 : i32
      %get3A_1036 = arith.index_cast %add3A_1027 : i32 to index
      %get3A_1037 = arith.index_cast %add3A_1035 : i32 to index
      %get3A_1038 = tpu.vector_load %arg12[%get3A_1036, %get3A_1037] {strides = array<i32>} : memref<256x128xf32, #tpu.memory_space<vmem>>, vector<16xf32>,
      %add3A_1039 = arith.constant 0 : i32
      %add3A_1040 = arith.addi %squeeze3A_1031, %add3A_1039 : i32
      %get3A_1041 = arith.index_cast %add3A_1027 : i32 to index
      %get3A_1042 = arith.index_cast %add3A_1040 : i32 to index
      %get3A_1043 = tpu.vector_load %arg13[%get3A_1041, %get3A_1042] {strides = array<i32>} : memref<256x128xf32, #tpu.memory_space<vmem>>, vector<16xf32>,
      %mul3A_1044 = arith.mulf %get3A_1038, %get3A_1043 : vector<16xf32>
      %mul3A_1045 = arith.mulf %mul3A_1044, %get3A_449 : vector<16xf32>
      %add3A_1046 = arith.addf %broadcast_in_dim3A_1033, %mul3A_1045 : vector<16xf32>
      %add3A_1047 = arith.constant 16 : i32
      %add3A_1048 = arith.addi %squeeze3A_1029, %add3A_1047 : i32
      %get3A_1049 = arith.index_cast %add3A_1027 : i32 to index
      %get3A_1050 = arith.index_cast %add3A_1048 : i32 to index
      %get3A_1051 = tpu.vector_load %arg12[%get3A_1049, %get3A_1050] {strides = array<i32>} : memref<256x128xf32, #tpu.memory_space<vmem>>, vector<16xf32>,
      %add3A_1052 = arith.constant 16 : i32
      %add3A_1053 = arith.addi %squeeze3A_1031, %add3A_1052 : i32
      %get3A_1054 = arith.index_cast %add3A_1027 : i32 to index
      %get3A_1055 = arith.index_cast %add3A_1053 : i32 to index
      %get3A_1056 = tpu.vector_load %arg13[%get3A_1054, %get3A_1055] {strides = array<i32>} : memref<256x128xf32, #tpu.memory_space<vmem>>, vector<16xf32>,
      %mul3A_1057 = arith.mulf %get3A_1051, %get3A_1056 : vector<16xf32>
      %mul3A_1058 = arith.mulf %mul3A_1057, %get3A_451 : vector<16xf32>
      %add3A_1059 = arith.addf %add3A_1046, %mul3A_1058 : vector<16xf32>
      %add3A_1060 = arith.constant 32 : i32
      %add3A_1061 = arith.addi %squeeze3A_1029, %add3A_1060 : i32
      %get3A_1062 = arith.index_cast %add3A_1027 : i32 to index
      %get3A_1063 = arith.index_cast %add3A_1061 : i32 to index
      %get3A_1064 = tpu.vector_load %arg12[%get3A_1062, %get3A_1063] {strides = array<i32>} : memref<256x128xf32, #tpu.memory_space<vmem>>, vector<16xf32>,
      %add3A_1065 = arith.constant 32 : i32
      %add3A_1066 = arith.addi %squeeze3A_1031, %add3A_1065 : i32
      %get3A_1067 = arith.index_cast %add3A_1027 : i32 to index
      %get3A_1068 = arith.index_cast %add3A_1066 : i32 to index
      %get3A_1069 = tpu.vector_load %arg13[%get3A_1067, %get3A_1068] {strides = array<i32>} : memref<256x128xf32, #tpu.memory_space<vmem>>, vector<16xf32>,
      %mul3A_1070 = arith.mulf %get3A_1064, %get3A_1069 : vector<16xf32>
      %mul3A_1071 = arith.mulf %mul3A_1070, %get3A_453 : vector<16xf32>
      %add3A_1072 = arith.addf %add3A_1059, %mul3A_1071 : vector<16xf32>
      %add3A_1073 = arith.constant 48 : i32
      %add3A_1074 = arith.addi %squeeze3A_1029, %add3A_1073 : i32
      %get3A_1075 = arith.index_cast %add3A_1027 : i32 to index
      %get3A_1076 = arith.index_cast %add3A_1074 : i32 to index
      %get3A_1077 = tpu.vector_load %arg12[%get3A_1075, %get3A_1076] {strides = array<i32>} : memref<256x128xf32, #tpu.memory_space<vmem>>, vector<16xf32>,
      %add3A_1078 = arith.constant 48 : i32
      %add3A_1079 = arith.addi %squeeze3A_1031, %add3A_1078 : i32
      %get3A_1080 = arith.index_cast %add3A_1027 : i32 to index
      %get3A_1081 = arith.index_cast %add3A_1079 : i32 to index
      %get3A_1082 = tpu.vector_load %arg13[%get3A_1080, %get3A_1081] {strides = array<i32>} : memref<256x128xf32, #tpu.memory_space<vmem>>, vector<16xf32>,
      %mul3A_1083 = arith.mulf %get3A_1077, %get3A_1082 : vector<16xf32>
      %mul3A_1084 = arith.mulf %mul3A_1083, %get3A_455 : vector<16xf32>
      %add3A_1085 = arith.addf %add3A_1072, %mul3A_1084 : vector<16xf32>
      %mul3A_1086 = arith.constant 16 : i32
      %mul3A_1087 = vector.broadcast %mul3A_1086 : i32 to vector<16xi32>
      %mul3A_1088 = arith.muli %iota3A, %mul3A_1087 : vector<16xi32>
      %add3A_1089 = arith.constant 6 : i32
      %add3A_1090 = vector.broadcast %add3A_1089 : i32 to vector<16xi32>
      %add3A_1091 = arith.addi %mul3A_1088, %add3A_1090 : vector<16xi32>
      tpu.vector_store_idx %arg16[%add3A_1091], %add3A_1085 : memref<256xf32, #tpu.memory_space<vmem>>[vector<16xi32>], vector<16xf32>,
      %mul3A_1092 = arith.constant 16 : i32
      %mul3A_1093 = arith.muli %scan3A_593, %mul3A_1092 : i32
      %add3A_1094 = arith.constant 7 : i32
      %add3A_1095 = arith.addi %mul3A_1093, %add3A_1094 : i32
      %slice3A_1096 = vector.extract_strided_slice %mul3A_604 {offsets = [7], sizes = [1], strides = [1]} : vector<16xi32> to vector<1xi32>
      %squeeze3A_1097 = vector.extract %slice3A_1096[0] : i32 from vector<1xi32>
      %slice3A_1098 = vector.extract_strided_slice %mul3A_616 {offsets = [7], sizes = [1], strides = [1]} : vector<16xi32> to vector<1xi32>
      %squeeze3A_1099 = vector.extract %slice3A_1098[0] : i32 from vector<1xi32>
      %broadcast_in_dim3A_1100 = arith.constant 0.000000e+00 : f32
      %broadcast_in_dim3A_1101 = vector.broadcast %broadcast_in_dim3A_1100 : f32 to vector<16xf32>
      %add3A_1102 = arith.constant 0 : i32
      %add3A_1103 = arith.addi %squeeze3A_1097, %add3A_1102 : i32
      %get3A_1104 = arith.index_cast %add3A_1095 : i32 to index
      %get3A_1105 = arith.index_cast %add3A_1103 : i32 to index
      %get3A_1106 = tpu.vector_load %arg12[%get3A_1104, %get3A_1105] {strides = array<i32>} : memref<256x128xf32, #tpu.memory_space<vmem>>, vector<16xf32>,
      %add3A_1107 = arith.constant 0 : i32
      %add3A_1108 = arith.addi %squeeze3A_1099, %add3A_1107 : i32
      %get3A_1109 = arith.index_cast %add3A_1095 : i32 to index
      %get3A_1110 = arith.index_cast %add3A_1108 : i32 to index
      %get3A_1111 = tpu.vector_load %arg13[%get3A_1109, %get3A_1110] {strides = array<i32>} : memref<256x128xf32, #tpu.memory_space<vmem>>, vector<16xf32>,
      %mul3A_1112 = arith.mulf %get3A_1106, %get3A_1111 : vector<16xf32>
      %mul3A_1113 = arith.mulf %mul3A_1112, %get3A_449 : vector<16xf32>
      %add3A_1114 = arith.addf %broadcast_in_dim3A_1101, %mul3A_1113 : vector<16xf32>
      %add3A_1115 = arith.constant 16 : i32
      %add3A_1116 = arith.addi %squeeze3A_1097, %add3A_1115 : i32
      %get3A_1117 = arith.index_cast %add3A_1095 : i32 to index
      %get3A_1118 = arith.index_cast %add3A_1116 : i32 to index
      %get3A_1119 = tpu.vector_load %arg12[%get3A_1117, %get3A_1118] {strides = array<i32>} : memref<256x128xf32, #tpu.memory_space<vmem>>, vector<16xf32>,
      %add3A_1120 = arith.constant 16 : i32
      %add3A_1121 = arith.addi %squeeze3A_1099, %add3A_1120 : i32
      %get3A_1122 = arith.index_cast %add3A_1095 : i32 to index
      %get3A_1123 = arith.index_cast %add3A_1121 : i32 to index
      %get3A_1124 = tpu.vector_load %arg13[%get3A_1122, %get3A_1123] {strides = array<i32>} : memref<256x128xf32, #tpu.memory_space<vmem>>, vector<16xf32>,
      %mul3A_1125 = arith.mulf %get3A_1119, %get3A_1124 : vector<16xf32>
      %mul3A_1126 = arith.mulf %mul3A_1125, %get3A_451 : vector<16xf32>
      %add3A_1127 = arith.addf %add3A_1114, %mul3A_1126 : vector<16xf32>
      %add3A_1128 = arith.constant 32 : i32
      %add3A_1129 = arith.addi %squeeze3A_1097, %add3A_1128 : i32
      %get3A_1130 = arith.index_cast %add3A_1095 : i32 to index
      %get3A_1131 = arith.index_cast %add3A_1129 : i32 to index
      %get3A_1132 = tpu.vector_load %arg12[%get3A_1130, %get3A_1131] {strides = array<i32>} : memref<256x128xf32, #tpu.memory_space<vmem>>, vector<16xf32>,
      %add3A_1133 = arith.constant 32 : i32
      %add3A_1134 = arith.addi %squeeze3A_1099, %add3A_1133 : i32
      %get3A_1135 = arith.index_cast %add3A_1095 : i32 to index
      %get3A_1136 = arith.index_cast %add3A_1134 : i32 to index
      %get3A_1137 = tpu.vector_load %arg13[%get3A_1135, %get3A_1136] {strides = array<i32>} : memref<256x128xf32, #tpu.memory_space<vmem>>, vector<16xf32>,
      %mul3A_1138 = arith.mulf %get3A_1132, %get3A_1137 : vector<16xf32>
      %mul3A_1139 = arith.mulf %mul3A_1138, %get3A_453 : vector<16xf32>
      %add3A_1140 = arith.addf %add3A_1127, %mul3A_1139 : vector<16xf32>
      %add3A_1141 = arith.constant 48 : i32
      %add3A_1142 = arith.addi %squeeze3A_1097, %add3A_1141 : i32
      %get3A_1143 = arith.index_cast %add3A_1095 : i32 to index
      %get3A_1144 = arith.index_cast %add3A_1142 : i32 to index
      %get3A_1145 = tpu.vector_load %arg12[%get3A_1143, %get3A_1144] {strides = array<i32>} : memref<256x128xf32, #tpu.memory_space<vmem>>, vector<16xf32>,
      %add3A_1146 = arith.constant 48 : i32
      %add3A_1147 = arith.addi %squeeze3A_1099, %add3A_1146 : i32
      %get3A_1148 = arith.index_cast %add3A_1095 : i32 to index
      %get3A_1149 = arith.index_cast %add3A_1147 : i32 to index
      %get3A_1150 = tpu.vector_load %arg13[%get3A_1148, %get3A_1149] {strides = array<i32>} : memref<256x128xf32, #tpu.memory_space<vmem>>, vector<16xf32>,
      %mul3A_1151 = arith.mulf %get3A_1145, %get3A_1150 : vector<16xf32>
      %mul3A_1152 = arith.mulf %mul3A_1151, %get3A_455 : vector<16xf32>
      %add3A_1153 = arith.addf %add3A_1140, %mul3A_1152 : vector<16xf32>
      %mul3A_1154 = arith.constant 16 : i32
      %mul3A_1155 = vector.broadcast %mul3A_1154 : i32 to vector<16xi32>
      %mul3A_1156 = arith.muli %iota3A, %mul3A_1155 : vector<16xi32>
      %add3A_1157 = arith.constant 7 : i32
      %add3A_1158 = vector.broadcast %add3A_1157 : i32 to vector<16xi32>
      %add3A_1159 = arith.addi %mul3A_1156, %add3A_1158 : vector<16xi32>
      tpu.vector_store_idx %arg16[%add3A_1159], %add3A_1153 : memref<256xf32, #tpu.memory_space<vmem>>[vector<16xi32>], vector<16xf32>,
      %mul3A_1160 = arith.constant 16 : i32
      %mul3A_1161 = arith.muli %scan3A_593, %mul3A_1160 : i32
      %add3A_1162 = arith.constant 8 : i32
      %add3A_1163 = arith.addi %mul3A_1161, %add3A_1162 : i32
      %slice3A_1164 = vector.extract_strided_slice %mul3A_604 {offsets = [8], sizes = [1], strides = [1]} : vector<16xi32> to vector<1xi32>
      %squeeze3A_1165 = vector.extract %slice3A_1164[0] : i32 from vector<1xi32>
      %slice3A_1166 = vector.extract_strided_slice %mul3A_616 {offsets = [8], sizes = [1], strides = [1]} : vector<16xi32> to vector<1xi32>
      %squeeze3A_1167 = vector.extract %slice3A_1166[0] : i32 from vector<1xi32>
      %broadcast_in_dim3A_1168 = arith.constant 0.000000e+00 : f32
      %broadcast_in_dim3A_1169 = vector.broadcast %broadcast_in_dim3A_1168 : f32 to vector<16xf32>
      %add3A_1170 = arith.constant 0 : i32
      %add3A_1171 = arith.addi %squeeze3A_1165, %add3A_1170 : i32
      %get3A_1172 = arith.index_cast %add3A_1163 : i32 to index
      %get3A_1173 = arith.index_cast %add3A_1171 : i32 to index
      %get3A_1174 = tpu.vector_load %arg12[%get3A_1172, %get3A_1173] {strides = array<i32>} : memref<256x128xf32, #tpu.memory_space<vmem>>, vector<16xf32>,
      %add3A_1175 = arith.constant 0 : i32
      %add3A_1176 = arith.addi %squeeze3A_1167, %add3A_1175 : i32
      %get3A_1177 = arith.index_cast %add3A_1163 : i32 to index
      %get3A_1178 = arith.index_cast %add3A_1176 : i32 to index
      %get3A_1179 = tpu.vector_load %arg13[%get3A_1177, %get3A_1178] {strides = array<i32>} : memref<256x128xf32, #tpu.memory_space<vmem>>, vector<16xf32>,
      %mul3A_1180 = arith.mulf %get3A_1174, %get3A_1179 : vector<16xf32>
      %mul3A_1181 = arith.mulf %mul3A_1180, %get3A_449 : vector<16xf32>
      %add3A_1182 = arith.addf %broadcast_in_dim3A_1169, %mul3A_1181 : vector<16xf32>
      %add3A_1183 = arith.constant 16 : i32
      %add3A_1184 = arith.addi %squeeze3A_1165, %add3A_1183 : i32
      %get3A_1185 = arith.index_cast %add3A_1163 : i32 to index
      %get3A_1186 = arith.index_cast %add3A_1184 : i32 to index
      %get3A_1187 = tpu.vector_load %arg12[%get3A_1185, %get3A_1186] {strides = array<i32>} : memref<256x128xf32, #tpu.memory_space<vmem>>, vector<16xf32>,
      %add3A_1188 = arith.constant 16 : i32
      %add3A_1189 = arith.addi %squeeze3A_1167, %add3A_1188 : i32
      %get3A_1190 = arith.index_cast %add3A_1163 : i32 to index
      %get3A_1191 = arith.index_cast %add3A_1189 : i32 to index
      %get3A_1192 = tpu.vector_load %arg13[%get3A_1190, %get3A_1191] {strides = array<i32>} : memref<256x128xf32, #tpu.memory_space<vmem>>, vector<16xf32>,
      %mul3A_1193 = arith.mulf %get3A_1187, %get3A_1192 : vector<16xf32>
      %mul3A_1194 = arith.mulf %mul3A_1193, %get3A_451 : vector<16xf32>
      %add3A_1195 = arith.addf %add3A_1182, %mul3A_1194 : vector<16xf32>
      %add3A_1196 = arith.constant 32 : i32
      %add3A_1197 = arith.addi %squeeze3A_1165, %add3A_1196 : i32
      %get3A_1198 = arith.index_cast %add3A_1163 : i32 to index
      %get3A_1199 = arith.index_cast %add3A_1197 : i32 to index
      %get3A_1200 = tpu.vector_load %arg12[%get3A_1198, %get3A_1199] {strides = array<i32>} : memref<256x128xf32, #tpu.memory_space<vmem>>, vector<16xf32>,
      %add3A_1201 = arith.constant 32 : i32
      %add3A_1202 = arith.addi %squeeze3A_1167, %add3A_1201 : i32
      %get3A_1203 = arith.index_cast %add3A_1163 : i32 to index
      %get3A_1204 = arith.index_cast %add3A_1202 : i32 to index
      %get3A_1205 = tpu.vector_load %arg13[%get3A_1203, %get3A_1204] {strides = array<i32>} : memref<256x128xf32, #tpu.memory_space<vmem>>, vector<16xf32>,
      %mul3A_1206 = arith.mulf %get3A_1200, %get3A_1205 : vector<16xf32>
      %mul3A_1207 = arith.mulf %mul3A_1206, %get3A_453 : vector<16xf32>
      %add3A_1208 = arith.addf %add3A_1195, %mul3A_1207 : vector<16xf32>
      %add3A_1209 = arith.constant 48 : i32
      %add3A_1210 = arith.addi %squeeze3A_1165, %add3A_1209 : i32
      %get3A_1211 = arith.index_cast %add3A_1163 : i32 to index
      %get3A_1212 = arith.index_cast %add3A_1210 : i32 to index
      %get3A_1213 = tpu.vector_load %arg12[%get3A_1211, %get3A_1212] {strides = array<i32>} : memref<256x128xf32, #tpu.memory_space<vmem>>, vector<16xf32>,
      %add3A_1214 = arith.constant 48 : i32
      %add3A_1215 = arith.addi %squeeze3A_1167, %add3A_1214 : i32
      %get3A_1216 = arith.index_cast %add3A_1163 : i32 to index
      %get3A_1217 = arith.index_cast %add3A_1215 : i32 to index
      %get3A_1218 = tpu.vector_load %arg13[%get3A_1216, %get3A_1217] {strides = array<i32>} : memref<256x128xf32, #tpu.memory_space<vmem>>, vector<16xf32>,
      %mul3A_1219 = arith.mulf %get3A_1213, %get3A_1218 : vector<16xf32>
      %mul3A_1220 = arith.mulf %mul3A_1219, %get3A_455 : vector<16xf32>
      %add3A_1221 = arith.addf %add3A_1208, %mul3A_1220 : vector<16xf32>
      %mul3A_1222 = arith.constant 16 : i32
      %mul3A_1223 = vector.broadcast %mul3A_1222 : i32 to vector<16xi32>
      %mul3A_1224 = arith.muli %iota3A, %mul3A_1223 : vector<16xi32>
      %add3A_1225 = arith.constant 8 : i32
      %add3A_1226 = vector.broadcast %add3A_1225 : i32 to vector<16xi32>
      %add3A_1227 = arith.addi %mul3A_1224, %add3A_1226 : vector<16xi32>
      tpu.vector_store_idx %arg16[%add3A_1227], %add3A_1221 : memref<256xf32, #tpu.memory_space<vmem>>[vector<16xi32>], vector<16xf32>,
      %mul3A_1228 = arith.constant 16 : i32
      %mul3A_1229 = arith.muli %scan3A_593, %mul3A_1228 : i32
      %add3A_1230 = arith.constant 9 : i32
      %add3A_1231 = arith.addi %mul3A_1229, %add3A_1230 : i32
      %slice3A_1232 = vector.extract_strided_slice %mul3A_604 {offsets = [9], sizes = [1], strides = [1]} : vector<16xi32> to vector<1xi32>
      %squeeze3A_1233 = vector.extract %slice3A_1232[0] : i32 from vector<1xi32>
      %slice3A_1234 = vector.extract_strided_slice %mul3A_616 {offsets = [9], sizes = [1], strides = [1]} : vector<16xi32> to vector<1xi32>
      %squeeze3A_1235 = vector.extract %slice3A_1234[0] : i32 from vector<1xi32>
      %broadcast_in_dim3A_1236 = arith.constant 0.000000e+00 : f32
      %broadcast_in_dim3A_1237 = vector.broadcast %broadcast_in_dim3A_1236 : f32 to vector<16xf32>
      %add3A_1238 = arith.constant 0 : i32
      %add3A_1239 = arith.addi %squeeze3A_1233, %add3A_1238 : i32
      %get3A_1240 = arith.index_cast %add3A_1231 : i32 to index
      %get3A_1241 = arith.index_cast %add3A_1239 : i32 to index
      %get3A_1242 = tpu.vector_load %arg12[%get3A_1240, %get3A_1241] {strides = array<i32>} : memref<256x128xf32, #tpu.memory_space<vmem>>, vector<16xf32>,
      %add3A_1243 = arith.constant 0 : i32
      %add3A_1244 = arith.addi %squeeze3A_1235, %add3A_1243 : i32
      %get3A_1245 = arith.index_cast %add3A_1231 : i32 to index
      %get3A_1246 = arith.index_cast %add3A_1244 : i32 to index
      %get3A_1247 = tpu.vector_load %arg13[%get3A_1245, %get3A_1246] {strides = array<i32>} : memref<256x128xf32, #tpu.memory_space<vmem>>, vector<16xf32>,
      %mul3A_1248 = arith.mulf %get3A_1242, %get3A_1247 : vector<16xf32>
      %mul3A_1249 = arith.mulf %mul3A_1248, %get3A_449 : vector<16xf32>
      %add3A_1250 = arith.addf %broadcast_in_dim3A_1237, %mul3A_1249 : vector<16xf32>
      %add3A_1251 = arith.constant 16 : i32
      %add3A_1252 = arith.addi %squeeze3A_1233, %add3A_1251 : i32
      %get3A_1253 = arith.index_cast %add3A_1231 : i32 to index
      %get3A_1254 = arith.index_cast %add3A_1252 : i32 to index
      %get3A_1255 = tpu.vector_load %arg12[%get3A_1253, %get3A_1254] {strides = array<i32>} : memref<256x128xf32, #tpu.memory_space<vmem>>, vector<16xf32>,
      %add3A_1256 = arith.constant 16 : i32
      %add3A_1257 = arith.addi %squeeze3A_1235, %add3A_1256 : i32
      %get3A_1258 = arith.index_cast %add3A_1231 : i32 to index
      %get3A_1259 = arith.index_cast %add3A_1257 : i32 to index
      %get3A_1260 = tpu.vector_load %arg13[%get3A_1258, %get3A_1259] {strides = array<i32>} : memref<256x128xf32, #tpu.memory_space<vmem>>, vector<16xf32>,
      %mul3A_1261 = arith.mulf %get3A_1255, %get3A_1260 : vector<16xf32>
      %mul3A_1262 = arith.mulf %mul3A_1261, %get3A_451 : vector<16xf32>
      %add3A_1263 = arith.addf %add3A_1250, %mul3A_1262 : vector<16xf32>
      %add3A_1264 = arith.constant 32 : i32
      %add3A_1265 = arith.addi %squeeze3A_1233, %add3A_1264 : i32
      %get3A_1266 = arith.index_cast %add3A_1231 : i32 to index
      %get3A_1267 = arith.index_cast %add3A_1265 : i32 to index
      %get3A_1268 = tpu.vector_load %arg12[%get3A_1266, %get3A_1267] {strides = array<i32>} : memref<256x128xf32, #tpu.memory_space<vmem>>, vector<16xf32>,
      %add3A_1269 = arith.constant 32 : i32
      %add3A_1270 = arith.addi %squeeze3A_1235, %add3A_1269 : i32
      %get3A_1271 = arith.index_cast %add3A_1231 : i32 to index
      %get3A_1272 = arith.index_cast %add3A_1270 : i32 to index
      %get3A_1273 = tpu.vector_load %arg13[%get3A_1271, %get3A_1272] {strides = array<i32>} : memref<256x128xf32, #tpu.memory_space<vmem>>, vector<16xf32>,
      %mul3A_1274 = arith.mulf %get3A_1268, %get3A_1273 : vector<16xf32>
      %mul3A_1275 = arith.mulf %mul3A_1274, %get3A_453 : vector<16xf32>
      %add3A_1276 = arith.addf %add3A_1263, %mul3A_1275 : vector<16xf32>
      %add3A_1277 = arith.constant 48 : i32
      %add3A_1278 = arith.addi %squeeze3A_1233, %add3A_1277 : i32
      %get3A_1279 = arith.index_cast %add3A_1231 : i32 to index
      %get3A_1280 = arith.index_cast %add3A_1278 : i32 to index
      %get3A_1281 = tpu.vector_load %arg12[%get3A_1279, %get3A_1280] {strides = array<i32>} : memref<256x128xf32, #tpu.memory_space<vmem>>, vector<16xf32>,
      %add3A_1282 = arith.constant 48 : i32
      %add3A_1283 = arith.addi %squeeze3A_1235, %add3A_1282 : i32
      %get3A_1284 = arith.index_cast %add3A_1231 : i32 to index
      %get3A_1285 = arith.index_cast %add3A_1283 : i32 to index
      %get3A_1286 = tpu.vector_load %arg13[%get3A_1284, %get3A_1285] {strides = array<i32>} : memref<256x128xf32, #tpu.memory_space<vmem>>, vector<16xf32>,
      %mul3A_1287 = arith.mulf %get3A_1281, %get3A_1286 : vector<16xf32>
      %mul3A_1288 = arith.mulf %mul3A_1287, %get3A_455 : vector<16xf32>
      %add3A_1289 = arith.addf %add3A_1276, %mul3A_1288 : vector<16xf32>
      %mul3A_1290 = arith.constant 16 : i32
      %mul3A_1291 = vector.broadcast %mul3A_1290 : i32 to vector<16xi32>
      %mul3A_1292 = arith.muli %iota3A, %mul3A_1291 : vector<16xi32>
      %add3A_1293 = arith.constant 9 : i32
      %add3A_1294 = vector.broadcast %add3A_1293 : i32 to vector<16xi32>
      %add3A_1295 = arith.addi %mul3A_1292, %add3A_1294 : vector<16xi32>
      tpu.vector_store_idx %arg16[%add3A_1295], %add3A_1289 : memref<256xf32, #tpu.memory_space<vmem>>[vector<16xi32>], vector<16xf32>,
      %mul3A_1296 = arith.constant 16 : i32
      %mul3A_1297 = arith.muli %scan3A_593, %mul3A_1296 : i32
      %add3A_1298 = arith.constant 10 : i32
      %add3A_1299 = arith.addi %mul3A_1297, %add3A_1298 : i32
      %slice3A_1300 = vector.extract_strided_slice %mul3A_604 {offsets = [10], sizes = [1], strides = [1]} : vector<16xi32> to vector<1xi32>
      %squeeze3A_1301 = vector.extract %slice3A_1300[0] : i32 from vector<1xi32>
      %slice3A_1302 = vector.extract_strided_slice %mul3A_616 {offsets = [10], sizes = [1], strides = [1]} : vector<16xi32> to vector<1xi32>
      %squeeze3A_1303 = vector.extract %slice3A_1302[0] : i32 from vector<1xi32>
      %broadcast_in_dim3A_1304 = arith.constant 0.000000e+00 : f32
      %broadcast_in_dim3A_1305 = vector.broadcast %broadcast_in_dim3A_1304 : f32 to vector<16xf32>
      %add3A_1306 = arith.constant 0 : i32
      %add3A_1307 = arith.addi %squeeze3A_1301, %add3A_1306 : i32
      %get3A_1308 = arith.index_cast %add3A_1299 : i32 to index
      %get3A_1309 = arith.index_cast %add3A_1307 : i32 to index
      %get3A_1310 = tpu.vector_load %arg12[%get3A_1308, %get3A_1309] {strides = array<i32>} : memref<256x128xf32, #tpu.memory_space<vmem>>, vector<16xf32>,
      %add3A_1311 = arith.constant 0 : i32
      %add3A_1312 = arith.addi %squeeze3A_1303, %add3A_1311 : i32
      %get3A_1313 = arith.index_cast %add3A_1299 : i32 to index
      %get3A_1314 = arith.index_cast %add3A_1312 : i32 to index
      %get3A_1315 = tpu.vector_load %arg13[%get3A_1313, %get3A_1314] {strides = array<i32>} : memref<256x128xf32, #tpu.memory_space<vmem>>, vector<16xf32>,
      %mul3A_1316 = arith.mulf %get3A_1310, %get3A_1315 : vector<16xf32>
      %mul3A_1317 = arith.mulf %mul3A_1316, %get3A_449 : vector<16xf32>
      %add3A_1318 = arith.addf %broadcast_in_dim3A_1305, %mul3A_1317 : vector<16xf32>
      %add3A_1319 = arith.constant 16 : i32
      %add3A_1320 = arith.addi %squeeze3A_1301, %add3A_1319 : i32
      %get3A_1321 = arith.index_cast %add3A_1299 : i32 to index
      %get3A_1322 = arith.index_cast %add3A_1320 : i32 to index
      %get3A_1323 = tpu.vector_load %arg12[%get3A_1321, %get3A_1322] {strides = array<i32>} : memref<256x128xf32, #tpu.memory_space<vmem>>, vector<16xf32>,
      %add3A_1324 = arith.constant 16 : i32
      %add3A_1325 = arith.addi %squeeze3A_1303, %add3A_1324 : i32
      %get3A_1326 = arith.index_cast %add3A_1299 : i32 to index
      %get3A_1327 = arith.index_cast %add3A_1325 : i32 to index
      %get3A_1328 = tpu.vector_load %arg13[%get3A_1326, %get3A_1327] {strides = array<i32>} : memref<256x128xf32, #tpu.memory_space<vmem>>, vector<16xf32>,
      %mul3A_1329 = arith.mulf %get3A_1323, %get3A_1328 : vector<16xf32>
      %mul3A_1330 = arith.mulf %mul3A_1329, %get3A_451 : vector<16xf32>
      %add3A_1331 = arith.addf %add3A_1318, %mul3A_1330 : vector<16xf32>
      %add3A_1332 = arith.constant 32 : i32
      %add3A_1333 = arith.addi %squeeze3A_1301, %add3A_1332 : i32
      %get3A_1334 = arith.index_cast %add3A_1299 : i32 to index
      %get3A_1335 = arith.index_cast %add3A_1333 : i32 to index
      %get3A_1336 = tpu.vector_load %arg12[%get3A_1334, %get3A_1335] {strides = array<i32>} : memref<256x128xf32, #tpu.memory_space<vmem>>, vector<16xf32>,
      %add3A_1337 = arith.constant 32 : i32
      %add3A_1338 = arith.addi %squeeze3A_1303, %add3A_1337 : i32
      %get3A_1339 = arith.index_cast %add3A_1299 : i32 to index
      %get3A_1340 = arith.index_cast %add3A_1338 : i32 to index
      %get3A_1341 = tpu.vector_load %arg13[%get3A_1339, %get3A_1340] {strides = array<i32>} : memref<256x128xf32, #tpu.memory_space<vmem>>, vector<16xf32>,
      %mul3A_1342 = arith.mulf %get3A_1336, %get3A_1341 : vector<16xf32>
      %mul3A_1343 = arith.mulf %mul3A_1342, %get3A_453 : vector<16xf32>
      %add3A_1344 = arith.addf %add3A_1331, %mul3A_1343 : vector<16xf32>
      %add3A_1345 = arith.constant 48 : i32
      %add3A_1346 = arith.addi %squeeze3A_1301, %add3A_1345 : i32
      %get3A_1347 = arith.index_cast %add3A_1299 : i32 to index
      %get3A_1348 = arith.index_cast %add3A_1346 : i32 to index
      %get3A_1349 = tpu.vector_load %arg12[%get3A_1347, %get3A_1348] {strides = array<i32>} : memref<256x128xf32, #tpu.memory_space<vmem>>, vector<16xf32>,
      %add3A_1350 = arith.constant 48 : i32
      %add3A_1351 = arith.addi %squeeze3A_1303, %add3A_1350 : i32
      %get3A_1352 = arith.index_cast %add3A_1299 : i32 to index
      %get3A_1353 = arith.index_cast %add3A_1351 : i32 to index
      %get3A_1354 = tpu.vector_load %arg13[%get3A_1352, %get3A_1353] {strides = array<i32>} : memref<256x128xf32, #tpu.memory_space<vmem>>, vector<16xf32>,
      %mul3A_1355 = arith.mulf %get3A_1349, %get3A_1354 : vector<16xf32>
      %mul3A_1356 = arith.mulf %mul3A_1355, %get3A_455 : vector<16xf32>
      %add3A_1357 = arith.addf %add3A_1344, %mul3A_1356 : vector<16xf32>
      %mul3A_1358 = arith.constant 16 : i32
      %mul3A_1359 = vector.broadcast %mul3A_1358 : i32 to vector<16xi32>
      %mul3A_1360 = arith.muli %iota3A, %mul3A_1359 : vector<16xi32>
      %add3A_1361 = arith.constant 10 : i32
      %add3A_1362 = vector.broadcast %add3A_1361 : i32 to vector<16xi32>
      %add3A_1363 = arith.addi %mul3A_1360, %add3A_1362 : vector<16xi32>
      tpu.vector_store_idx %arg16[%add3A_1363], %add3A_1357 : memref<256xf32, #tpu.memory_space<vmem>>[vector<16xi32>], vector<16xf32>,
      %mul3A_1364 = arith.constant 16 : i32
      %mul3A_1365 = arith.muli %scan3A_593, %mul3A_1364 : i32
      %add3A_1366 = arith.constant 11 : i32
      %add3A_1367 = arith.addi %mul3A_1365, %add3A_1366 : i32
      %slice3A_1368 = vector.extract_strided_slice %mul3A_604 {offsets = [11], sizes = [1], strides = [1]} : vector<16xi32> to vector<1xi32>
      %squeeze3A_1369 = vector.extract %slice3A_1368[0] : i32 from vector<1xi32>
      %slice3A_1370 = vector.extract_strided_slice %mul3A_616 {offsets = [11], sizes = [1], strides = [1]} : vector<16xi32> to vector<1xi32>
      %squeeze3A_1371 = vector.extract %slice3A_1370[0] : i32 from vector<1xi32>
      %broadcast_in_dim3A_1372 = arith.constant 0.000000e+00 : f32
      %broadcast_in_dim3A_1373 = vector.broadcast %broadcast_in_dim3A_1372 : f32 to vector<16xf32>
      %add3A_1374 = arith.constant 0 : i32
      %add3A_1375 = arith.addi %squeeze3A_1369, %add3A_1374 : i32
      %get3A_1376 = arith.index_cast %add3A_1367 : i32 to index
      %get3A_1377 = arith.index_cast %add3A_1375 : i32 to index
      %get3A_1378 = tpu.vector_load %arg12[%get3A_1376, %get3A_1377] {strides = array<i32>} : memref<256x128xf32, #tpu.memory_space<vmem>>, vector<16xf32>,
      %add3A_1379 = arith.constant 0 : i32
      %add3A_1380 = arith.addi %squeeze3A_1371, %add3A_1379 : i32
      %get3A_1381 = arith.index_cast %add3A_1367 : i32 to index
      %get3A_1382 = arith.index_cast %add3A_1380 : i32 to index
      %get3A_1383 = tpu.vector_load %arg13[%get3A_1381, %get3A_1382] {strides = array<i32>} : memref<256x128xf32, #tpu.memory_space<vmem>>, vector<16xf32>,
      %mul3A_1384 = arith.mulf %get3A_1378, %get3A_1383 : vector<16xf32>
      %mul3A_1385 = arith.mulf %mul3A_1384, %get3A_449 : vector<16xf32>
      %add3A_1386 = arith.addf %broadcast_in_dim3A_1373, %mul3A_1385 : vector<16xf32>
      %add3A_1387 = arith.constant 16 : i32
      %add3A_1388 = arith.addi %squeeze3A_1369, %add3A_1387 : i32
      %get3A_1389 = arith.index_cast %add3A_1367 : i32 to index
      %get3A_1390 = arith.index_cast %add3A_1388 : i32 to index
      %get3A_1391 = tpu.vector_load %arg12[%get3A_1389, %get3A_1390] {strides = array<i32>} : memref<256x128xf32, #tpu.memory_space<vmem>>, vector<16xf32>,
      %add3A_1392 = arith.constant 16 : i32
      %add3A_1393 = arith.addi %squeeze3A_1371, %add3A_1392 : i32
      %get3A_1394 = arith.index_cast %add3A_1367 : i32 to index
      %get3A_1395 = arith.index_cast %add3A_1393 : i32 to index
      %get3A_1396 = tpu.vector_load %arg13[%get3A_1394, %get3A_1395] {strides = array<i32>} : memref<256x128xf32, #tpu.memory_space<vmem>>, vector<16xf32>,
      %mul3A_1397 = arith.mulf %get3A_1391, %get3A_1396 : vector<16xf32>
      %mul3A_1398 = arith.mulf %mul3A_1397, %get3A_451 : vector<16xf32>
      %add3A_1399 = arith.addf %add3A_1386, %mul3A_1398 : vector<16xf32>
      %add3A_1400 = arith.constant 32 : i32
      %add3A_1401 = arith.addi %squeeze3A_1369, %add3A_1400 : i32
      %get3A_1402 = arith.index_cast %add3A_1367 : i32 to index
      %get3A_1403 = arith.index_cast %add3A_1401 : i32 to index
      %get3A_1404 = tpu.vector_load %arg12[%get3A_1402, %get3A_1403] {strides = array<i32>} : memref<256x128xf32, #tpu.memory_space<vmem>>, vector<16xf32>,
      %add3A_1405 = arith.constant 32 : i32
      %add3A_1406 = arith.addi %squeeze3A_1371, %add3A_1405 : i32
      %get3A_1407 = arith.index_cast %add3A_1367 : i32 to index
      %get3A_1408 = arith.index_cast %add3A_1406 : i32 to index
      %get3A_1409 = tpu.vector_load %arg13[%get3A_1407, %get3A_1408] {strides = array<i32>} : memref<256x128xf32, #tpu.memory_space<vmem>>, vector<16xf32>,
      %mul3A_1410 = arith.mulf %get3A_1404, %get3A_1409 : vector<16xf32>
      %mul3A_1411 = arith.mulf %mul3A_1410, %get3A_453 : vector<16xf32>
      %add3A_1412 = arith.addf %add3A_1399, %mul3A_1411 : vector<16xf32>
      %add3A_1413 = arith.constant 48 : i32
      %add3A_1414 = arith.addi %squeeze3A_1369, %add3A_1413 : i32
      %get3A_1415 = arith.index_cast %add3A_1367 : i32 to index
      %get3A_1416 = arith.index_cast %add3A_1414 : i32 to index
      %get3A_1417 = tpu.vector_load %arg12[%get3A_1415, %get3A_1416] {strides = array<i32>} : memref<256x128xf32, #tpu.memory_space<vmem>>, vector<16xf32>,
      %add3A_1418 = arith.constant 48 : i32
      %add3A_1419 = arith.addi %squeeze3A_1371, %add3A_1418 : i32
      %get3A_1420 = arith.index_cast %add3A_1367 : i32 to index
      %get3A_1421 = arith.index_cast %add3A_1419 : i32 to index
      %get3A_1422 = tpu.vector_load %arg13[%get3A_1420, %get3A_1421] {strides = array<i32>} : memref<256x128xf32, #tpu.memory_space<vmem>>, vector<16xf32>,
      %mul3A_1423 = arith.mulf %get3A_1417, %get3A_1422 : vector<16xf32>
      %mul3A_1424 = arith.mulf %mul3A_1423, %get3A_455 : vector<16xf32>
      %add3A_1425 = arith.addf %add3A_1412, %mul3A_1424 : vector<16xf32>
      %mul3A_1426 = arith.constant 16 : i32
      %mul3A_1427 = vector.broadcast %mul3A_1426 : i32 to vector<16xi32>
      %mul3A_1428 = arith.muli %iota3A, %mul3A_1427 : vector<16xi32>
      %add3A_1429 = arith.constant 11 : i32
      %add3A_1430 = vector.broadcast %add3A_1429 : i32 to vector<16xi32>
      %add3A_1431 = arith.addi %mul3A_1428, %add3A_1430 : vector<16xi32>
      tpu.vector_store_idx %arg16[%add3A_1431], %add3A_1425 : memref<256xf32, #tpu.memory_space<vmem>>[vector<16xi32>], vector<16xf32>,
      %mul3A_1432 = arith.constant 16 : i32
      %mul3A_1433 = arith.muli %scan3A_593, %mul3A_1432 : i32
      %add3A_1434 = arith.constant 12 : i32
      %add3A_1435 = arith.addi %mul3A_1433, %add3A_1434 : i32
      %slice3A_1436 = vector.extract_strided_slice %mul3A_604 {offsets = [12], sizes = [1], strides = [1]} : vector<16xi32> to vector<1xi32>
      %squeeze3A_1437 = vector.extract %slice3A_1436[0] : i32 from vector<1xi32>
      %slice3A_1438 = vector.extract_strided_slice %mul3A_616 {offsets = [12], sizes = [1], strides = [1]} : vector<16xi32> to vector<1xi32>
      %squeeze3A_1439 = vector.extract %slice3A_1438[0] : i32 from vector<1xi32>
      %broadcast_in_dim3A_1440 = arith.constant 0.000000e+00 : f32
      %broadcast_in_dim3A_1441 = vector.broadcast %broadcast_in_dim3A_1440 : f32 to vector<16xf32>
      %add3A_1442 = arith.constant 0 : i32
      %add3A_1443 = arith.addi %squeeze3A_1437, %add3A_1442 : i32
      %get3A_1444 = arith.index_cast %add3A_1435 : i32 to index
      %get3A_1445 = arith.index_cast %add3A_1443 : i32 to index
      %get3A_1446 = tpu.vector_load %arg12[%get3A_1444, %get3A_1445] {strides = array<i32>} : memref<256x128xf32, #tpu.memory_space<vmem>>, vector<16xf32>,
      %add3A_1447 = arith.constant 0 : i32
      %add3A_1448 = arith.addi %squeeze3A_1439, %add3A_1447 : i32
      %get3A_1449 = arith.index_cast %add3A_1435 : i32 to index
      %get3A_1450 = arith.index_cast %add3A_1448 : i32 to index
      %get3A_1451 = tpu.vector_load %arg13[%get3A_1449, %get3A_1450] {strides = array<i32>} : memref<256x128xf32, #tpu.memory_space<vmem>>, vector<16xf32>,
      %mul3A_1452 = arith.mulf %get3A_1446, %get3A_1451 : vector<16xf32>
      %mul3A_1453 = arith.mulf %mul3A_1452, %get3A_449 : vector<16xf32>
      %add3A_1454 = arith.addf %broadcast_in_dim3A_1441, %mul3A_1453 : vector<16xf32>
      %add3A_1455 = arith.constant 16 : i32
      %add3A_1456 = arith.addi %squeeze3A_1437, %add3A_1455 : i32
      %get3A_1457 = arith.index_cast %add3A_1435 : i32 to index
      %get3A_1458 = arith.index_cast %add3A_1456 : i32 to index
      %get3A_1459 = tpu.vector_load %arg12[%get3A_1457, %get3A_1458] {strides = array<i32>} : memref<256x128xf32, #tpu.memory_space<vmem>>, vector<16xf32>,
      %add3A_1460 = arith.constant 16 : i32
      %add3A_1461 = arith.addi %squeeze3A_1439, %add3A_1460 : i32
      %get3A_1462 = arith.index_cast %add3A_1435 : i32 to index
      %get3A_1463 = arith.index_cast %add3A_1461 : i32 to index
      %get3A_1464 = tpu.vector_load %arg13[%get3A_1462, %get3A_1463] {strides = array<i32>} : memref<256x128xf32, #tpu.memory_space<vmem>>, vector<16xf32>,
      %mul3A_1465 = arith.mulf %get3A_1459, %get3A_1464 : vector<16xf32>
      %mul3A_1466 = arith.mulf %mul3A_1465, %get3A_451 : vector<16xf32>
      %add3A_1467 = arith.addf %add3A_1454, %mul3A_1466 : vector<16xf32>
      %add3A_1468 = arith.constant 32 : i32
      %add3A_1469 = arith.addi %squeeze3A_1437, %add3A_1468 : i32
      %get3A_1470 = arith.index_cast %add3A_1435 : i32 to index
      %get3A_1471 = arith.index_cast %add3A_1469 : i32 to index
      %get3A_1472 = tpu.vector_load %arg12[%get3A_1470, %get3A_1471] {strides = array<i32>} : memref<256x128xf32, #tpu.memory_space<vmem>>, vector<16xf32>,
      %add3A_1473 = arith.constant 32 : i32
      %add3A_1474 = arith.addi %squeeze3A_1439, %add3A_1473 : i32
      %get3A_1475 = arith.index_cast %add3A_1435 : i32 to index
      %get3A_1476 = arith.index_cast %add3A_1474 : i32 to index
      %get3A_1477 = tpu.vector_load %arg13[%get3A_1475, %get3A_1476] {strides = array<i32>} : memref<256x128xf32, #tpu.memory_space<vmem>>, vector<16xf32>,
      %mul3A_1478 = arith.mulf %get3A_1472, %get3A_1477 : vector<16xf32>
      %mul3A_1479 = arith.mulf %mul3A_1478, %get3A_453 : vector<16xf32>
      %add3A_1480 = arith.addf %add3A_1467, %mul3A_1479 : vector<16xf32>
      %add3A_1481 = arith.constant 48 : i32
      %add3A_1482 = arith.addi %squeeze3A_1437, %add3A_1481 : i32
      %get3A_1483 = arith.index_cast %add3A_1435 : i32 to index
      %get3A_1484 = arith.index_cast %add3A_1482 : i32 to index
      %get3A_1485 = tpu.vector_load %arg12[%get3A_1483, %get3A_1484] {strides = array<i32>} : memref<256x128xf32, #tpu.memory_space<vmem>>, vector<16xf32>,
      %add3A_1486 = arith.constant 48 : i32
      %add3A_1487 = arith.addi %squeeze3A_1439, %add3A_1486 : i32
      %get3A_1488 = arith.index_cast %add3A_1435 : i32 to index
      %get3A_1489 = arith.index_cast %add3A_1487 : i32 to index
      %get3A_1490 = tpu.vector_load %arg13[%get3A_1488, %get3A_1489] {strides = array<i32>} : memref<256x128xf32, #tpu.memory_space<vmem>>, vector<16xf32>,
      %mul3A_1491 = arith.mulf %get3A_1485, %get3A_1490 : vector<16xf32>
      %mul3A_1492 = arith.mulf %mul3A_1491, %get3A_455 : vector<16xf32>
      %add3A_1493 = arith.addf %add3A_1480, %mul3A_1492 : vector<16xf32>
      %mul3A_1494 = arith.constant 16 : i32
      %mul3A_1495 = vector.broadcast %mul3A_1494 : i32 to vector<16xi32>
      %mul3A_1496 = arith.muli %iota3A, %mul3A_1495 : vector<16xi32>
      %add3A_1497 = arith.constant 12 : i32
      %add3A_1498 = vector.broadcast %add3A_1497 : i32 to vector<16xi32>
      %add3A_1499 = arith.addi %mul3A_1496, %add3A_1498 : vector<16xi32>
      tpu.vector_store_idx %arg16[%add3A_1499], %add3A_1493 : memref<256xf32, #tpu.memory_space<vmem>>[vector<16xi32>], vector<16xf32>,
      %mul3A_1500 = arith.constant 16 : i32
      %mul3A_1501 = arith.muli %scan3A_593, %mul3A_1500 : i32
      %add3A_1502 = arith.constant 13 : i32
      %add3A_1503 = arith.addi %mul3A_1501, %add3A_1502 : i32
      %slice3A_1504 = vector.extract_strided_slice %mul3A_604 {offsets = [13], sizes = [1], strides = [1]} : vector<16xi32> to vector<1xi32>
      %squeeze3A_1505 = vector.extract %slice3A_1504[0] : i32 from vector<1xi32>
      %slice3A_1506 = vector.extract_strided_slice %mul3A_616 {offsets = [13], sizes = [1], strides = [1]} : vector<16xi32> to vector<1xi32>
      %squeeze3A_1507 = vector.extract %slice3A_1506[0] : i32 from vector<1xi32>
      %broadcast_in_dim3A_1508 = arith.constant 0.000000e+00 : f32
      %broadcast_in_dim3A_1509 = vector.broadcast %broadcast_in_dim3A_1508 : f32 to vector<16xf32>
      %add3A_1510 = arith.constant 0 : i32
      %add3A_1511 = arith.addi %squeeze3A_1505, %add3A_1510 : i32
      %get3A_1512 = arith.index_cast %add3A_1503 : i32 to index
      %get3A_1513 = arith.index_cast %add3A_1511 : i32 to index
      %get3A_1514 = tpu.vector_load %arg12[%get3A_1512, %get3A_1513] {strides = array<i32>} : memref<256x128xf32, #tpu.memory_space<vmem>>, vector<16xf32>,
      %add3A_1515 = arith.constant 0 : i32
      %add3A_1516 = arith.addi %squeeze3A_1507, %add3A_1515 : i32
      %get3A_1517 = arith.index_cast %add3A_1503 : i32 to index
      %get3A_1518 = arith.index_cast %add3A_1516 : i32 to index
      %get3A_1519 = tpu.vector_load %arg13[%get3A_1517, %get3A_1518] {strides = array<i32>} : memref<256x128xf32, #tpu.memory_space<vmem>>, vector<16xf32>,
      %mul3A_1520 = arith.mulf %get3A_1514, %get3A_1519 : vector<16xf32>
      %mul3A_1521 = arith.mulf %mul3A_1520, %get3A_449 : vector<16xf32>
      %add3A_1522 = arith.addf %broadcast_in_dim3A_1509, %mul3A_1521 : vector<16xf32>
      %add3A_1523 = arith.constant 16 : i32
      %add3A_1524 = arith.addi %squeeze3A_1505, %add3A_1523 : i32
      %get3A_1525 = arith.index_cast %add3A_1503 : i32 to index
      %get3A_1526 = arith.index_cast %add3A_1524 : i32 to index
      %get3A_1527 = tpu.vector_load %arg12[%get3A_1525, %get3A_1526] {strides = array<i32>} : memref<256x128xf32, #tpu.memory_space<vmem>>, vector<16xf32>,
      %add3A_1528 = arith.constant 16 : i32
      %add3A_1529 = arith.addi %squeeze3A_1507, %add3A_1528 : i32
      %get3A_1530 = arith.index_cast %add3A_1503 : i32 to index
      %get3A_1531 = arith.index_cast %add3A_1529 : i32 to index
      %get3A_1532 = tpu.vector_load %arg13[%get3A_1530, %get3A_1531] {strides = array<i32>} : memref<256x128xf32, #tpu.memory_space<vmem>>, vector<16xf32>,
      %mul3A_1533 = arith.mulf %get3A_1527, %get3A_1532 : vector<16xf32>
      %mul3A_1534 = arith.mulf %mul3A_1533, %get3A_451 : vector<16xf32>
      %add3A_1535 = arith.addf %add3A_1522, %mul3A_1534 : vector<16xf32>
      %add3A_1536 = arith.constant 32 : i32
      %add3A_1537 = arith.addi %squeeze3A_1505, %add3A_1536 : i32
      %get3A_1538 = arith.index_cast %add3A_1503 : i32 to index
      %get3A_1539 = arith.index_cast %add3A_1537 : i32 to index
      %get3A_1540 = tpu.vector_load %arg12[%get3A_1538, %get3A_1539] {strides = array<i32>} : memref<256x128xf32, #tpu.memory_space<vmem>>, vector<16xf32>,
      %add3A_1541 = arith.constant 32 : i32
      %add3A_1542 = arith.addi %squeeze3A_1507, %add3A_1541 : i32
      %get3A_1543 = arith.index_cast %add3A_1503 : i32 to index
      %get3A_1544 = arith.index_cast %add3A_1542 : i32 to index
      %get3A_1545 = tpu.vector_load %arg13[%get3A_1543, %get3A_1544] {strides = array<i32>} : memref<256x128xf32, #tpu.memory_space<vmem>>, vector<16xf32>,
      %mul3A_1546 = arith.mulf %get3A_1540, %get3A_1545 : vector<16xf32>
      %mul3A_1547 = arith.mulf %mul3A_1546, %get3A_453 : vector<16xf32>
      %add3A_1548 = arith.addf %add3A_1535, %mul3A_1547 : vector<16xf32>
      %add3A_1549 = arith.constant 48 : i32
      %add3A_1550 = arith.addi %squeeze3A_1505, %add3A_1549 : i32
      %get3A_1551 = arith.index_cast %add3A_1503 : i32 to index
      %get3A_1552 = arith.index_cast %add3A_1550 : i32 to index
      %get3A_1553 = tpu.vector_load %arg12[%get3A_1551, %get3A_1552] {strides = array<i32>} : memref<256x128xf32, #tpu.memory_space<vmem>>, vector<16xf32>,
      %add3A_1554 = arith.constant 48 : i32
      %add3A_1555 = arith.addi %squeeze3A_1507, %add3A_1554 : i32
      %get3A_1556 = arith.index_cast %add3A_1503 : i32 to index
      %get3A_1557 = arith.index_cast %add3A_1555 : i32 to index
      %get3A_1558 = tpu.vector_load %arg13[%get3A_1556, %get3A_1557] {strides = array<i32>} : memref<256x128xf32, #tpu.memory_space<vmem>>, vector<16xf32>,
      %mul3A_1559 = arith.mulf %get3A_1553, %get3A_1558 : vector<16xf32>
      %mul3A_1560 = arith.mulf %mul3A_1559, %get3A_455 : vector<16xf32>
      %add3A_1561 = arith.addf %add3A_1548, %mul3A_1560 : vector<16xf32>
      %mul3A_1562 = arith.constant 16 : i32
      %mul3A_1563 = vector.broadcast %mul3A_1562 : i32 to vector<16xi32>
      %mul3A_1564 = arith.muli %iota3A, %mul3A_1563 : vector<16xi32>
      %add3A_1565 = arith.constant 13 : i32
      %add3A_1566 = vector.broadcast %add3A_1565 : i32 to vector<16xi32>
      %add3A_1567 = arith.addi %mul3A_1564, %add3A_1566 : vector<16xi32>
      tpu.vector_store_idx %arg16[%add3A_1567], %add3A_1561 : memref<256xf32, #tpu.memory_space<vmem>>[vector<16xi32>], vector<16xf32>,
      %mul3A_1568 = arith.constant 16 : i32
      %mul3A_1569 = arith.muli %scan3A_593, %mul3A_1568 : i32
      %add3A_1570 = arith.constant 14 : i32
      %add3A_1571 = arith.addi %mul3A_1569, %add3A_1570 : i32
      %slice3A_1572 = vector.extract_strided_slice %mul3A_604 {offsets = [14], sizes = [1], strides = [1]} : vector<16xi32> to vector<1xi32>
      %squeeze3A_1573 = vector.extract %slice3A_1572[0] : i32 from vector<1xi32>
      %slice3A_1574 = vector.extract_strided_slice %mul3A_616 {offsets = [14], sizes = [1], strides = [1]} : vector<16xi32> to vector<1xi32>
      %squeeze3A_1575 = vector.extract %slice3A_1574[0] : i32 from vector<1xi32>
      %broadcast_in_dim3A_1576 = arith.constant 0.000000e+00 : f32
      %broadcast_in_dim3A_1577 = vector.broadcast %broadcast_in_dim3A_1576 : f32 to vector<16xf32>
      %add3A_1578 = arith.constant 0 : i32
      %add3A_1579 = arith.addi %squeeze3A_1573, %add3A_1578 : i32
      %get3A_1580 = arith.index_cast %add3A_1571 : i32 to index
      %get3A_1581 = arith.index_cast %add3A_1579 : i32 to index
      %get3A_1582 = tpu.vector_load %arg12[%get3A_1580, %get3A_1581] {strides = array<i32>} : memref<256x128xf32, #tpu.memory_space<vmem>>, vector<16xf32>,
      %add3A_1583 = arith.constant 0 : i32
      %add3A_1584 = arith.addi %squeeze3A_1575, %add3A_1583 : i32
      %get3A_1585 = arith.index_cast %add3A_1571 : i32 to index
      %get3A_1586 = arith.index_cast %add3A_1584 : i32 to index
      %get3A_1587 = tpu.vector_load %arg13[%get3A_1585, %get3A_1586] {strides = array<i32>} : memref<256x128xf32, #tpu.memory_space<vmem>>, vector<16xf32>,
      %mul3A_1588 = arith.mulf %get3A_1582, %get3A_1587 : vector<16xf32>
      %mul3A_1589 = arith.mulf %mul3A_1588, %get3A_449 : vector<16xf32>
      %add3A_1590 = arith.addf %broadcast_in_dim3A_1577, %mul3A_1589 : vector<16xf32>
      %add3A_1591 = arith.constant 16 : i32
      %add3A_1592 = arith.addi %squeeze3A_1573, %add3A_1591 : i32
      %get3A_1593 = arith.index_cast %add3A_1571 : i32 to index
      %get3A_1594 = arith.index_cast %add3A_1592 : i32 to index
      %get3A_1595 = tpu.vector_load %arg12[%get3A_1593, %get3A_1594] {strides = array<i32>} : memref<256x128xf32, #tpu.memory_space<vmem>>, vector<16xf32>,
      %add3A_1596 = arith.constant 16 : i32
      %add3A_1597 = arith.addi %squeeze3A_1575, %add3A_1596 : i32
      %get3A_1598 = arith.index_cast %add3A_1571 : i32 to index
      %get3A_1599 = arith.index_cast %add3A_1597 : i32 to index
      %get3A_1600 = tpu.vector_load %arg13[%get3A_1598, %get3A_1599] {strides = array<i32>} : memref<256x128xf32, #tpu.memory_space<vmem>>, vector<16xf32>,
      %mul3A_1601 = arith.mulf %get3A_1595, %get3A_1600 : vector<16xf32>
      %mul3A_1602 = arith.mulf %mul3A_1601, %get3A_451 : vector<16xf32>
      %add3A_1603 = arith.addf %add3A_1590, %mul3A_1602 : vector<16xf32>
      %add3A_1604 = arith.constant 32 : i32
      %add3A_1605 = arith.addi %squeeze3A_1573, %add3A_1604 : i32
      %get3A_1606 = arith.index_cast %add3A_1571 : i32 to index
      %get3A_1607 = arith.index_cast %add3A_1605 : i32 to index
      %get3A_1608 = tpu.vector_load %arg12[%get3A_1606, %get3A_1607] {strides = array<i32>} : memref<256x128xf32, #tpu.memory_space<vmem>>, vector<16xf32>,
      %add3A_1609 = arith.constant 32 : i32
      %add3A_1610 = arith.addi %squeeze3A_1575, %add3A_1609 : i32
      %get3A_1611 = arith.index_cast %add3A_1571 : i32 to index
      %get3A_1612 = arith.index_cast %add3A_1610 : i32 to index
      %get3A_1613 = tpu.vector_load %arg13[%get3A_1611, %get3A_1612] {strides = array<i32>} : memref<256x128xf32, #tpu.memory_space<vmem>>, vector<16xf32>,
      %mul3A_1614 = arith.mulf %get3A_1608, %get3A_1613 : vector<16xf32>
      %mul3A_1615 = arith.mulf %mul3A_1614, %get3A_453 : vector<16xf32>
      %add3A_1616 = arith.addf %add3A_1603, %mul3A_1615 : vector<16xf32>
      %add3A_1617 = arith.constant 48 : i32
      %add3A_1618 = arith.addi %squeeze3A_1573, %add3A_1617 : i32
      %get3A_1619 = arith.index_cast %add3A_1571 : i32 to index
      %get3A_1620 = arith.index_cast %add3A_1618 : i32 to index
      %get3A_1621 = tpu.vector_load %arg12[%get3A_1619, %get3A_1620] {strides = array<i32>} : memref<256x128xf32, #tpu.memory_space<vmem>>, vector<16xf32>,
      %add3A_1622 = arith.constant 48 : i32
      %add3A_1623 = arith.addi %squeeze3A_1575, %add3A_1622 : i32
      %get3A_1624 = arith.index_cast %add3A_1571 : i32 to index
      %get3A_1625 = arith.index_cast %add3A_1623 : i32 to index
      %get3A_1626 = tpu.vector_load %arg13[%get3A_1624, %get3A_1625] {strides = array<i32>} : memref<256x128xf32, #tpu.memory_space<vmem>>, vector<16xf32>,
      %mul3A_1627 = arith.mulf %get3A_1621, %get3A_1626 : vector<16xf32>
      %mul3A_1628 = arith.mulf %mul3A_1627, %get3A_455 : vector<16xf32>
      %add3A_1629 = arith.addf %add3A_1616, %mul3A_1628 : vector<16xf32>
      %mul3A_1630 = arith.constant 16 : i32
      %mul3A_1631 = vector.broadcast %mul3A_1630 : i32 to vector<16xi32>
      %mul3A_1632 = arith.muli %iota3A, %mul3A_1631 : vector<16xi32>
      %add3A_1633 = arith.constant 14 : i32
      %add3A_1634 = vector.broadcast %add3A_1633 : i32 to vector<16xi32>
      %add3A_1635 = arith.addi %mul3A_1632, %add3A_1634 : vector<16xi32>
      tpu.vector_store_idx %arg16[%add3A_1635], %add3A_1629 : memref<256xf32, #tpu.memory_space<vmem>>[vector<16xi32>], vector<16xf32>,
      %mul3A_1636 = arith.constant 16 : i32
      %mul3A_1637 = arith.muli %scan3A_593, %mul3A_1636 : i32
      %add3A_1638 = arith.constant 15 : i32
      %add3A_1639 = arith.addi %mul3A_1637, %add3A_1638 : i32
      %slice3A_1640 = vector.extract_strided_slice %mul3A_604 {offsets = [15], sizes = [1], strides = [1]} : vector<16xi32> to vector<1xi32>
      %squeeze3A_1641 = vector.extract %slice3A_1640[0] : i32 from vector<1xi32>
      %slice3A_1642 = vector.extract_strided_slice %mul3A_616 {offsets = [15], sizes = [1], strides = [1]} : vector<16xi32> to vector<1xi32>
      %squeeze3A_1643 = vector.extract %slice3A_1642[0] : i32 from vector<1xi32>
      %broadcast_in_dim3A_1644 = arith.constant 0.000000e+00 : f32
      %broadcast_in_dim3A_1645 = vector.broadcast %broadcast_in_dim3A_1644 : f32 to vector<16xf32>
      %add3A_1646 = arith.constant 0 : i32
      %add3A_1647 = arith.addi %squeeze3A_1641, %add3A_1646 : i32
      %get3A_1648 = arith.index_cast %add3A_1639 : i32 to index
      %get3A_1649 = arith.index_cast %add3A_1647 : i32 to index
      %get3A_1650 = tpu.vector_load %arg12[%get3A_1648, %get3A_1649] {strides = array<i32>} : memref<256x128xf32, #tpu.memory_space<vmem>>, vector<16xf32>,
      %add3A_1651 = arith.constant 0 : i32
      %add3A_1652 = arith.addi %squeeze3A_1643, %add3A_1651 : i32
      %get3A_1653 = arith.index_cast %add3A_1639 : i32 to index
      %get3A_1654 = arith.index_cast %add3A_1652 : i32 to index
      %get3A_1655 = tpu.vector_load %arg13[%get3A_1653, %get3A_1654] {strides = array<i32>} : memref<256x128xf32, #tpu.memory_space<vmem>>, vector<16xf32>,
      %mul3A_1656 = arith.mulf %get3A_1650, %get3A_1655 : vector<16xf32>
      %mul3A_1657 = arith.mulf %mul3A_1656, %get3A_449 : vector<16xf32>
      %add3A_1658 = arith.addf %broadcast_in_dim3A_1645, %mul3A_1657 : vector<16xf32>
      %add3A_1659 = arith.constant 16 : i32
      %add3A_1660 = arith.addi %squeeze3A_1641, %add3A_1659 : i32
      %get3A_1661 = arith.index_cast %add3A_1639 : i32 to index
      %get3A_1662 = arith.index_cast %add3A_1660 : i32 to index
      %get3A_1663 = tpu.vector_load %arg12[%get3A_1661, %get3A_1662] {strides = array<i32>} : memref<256x128xf32, #tpu.memory_space<vmem>>, vector<16xf32>,
      %add3A_1664 = arith.constant 16 : i32
      %add3A_1665 = arith.addi %squeeze3A_1643, %add3A_1664 : i32
      %get3A_1666 = arith.index_cast %add3A_1639 : i32 to index
      %get3A_1667 = arith.index_cast %add3A_1665 : i32 to index
      %get3A_1668 = tpu.vector_load %arg13[%get3A_1666, %get3A_1667] {strides = array<i32>} : memref<256x128xf32, #tpu.memory_space<vmem>>, vector<16xf32>,
      %mul3A_1669 = arith.mulf %get3A_1663, %get3A_1668 : vector<16xf32>
      %mul3A_1670 = arith.mulf %mul3A_1669, %get3A_451 : vector<16xf32>
      %add3A_1671 = arith.addf %add3A_1658, %mul3A_1670 : vector<16xf32>
      %add3A_1672 = arith.constant 32 : i32
      %add3A_1673 = arith.addi %squeeze3A_1641, %add3A_1672 : i32
      %get3A_1674 = arith.index_cast %add3A_1639 : i32 to index
      %get3A_1675 = arith.index_cast %add3A_1673 : i32 to index
      %get3A_1676 = tpu.vector_load %arg12[%get3A_1674, %get3A_1675] {strides = array<i32>} : memref<256x128xf32, #tpu.memory_space<vmem>>, vector<16xf32>,
      %add3A_1677 = arith.constant 32 : i32
      %add3A_1678 = arith.addi %squeeze3A_1643, %add3A_1677 : i32
      %get3A_1679 = arith.index_cast %add3A_1639 : i32 to index
      %get3A_1680 = arith.index_cast %add3A_1678 : i32 to index
      %get3A_1681 = tpu.vector_load %arg13[%get3A_1679, %get3A_1680] {strides = array<i32>} : memref<256x128xf32, #tpu.memory_space<vmem>>, vector<16xf32>,
      %mul3A_1682 = arith.mulf %get3A_1676, %get3A_1681 : vector<16xf32>
      %mul3A_1683 = arith.mulf %mul3A_1682, %get3A_453 : vector<16xf32>
      %add3A_1684 = arith.addf %add3A_1671, %mul3A_1683 : vector<16xf32>
      %add3A_1685 = arith.constant 48 : i32
      %add3A_1686 = arith.addi %squeeze3A_1641, %add3A_1685 : i32
      %get3A_1687 = arith.index_cast %add3A_1639 : i32 to index
      %get3A_1688 = arith.index_cast %add3A_1686 : i32 to index
      %get3A_1689 = tpu.vector_load %arg12[%get3A_1687, %get3A_1688] {strides = array<i32>} : memref<256x128xf32, #tpu.memory_space<vmem>>, vector<16xf32>,
      %add3A_1690 = arith.constant 48 : i32
      %add3A_1691 = arith.addi %squeeze3A_1643, %add3A_1690 : i32
      %get3A_1692 = arith.index_cast %add3A_1639 : i32 to index
      %get3A_1693 = arith.index_cast %add3A_1691 : i32 to index
      %get3A_1694 = tpu.vector_load %arg13[%get3A_1692, %get3A_1693] {strides = array<i32>} : memref<256x128xf32, #tpu.memory_space<vmem>>, vector<16xf32>,
      %mul3A_1695 = arith.mulf %get3A_1689, %get3A_1694 : vector<16xf32>
      %mul3A_1696 = arith.mulf %mul3A_1695, %get3A_455 : vector<16xf32>
      %add3A_1697 = arith.addf %add3A_1684, %mul3A_1696 : vector<16xf32>
      %mul3A_1698 = arith.constant 16 : i32
      %mul3A_1699 = vector.broadcast %mul3A_1698 : i32 to vector<16xi32>
      %mul3A_1700 = arith.muli %iota3A, %mul3A_1699 : vector<16xi32>
      %add3A_1701 = arith.constant 15 : i32
      %add3A_1702 = vector.broadcast %add3A_1701 : i32 to vector<16xi32>
      %add3A_1703 = arith.addi %mul3A_1700, %add3A_1702 : vector<16xi32>
      tpu.vector_store_idx %arg16[%add3A_1703], %add3A_1697 : memref<256xf32, #tpu.memory_space<vmem>>[vector<16xi32>], vector<16xf32>,
      %broadcast_in_dim3A_1704 = vector.broadcast %squeeze3A : f32 to vector<16xf32>
      %get3A_1705 = arith.constant 0 : index
      %get3A_1706 = tpu.vector_load %arg16[%get3A_1705] {strides = array<i32>} : memref<256xf32, #tpu.memory_space<vmem>>, vector<16xf32>,
      %add3A_1707 = arith.addf %broadcast_in_dim3A_1704, %get3A_1706 : vector<16xf32>
      %get3A_1708 = arith.constant 16 : index
      %get3A_1709 = tpu.vector_load %arg16[%get3A_1708] {strides = array<i32>} : memref<256xf32, #tpu.memory_space<vmem>>, vector<16xf32>,
      %add3A_1710 = arith.addf %add3A_1707, %get3A_1709 : vector<16xf32>
      %get3A_1711 = arith.constant 32 : index
      %get3A_1712 = tpu.vector_load %arg16[%get3A_1711] {strides = array<i32>} : memref<256xf32, #tpu.memory_space<vmem>>, vector<16xf32>,
      %add3A_1713 = arith.addf %add3A_1710, %get3A_1712 : vector<16xf32>
      %get3A_1714 = arith.constant 48 : index
      %get3A_1715 = tpu.vector_load %arg16[%get3A_1714] {strides = array<i32>} : memref<256xf32, #tpu.memory_space<vmem>>, vector<16xf32>,
      %add3A_1716 = arith.addf %add3A_1713, %get3A_1715 : vector<16xf32>
      %get3A_1717 = arith.constant 64 : index
      %get3A_1718 = tpu.vector_load %arg16[%get3A_1717] {strides = array<i32>} : memref<256xf32, #tpu.memory_space<vmem>>, vector<16xf32>,
      %add3A_1719 = arith.addf %add3A_1716, %get3A_1718 : vector<16xf32>
      %get3A_1720 = arith.constant 80 : index
      %get3A_1721 = tpu.vector_load %arg16[%get3A_1720] {strides = array<i32>} : memref<256xf32, #tpu.memory_space<vmem>>, vector<16xf32>,
      %add3A_1722 = arith.addf %add3A_1719, %get3A_1721 : vector<16xf32>
      %get3A_1723 = arith.constant 96 : index
      %get3A_1724 = tpu.vector_load %arg16[%get3A_1723] {strides = array<i32>} : memref<256xf32, #tpu.memory_space<vmem>>, vector<16xf32>,
      %add3A_1725 = arith.addf %add3A_1722, %get3A_1724 : vector<16xf32>
      %get3A_1726 = arith.constant 112 : index
      %get3A_1727 = tpu.vector_load %arg16[%get3A_1726] {strides = array<i32>} : memref<256xf32, #tpu.memory_space<vmem>>, vector<16xf32>,
      %add3A_1728 = arith.addf %add3A_1725, %get3A_1727 : vector<16xf32>
      %get3A_1729 = arith.constant 128 : index
      %get3A_1730 = tpu.vector_load %arg16[%get3A_1729] {strides = array<i32>} : memref<256xf32, #tpu.memory_space<vmem>>, vector<16xf32>,
      %add3A_1731 = arith.addf %add3A_1728, %get3A_1730 : vector<16xf32>
      %get3A_1732 = arith.constant 144 : index
      %get3A_1733 = tpu.vector_load %arg16[%get3A_1732] {strides = array<i32>} : memref<256xf32, #tpu.memory_space<vmem>>, vector<16xf32>,
      %add3A_1734 = arith.addf %add3A_1731, %get3A_1733 : vector<16xf32>
      %get3A_1735 = arith.constant 160 : index
      %get3A_1736 = tpu.vector_load %arg16[%get3A_1735] {strides = array<i32>} : memref<256xf32, #tpu.memory_space<vmem>>, vector<16xf32>,
      %add3A_1737 = arith.addf %add3A_1734, %get3A_1736 : vector<16xf32>
      %get3A_1738 = arith.constant 176 : index
      %get3A_1739 = tpu.vector_load %arg16[%get3A_1738] {strides = array<i32>} : memref<256xf32, #tpu.memory_space<vmem>>, vector<16xf32>,
      %add3A_1740 = arith.addf %add3A_1737, %get3A_1739 : vector<16xf32>
      %get3A_1741 = arith.constant 192 : index
      %get3A_1742 = tpu.vector_load %arg16[%get3A_1741] {strides = array<i32>} : memref<256xf32, #tpu.memory_space<vmem>>, vector<16xf32>,
      %add3A_1743 = arith.addf %add3A_1740, %get3A_1742 : vector<16xf32>
      %get3A_1744 = arith.constant 208 : index
      %get3A_1745 = tpu.vector_load %arg16[%get3A_1744] {strides = array<i32>} : memref<256xf32, #tpu.memory_space<vmem>>, vector<16xf32>,
      %add3A_1746 = arith.addf %add3A_1743, %get3A_1745 : vector<16xf32>
      %get3A_1747 = arith.constant 224 : index
      %get3A_1748 = tpu.vector_load %arg16[%get3A_1747] {strides = array<i32>} : memref<256xf32, #tpu.memory_space<vmem>>, vector<16xf32>,
      %add3A_1749 = arith.addf %add3A_1746, %get3A_1748 : vector<16xf32>
      %get3A_1750 = arith.constant 240 : index
      %get3A_1751 = tpu.vector_load %arg16[%get3A_1750] {strides = array<i32>} : memref<256xf32, #tpu.memory_space<vmem>>, vector<16xf32>,
      %add3A_1752 = arith.addf %add3A_1749, %get3A_1751 : vector<16xf32>
      %mul3A_1753 = arith.constant 16 : i32
      %mul3A_1754 = arith.muli %scan3A_593, %mul3A_1753 : i32
      %add3A_1755 = arith.constant 0 : i32
      %add3A_1756 = arith.addi %add3A_1755, %mul3A_1754 : i32
      %swap3A_1757 = arith.index_cast %add3A_1756 : i32 to index
      %swap3A_1758 = tpu.vector_load %arg14[%swap3A_1757] {strides = array<i32>} : memref<512xf32, #tpu.memory_space<vmem>>, vector<16xf32>,
      tpu.vector_store %arg14[%swap3A_1757], %add3A_1752 {strides = array<i32>} : memref<512xf32, #tpu.memory_space<vmem>>, vector<16xf32>,
    }
    %scan3A_523 = arith.constant 16 : i32
    %dma_start3A_524 = arith.constant 0 : i32
    %dma_start3A_525 = arith.constant 0 : i32
    %dma_start3A_526 = tpu.memref_slice %arg12[%dma_start3A_524, %dma_start3A_525] : memref<256x128xf32, #tpu.memory_space<vmem>> -> memref<128x128xf32, #tpu.memory_space<vmem>>
    %dma_start3A_527 = arith.constant 256 : i32
    %dma_start3A_528 = tpu.memref_slice %arg10[%dma_start3A_527] : memref<512xi32, #tpu.memory_space<vmem>> -> memref<128xi32, #tpu.memory_space<vmem>>
    %dma_start3A_529 = arith.constant 0 : i32
    %dma_start3A_530 = arith.constant 0 : i32
    %dma_start3A_531 = tpu.memref_slice %arg4[%dma_start3A_529, %dma_start3A_530] : memref<500000x128xf32, #tpu.memory_space<hbm>> -> memref<500000x128xf32, #tpu.memory_space<hbm>>
    tpu.enqueue_indirect_dma source(%dma_start3A_531 : memref<500000x128xf32, #tpu.memory_space<hbm>>) target(%dma_start3A_526 : memref<128x128xf32, #tpu.memory_space<vmem>>) offsets(%dma_start3A_528 : memref<128xi32, #tpu.memory_space<vmem>>) semaphore(%arg17 : memref<!tpu.dma_semaphore, #tpu.memory_space<semaphore_mem>>)
    %dma_start3A_532 = arith.constant 0 : i32
    %dma_start3A_533 = arith.constant 0 : i32
    %dma_start3A_534 = tpu.memref_slice %arg13[%dma_start3A_532, %dma_start3A_533] : memref<256x128xf32, #tpu.memory_space<vmem>> -> memref<128x128xf32, #tpu.memory_space<vmem>>
    %dma_start3A_535 = arith.constant 256 : i32
    %dma_start3A_536 = tpu.memref_slice %arg11[%dma_start3A_535] : memref<512xi32, #tpu.memory_space<vmem>> -> memref<128xi32, #tpu.memory_space<vmem>>
    %dma_start3A_537 = arith.constant 0 : i32
    %dma_start3A_538 = arith.constant 0 : i32
    %dma_start3A_539 = tpu.memref_slice %arg5[%dma_start3A_537, %dma_start3A_538] : memref<500000x128xf32, #tpu.memory_space<hbm>> -> memref<500000x128xf32, #tpu.memory_space<hbm>>
    tpu.enqueue_indirect_dma source(%dma_start3A_539 : memref<500000x128xf32, #tpu.memory_space<hbm>>) target(%dma_start3A_534 : memref<128x128xf32, #tpu.memory_space<vmem>>) offsets(%dma_start3A_536 : memref<128xi32, #tpu.memory_space<vmem>>) semaphore(%arg17 : memref<!tpu.dma_semaphore, #tpu.memory_space<semaphore_mem>>)
    %dma_start3A_540 = arith.constant 128 : i32
    %dma_start3A_541 = arith.constant 0 : i32
    %dma_start3A_542 = tpu.memref_slice %arg12[%dma_start3A_540, %dma_start3A_541] : memref<256x128xf32, #tpu.memory_space<vmem>> -> memref<128x128xf32, #tpu.memory_space<vmem>>
    %dma_start3A_543 = arith.constant 384 : i32
    %dma_start3A_544 = tpu.memref_slice %arg10[%dma_start3A_543] : memref<512xi32, #tpu.memory_space<vmem>> -> memref<128xi32, #tpu.memory_space<vmem>>
    %dma_start3A_545 = arith.constant 0 : i32
    %dma_start3A_546 = arith.constant 0 : i32
    %dma_start3A_547 = tpu.memref_slice %arg4[%dma_start3A_545, %dma_start3A_546] : memref<500000x128xf32, #tpu.memory_space<hbm>> -> memref<500000x128xf32, #tpu.memory_space<hbm>>
    tpu.enqueue_indirect_dma source(%dma_start3A_547 : memref<500000x128xf32, #tpu.memory_space<hbm>>) target(%dma_start3A_542 : memref<128x128xf32, #tpu.memory_space<vmem>>) offsets(%dma_start3A_544 : memref<128xi32, #tpu.memory_space<vmem>>) semaphore(%arg17 : memref<!tpu.dma_semaphore, #tpu.memory_space<semaphore_mem>>)
    %dma_start3A_548 = arith.constant 128 : i32
    %dma_start3A_549 = arith.constant 0 : i32
    %dma_start3A_550 = tpu.memref_slice %arg13[%dma_start3A_548, %dma_start3A_549] : memref<256x128xf32, #tpu.memory_space<vmem>> -> memref<128x128xf32, #tpu.memory_space<vmem>>
    %dma_start3A_551 = arith.constant 384 : i32
    %dma_start3A_552 = tpu.memref_slice %arg11[%dma_start3A_551] : memref<512xi32, #tpu.memory_space<vmem>> -> memref<128xi32, #tpu.memory_space<vmem>>
    %dma_start3A_553 = arith.constant 0 : i32
    %dma_start3A_554 = arith.constant 0 : i32
    %dma_start3A_555 = tpu.memref_slice %arg5[%dma_start3A_553, %dma_start3A_554] : memref<500000x128xf32, #tpu.memory_space<hbm>> -> memref<500000x128xf32, #tpu.memory_space<hbm>>
    tpu.enqueue_indirect_dma source(%dma_start3A_555 : memref<500000x128xf32, #tpu.memory_space<hbm>>) target(%dma_start3A_550 : memref<128x128xf32, #tpu.memory_space<vmem>>) offsets(%dma_start3A_552 : memref<128xi32, #tpu.memory_space<vmem>>) semaphore(%arg17 : memref<!tpu.dma_semaphore, #tpu.memory_space<semaphore_mem>>)
    %dma_wait3A_556 = arith.constant 0 : i32
    %dma_wait3A_557 = arith.constant 0 : i32
    %dma_wait3A_558 = tpu.memref_slice %arg12[%dma_wait3A_556, %dma_wait3A_557] : memref<256x128xf32, #tpu.memory_space<vmem>> -> memref<128x128xf32, #tpu.memory_space<vmem>>
    %dma_wait3A_559 = arith.constant 256 : i32
    %dma_wait3A_560 = tpu.memref_slice %arg10[%dma_wait3A_559] : memref<512xi32, #tpu.memory_space<vmem>> -> memref<128xi32, #tpu.memory_space<vmem>>
    %dma_wait3A_561 = arith.constant 0 : i32
    %dma_wait3A_562 = arith.constant 0 : i32
    %dma_wait3A_563 = tpu.memref_slice %arg4[%dma_wait3A_561, %dma_wait3A_562] : memref<500000x128xf32, #tpu.memory_space<hbm>> -> memref<500000x128xf32, #tpu.memory_space<hbm>>
    tpu.wait_indirect_dma semaphore(%arg17 : memref<!tpu.dma_semaphore, #tpu.memory_space<semaphore_mem>>) src(%dma_wait3A_563 : memref<500000x128xf32, #tpu.memory_space<hbm>>) dst(%dma_wait3A_558 : memref<128x128xf32, #tpu.memory_space<vmem>>)
    %dma_wait3A_564 = arith.constant 0 : i32
    %dma_wait3A_565 = arith.constant 0 : i32
    %dma_wait3A_566 = tpu.memref_slice %arg13[%dma_wait3A_564, %dma_wait3A_565] : memref<256x128xf32, #tpu.memory_space<vmem>> -> memref<128x128xf32, #tpu.memory_space<vmem>>
    %dma_wait3A_567 = arith.constant 256 : i32
    %dma_wait3A_568 = tpu.memref_slice %arg11[%dma_wait3A_567] : memref<512xi32, #tpu.memory_space<vmem>> -> memref<128xi32, #tpu.memory_space<vmem>>
    %dma_wait3A_569 = arith.constant 0 : i32
    %dma_wait3A_570 = arith.constant 0 : i32
    %dma_wait3A_571 = tpu.memref_slice %arg5[%dma_wait3A_569, %dma_wait3A_570] : memref<500000x128xf32, #tpu.memory_space<hbm>> -> memref<500000x128xf32, #tpu.memory_space<hbm>>
    tpu.wait_indirect_dma semaphore(%arg17 : memref<!tpu.dma_semaphore, #tpu.memory_space<semaphore_mem>>) src(%dma_wait3A_571 : memref<500000x128xf32, #tpu.memory_space<hbm>>) dst(%dma_wait3A_566 : memref<128x128xf32, #tpu.memory_space<vmem>>)
    %dma_wait3A_572 = arith.constant 128 : i32
    %dma_wait3A_573 = arith.constant 0 : i32
    %dma_wait3A_574 = tpu.memref_slice %arg12[%dma_wait3A_572, %dma_wait3A_573] : memref<256x128xf32, #tpu.memory_space<vmem>> -> memref<128x128xf32, #tpu.memory_space<vmem>>
    %dma_wait3A_575 = arith.constant 384 : i32
    %dma_wait3A_576 = tpu.memref_slice %arg10[%dma_wait3A_575] : memref<512xi32, #tpu.memory_space<vmem>> -> memref<128xi32, #tpu.memory_space<vmem>>
    %dma_wait3A_577 = arith.constant 0 : i32
    %dma_wait3A_578 = arith.constant 0 : i32
    %dma_wait3A_579 = tpu.memref_slice %arg4[%dma_wait3A_577, %dma_wait3A_578] : memref<500000x128xf32, #tpu.memory_space<hbm>> -> memref<500000x128xf32, #tpu.memory_space<hbm>>
    tpu.wait_indirect_dma semaphore(%arg17 : memref<!tpu.dma_semaphore, #tpu.memory_space<semaphore_mem>>) src(%dma_wait3A_579 : memref<500000x128xf32, #tpu.memory_space<hbm>>) dst(%dma_wait3A_574 : memref<128x128xf32, #tpu.memory_space<vmem>>)
    %dma_wait3A_580 = arith.constant 128 : i32
    %dma_wait3A_581 = arith.constant 0 : i32
    %dma_wait3A_582 = tpu.memref_slice %arg13[%dma_wait3A_580, %dma_wait3A_581] : memref<256x128xf32, #tpu.memory_space<vmem>> -> memref<128x128xf32, #tpu.memory_space<vmem>>
    %dma_wait3A_583 = arith.constant 384 : i32
    %dma_wait3A_584 = tpu.memref_slice %arg11[%dma_wait3A_583] : memref<512xi32, #tpu.memory_space<vmem>> -> memref<128xi32, #tpu.memory_space<vmem>>
    %dma_wait3A_585 = arith.constant 0 : i32
    %dma_wait3A_586 = arith.constant 0 : i32
    %dma_wait3A_587 = tpu.memref_slice %arg5[%dma_wait3A_585, %dma_wait3A_586] : memref<500000x128xf32, #tpu.memory_space<hbm>> -> memref<500000x128xf32, #tpu.memory_space<hbm>>
    tpu.wait_indirect_dma semaphore(%arg17 : memref<!tpu.dma_semaphore, #tpu.memory_space<semaphore_mem>>) src(%dma_wait3A_587 : memref<500000x128xf32, #tpu.memory_space<hbm>>) dst(%dma_wait3A_582 : memref<128x128xf32, #tpu.memory_space<vmem>>)
    %scan3A_588 = arith.constant 0 : i32
    %scan3A_589 = arith.constant 16 : i32
    %scan3A_590 = arith.addi %scan3A_588, %scan3A_589 : i32
    %scan3A_591 = arith.constant 1 : i32
    scf.for %scan3A_593 = %scan3A_588 to %scan3A_590 step %scan3A_591  : i32 {
      %mul3A_594 = arith.constant 16 : i32
      %mul3A_595 = arith.muli %scan3A_593, %mul3A_594 : i32
      %add3A_596 = arith.constant 256 : i32
      %add3A_597 = arith.addi %add3A_596, %mul3A_595 : i32
      %get3A_598 = arith.index_cast %add3A_597 : i32 to index
      %get3A_599 = tpu.vector_load %arg8[%get3A_598] {strides = array<i32>} : memref<512xi32, #tpu.memory_space<vmem>>, vector<16xi32>,
      %and3A = arith.constant 1 : i32
      %and3A_600 = vector.broadcast %and3A : i32 to vector<16xi32>
      %and3A_601 = arith.andi %get3A_599, %and3A_600 : vector<16xi32>
      %mul3A_602 = arith.constant 64 : i32
      %mul3A_603 = vector.broadcast %mul3A_602 : i32 to vector<16xi32>
      %mul3A_604 = arith.muli %and3A_601, %mul3A_603 : vector<16xi32>
      %mul3A_605 = arith.constant 16 : i32
      %mul3A_606 = arith.muli %scan3A_593, %mul3A_605 : i32
      %add3A_607 = arith.constant 256 : i32
      %add3A_608 = arith.addi %add3A_607, %mul3A_606 : i32
      %get3A_609 = arith.index_cast %add3A_608 : i32 to index
      %get3A_610 = tpu.vector_load %arg9[%get3A_609] {strides = array<i32>} : memref<512xi32, #tpu.memory_space<vmem>>, vector<16xi32>,
      %and3A_611 = arith.constant 1 : i32
      %and3A_612 = vector.broadcast %and3A_611 : i32 to vector<16xi32>
      %and3A_613 = arith.andi %get3A_610, %and3A_612 : vector<16xi32>
      %mul3A_614 = arith.constant 64 : i32
      %mul3A_615 = vector.broadcast %mul3A_614 : i32 to vector<16xi32>
      %mul3A_616 = arith.muli %and3A_613, %mul3A_615 : vector<16xi32>
      %mul3A_617 = arith.constant 16 : i32
      %mul3A_618 = arith.muli %scan3A_593, %mul3A_617 : i32
      %add3A_619 = arith.constant 0 : i32
      %add3A_620 = arith.addi %mul3A_618, %add3A_619 : i32
      %slice3A_621 = vector.extract_strided_slice %mul3A_604 {offsets = [0], sizes = [1], strides = [1]} : vector<16xi32> to vector<1xi32>
      %squeeze3A_622 = vector.extract %slice3A_621[0] : i32 from vector<1xi32>
      %slice3A_623 = vector.extract_strided_slice %mul3A_616 {offsets = [0], sizes = [1], strides = [1]} : vector<16xi32> to vector<1xi32>
      %squeeze3A_624 = vector.extract %slice3A_623[0] : i32 from vector<1xi32>
      %broadcast_in_dim3A = arith.constant 0.000000e+00 : f32
      %broadcast_in_dim3A_625 = vector.broadcast %broadcast_in_dim3A : f32 to vector<16xf32>
      %add3A_626 = arith.constant 0 : i32
      %add3A_627 = arith.addi %squeeze3A_622, %add3A_626 : i32
      %get3A_628 = arith.index_cast %add3A_620 : i32 to index
      %get3A_629 = arith.index_cast %add3A_627 : i32 to index
      %get3A_630 = tpu.vector_load %arg12[%get3A_628, %get3A_629] {strides = array<i32>} : memref<256x128xf32, #tpu.memory_space<vmem>>, vector<16xf32>,
      %add3A_631 = arith.constant 0 : i32
      %add3A_632 = arith.addi %squeeze3A_624, %add3A_631 : i32
      %get3A_633 = arith.index_cast %add3A_620 : i32 to index
      %get3A_634 = arith.index_cast %add3A_632 : i32 to index
      %get3A_635 = tpu.vector_load %arg13[%get3A_633, %get3A_634] {strides = array<i32>} : memref<256x128xf32, #tpu.memory_space<vmem>>, vector<16xf32>,
      %mul3A_636 = arith.mulf %get3A_630, %get3A_635 : vector<16xf32>
      %mul3A_637 = arith.mulf %mul3A_636, %get3A_449 : vector<16xf32>
      %add3A_638 = arith.addf %broadcast_in_dim3A_625, %mul3A_637 : vector<16xf32>
      %add3A_639 = arith.constant 16 : i32
      %add3A_640 = arith.addi %squeeze3A_622, %add3A_639 : i32
      %get3A_641 = arith.index_cast %add3A_620 : i32 to index
      %get3A_642 = arith.index_cast %add3A_640 : i32 to index
      %get3A_643 = tpu.vector_load %arg12[%get3A_641, %get3A_642] {strides = array<i32>} : memref<256x128xf32, #tpu.memory_space<vmem>>, vector<16xf32>,
      %add3A_644 = arith.constant 16 : i32
      %add3A_645 = arith.addi %squeeze3A_624, %add3A_644 : i32
      %get3A_646 = arith.index_cast %add3A_620 : i32 to index
      %get3A_647 = arith.index_cast %add3A_645 : i32 to index
      %get3A_648 = tpu.vector_load %arg13[%get3A_646, %get3A_647] {strides = array<i32>} : memref<256x128xf32, #tpu.memory_space<vmem>>, vector<16xf32>,
      %mul3A_649 = arith.mulf %get3A_643, %get3A_648 : vector<16xf32>
      %mul3A_650 = arith.mulf %mul3A_649, %get3A_451 : vector<16xf32>
      %add3A_651 = arith.addf %add3A_638, %mul3A_650 : vector<16xf32>
      %add3A_652 = arith.constant 32 : i32
      %add3A_653 = arith.addi %squeeze3A_622, %add3A_652 : i32
      %get3A_654 = arith.index_cast %add3A_620 : i32 to index
      %get3A_655 = arith.index_cast %add3A_653 : i32 to index
      %get3A_656 = tpu.vector_load %arg12[%get3A_654, %get3A_655] {strides = array<i32>} : memref<256x128xf32, #tpu.memory_space<vmem>>, vector<16xf32>,
      %add3A_657 = arith.constant 32 : i32
      %add3A_658 = arith.addi %squeeze3A_624, %add3A_657 : i32
      %get3A_659 = arith.index_cast %add3A_620 : i32 to index
      %get3A_660 = arith.index_cast %add3A_658 : i32 to index
      %get3A_661 = tpu.vector_load %arg13[%get3A_659, %get3A_660] {strides = array<i32>} : memref<256x128xf32, #tpu.memory_space<vmem>>, vector<16xf32>,
      %mul3A_662 = arith.mulf %get3A_656, %get3A_661 : vector<16xf32>
      %mul3A_663 = arith.mulf %mul3A_662, %get3A_453 : vector<16xf32>
      %add3A_664 = arith.addf %add3A_651, %mul3A_663 : vector<16xf32>
      %add3A_665 = arith.constant 48 : i32
      %add3A_666 = arith.addi %squeeze3A_622, %add3A_665 : i32
      %get3A_667 = arith.index_cast %add3A_620 : i32 to index
      %get3A_668 = arith.index_cast %add3A_666 : i32 to index
      %get3A_669 = tpu.vector_load %arg12[%get3A_667, %get3A_668] {strides = array<i32>} : memref<256x128xf32, #tpu.memory_space<vmem>>, vector<16xf32>,
      %add3A_670 = arith.constant 48 : i32
      %add3A_671 = arith.addi %squeeze3A_624, %add3A_670 : i32
      %get3A_672 = arith.index_cast %add3A_620 : i32 to index
      %get3A_673 = arith.index_cast %add3A_671 : i32 to index
      %get3A_674 = tpu.vector_load %arg13[%get3A_672, %get3A_673] {strides = array<i32>} : memref<256x128xf32, #tpu.memory_space<vmem>>, vector<16xf32>,
      %mul3A_675 = arith.mulf %get3A_669, %get3A_674 : vector<16xf32>
      %mul3A_676 = arith.mulf %mul3A_675, %get3A_455 : vector<16xf32>
      %add3A_677 = arith.addf %add3A_664, %mul3A_676 : vector<16xf32>
      %mul3A_678 = arith.constant 16 : i32
      %mul3A_679 = vector.broadcast %mul3A_678 : i32 to vector<16xi32>
      %mul3A_680 = arith.muli %iota3A, %mul3A_679 : vector<16xi32>
      %add3A_681 = arith.constant 0 : i32
      %add3A_682 = vector.broadcast %add3A_681 : i32 to vector<16xi32>
      %add3A_683 = arith.addi %mul3A_680, %add3A_682 : vector<16xi32>
      tpu.vector_store_idx %arg16[%add3A_683], %add3A_677 : memref<256xf32, #tpu.memory_space<vmem>>[vector<16xi32>], vector<16xf32>,
      %mul3A_684 = arith.constant 16 : i32
      %mul3A_685 = arith.muli %scan3A_593, %mul3A_684 : i32
      %add3A_686 = arith.constant 1 : i32
      %add3A_687 = arith.addi %mul3A_685, %add3A_686 : i32
      %slice3A_688 = vector.extract_strided_slice %mul3A_604 {offsets = [1], sizes = [1], strides = [1]} : vector<16xi32> to vector<1xi32>
      %squeeze3A_689 = vector.extract %slice3A_688[0] : i32 from vector<1xi32>
      %slice3A_690 = vector.extract_strided_slice %mul3A_616 {offsets = [1], sizes = [1], strides = [1]} : vector<16xi32> to vector<1xi32>
      %squeeze3A_691 = vector.extract %slice3A_690[0] : i32 from vector<1xi32>
      %broadcast_in_dim3A_692 = arith.constant 0.000000e+00 : f32
      %broadcast_in_dim3A_693 = vector.broadcast %broadcast_in_dim3A_692 : f32 to vector<16xf32>
      %add3A_694 = arith.constant 0 : i32
      %add3A_695 = arith.addi %squeeze3A_689, %add3A_694 : i32
      %get3A_696 = arith.index_cast %add3A_687 : i32 to index
      %get3A_697 = arith.index_cast %add3A_695 : i32 to index
      %get3A_698 = tpu.vector_load %arg12[%get3A_696, %get3A_697] {strides = array<i32>} : memref<256x128xf32, #tpu.memory_space<vmem>>, vector<16xf32>,
      %add3A_699 = arith.constant 0 : i32
      %add3A_700 = arith.addi %squeeze3A_691, %add3A_699 : i32
      %get3A_701 = arith.index_cast %add3A_687 : i32 to index
      %get3A_702 = arith.index_cast %add3A_700 : i32 to index
      %get3A_703 = tpu.vector_load %arg13[%get3A_701, %get3A_702] {strides = array<i32>} : memref<256x128xf32, #tpu.memory_space<vmem>>, vector<16xf32>,
      %mul3A_704 = arith.mulf %get3A_698, %get3A_703 : vector<16xf32>
      %mul3A_705 = arith.mulf %mul3A_704, %get3A_449 : vector<16xf32>
      %add3A_706 = arith.addf %broadcast_in_dim3A_693, %mul3A_705 : vector<16xf32>
      %add3A_707 = arith.constant 16 : i32
      %add3A_708 = arith.addi %squeeze3A_689, %add3A_707 : i32
      %get3A_709 = arith.index_cast %add3A_687 : i32 to index
      %get3A_710 = arith.index_cast %add3A_708 : i32 to index
      %get3A_711 = tpu.vector_load %arg12[%get3A_709, %get3A_710] {strides = array<i32>} : memref<256x128xf32, #tpu.memory_space<vmem>>, vector<16xf32>,
      %add3A_712 = arith.constant 16 : i32
      %add3A_713 = arith.addi %squeeze3A_691, %add3A_712 : i32
      %get3A_714 = arith.index_cast %add3A_687 : i32 to index
      %get3A_715 = arith.index_cast %add3A_713 : i32 to index
      %get3A_716 = tpu.vector_load %arg13[%get3A_714, %get3A_715] {strides = array<i32>} : memref<256x128xf32, #tpu.memory_space<vmem>>, vector<16xf32>,
      %mul3A_717 = arith.mulf %get3A_711, %get3A_716 : vector<16xf32>
      %mul3A_718 = arith.mulf %mul3A_717, %get3A_451 : vector<16xf32>
      %add3A_719 = arith.addf %add3A_706, %mul3A_718 : vector<16xf32>
      %add3A_720 = arith.constant 32 : i32
      %add3A_721 = arith.addi %squeeze3A_689, %add3A_720 : i32
      %get3A_722 = arith.index_cast %add3A_687 : i32 to index
      %get3A_723 = arith.index_cast %add3A_721 : i32 to index
      %get3A_724 = tpu.vector_load %arg12[%get3A_722, %get3A_723] {strides = array<i32>} : memref<256x128xf32, #tpu.memory_space<vmem>>, vector<16xf32>,
      %add3A_725 = arith.constant 32 : i32
      %add3A_726 = arith.addi %squeeze3A_691, %add3A_725 : i32
      %get3A_727 = arith.index_cast %add3A_687 : i32 to index
      %get3A_728 = arith.index_cast %add3A_726 : i32 to index
      %get3A_729 = tpu.vector_load %arg13[%get3A_727, %get3A_728] {strides = array<i32>} : memref<256x128xf32, #tpu.memory_space<vmem>>, vector<16xf32>,
      %mul3A_730 = arith.mulf %get3A_724, %get3A_729 : vector<16xf32>
      %mul3A_731 = arith.mulf %mul3A_730, %get3A_453 : vector<16xf32>
      %add3A_732 = arith.addf %add3A_719, %mul3A_731 : vector<16xf32>
      %add3A_733 = arith.constant 48 : i32
      %add3A_734 = arith.addi %squeeze3A_689, %add3A_733 : i32
      %get3A_735 = arith.index_cast %add3A_687 : i32 to index
      %get3A_736 = arith.index_cast %add3A_734 : i32 to index
      %get3A_737 = tpu.vector_load %arg12[%get3A_735, %get3A_736] {strides = array<i32>} : memref<256x128xf32, #tpu.memory_space<vmem>>, vector<16xf32>,
      %add3A_738 = arith.constant 48 : i32
      %add3A_739 = arith.addi %squeeze3A_691, %add3A_738 : i32
      %get3A_740 = arith.index_cast %add3A_687 : i32 to index
      %get3A_741 = arith.index_cast %add3A_739 : i32 to index
      %get3A_742 = tpu.vector_load %arg13[%get3A_740, %get3A_741] {strides = array<i32>} : memref<256x128xf32, #tpu.memory_space<vmem>>, vector<16xf32>,
      %mul3A_743 = arith.mulf %get3A_737, %get3A_742 : vector<16xf32>
      %mul3A_744 = arith.mulf %mul3A_743, %get3A_455 : vector<16xf32>
      %add3A_745 = arith.addf %add3A_732, %mul3A_744 : vector<16xf32>
      %mul3A_746 = arith.constant 16 : i32
      %mul3A_747 = vector.broadcast %mul3A_746 : i32 to vector<16xi32>
      %mul3A_748 = arith.muli %iota3A, %mul3A_747 : vector<16xi32>
      %add3A_749 = arith.constant 1 : i32
      %add3A_750 = vector.broadcast %add3A_749 : i32 to vector<16xi32>
      %add3A_751 = arith.addi %mul3A_748, %add3A_750 : vector<16xi32>
      tpu.vector_store_idx %arg16[%add3A_751], %add3A_745 : memref<256xf32, #tpu.memory_space<vmem>>[vector<16xi32>], vector<16xf32>,
      %mul3A_752 = arith.constant 16 : i32
      %mul3A_753 = arith.muli %scan3A_593, %mul3A_752 : i32
      %add3A_754 = arith.constant 2 : i32
      %add3A_755 = arith.addi %mul3A_753, %add3A_754 : i32
      %slice3A_756 = vector.extract_strided_slice %mul3A_604 {offsets = [2], sizes = [1], strides = [1]} : vector<16xi32> to vector<1xi32>
      %squeeze3A_757 = vector.extract %slice3A_756[0] : i32 from vector<1xi32>
      %slice3A_758 = vector.extract_strided_slice %mul3A_616 {offsets = [2], sizes = [1], strides = [1]} : vector<16xi32> to vector<1xi32>
      %squeeze3A_759 = vector.extract %slice3A_758[0] : i32 from vector<1xi32>
      %broadcast_in_dim3A_760 = arith.constant 0.000000e+00 : f32
      %broadcast_in_dim3A_761 = vector.broadcast %broadcast_in_dim3A_760 : f32 to vector<16xf32>
      %add3A_762 = arith.constant 0 : i32
      %add3A_763 = arith.addi %squeeze3A_757, %add3A_762 : i32
      %get3A_764 = arith.index_cast %add3A_755 : i32 to index
      %get3A_765 = arith.index_cast %add3A_763 : i32 to index
      %get3A_766 = tpu.vector_load %arg12[%get3A_764, %get3A_765] {strides = array<i32>} : memref<256x128xf32, #tpu.memory_space<vmem>>, vector<16xf32>,
      %add3A_767 = arith.constant 0 : i32
      %add3A_768 = arith.addi %squeeze3A_759, %add3A_767 : i32
      %get3A_769 = arith.index_cast %add3A_755 : i32 to index
      %get3A_770 = arith.index_cast %add3A_768 : i32 to index
      %get3A_771 = tpu.vector_load %arg13[%get3A_769, %get3A_770] {strides = array<i32>} : memref<256x128xf32, #tpu.memory_space<vmem>>, vector<16xf32>,
      %mul3A_772 = arith.mulf %get3A_766, %get3A_771 : vector<16xf32>
      %mul3A_773 = arith.mulf %mul3A_772, %get3A_449 : vector<16xf32>
      %add3A_774 = arith.addf %broadcast_in_dim3A_761, %mul3A_773 : vector<16xf32>
      %add3A_775 = arith.constant 16 : i32
      %add3A_776 = arith.addi %squeeze3A_757, %add3A_775 : i32
      %get3A_777 = arith.index_cast %add3A_755 : i32 to index
      %get3A_778 = arith.index_cast %add3A_776 : i32 to index
      %get3A_779 = tpu.vector_load %arg12[%get3A_777, %get3A_778] {strides = array<i32>} : memref<256x128xf32, #tpu.memory_space<vmem>>, vector<16xf32>,
      %add3A_780 = arith.constant 16 : i32
      %add3A_781 = arith.addi %squeeze3A_759, %add3A_780 : i32
      %get3A_782 = arith.index_cast %add3A_755 : i32 to index
      %get3A_783 = arith.index_cast %add3A_781 : i32 to index
      %get3A_784 = tpu.vector_load %arg13[%get3A_782, %get3A_783] {strides = array<i32>} : memref<256x128xf32, #tpu.memory_space<vmem>>, vector<16xf32>,
      %mul3A_785 = arith.mulf %get3A_779, %get3A_784 : vector<16xf32>
      %mul3A_786 = arith.mulf %mul3A_785, %get3A_451 : vector<16xf32>
      %add3A_787 = arith.addf %add3A_774, %mul3A_786 : vector<16xf32>
      %add3A_788 = arith.constant 32 : i32
      %add3A_789 = arith.addi %squeeze3A_757, %add3A_788 : i32
      %get3A_790 = arith.index_cast %add3A_755 : i32 to index
      %get3A_791 = arith.index_cast %add3A_789 : i32 to index
      %get3A_792 = tpu.vector_load %arg12[%get3A_790, %get3A_791] {strides = array<i32>} : memref<256x128xf32, #tpu.memory_space<vmem>>, vector<16xf32>,
      %add3A_793 = arith.constant 32 : i32
      %add3A_794 = arith.addi %squeeze3A_759, %add3A_793 : i32
      %get3A_795 = arith.index_cast %add3A_755 : i32 to index
      %get3A_796 = arith.index_cast %add3A_794 : i32 to index
      %get3A_797 = tpu.vector_load %arg13[%get3A_795, %get3A_796] {strides = array<i32>} : memref<256x128xf32, #tpu.memory_space<vmem>>, vector<16xf32>,
      %mul3A_798 = arith.mulf %get3A_792, %get3A_797 : vector<16xf32>
      %mul3A_799 = arith.mulf %mul3A_798, %get3A_453 : vector<16xf32>
      %add3A_800 = arith.addf %add3A_787, %mul3A_799 : vector<16xf32>
      %add3A_801 = arith.constant 48 : i32
      %add3A_802 = arith.addi %squeeze3A_757, %add3A_801 : i32
      %get3A_803 = arith.index_cast %add3A_755 : i32 to index
      %get3A_804 = arith.index_cast %add3A_802 : i32 to index
      %get3A_805 = tpu.vector_load %arg12[%get3A_803, %get3A_804] {strides = array<i32>} : memref<256x128xf32, #tpu.memory_space<vmem>>, vector<16xf32>,
      %add3A_806 = arith.constant 48 : i32
      %add3A_807 = arith.addi %squeeze3A_759, %add3A_806 : i32
      %get3A_808 = arith.index_cast %add3A_755 : i32 to index
      %get3A_809 = arith.index_cast %add3A_807 : i32 to index
      %get3A_810 = tpu.vector_load %arg13[%get3A_808, %get3A_809] {strides = array<i32>} : memref<256x128xf32, #tpu.memory_space<vmem>>, vector<16xf32>,
      %mul3A_811 = arith.mulf %get3A_805, %get3A_810 : vector<16xf32>
      %mul3A_812 = arith.mulf %mul3A_811, %get3A_455 : vector<16xf32>
      %add3A_813 = arith.addf %add3A_800, %mul3A_812 : vector<16xf32>
      %mul3A_814 = arith.constant 16 : i32
      %mul3A_815 = vector.broadcast %mul3A_814 : i32 to vector<16xi32>
      %mul3A_816 = arith.muli %iota3A, %mul3A_815 : vector<16xi32>
      %add3A_817 = arith.constant 2 : i32
      %add3A_818 = vector.broadcast %add3A_817 : i32 to vector<16xi32>
      %add3A_819 = arith.addi %mul3A_816, %add3A_818 : vector<16xi32>
      tpu.vector_store_idx %arg16[%add3A_819], %add3A_813 : memref<256xf32, #tpu.memory_space<vmem>>[vector<16xi32>], vector<16xf32>,
      %mul3A_820 = arith.constant 16 : i32
      %mul3A_821 = arith.muli %scan3A_593, %mul3A_820 : i32
      %add3A_822 = arith.constant 3 : i32
      %add3A_823 = arith.addi %mul3A_821, %add3A_822 : i32
      %slice3A_824 = vector.extract_strided_slice %mul3A_604 {offsets = [3], sizes = [1], strides = [1]} : vector<16xi32> to vector<1xi32>
      %squeeze3A_825 = vector.extract %slice3A_824[0] : i32 from vector<1xi32>
      %slice3A_826 = vector.extract_strided_slice %mul3A_616 {offsets = [3], sizes = [1], strides = [1]} : vector<16xi32> to vector<1xi32>
      %squeeze3A_827 = vector.extract %slice3A_826[0] : i32 from vector<1xi32>
      %broadcast_in_dim3A_828 = arith.constant 0.000000e+00 : f32
      %broadcast_in_dim3A_829 = vector.broadcast %broadcast_in_dim3A_828 : f32 to vector<16xf32>
      %add3A_830 = arith.constant 0 : i32
      %add3A_831 = arith.addi %squeeze3A_825, %add3A_830 : i32
      %get3A_832 = arith.index_cast %add3A_823 : i32 to index
      %get3A_833 = arith.index_cast %add3A_831 : i32 to index
      %get3A_834 = tpu.vector_load %arg12[%get3A_832, %get3A_833] {strides = array<i32>} : memref<256x128xf32, #tpu.memory_space<vmem>>, vector<16xf32>,
      %add3A_835 = arith.constant 0 : i32
      %add3A_836 = arith.addi %squeeze3A_827, %add3A_835 : i32
      %get3A_837 = arith.index_cast %add3A_823 : i32 to index
      %get3A_838 = arith.index_cast %add3A_836 : i32 to index
      %get3A_839 = tpu.vector_load %arg13[%get3A_837, %get3A_838] {strides = array<i32>} : memref<256x128xf32, #tpu.memory_space<vmem>>, vector<16xf32>,
      %mul3A_840 = arith.mulf %get3A_834, %get3A_839 : vector<16xf32>
      %mul3A_841 = arith.mulf %mul3A_840, %get3A_449 : vector<16xf32>
      %add3A_842 = arith.addf %broadcast_in_dim3A_829, %mul3A_841 : vector<16xf32>
      %add3A_843 = arith.constant 16 : i32
      %add3A_844 = arith.addi %squeeze3A_825, %add3A_843 : i32
      %get3A_845 = arith.index_cast %add3A_823 : i32 to index
      %get3A_846 = arith.index_cast %add3A_844 : i32 to index
      %get3A_847 = tpu.vector_load %arg12[%get3A_845, %get3A_846] {strides = array<i32>} : memref<256x128xf32, #tpu.memory_space<vmem>>, vector<16xf32>,
      %add3A_848 = arith.constant 16 : i32
      %add3A_849 = arith.addi %squeeze3A_827, %add3A_848 : i32
      %get3A_850 = arith.index_cast %add3A_823 : i32 to index
      %get3A_851 = arith.index_cast %add3A_849 : i32 to index
      %get3A_852 = tpu.vector_load %arg13[%get3A_850, %get3A_851] {strides = array<i32>} : memref<256x128xf32, #tpu.memory_space<vmem>>, vector<16xf32>,
      %mul3A_853 = arith.mulf %get3A_847, %get3A_852 : vector<16xf32>
      %mul3A_854 = arith.mulf %mul3A_853, %get3A_451 : vector<16xf32>
      %add3A_855 = arith.addf %add3A_842, %mul3A_854 : vector<16xf32>
      %add3A_856 = arith.constant 32 : i32
      %add3A_857 = arith.addi %squeeze3A_825, %add3A_856 : i32
      %get3A_858 = arith.index_cast %add3A_823 : i32 to index
      %get3A_859 = arith.index_cast %add3A_857 : i32 to index
      %get3A_860 = tpu.vector_load %arg12[%get3A_858, %get3A_859] {strides = array<i32>} : memref<256x128xf32, #tpu.memory_space<vmem>>, vector<16xf32>,
      %add3A_861 = arith.constant 32 : i32
      %add3A_862 = arith.addi %squeeze3A_827, %add3A_861 : i32
      %get3A_863 = arith.index_cast %add3A_823 : i32 to index
      %get3A_864 = arith.index_cast %add3A_862 : i32 to index
      %get3A_865 = tpu.vector_load %arg13[%get3A_863, %get3A_864] {strides = array<i32>} : memref<256x128xf32, #tpu.memory_space<vmem>>, vector<16xf32>,
      %mul3A_866 = arith.mulf %get3A_860, %get3A_865 : vector<16xf32>
      %mul3A_867 = arith.mulf %mul3A_866, %get3A_453 : vector<16xf32>
      %add3A_868 = arith.addf %add3A_855, %mul3A_867 : vector<16xf32>
      %add3A_869 = arith.constant 48 : i32
      %add3A_870 = arith.addi %squeeze3A_825, %add3A_869 : i32
      %get3A_871 = arith.index_cast %add3A_823 : i32 to index
      %get3A_872 = arith.index_cast %add3A_870 : i32 to index
      %get3A_873 = tpu.vector_load %arg12[%get3A_871, %get3A_872] {strides = array<i32>} : memref<256x128xf32, #tpu.memory_space<vmem>>, vector<16xf32>,
      %add3A_874 = arith.constant 48 : i32
      %add3A_875 = arith.addi %squeeze3A_827, %add3A_874 : i32
      %get3A_876 = arith.index_cast %add3A_823 : i32 to index
      %get3A_877 = arith.index_cast %add3A_875 : i32 to index
      %get3A_878 = tpu.vector_load %arg13[%get3A_876, %get3A_877] {strides = array<i32>} : memref<256x128xf32, #tpu.memory_space<vmem>>, vector<16xf32>,
      %mul3A_879 = arith.mulf %get3A_873, %get3A_878 : vector<16xf32>
      %mul3A_880 = arith.mulf %mul3A_879, %get3A_455 : vector<16xf32>
      %add3A_881 = arith.addf %add3A_868, %mul3A_880 : vector<16xf32>
      %mul3A_882 = arith.constant 16 : i32
      %mul3A_883 = vector.broadcast %mul3A_882 : i32 to vector<16xi32>
      %mul3A_884 = arith.muli %iota3A, %mul3A_883 : vector<16xi32>
      %add3A_885 = arith.constant 3 : i32
      %add3A_886 = vector.broadcast %add3A_885 : i32 to vector<16xi32>
      %add3A_887 = arith.addi %mul3A_884, %add3A_886 : vector<16xi32>
      tpu.vector_store_idx %arg16[%add3A_887], %add3A_881 : memref<256xf32, #tpu.memory_space<vmem>>[vector<16xi32>], vector<16xf32>,
      %mul3A_888 = arith.constant 16 : i32
      %mul3A_889 = arith.muli %scan3A_593, %mul3A_888 : i32
      %add3A_890 = arith.constant 4 : i32
      %add3A_891 = arith.addi %mul3A_889, %add3A_890 : i32
      %slice3A_892 = vector.extract_strided_slice %mul3A_604 {offsets = [4], sizes = [1], strides = [1]} : vector<16xi32> to vector<1xi32>
      %squeeze3A_893 = vector.extract %slice3A_892[0] : i32 from vector<1xi32>
      %slice3A_894 = vector.extract_strided_slice %mul3A_616 {offsets = [4], sizes = [1], strides = [1]} : vector<16xi32> to vector<1xi32>
      %squeeze3A_895 = vector.extract %slice3A_894[0] : i32 from vector<1xi32>
      %broadcast_in_dim3A_896 = arith.constant 0.000000e+00 : f32
      %broadcast_in_dim3A_897 = vector.broadcast %broadcast_in_dim3A_896 : f32 to vector<16xf32>
      %add3A_898 = arith.constant 0 : i32
      %add3A_899 = arith.addi %squeeze3A_893, %add3A_898 : i32
      %get3A_900 = arith.index_cast %add3A_891 : i32 to index
      %get3A_901 = arith.index_cast %add3A_899 : i32 to index
      %get3A_902 = tpu.vector_load %arg12[%get3A_900, %get3A_901] {strides = array<i32>} : memref<256x128xf32, #tpu.memory_space<vmem>>, vector<16xf32>,
      %add3A_903 = arith.constant 0 : i32
      %add3A_904 = arith.addi %squeeze3A_895, %add3A_903 : i32
      %get3A_905 = arith.index_cast %add3A_891 : i32 to index
      %get3A_906 = arith.index_cast %add3A_904 : i32 to index
      %get3A_907 = tpu.vector_load %arg13[%get3A_905, %get3A_906] {strides = array<i32>} : memref<256x128xf32, #tpu.memory_space<vmem>>, vector<16xf32>,
      %mul3A_908 = arith.mulf %get3A_902, %get3A_907 : vector<16xf32>
      %mul3A_909 = arith.mulf %mul3A_908, %get3A_449 : vector<16xf32>
      %add3A_910 = arith.addf %broadcast_in_dim3A_897, %mul3A_909 : vector<16xf32>
      %add3A_911 = arith.constant 16 : i32
      %add3A_912 = arith.addi %squeeze3A_893, %add3A_911 : i32
      %get3A_913 = arith.index_cast %add3A_891 : i32 to index
      %get3A_914 = arith.index_cast %add3A_912 : i32 to index
      %get3A_915 = tpu.vector_load %arg12[%get3A_913, %get3A_914] {strides = array<i32>} : memref<256x128xf32, #tpu.memory_space<vmem>>, vector<16xf32>,
      %add3A_916 = arith.constant 16 : i32
      %add3A_917 = arith.addi %squeeze3A_895, %add3A_916 : i32
      %get3A_918 = arith.index_cast %add3A_891 : i32 to index
      %get3A_919 = arith.index_cast %add3A_917 : i32 to index
      %get3A_920 = tpu.vector_load %arg13[%get3A_918, %get3A_919] {strides = array<i32>} : memref<256x128xf32, #tpu.memory_space<vmem>>, vector<16xf32>,
      %mul3A_921 = arith.mulf %get3A_915, %get3A_920 : vector<16xf32>
      %mul3A_922 = arith.mulf %mul3A_921, %get3A_451 : vector<16xf32>
      %add3A_923 = arith.addf %add3A_910, %mul3A_922 : vector<16xf32>
      %add3A_924 = arith.constant 32 : i32
      %add3A_925 = arith.addi %squeeze3A_893, %add3A_924 : i32
      %get3A_926 = arith.index_cast %add3A_891 : i32 to index
      %get3A_927 = arith.index_cast %add3A_925 : i32 to index
      %get3A_928 = tpu.vector_load %arg12[%get3A_926, %get3A_927] {strides = array<i32>} : memref<256x128xf32, #tpu.memory_space<vmem>>, vector<16xf32>,
      %add3A_929 = arith.constant 32 : i32
      %add3A_930 = arith.addi %squeeze3A_895, %add3A_929 : i32
      %get3A_931 = arith.index_cast %add3A_891 : i32 to index
      %get3A_932 = arith.index_cast %add3A_930 : i32 to index
      %get3A_933 = tpu.vector_load %arg13[%get3A_931, %get3A_932] {strides = array<i32>} : memref<256x128xf32, #tpu.memory_space<vmem>>, vector<16xf32>,
      %mul3A_934 = arith.mulf %get3A_928, %get3A_933 : vector<16xf32>
      %mul3A_935 = arith.mulf %mul3A_934, %get3A_453 : vector<16xf32>
      %add3A_936 = arith.addf %add3A_923, %mul3A_935 : vector<16xf32>
      %add3A_937 = arith.constant 48 : i32
      %add3A_938 = arith.addi %squeeze3A_893, %add3A_937 : i32
      %get3A_939 = arith.index_cast %add3A_891 : i32 to index
      %get3A_940 = arith.index_cast %add3A_938 : i32 to index
      %get3A_941 = tpu.vector_load %arg12[%get3A_939, %get3A_940] {strides = array<i32>} : memref<256x128xf32, #tpu.memory_space<vmem>>, vector<16xf32>,
      %add3A_942 = arith.constant 48 : i32
      %add3A_943 = arith.addi %squeeze3A_895, %add3A_942 : i32
      %get3A_944 = arith.index_cast %add3A_891 : i32 to index
      %get3A_945 = arith.index_cast %add3A_943 : i32 to index
      %get3A_946 = tpu.vector_load %arg13[%get3A_944, %get3A_945] {strides = array<i32>} : memref<256x128xf32, #tpu.memory_space<vmem>>, vector<16xf32>,
      %mul3A_947 = arith.mulf %get3A_941, %get3A_946 : vector<16xf32>
      %mul3A_948 = arith.mulf %mul3A_947, %get3A_455 : vector<16xf32>
      %add3A_949 = arith.addf %add3A_936, %mul3A_948 : vector<16xf32>
      %mul3A_950 = arith.constant 16 : i32
      %mul3A_951 = vector.broadcast %mul3A_950 : i32 to vector<16xi32>
      %mul3A_952 = arith.muli %iota3A, %mul3A_951 : vector<16xi32>
      %add3A_953 = arith.constant 4 : i32
      %add3A_954 = vector.broadcast %add3A_953 : i32 to vector<16xi32>
      %add3A_955 = arith.addi %mul3A_952, %add3A_954 : vector<16xi32>
      tpu.vector_store_idx %arg16[%add3A_955], %add3A_949 : memref<256xf32, #tpu.memory_space<vmem>>[vector<16xi32>], vector<16xf32>,
      %mul3A_956 = arith.constant 16 : i32
      %mul3A_957 = arith.muli %scan3A_593, %mul3A_956 : i32
      %add3A_958 = arith.constant 5 : i32
      %add3A_959 = arith.addi %mul3A_957, %add3A_958 : i32
      %slice3A_960 = vector.extract_strided_slice %mul3A_604 {offsets = [5], sizes = [1], strides = [1]} : vector<16xi32> to vector<1xi32>
      %squeeze3A_961 = vector.extract %slice3A_960[0] : i32 from vector<1xi32>
      %slice3A_962 = vector.extract_strided_slice %mul3A_616 {offsets = [5], sizes = [1], strides = [1]} : vector<16xi32> to vector<1xi32>
      %squeeze3A_963 = vector.extract %slice3A_962[0] : i32 from vector<1xi32>
      %broadcast_in_dim3A_964 = arith.constant 0.000000e+00 : f32
      %broadcast_in_dim3A_965 = vector.broadcast %broadcast_in_dim3A_964 : f32 to vector<16xf32>
      %add3A_966 = arith.constant 0 : i32
      %add3A_967 = arith.addi %squeeze3A_961, %add3A_966 : i32
      %get3A_968 = arith.index_cast %add3A_959 : i32 to index
      %get3A_969 = arith.index_cast %add3A_967 : i32 to index
      %get3A_970 = tpu.vector_load %arg12[%get3A_968, %get3A_969] {strides = array<i32>} : memref<256x128xf32, #tpu.memory_space<vmem>>, vector<16xf32>,
      %add3A_971 = arith.constant 0 : i32
      %add3A_972 = arith.addi %squeeze3A_963, %add3A_971 : i32
      %get3A_973 = arith.index_cast %add3A_959 : i32 to index
      %get3A_974 = arith.index_cast %add3A_972 : i32 to index
      %get3A_975 = tpu.vector_load %arg13[%get3A_973, %get3A_974] {strides = array<i32>} : memref<256x128xf32, #tpu.memory_space<vmem>>, vector<16xf32>,
      %mul3A_976 = arith.mulf %get3A_970, %get3A_975 : vector<16xf32>
      %mul3A_977 = arith.mulf %mul3A_976, %get3A_449 : vector<16xf32>
      %add3A_978 = arith.addf %broadcast_in_dim3A_965, %mul3A_977 : vector<16xf32>
      %add3A_979 = arith.constant 16 : i32
      %add3A_980 = arith.addi %squeeze3A_961, %add3A_979 : i32
      %get3A_981 = arith.index_cast %add3A_959 : i32 to index
      %get3A_982 = arith.index_cast %add3A_980 : i32 to index
      %get3A_983 = tpu.vector_load %arg12[%get3A_981, %get3A_982] {strides = array<i32>} : memref<256x128xf32, #tpu.memory_space<vmem>>, vector<16xf32>,
      %add3A_984 = arith.constant 16 : i32
      %add3A_985 = arith.addi %squeeze3A_963, %add3A_984 : i32
      %get3A_986 = arith.index_cast %add3A_959 : i32 to index
      %get3A_987 = arith.index_cast %add3A_985 : i32 to index
      %get3A_988 = tpu.vector_load %arg13[%get3A_986, %get3A_987] {strides = array<i32>} : memref<256x128xf32, #tpu.memory_space<vmem>>, vector<16xf32>,
      %mul3A_989 = arith.mulf %get3A_983, %get3A_988 : vector<16xf32>
      %mul3A_990 = arith.mulf %mul3A_989, %get3A_451 : vector<16xf32>
      %add3A_991 = arith.addf %add3A_978, %mul3A_990 : vector<16xf32>
      %add3A_992 = arith.constant 32 : i32
      %add3A_993 = arith.addi %squeeze3A_961, %add3A_992 : i32
      %get3A_994 = arith.index_cast %add3A_959 : i32 to index
      %get3A_995 = arith.index_cast %add3A_993 : i32 to index
      %get3A_996 = tpu.vector_load %arg12[%get3A_994, %get3A_995] {strides = array<i32>} : memref<256x128xf32, #tpu.memory_space<vmem>>, vector<16xf32>,
      %add3A_997 = arith.constant 32 : i32
      %add3A_998 = arith.addi %squeeze3A_963, %add3A_997 : i32
      %get3A_999 = arith.index_cast %add3A_959 : i32 to index
      %get3A_1000 = arith.index_cast %add3A_998 : i32 to index
      %get3A_1001 = tpu.vector_load %arg13[%get3A_999, %get3A_1000] {strides = array<i32>} : memref<256x128xf32, #tpu.memory_space<vmem>>, vector<16xf32>,
      %mul3A_1002 = arith.mulf %get3A_996, %get3A_1001 : vector<16xf32>
      %mul3A_1003 = arith.mulf %mul3A_1002, %get3A_453 : vector<16xf32>
      %add3A_1004 = arith.addf %add3A_991, %mul3A_1003 : vector<16xf32>
      %add3A_1005 = arith.constant 48 : i32
      %add3A_1006 = arith.addi %squeeze3A_961, %add3A_1005 : i32
      %get3A_1007 = arith.index_cast %add3A_959 : i32 to index
      %get3A_1008 = arith.index_cast %add3A_1006 : i32 to index
      %get3A_1009 = tpu.vector_load %arg12[%get3A_1007, %get3A_1008] {strides = array<i32>} : memref<256x128xf32, #tpu.memory_space<vmem>>, vector<16xf32>,
      %add3A_1010 = arith.constant 48 : i32
      %add3A_1011 = arith.addi %squeeze3A_963, %add3A_1010 : i32
      %get3A_1012 = arith.index_cast %add3A_959 : i32 to index
      %get3A_1013 = arith.index_cast %add3A_1011 : i32 to index
      %get3A_1014 = tpu.vector_load %arg13[%get3A_1012, %get3A_1013] {strides = array<i32>} : memref<256x128xf32, #tpu.memory_space<vmem>>, vector<16xf32>,
      %mul3A_1015 = arith.mulf %get3A_1009, %get3A_1014 : vector<16xf32>
      %mul3A_1016 = arith.mulf %mul3A_1015, %get3A_455 : vector<16xf32>
      %add3A_1017 = arith.addf %add3A_1004, %mul3A_1016 : vector<16xf32>
      %mul3A_1018 = arith.constant 16 : i32
      %mul3A_1019 = vector.broadcast %mul3A_1018 : i32 to vector<16xi32>
      %mul3A_1020 = arith.muli %iota3A, %mul3A_1019 : vector<16xi32>
      %add3A_1021 = arith.constant 5 : i32
      %add3A_1022 = vector.broadcast %add3A_1021 : i32 to vector<16xi32>
      %add3A_1023 = arith.addi %mul3A_1020, %add3A_1022 : vector<16xi32>
      tpu.vector_store_idx %arg16[%add3A_1023], %add3A_1017 : memref<256xf32, #tpu.memory_space<vmem>>[vector<16xi32>], vector<16xf32>,
      %mul3A_1024 = arith.constant 16 : i32
      %mul3A_1025 = arith.muli %scan3A_593, %mul3A_1024 : i32
      %add3A_1026 = arith.constant 6 : i32
      %add3A_1027 = arith.addi %mul3A_1025, %add3A_1026 : i32
      %slice3A_1028 = vector.extract_strided_slice %mul3A_604 {offsets = [6], sizes = [1], strides = [1]} : vector<16xi32> to vector<1xi32>
      %squeeze3A_1029 = vector.extract %slice3A_1028[0] : i32 from vector<1xi32>
      %slice3A_1030 = vector.extract_strided_slice %mul3A_616 {offsets = [6], sizes = [1], strides = [1]} : vector<16xi32> to vector<1xi32>
      %squeeze3A_1031 = vector.extract %slice3A_1030[0] : i32 from vector<1xi32>
      %broadcast_in_dim3A_1032 = arith.constant 0.000000e+00 : f32
      %broadcast_in_dim3A_1033 = vector.broadcast %broadcast_in_dim3A_1032 : f32 to vector<16xf32>
      %add3A_1034 = arith.constant 0 : i32
      %add3A_1035 = arith.addi %squeeze3A_1029, %add3A_1034 : i32
      %get3A_1036 = arith.index_cast %add3A_1027 : i32 to index
      %get3A_1037 = arith.index_cast %add3A_1035 : i32 to index
      %get3A_1038 = tpu.vector_load %arg12[%get3A_1036, %get3A_1037] {strides = array<i32>} : memref<256x128xf32, #tpu.memory_space<vmem>>, vector<16xf32>,
      %add3A_1039 = arith.constant 0 : i32
      %add3A_1040 = arith.addi %squeeze3A_1031, %add3A_1039 : i32
      %get3A_1041 = arith.index_cast %add3A_1027 : i32 to index
      %get3A_1042 = arith.index_cast %add3A_1040 : i32 to index
      %get3A_1043 = tpu.vector_load %arg13[%get3A_1041, %get3A_1042] {strides = array<i32>} : memref<256x128xf32, #tpu.memory_space<vmem>>, vector<16xf32>,
      %mul3A_1044 = arith.mulf %get3A_1038, %get3A_1043 : vector<16xf32>
      %mul3A_1045 = arith.mulf %mul3A_1044, %get3A_449 : vector<16xf32>
      %add3A_1046 = arith.addf %broadcast_in_dim3A_1033, %mul3A_1045 : vector<16xf32>
      %add3A_1047 = arith.constant 16 : i32
      %add3A_1048 = arith.addi %squeeze3A_1029, %add3A_1047 : i32
      %get3A_1049 = arith.index_cast %add3A_1027 : i32 to index
      %get3A_1050 = arith.index_cast %add3A_1048 : i32 to index
      %get3A_1051 = tpu.vector_load %arg12[%get3A_1049, %get3A_1050] {strides = array<i32>} : memref<256x128xf32, #tpu.memory_space<vmem>>, vector<16xf32>,
      %add3A_1052 = arith.constant 16 : i32
      %add3A_1053 = arith.addi %squeeze3A_1031, %add3A_1052 : i32
      %get3A_1054 = arith.index_cast %add3A_1027 : i32 to index
      %get3A_1055 = arith.index_cast %add3A_1053 : i32 to index
      %get3A_1056 = tpu.vector_load %arg13[%get3A_1054, %get3A_1055] {strides = array<i32>} : memref<256x128xf32, #tpu.memory_space<vmem>>, vector<16xf32>,
      %mul3A_1057 = arith.mulf %get3A_1051, %get3A_1056 : vector<16xf32>
      %mul3A_1058 = arith.mulf %mul3A_1057, %get3A_451 : vector<16xf32>
      %add3A_1059 = arith.addf %add3A_1046, %mul3A_1058 : vector<16xf32>
      %add3A_1060 = arith.constant 32 : i32
      %add3A_1061 = arith.addi %squeeze3A_1029, %add3A_1060 : i32
      %get3A_1062 = arith.index_cast %add3A_1027 : i32 to index
      %get3A_1063 = arith.index_cast %add3A_1061 : i32 to index
      %get3A_1064 = tpu.vector_load %arg12[%get3A_1062, %get3A_1063] {strides = array<i32>} : memref<256x128xf32, #tpu.memory_space<vmem>>, vector<16xf32>,
      %add3A_1065 = arith.constant 32 : i32
      %add3A_1066 = arith.addi %squeeze3A_1031, %add3A_1065 : i32
      %get3A_1067 = arith.index_cast %add3A_1027 : i32 to index
      %get3A_1068 = arith.index_cast %add3A_1066 : i32 to index
      %get3A_1069 = tpu.vector_load %arg13[%get3A_1067, %get3A_1068] {strides = array<i32>} : memref<256x128xf32, #tpu.memory_space<vmem>>, vector<16xf32>,
      %mul3A_1070 = arith.mulf %get3A_1064, %get3A_1069 : vector<16xf32>
      %mul3A_1071 = arith.mulf %mul3A_1070, %get3A_453 : vector<16xf32>
      %add3A_1072 = arith.addf %add3A_1059, %mul3A_1071 : vector<16xf32>
      %add3A_1073 = arith.constant 48 : i32
      %add3A_1074 = arith.addi %squeeze3A_1029, %add3A_1073 : i32
      %get3A_1075 = arith.index_cast %add3A_1027 : i32 to index
      %get3A_1076 = arith.index_cast %add3A_1074 : i32 to index
      %get3A_1077 = tpu.vector_load %arg12[%get3A_1075, %get3A_1076] {strides = array<i32>} : memref<256x128xf32, #tpu.memory_space<vmem>>, vector<16xf32>,
      %add3A_1078 = arith.constant 48 : i32
      %add3A_1079 = arith.addi %squeeze3A_1031, %add3A_1078 : i32
      %get3A_1080 = arith.index_cast %add3A_1027 : i32 to index
      %get3A_1081 = arith.index_cast %add3A_1079 : i32 to index
      %get3A_1082 = tpu.vector_load %arg13[%get3A_1080, %get3A_1081] {strides = array<i32>} : memref<256x128xf32, #tpu.memory_space<vmem>>, vector<16xf32>,
      %mul3A_1083 = arith.mulf %get3A_1077, %get3A_1082 : vector<16xf32>
      %mul3A_1084 = arith.mulf %mul3A_1083, %get3A_455 : vector<16xf32>
      %add3A_1085 = arith.addf %add3A_1072, %mul3A_1084 : vector<16xf32>
      %mul3A_1086 = arith.constant 16 : i32
      %mul3A_1087 = vector.broadcast %mul3A_1086 : i32 to vector<16xi32>
      %mul3A_1088 = arith.muli %iota3A, %mul3A_1087 : vector<16xi32>
      %add3A_1089 = arith.constant 6 : i32
      %add3A_1090 = vector.broadcast %add3A_1089 : i32 to vector<16xi32>
      %add3A_1091 = arith.addi %mul3A_1088, %add3A_1090 : vector<16xi32>
      tpu.vector_store_idx %arg16[%add3A_1091], %add3A_1085 : memref<256xf32, #tpu.memory_space<vmem>>[vector<16xi32>], vector<16xf32>,
      %mul3A_1092 = arith.constant 16 : i32
      %mul3A_1093 = arith.muli %scan3A_593, %mul3A_1092 : i32
      %add3A_1094 = arith.constant 7 : i32
      %add3A_1095 = arith.addi %mul3A_1093, %add3A_1094 : i32
      %slice3A_1096 = vector.extract_strided_slice %mul3A_604 {offsets = [7], sizes = [1], strides = [1]} : vector<16xi32> to vector<1xi32>
      %squeeze3A_1097 = vector.extract %slice3A_1096[0] : i32 from vector<1xi32>
      %slice3A_1098 = vector.extract_strided_slice %mul3A_616 {offsets = [7], sizes = [1], strides = [1]} : vector<16xi32> to vector<1xi32>
      %squeeze3A_1099 = vector.extract %slice3A_1098[0] : i32 from vector<1xi32>
      %broadcast_in_dim3A_1100 = arith.constant 0.000000e+00 : f32
      %broadcast_in_dim3A_1101 = vector.broadcast %broadcast_in_dim3A_1100 : f32 to vector<16xf32>
      %add3A_1102 = arith.constant 0 : i32
      %add3A_1103 = arith.addi %squeeze3A_1097, %add3A_1102 : i32
      %get3A_1104 = arith.index_cast %add3A_1095 : i32 to index
      %get3A_1105 = arith.index_cast %add3A_1103 : i32 to index
      %get3A_1106 = tpu.vector_load %arg12[%get3A_1104, %get3A_1105] {strides = array<i32>} : memref<256x128xf32, #tpu.memory_space<vmem>>, vector<16xf32>,
      %add3A_1107 = arith.constant 0 : i32
      %add3A_1108 = arith.addi %squeeze3A_1099, %add3A_1107 : i32
      %get3A_1109 = arith.index_cast %add3A_1095 : i32 to index
      %get3A_1110 = arith.index_cast %add3A_1108 : i32 to index
      %get3A_1111 = tpu.vector_load %arg13[%get3A_1109, %get3A_1110] {strides = array<i32>} : memref<256x128xf32, #tpu.memory_space<vmem>>, vector<16xf32>,
      %mul3A_1112 = arith.mulf %get3A_1106, %get3A_1111 : vector<16xf32>
      %mul3A_1113 = arith.mulf %mul3A_1112, %get3A_449 : vector<16xf32>
      %add3A_1114 = arith.addf %broadcast_in_dim3A_1101, %mul3A_1113 : vector<16xf32>
      %add3A_1115 = arith.constant 16 : i32
      %add3A_1116 = arith.addi %squeeze3A_1097, %add3A_1115 : i32
      %get3A_1117 = arith.index_cast %add3A_1095 : i32 to index
      %get3A_1118 = arith.index_cast %add3A_1116 : i32 to index
      %get3A_1119 = tpu.vector_load %arg12[%get3A_1117, %get3A_1118] {strides = array<i32>} : memref<256x128xf32, #tpu.memory_space<vmem>>, vector<16xf32>,
      %add3A_1120 = arith.constant 16 : i32
      %add3A_1121 = arith.addi %squeeze3A_1099, %add3A_1120 : i32
      %get3A_1122 = arith.index_cast %add3A_1095 : i32 to index
      %get3A_1123 = arith.index_cast %add3A_1121 : i32 to index
      %get3A_1124 = tpu.vector_load %arg13[%get3A_1122, %get3A_1123] {strides = array<i32>} : memref<256x128xf32, #tpu.memory_space<vmem>>, vector<16xf32>,
      %mul3A_1125 = arith.mulf %get3A_1119, %get3A_1124 : vector<16xf32>
      %mul3A_1126 = arith.mulf %mul3A_1125, %get3A_451 : vector<16xf32>
      %add3A_1127 = arith.addf %add3A_1114, %mul3A_1126 : vector<16xf32>
      %add3A_1128 = arith.constant 32 : i32
      %add3A_1129 = arith.addi %squeeze3A_1097, %add3A_1128 : i32
      %get3A_1130 = arith.index_cast %add3A_1095 : i32 to index
      %get3A_1131 = arith.index_cast %add3A_1129 : i32 to index
      %get3A_1132 = tpu.vector_load %arg12[%get3A_1130, %get3A_1131] {strides = array<i32>} : memref<256x128xf32, #tpu.memory_space<vmem>>, vector<16xf32>,
      %add3A_1133 = arith.constant 32 : i32
      %add3A_1134 = arith.addi %squeeze3A_1099, %add3A_1133 : i32
      %get3A_1135 = arith.index_cast %add3A_1095 : i32 to index
      %get3A_1136 = arith.index_cast %add3A_1134 : i32 to index
      %get3A_1137 = tpu.vector_load %arg13[%get3A_1135, %get3A_1136] {strides = array<i32>} : memref<256x128xf32, #tpu.memory_space<vmem>>, vector<16xf32>,
      %mul3A_1138 = arith.mulf %get3A_1132, %get3A_1137 : vector<16xf32>
      %mul3A_1139 = arith.mulf %mul3A_1138, %get3A_453 : vector<16xf32>
      %add3A_1140 = arith.addf %add3A_1127, %mul3A_1139 : vector<16xf32>
      %add3A_1141 = arith.constant 48 : i32
      %add3A_1142 = arith.addi %squeeze3A_1097, %add3A_1141 : i32
      %get3A_1143 = arith.index_cast %add3A_1095 : i32 to index
      %get3A_1144 = arith.index_cast %add3A_1142 : i32 to index
      %get3A_1145 = tpu.vector_load %arg12[%get3A_1143, %get3A_1144] {strides = array<i32>} : memref<256x128xf32, #tpu.memory_space<vmem>>, vector<16xf32>,
      %add3A_1146 = arith.constant 48 : i32
      %add3A_1147 = arith.addi %squeeze3A_1099, %add3A_1146 : i32
      %get3A_1148 = arith.index_cast %add3A_1095 : i32 to index
      %get3A_1149 = arith.index_cast %add3A_1147 : i32 to index
      %get3A_1150 = tpu.vector_load %arg13[%get3A_1148, %get3A_1149] {strides = array<i32>} : memref<256x128xf32, #tpu.memory_space<vmem>>, vector<16xf32>,
      %mul3A_1151 = arith.mulf %get3A_1145, %get3A_1150 : vector<16xf32>
      %mul3A_1152 = arith.mulf %mul3A_1151, %get3A_455 : vector<16xf32>
      %add3A_1153 = arith.addf %add3A_1140, %mul3A_1152 : vector<16xf32>
      %mul3A_1154 = arith.constant 16 : i32
      %mul3A_1155 = vector.broadcast %mul3A_1154 : i32 to vector<16xi32>
      %mul3A_1156 = arith.muli %iota3A, %mul3A_1155 : vector<16xi32>
      %add3A_1157 = arith.constant 7 : i32
      %add3A_1158 = vector.broadcast %add3A_1157 : i32 to vector<16xi32>
      %add3A_1159 = arith.addi %mul3A_1156, %add3A_1158 : vector<16xi32>
      tpu.vector_store_idx %arg16[%add3A_1159], %add3A_1153 : memref<256xf32, #tpu.memory_space<vmem>>[vector<16xi32>], vector<16xf32>,
      %mul3A_1160 = arith.constant 16 : i32
      %mul3A_1161 = arith.muli %scan3A_593, %mul3A_1160 : i32
      %add3A_1162 = arith.constant 8 : i32
      %add3A_1163 = arith.addi %mul3A_1161, %add3A_1162 : i32
      %slice3A_1164 = vector.extract_strided_slice %mul3A_604 {offsets = [8], sizes = [1], strides = [1]} : vector<16xi32> to vector<1xi32>
      %squeeze3A_1165 = vector.extract %slice3A_1164[0] : i32 from vector<1xi32>
      %slice3A_1166 = vector.extract_strided_slice %mul3A_616 {offsets = [8], sizes = [1], strides = [1]} : vector<16xi32> to vector<1xi32>
      %squeeze3A_1167 = vector.extract %slice3A_1166[0] : i32 from vector<1xi32>
      %broadcast_in_dim3A_1168 = arith.constant 0.000000e+00 : f32
      %broadcast_in_dim3A_1169 = vector.broadcast %broadcast_in_dim3A_1168 : f32 to vector<16xf32>
      %add3A_1170 = arith.constant 0 : i32
      %add3A_1171 = arith.addi %squeeze3A_1165, %add3A_1170 : i32
      %get3A_1172 = arith.index_cast %add3A_1163 : i32 to index
      %get3A_1173 = arith.index_cast %add3A_1171 : i32 to index
      %get3A_1174 = tpu.vector_load %arg12[%get3A_1172, %get3A_1173] {strides = array<i32>} : memref<256x128xf32, #tpu.memory_space<vmem>>, vector<16xf32>,
      %add3A_1175 = arith.constant 0 : i32
      %add3A_1176 = arith.addi %squeeze3A_1167, %add3A_1175 : i32
      %get3A_1177 = arith.index_cast %add3A_1163 : i32 to index
      %get3A_1178 = arith.index_cast %add3A_1176 : i32 to index
      %get3A_1179 = tpu.vector_load %arg13[%get3A_1177, %get3A_1178] {strides = array<i32>} : memref<256x128xf32, #tpu.memory_space<vmem>>, vector<16xf32>,
      %mul3A_1180 = arith.mulf %get3A_1174, %get3A_1179 : vector<16xf32>
      %mul3A_1181 = arith.mulf %mul3A_1180, %get3A_449 : vector<16xf32>
      %add3A_1182 = arith.addf %broadcast_in_dim3A_1169, %mul3A_1181 : vector<16xf32>
      %add3A_1183 = arith.constant 16 : i32
      %add3A_1184 = arith.addi %squeeze3A_1165, %add3A_1183 : i32
      %get3A_1185 = arith.index_cast %add3A_1163 : i32 to index
      %get3A_1186 = arith.index_cast %add3A_1184 : i32 to index
      %get3A_1187 = tpu.vector_load %arg12[%get3A_1185, %get3A_1186] {strides = array<i32>} : memref<256x128xf32, #tpu.memory_space<vmem>>, vector<16xf32>,
      %add3A_1188 = arith.constant 16 : i32
      %add3A_1189 = arith.addi %squeeze3A_1167, %add3A_1188 : i32
      %get3A_1190 = arith.index_cast %add3A_1163 : i32 to index
      %get3A_1191 = arith.index_cast %add3A_1189 : i32 to index
      %get3A_1192 = tpu.vector_load %arg13[%get3A_1190, %get3A_1191] {strides = array<i32>} : memref<256x128xf32, #tpu.memory_space<vmem>>, vector<16xf32>,
      %mul3A_1193 = arith.mulf %get3A_1187, %get3A_1192 : vector<16xf32>
      %mul3A_1194 = arith.mulf %mul3A_1193, %get3A_451 : vector<16xf32>
      %add3A_1195 = arith.addf %add3A_1182, %mul3A_1194 : vector<16xf32>
      %add3A_1196 = arith.constant 32 : i32
      %add3A_1197 = arith.addi %squeeze3A_1165, %add3A_1196 : i32
      %get3A_1198 = arith.index_cast %add3A_1163 : i32 to index
      %get3A_1199 = arith.index_cast %add3A_1197 : i32 to index
      %get3A_1200 = tpu.vector_load %arg12[%get3A_1198, %get3A_1199] {strides = array<i32>} : memref<256x128xf32, #tpu.memory_space<vmem>>, vector<16xf32>,
      %add3A_1201 = arith.constant 32 : i32
      %add3A_1202 = arith.addi %squeeze3A_1167, %add3A_1201 : i32
      %get3A_1203 = arith.index_cast %add3A_1163 : i32 to index
      %get3A_1204 = arith.index_cast %add3A_1202 : i32 to index
      %get3A_1205 = tpu.vector_load %arg13[%get3A_1203, %get3A_1204] {strides = array<i32>} : memref<256x128xf32, #tpu.memory_space<vmem>>, vector<16xf32>,
      %mul3A_1206 = arith.mulf %get3A_1200, %get3A_1205 : vector<16xf32>
      %mul3A_1207 = arith.mulf %mul3A_1206, %get3A_453 : vector<16xf32>
      %add3A_1208 = arith.addf %add3A_1195, %mul3A_1207 : vector<16xf32>
      %add3A_1209 = arith.constant 48 : i32
      %add3A_1210 = arith.addi %squeeze3A_1165, %add3A_1209 : i32
      %get3A_1211 = arith.index_cast %add3A_1163 : i32 to index
      %get3A_1212 = arith.index_cast %add3A_1210 : i32 to index
      %get3A_1213 = tpu.vector_load %arg12[%get3A_1211, %get3A_1212] {strides = array<i32>} : memref<256x128xf32, #tpu.memory_space<vmem>>, vector<16xf32>,
      %add3A_1214 = arith.constant 48 : i32
      %add3A_1215 = arith.addi %squeeze3A_1167, %add3A_1214 : i32
      %get3A_1216 = arith.index_cast %add3A_1163 : i32 to index
      %get3A_1217 = arith.index_cast %add3A_1215 : i32 to index
      %get3A_1218 = tpu.vector_load %arg13[%get3A_1216, %get3A_1217] {strides = array<i32>} : memref<256x128xf32, #tpu.memory_space<vmem>>, vector<16xf32>,
      %mul3A_1219 = arith.mulf %get3A_1213, %get3A_1218 : vector<16xf32>
      %mul3A_1220 = arith.mulf %mul3A_1219, %get3A_455 : vector<16xf32>
      %add3A_1221 = arith.addf %add3A_1208, %mul3A_1220 : vector<16xf32>
      %mul3A_1222 = arith.constant 16 : i32
      %mul3A_1223 = vector.broadcast %mul3A_1222 : i32 to vector<16xi32>
      %mul3A_1224 = arith.muli %iota3A, %mul3A_1223 : vector<16xi32>
      %add3A_1225 = arith.constant 8 : i32
      %add3A_1226 = vector.broadcast %add3A_1225 : i32 to vector<16xi32>
      %add3A_1227 = arith.addi %mul3A_1224, %add3A_1226 : vector<16xi32>
      tpu.vector_store_idx %arg16[%add3A_1227], %add3A_1221 : memref<256xf32, #tpu.memory_space<vmem>>[vector<16xi32>], vector<16xf32>,
      %mul3A_1228 = arith.constant 16 : i32
      %mul3A_1229 = arith.muli %scan3A_593, %mul3A_1228 : i32
      %add3A_1230 = arith.constant 9 : i32
      %add3A_1231 = arith.addi %mul3A_1229, %add3A_1230 : i32
      %slice3A_1232 = vector.extract_strided_slice %mul3A_604 {offsets = [9], sizes = [1], strides = [1]} : vector<16xi32> to vector<1xi32>
      %squeeze3A_1233 = vector.extract %slice3A_1232[0] : i32 from vector<1xi32>
      %slice3A_1234 = vector.extract_strided_slice %mul3A_616 {offsets = [9], sizes = [1], strides = [1]} : vector<16xi32> to vector<1xi32>
      %squeeze3A_1235 = vector.extract %slice3A_1234[0] : i32 from vector<1xi32>
      %broadcast_in_dim3A_1236 = arith.constant 0.000000e+00 : f32
      %broadcast_in_dim3A_1237 = vector.broadcast %broadcast_in_dim3A_1236 : f32 to vector<16xf32>
      %add3A_1238 = arith.constant 0 : i32
      %add3A_1239 = arith.addi %squeeze3A_1233, %add3A_1238 : i32
      %get3A_1240 = arith.index_cast %add3A_1231 : i32 to index
      %get3A_1241 = arith.index_cast %add3A_1239 : i32 to index
      %get3A_1242 = tpu.vector_load %arg12[%get3A_1240, %get3A_1241] {strides = array<i32>} : memref<256x128xf32, #tpu.memory_space<vmem>>, vector<16xf32>,
      %add3A_1243 = arith.constant 0 : i32
      %add3A_1244 = arith.addi %squeeze3A_1235, %add3A_1243 : i32
      %get3A_1245 = arith.index_cast %add3A_1231 : i32 to index
      %get3A_1246 = arith.index_cast %add3A_1244 : i32 to index
      %get3A_1247 = tpu.vector_load %arg13[%get3A_1245, %get3A_1246] {strides = array<i32>} : memref<256x128xf32, #tpu.memory_space<vmem>>, vector<16xf32>,
      %mul3A_1248 = arith.mulf %get3A_1242, %get3A_1247 : vector<16xf32>
      %mul3A_1249 = arith.mulf %mul3A_1248, %get3A_449 : vector<16xf32>
      %add3A_1250 = arith.addf %broadcast_in_dim3A_1237, %mul3A_1249 : vector<16xf32>
      %add3A_1251 = arith.constant 16 : i32
      %add3A_1252 = arith.addi %squeeze3A_1233, %add3A_1251 : i32
      %get3A_1253 = arith.index_cast %add3A_1231 : i32 to index
      %get3A_1254 = arith.index_cast %add3A_1252 : i32 to index
      %get3A_1255 = tpu.vector_load %arg12[%get3A_1253, %get3A_1254] {strides = array<i32>} : memref<256x128xf32, #tpu.memory_space<vmem>>, vector<16xf32>,
      %add3A_1256 = arith.constant 16 : i32
      %add3A_1257 = arith.addi %squeeze3A_1235, %add3A_1256 : i32
      %get3A_1258 = arith.index_cast %add3A_1231 : i32 to index
      %get3A_1259 = arith.index_cast %add3A_1257 : i32 to index
      %get3A_1260 = tpu.vector_load %arg13[%get3A_1258, %get3A_1259] {strides = array<i32>} : memref<256x128xf32, #tpu.memory_space<vmem>>, vector<16xf32>,
      %mul3A_1261 = arith.mulf %get3A_1255, %get3A_1260 : vector<16xf32>
      %mul3A_1262 = arith.mulf %mul3A_1261, %get3A_451 : vector<16xf32>
      %add3A_1263 = arith.addf %add3A_1250, %mul3A_1262 : vector<16xf32>
      %add3A_1264 = arith.constant 32 : i32
      %add3A_1265 = arith.addi %squeeze3A_1233, %add3A_1264 : i32
      %get3A_1266 = arith.index_cast %add3A_1231 : i32 to index
      %get3A_1267 = arith.index_cast %add3A_1265 : i32 to index
      %get3A_1268 = tpu.vector_load %arg12[%get3A_1266, %get3A_1267] {strides = array<i32>} : memref<256x128xf32, #tpu.memory_space<vmem>>, vector<16xf32>,
      %add3A_1269 = arith.constant 32 : i32
      %add3A_1270 = arith.addi %squeeze3A_1235, %add3A_1269 : i32
      %get3A_1271 = arith.index_cast %add3A_1231 : i32 to index
      %get3A_1272 = arith.index_cast %add3A_1270 : i32 to index
      %get3A_1273 = tpu.vector_load %arg13[%get3A_1271, %get3A_1272] {strides = array<i32>} : memref<256x128xf32, #tpu.memory_space<vmem>>, vector<16xf32>,
      %mul3A_1274 = arith.mulf %get3A_1268, %get3A_1273 : vector<16xf32>
      %mul3A_1275 = arith.mulf %mul3A_1274, %get3A_453 : vector<16xf32>
      %add3A_1276 = arith.addf %add3A_1263, %mul3A_1275 : vector<16xf32>
      %add3A_1277 = arith.constant 48 : i32
      %add3A_1278 = arith.addi %squeeze3A_1233, %add3A_1277 : i32
      %get3A_1279 = arith.index_cast %add3A_1231 : i32 to index
      %get3A_1280 = arith.index_cast %add3A_1278 : i32 to index
      %get3A_1281 = tpu.vector_load %arg12[%get3A_1279, %get3A_1280] {strides = array<i32>} : memref<256x128xf32, #tpu.memory_space<vmem>>, vector<16xf32>,
      %add3A_1282 = arith.constant 48 : i32
      %add3A_1283 = arith.addi %squeeze3A_1235, %add3A_1282 : i32
      %get3A_1284 = arith.index_cast %add3A_1231 : i32 to index
      %get3A_1285 = arith.index_cast %add3A_1283 : i32 to index
      %get3A_1286 = tpu.vector_load %arg13[%get3A_1284, %get3A_1285] {strides = array<i32>} : memref<256x128xf32, #tpu.memory_space<vmem>>, vector<16xf32>,
      %mul3A_1287 = arith.mulf %get3A_1281, %get3A_1286 : vector<16xf32>
      %mul3A_1288 = arith.mulf %mul3A_1287, %get3A_455 : vector<16xf32>
      %add3A_1289 = arith.addf %add3A_1276, %mul3A_1288 : vector<16xf32>
      %mul3A_1290 = arith.constant 16 : i32
      %mul3A_1291 = vector.broadcast %mul3A_1290 : i32 to vector<16xi32>
      %mul3A_1292 = arith.muli %iota3A, %mul3A_1291 : vector<16xi32>
      %add3A_1293 = arith.constant 9 : i32
      %add3A_1294 = vector.broadcast %add3A_1293 : i32 to vector<16xi32>
      %add3A_1295 = arith.addi %mul3A_1292, %add3A_1294 : vector<16xi32>
      tpu.vector_store_idx %arg16[%add3A_1295], %add3A_1289 : memref<256xf32, #tpu.memory_space<vmem>>[vector<16xi32>], vector<16xf32>,
      %mul3A_1296 = arith.constant 16 : i32
      %mul3A_1297 = arith.muli %scan3A_593, %mul3A_1296 : i32
      %add3A_1298 = arith.constant 10 : i32
      %add3A_1299 = arith.addi %mul3A_1297, %add3A_1298 : i32
      %slice3A_1300 = vector.extract_strided_slice %mul3A_604 {offsets = [10], sizes = [1], strides = [1]} : vector<16xi32> to vector<1xi32>
      %squeeze3A_1301 = vector.extract %slice3A_1300[0] : i32 from vector<1xi32>
      %slice3A_1302 = vector.extract_strided_slice %mul3A_616 {offsets = [10], sizes = [1], strides = [1]} : vector<16xi32> to vector<1xi32>
      %squeeze3A_1303 = vector.extract %slice3A_1302[0] : i32 from vector<1xi32>
      %broadcast_in_dim3A_1304 = arith.constant 0.000000e+00 : f32
      %broadcast_in_dim3A_1305 = vector.broadcast %broadcast_in_dim3A_1304 : f32 to vector<16xf32>
      %add3A_1306 = arith.constant 0 : i32
      %add3A_1307 = arith.addi %squeeze3A_1301, %add3A_1306 : i32
      %get3A_1308 = arith.index_cast %add3A_1299 : i32 to index
      %get3A_1309 = arith.index_cast %add3A_1307 : i32 to index
      %get3A_1310 = tpu.vector_load %arg12[%get3A_1308, %get3A_1309] {strides = array<i32>} : memref<256x128xf32, #tpu.memory_space<vmem>>, vector<16xf32>,
      %add3A_1311 = arith.constant 0 : i32
      %add3A_1312 = arith.addi %squeeze3A_1303, %add3A_1311 : i32
      %get3A_1313 = arith.index_cast %add3A_1299 : i32 to index
      %get3A_1314 = arith.index_cast %add3A_1312 : i32 to index
      %get3A_1315 = tpu.vector_load %arg13[%get3A_1313, %get3A_1314] {strides = array<i32>} : memref<256x128xf32, #tpu.memory_space<vmem>>, vector<16xf32>,
      %mul3A_1316 = arith.mulf %get3A_1310, %get3A_1315 : vector<16xf32>
      %mul3A_1317 = arith.mulf %mul3A_1316, %get3A_449 : vector<16xf32>
      %add3A_1318 = arith.addf %broadcast_in_dim3A_1305, %mul3A_1317 : vector<16xf32>
      %add3A_1319 = arith.constant 16 : i32
      %add3A_1320 = arith.addi %squeeze3A_1301, %add3A_1319 : i32
      %get3A_1321 = arith.index_cast %add3A_1299 : i32 to index
      %get3A_1322 = arith.index_cast %add3A_1320 : i32 to index
      %get3A_1323 = tpu.vector_load %arg12[%get3A_1321, %get3A_1322] {strides = array<i32>} : memref<256x128xf32, #tpu.memory_space<vmem>>, vector<16xf32>,
      %add3A_1324 = arith.constant 16 : i32
      %add3A_1325 = arith.addi %squeeze3A_1303, %add3A_1324 : i32
      %get3A_1326 = arith.index_cast %add3A_1299 : i32 to index
      %get3A_1327 = arith.index_cast %add3A_1325 : i32 to index
      %get3A_1328 = tpu.vector_load %arg13[%get3A_1326, %get3A_1327] {strides = array<i32>} : memref<256x128xf32, #tpu.memory_space<vmem>>, vector<16xf32>,
      %mul3A_1329 = arith.mulf %get3A_1323, %get3A_1328 : vector<16xf32>
      %mul3A_1330 = arith.mulf %mul3A_1329, %get3A_451 : vector<16xf32>
      %add3A_1331 = arith.addf %add3A_1318, %mul3A_1330 : vector<16xf32>
      %add3A_1332 = arith.constant 32 : i32
      %add3A_1333 = arith.addi %squeeze3A_1301, %add3A_1332 : i32
      %get3A_1334 = arith.index_cast %add3A_1299 : i32 to index
      %get3A_1335 = arith.index_cast %add3A_1333 : i32 to index
      %get3A_1336 = tpu.vector_load %arg12[%get3A_1334, %get3A_1335] {strides = array<i32>} : memref<256x128xf32, #tpu.memory_space<vmem>>, vector<16xf32>,
      %add3A_1337 = arith.constant 32 : i32
      %add3A_1338 = arith.addi %squeeze3A_1303, %add3A_1337 : i32
      %get3A_1339 = arith.index_cast %add3A_1299 : i32 to index
      %get3A_1340 = arith.index_cast %add3A_1338 : i32 to index
      %get3A_1341 = tpu.vector_load %arg13[%get3A_1339, %get3A_1340] {strides = array<i32>} : memref<256x128xf32, #tpu.memory_space<vmem>>, vector<16xf32>,
      %mul3A_1342 = arith.mulf %get3A_1336, %get3A_1341 : vector<16xf32>
      %mul3A_1343 = arith.mulf %mul3A_1342, %get3A_453 : vector<16xf32>
      %add3A_1344 = arith.addf %add3A_1331, %mul3A_1343 : vector<16xf32>
      %add3A_1345 = arith.constant 48 : i32
      %add3A_1346 = arith.addi %squeeze3A_1301, %add3A_1345 : i32
      %get3A_1347 = arith.index_cast %add3A_1299 : i32 to index
      %get3A_1348 = arith.index_cast %add3A_1346 : i32 to index
      %get3A_1349 = tpu.vector_load %arg12[%get3A_1347, %get3A_1348] {strides = array<i32>} : memref<256x128xf32, #tpu.memory_space<vmem>>, vector<16xf32>,
      %add3A_1350 = arith.constant 48 : i32
      %add3A_1351 = arith.addi %squeeze3A_1303, %add3A_1350 : i32
      %get3A_1352 = arith.index_cast %add3A_1299 : i32 to index
      %get3A_1353 = arith.index_cast %add3A_1351 : i32 to index
      %get3A_1354 = tpu.vector_load %arg13[%get3A_1352, %get3A_1353] {strides = array<i32>} : memref<256x128xf32, #tpu.memory_space<vmem>>, vector<16xf32>,
      %mul3A_1355 = arith.mulf %get3A_1349, %get3A_1354 : vector<16xf32>
      %mul3A_1356 = arith.mulf %mul3A_1355, %get3A_455 : vector<16xf32>
      %add3A_1357 = arith.addf %add3A_1344, %mul3A_1356 : vector<16xf32>
      %mul3A_1358 = arith.constant 16 : i32
      %mul3A_1359 = vector.broadcast %mul3A_1358 : i32 to vector<16xi32>
      %mul3A_1360 = arith.muli %iota3A, %mul3A_1359 : vector<16xi32>
      %add3A_1361 = arith.constant 10 : i32
      %add3A_1362 = vector.broadcast %add3A_1361 : i32 to vector<16xi32>
      %add3A_1363 = arith.addi %mul3A_1360, %add3A_1362 : vector<16xi32>
      tpu.vector_store_idx %arg16[%add3A_1363], %add3A_1357 : memref<256xf32, #tpu.memory_space<vmem>>[vector<16xi32>], vector<16xf32>,
      %mul3A_1364 = arith.constant 16 : i32
      %mul3A_1365 = arith.muli %scan3A_593, %mul3A_1364 : i32
      %add3A_1366 = arith.constant 11 : i32
      %add3A_1367 = arith.addi %mul3A_1365, %add3A_1366 : i32
      %slice3A_1368 = vector.extract_strided_slice %mul3A_604 {offsets = [11], sizes = [1], strides = [1]} : vector<16xi32> to vector<1xi32>
      %squeeze3A_1369 = vector.extract %slice3A_1368[0] : i32 from vector<1xi32>
      %slice3A_1370 = vector.extract_strided_slice %mul3A_616 {offsets = [11], sizes = [1], strides = [1]} : vector<16xi32> to vector<1xi32>
      %squeeze3A_1371 = vector.extract %slice3A_1370[0] : i32 from vector<1xi32>
      %broadcast_in_dim3A_1372 = arith.constant 0.000000e+00 : f32
      %broadcast_in_dim3A_1373 = vector.broadcast %broadcast_in_dim3A_1372 : f32 to vector<16xf32>
      %add3A_1374 = arith.constant 0 : i32
      %add3A_1375 = arith.addi %squeeze3A_1369, %add3A_1374 : i32
      %get3A_1376 = arith.index_cast %add3A_1367 : i32 to index
      %get3A_1377 = arith.index_cast %add3A_1375 : i32 to index
      %get3A_1378 = tpu.vector_load %arg12[%get3A_1376, %get3A_1377] {strides = array<i32>} : memref<256x128xf32, #tpu.memory_space<vmem>>, vector<16xf32>,
      %add3A_1379 = arith.constant 0 : i32
      %add3A_1380 = arith.addi %squeeze3A_1371, %add3A_1379 : i32
      %get3A_1381 = arith.index_cast %add3A_1367 : i32 to index
      %get3A_1382 = arith.index_cast %add3A_1380 : i32 to index
      %get3A_1383 = tpu.vector_load %arg13[%get3A_1381, %get3A_1382] {strides = array<i32>} : memref<256x128xf32, #tpu.memory_space<vmem>>, vector<16xf32>,
      %mul3A_1384 = arith.mulf %get3A_1378, %get3A_1383 : vector<16xf32>
      %mul3A_1385 = arith.mulf %mul3A_1384, %get3A_449 : vector<16xf32>
      %add3A_1386 = arith.addf %broadcast_in_dim3A_1373, %mul3A_1385 : vector<16xf32>
      %add3A_1387 = arith.constant 16 : i32
      %add3A_1388 = arith.addi %squeeze3A_1369, %add3A_1387 : i32
      %get3A_1389 = arith.index_cast %add3A_1367 : i32 to index
      %get3A_1390 = arith.index_cast %add3A_1388 : i32 to index
      %get3A_1391 = tpu.vector_load %arg12[%get3A_1389, %get3A_1390] {strides = array<i32>} : memref<256x128xf32, #tpu.memory_space<vmem>>, vector<16xf32>,
      %add3A_1392 = arith.constant 16 : i32
      %add3A_1393 = arith.addi %squeeze3A_1371, %add3A_1392 : i32
      %get3A_1394 = arith.index_cast %add3A_1367 : i32 to index
      %get3A_1395 = arith.index_cast %add3A_1393 : i32 to index
      %get3A_1396 = tpu.vector_load %arg13[%get3A_1394, %get3A_1395] {strides = array<i32>} : memref<256x128xf32, #tpu.memory_space<vmem>>, vector<16xf32>,
      %mul3A_1397 = arith.mulf %get3A_1391, %get3A_1396 : vector<16xf32>
      %mul3A_1398 = arith.mulf %mul3A_1397, %get3A_451 : vector<16xf32>
      %add3A_1399 = arith.addf %add3A_1386, %mul3A_1398 : vector<16xf32>
      %add3A_1400 = arith.constant 32 : i32
      %add3A_1401 = arith.addi %squeeze3A_1369, %add3A_1400 : i32
      %get3A_1402 = arith.index_cast %add3A_1367 : i32 to index
      %get3A_1403 = arith.index_cast %add3A_1401 : i32 to index
      %get3A_1404 = tpu.vector_load %arg12[%get3A_1402, %get3A_1403] {strides = array<i32>} : memref<256x128xf32, #tpu.memory_space<vmem>>, vector<16xf32>,
      %add3A_1405 = arith.constant 32 : i32
      %add3A_1406 = arith.addi %squeeze3A_1371, %add3A_1405 : i32
      %get3A_1407 = arith.index_cast %add3A_1367 : i32 to index
      %get3A_1408 = arith.index_cast %add3A_1406 : i32 to index
      %get3A_1409 = tpu.vector_load %arg13[%get3A_1407, %get3A_1408] {strides = array<i32>} : memref<256x128xf32, #tpu.memory_space<vmem>>, vector<16xf32>,
      %mul3A_1410 = arith.mulf %get3A_1404, %get3A_1409 : vector<16xf32>
      %mul3A_1411 = arith.mulf %mul3A_1410, %get3A_453 : vector<16xf32>
      %add3A_1412 = arith.addf %add3A_1399, %mul3A_1411 : vector<16xf32>
      %add3A_1413 = arith.constant 48 : i32
      %add3A_1414 = arith.addi %squeeze3A_1369, %add3A_1413 : i32
      %get3A_1415 = arith.index_cast %add3A_1367 : i32 to index
      %get3A_1416 = arith.index_cast %add3A_1414 : i32 to index
      %get3A_1417 = tpu.vector_load %arg12[%get3A_1415, %get3A_1416] {strides = array<i32>} : memref<256x128xf32, #tpu.memory_space<vmem>>, vector<16xf32>,
      %add3A_1418 = arith.constant 48 : i32
      %add3A_1419 = arith.addi %squeeze3A_1371, %add3A_1418 : i32
      %get3A_1420 = arith.index_cast %add3A_1367 : i32 to index
      %get3A_1421 = arith.index_cast %add3A_1419 : i32 to index
      %get3A_1422 = tpu.vector_load %arg13[%get3A_1420, %get3A_1421] {strides = array<i32>} : memref<256x128xf32, #tpu.memory_space<vmem>>, vector<16xf32>,
      %mul3A_1423 = arith.mulf %get3A_1417, %get3A_1422 : vector<16xf32>
      %mul3A_1424 = arith.mulf %mul3A_1423, %get3A_455 : vector<16xf32>
      %add3A_1425 = arith.addf %add3A_1412, %mul3A_1424 : vector<16xf32>
      %mul3A_1426 = arith.constant 16 : i32
      %mul3A_1427 = vector.broadcast %mul3A_1426 : i32 to vector<16xi32>
      %mul3A_1428 = arith.muli %iota3A, %mul3A_1427 : vector<16xi32>
      %add3A_1429 = arith.constant 11 : i32
      %add3A_1430 = vector.broadcast %add3A_1429 : i32 to vector<16xi32>
      %add3A_1431 = arith.addi %mul3A_1428, %add3A_1430 : vector<16xi32>
      tpu.vector_store_idx %arg16[%add3A_1431], %add3A_1425 : memref<256xf32, #tpu.memory_space<vmem>>[vector<16xi32>], vector<16xf32>,
      %mul3A_1432 = arith.constant 16 : i32
      %mul3A_1433 = arith.muli %scan3A_593, %mul3A_1432 : i32
      %add3A_1434 = arith.constant 12 : i32
      %add3A_1435 = arith.addi %mul3A_1433, %add3A_1434 : i32
      %slice3A_1436 = vector.extract_strided_slice %mul3A_604 {offsets = [12], sizes = [1], strides = [1]} : vector<16xi32> to vector<1xi32>
      %squeeze3A_1437 = vector.extract %slice3A_1436[0] : i32 from vector<1xi32>
      %slice3A_1438 = vector.extract_strided_slice %mul3A_616 {offsets = [12], sizes = [1], strides = [1]} : vector<16xi32> to vector<1xi32>
      %squeeze3A_1439 = vector.extract %slice3A_1438[0] : i32 from vector<1xi32>
      %broadcast_in_dim3A_1440 = arith.constant 0.000000e+00 : f32
      %broadcast_in_dim3A_1441 = vector.broadcast %broadcast_in_dim3A_1440 : f32 to vector<16xf32>
      %add3A_1442 = arith.constant 0 : i32
      %add3A_1443 = arith.addi %squeeze3A_1437, %add3A_1442 : i32
      %get3A_1444 = arith.index_cast %add3A_1435 : i32 to index
      %get3A_1445 = arith.index_cast %add3A_1443 : i32 to index
      %get3A_1446 = tpu.vector_load %arg12[%get3A_1444, %get3A_1445] {strides = array<i32>} : memref<256x128xf32, #tpu.memory_space<vmem>>, vector<16xf32>,
      %add3A_1447 = arith.constant 0 : i32
      %add3A_1448 = arith.addi %squeeze3A_1439, %add3A_1447 : i32
      %get3A_1449 = arith.index_cast %add3A_1435 : i32 to index
      %get3A_1450 = arith.index_cast %add3A_1448 : i32 to index
      %get3A_1451 = tpu.vector_load %arg13[%get3A_1449, %get3A_1450] {strides = array<i32>} : memref<256x128xf32, #tpu.memory_space<vmem>>, vector<16xf32>,
      %mul3A_1452 = arith.mulf %get3A_1446, %get3A_1451 : vector<16xf32>
      %mul3A_1453 = arith.mulf %mul3A_1452, %get3A_449 : vector<16xf32>
      %add3A_1454 = arith.addf %broadcast_in_dim3A_1441, %mul3A_1453 : vector<16xf32>
      %add3A_1455 = arith.constant 16 : i32
      %add3A_1456 = arith.addi %squeeze3A_1437, %add3A_1455 : i32
      %get3A_1457 = arith.index_cast %add3A_1435 : i32 to index
      %get3A_1458 = arith.index_cast %add3A_1456 : i32 to index
      %get3A_1459 = tpu.vector_load %arg12[%get3A_1457, %get3A_1458] {strides = array<i32>} : memref<256x128xf32, #tpu.memory_space<vmem>>, vector<16xf32>,
      %add3A_1460 = arith.constant 16 : i32
      %add3A_1461 = arith.addi %squeeze3A_1439, %add3A_1460 : i32
      %get3A_1462 = arith.index_cast %add3A_1435 : i32 to index
      %get3A_1463 = arith.index_cast %add3A_1461 : i32 to index
      %get3A_1464 = tpu.vector_load %arg13[%get3A_1462, %get3A_1463] {strides = array<i32>} : memref<256x128xf32, #tpu.memory_space<vmem>>, vector<16xf32>,
      %mul3A_1465 = arith.mulf %get3A_1459, %get3A_1464 : vector<16xf32>
      %mul3A_1466 = arith.mulf %mul3A_1465, %get3A_451 : vector<16xf32>
      %add3A_1467 = arith.addf %add3A_1454, %mul3A_1466 : vector<16xf32>
      %add3A_1468 = arith.constant 32 : i32
      %add3A_1469 = arith.addi %squeeze3A_1437, %add3A_1468 : i32
      %get3A_1470 = arith.index_cast %add3A_1435 : i32 to index
      %get3A_1471 = arith.index_cast %add3A_1469 : i32 to index
      %get3A_1472 = tpu.vector_load %arg12[%get3A_1470, %get3A_1471] {strides = array<i32>} : memref<256x128xf32, #tpu.memory_space<vmem>>, vector<16xf32>,
      %add3A_1473 = arith.constant 32 : i32
      %add3A_1474 = arith.addi %squeeze3A_1439, %add3A_1473 : i32
      %get3A_1475 = arith.index_cast %add3A_1435 : i32 to index
      %get3A_1476 = arith.index_cast %add3A_1474 : i32 to index
      %get3A_1477 = tpu.vector_load %arg13[%get3A_1475, %get3A_1476] {strides = array<i32>} : memref<256x128xf32, #tpu.memory_space<vmem>>, vector<16xf32>,
      %mul3A_1478 = arith.mulf %get3A_1472, %get3A_1477 : vector<16xf32>
      %mul3A_1479 = arith.mulf %mul3A_1478, %get3A_453 : vector<16xf32>
      %add3A_1480 = arith.addf %add3A_1467, %mul3A_1479 : vector<16xf32>
      %add3A_1481 = arith.constant 48 : i32
      %add3A_1482 = arith.addi %squeeze3A_1437, %add3A_1481 : i32
      %get3A_1483 = arith.index_cast %add3A_1435 : i32 to index
      %get3A_1484 = arith.index_cast %add3A_1482 : i32 to index
      %get3A_1485 = tpu.vector_load %arg12[%get3A_1483, %get3A_1484] {strides = array<i32>} : memref<256x128xf32, #tpu.memory_space<vmem>>, vector<16xf32>,
      %add3A_1486 = arith.constant 48 : i32
      %add3A_1487 = arith.addi %squeeze3A_1439, %add3A_1486 : i32
      %get3A_1488 = arith.index_cast %add3A_1435 : i32 to index
      %get3A_1489 = arith.index_cast %add3A_1487 : i32 to index
      %get3A_1490 = tpu.vector_load %arg13[%get3A_1488, %get3A_1489] {strides = array<i32>} : memref<256x128xf32, #tpu.memory_space<vmem>>, vector<16xf32>,
      %mul3A_1491 = arith.mulf %get3A_1485, %get3A_1490 : vector<16xf32>
      %mul3A_1492 = arith.mulf %mul3A_1491, %get3A_455 : vector<16xf32>
      %add3A_1493 = arith.addf %add3A_1480, %mul3A_1492 : vector<16xf32>
      %mul3A_1494 = arith.constant 16 : i32
      %mul3A_1495 = vector.broadcast %mul3A_1494 : i32 to vector<16xi32>
      %mul3A_1496 = arith.muli %iota3A, %mul3A_1495 : vector<16xi32>
      %add3A_1497 = arith.constant 12 : i32
      %add3A_1498 = vector.broadcast %add3A_1497 : i32 to vector<16xi32>
      %add3A_1499 = arith.addi %mul3A_1496, %add3A_1498 : vector<16xi32>
      tpu.vector_store_idx %arg16[%add3A_1499], %add3A_1493 : memref<256xf32, #tpu.memory_space<vmem>>[vector<16xi32>], vector<16xf32>,
      %mul3A_1500 = arith.constant 16 : i32
      %mul3A_1501 = arith.muli %scan3A_593, %mul3A_1500 : i32
      %add3A_1502 = arith.constant 13 : i32
      %add3A_1503 = arith.addi %mul3A_1501, %add3A_1502 : i32
      %slice3A_1504 = vector.extract_strided_slice %mul3A_604 {offsets = [13], sizes = [1], strides = [1]} : vector<16xi32> to vector<1xi32>
      %squeeze3A_1505 = vector.extract %slice3A_1504[0] : i32 from vector<1xi32>
      %slice3A_1506 = vector.extract_strided_slice %mul3A_616 {offsets = [13], sizes = [1], strides = [1]} : vector<16xi32> to vector<1xi32>
      %squeeze3A_1507 = vector.extract %slice3A_1506[0] : i32 from vector<1xi32>
      %broadcast_in_dim3A_1508 = arith.constant 0.000000e+00 : f32
      %broadcast_in_dim3A_1509 = vector.broadcast %broadcast_in_dim3A_1508 : f32 to vector<16xf32>
      %add3A_1510 = arith.constant 0 : i32
      %add3A_1511 = arith.addi %squeeze3A_1505, %add3A_1510 : i32
      %get3A_1512 = arith.index_cast %add3A_1503 : i32 to index
      %get3A_1513 = arith.index_cast %add3A_1511 : i32 to index
      %get3A_1514 = tpu.vector_load %arg12[%get3A_1512, %get3A_1513] {strides = array<i32>} : memref<256x128xf32, #tpu.memory_space<vmem>>, vector<16xf32>,
      %add3A_1515 = arith.constant 0 : i32
      %add3A_1516 = arith.addi %squeeze3A_1507, %add3A_1515 : i32
      %get3A_1517 = arith.index_cast %add3A_1503 : i32 to index
      %get3A_1518 = arith.index_cast %add3A_1516 : i32 to index
      %get3A_1519 = tpu.vector_load %arg13[%get3A_1517, %get3A_1518] {strides = array<i32>} : memref<256x128xf32, #tpu.memory_space<vmem>>, vector<16xf32>,
      %mul3A_1520 = arith.mulf %get3A_1514, %get3A_1519 : vector<16xf32>
      %mul3A_1521 = arith.mulf %mul3A_1520, %get3A_449 : vector<16xf32>
      %add3A_1522 = arith.addf %broadcast_in_dim3A_1509, %mul3A_1521 : vector<16xf32>
      %add3A_1523 = arith.constant 16 : i32
      %add3A_1524 = arith.addi %squeeze3A_1505, %add3A_1523 : i32
      %get3A_1525 = arith.index_cast %add3A_1503 : i32 to index
      %get3A_1526 = arith.index_cast %add3A_1524 : i32 to index
      %get3A_1527 = tpu.vector_load %arg12[%get3A_1525, %get3A_1526] {strides = array<i32>} : memref<256x128xf32, #tpu.memory_space<vmem>>, vector<16xf32>,
      %add3A_1528 = arith.constant 16 : i32
      %add3A_1529 = arith.addi %squeeze3A_1507, %add3A_1528 : i32
      %get3A_1530 = arith.index_cast %add3A_1503 : i32 to index
      %get3A_1531 = arith.index_cast %add3A_1529 : i32 to index
      %get3A_1532 = tpu.vector_load %arg13[%get3A_1530, %get3A_1531] {strides = array<i32>} : memref<256x128xf32, #tpu.memory_space<vmem>>, vector<16xf32>,
      %mul3A_1533 = arith.mulf %get3A_1527, %get3A_1532 : vector<16xf32>
      %mul3A_1534 = arith.mulf %mul3A_1533, %get3A_451 : vector<16xf32>
      %add3A_1535 = arith.addf %add3A_1522, %mul3A_1534 : vector<16xf32>
      %add3A_1536 = arith.constant 32 : i32
      %add3A_1537 = arith.addi %squeeze3A_1505, %add3A_1536 : i32
      %get3A_1538 = arith.index_cast %add3A_1503 : i32 to index
      %get3A_1539 = arith.index_cast %add3A_1537 : i32 to index
      %get3A_1540 = tpu.vector_load %arg12[%get3A_1538, %get3A_1539] {strides = array<i32>} : memref<256x128xf32, #tpu.memory_space<vmem>>, vector<16xf32>,
      %add3A_1541 = arith.constant 32 : i32
      %add3A_1542 = arith.addi %squeeze3A_1507, %add3A_1541 : i32
      %get3A_1543 = arith.index_cast %add3A_1503 : i32 to index
      %get3A_1544 = arith.index_cast %add3A_1542 : i32 to index
      %get3A_1545 = tpu.vector_load %arg13[%get3A_1543, %get3A_1544] {strides = array<i32>} : memref<256x128xf32, #tpu.memory_space<vmem>>, vector<16xf32>,
      %mul3A_1546 = arith.mulf %get3A_1540, %get3A_1545 : vector<16xf32>
      %mul3A_1547 = arith.mulf %mul3A_1546, %get3A_453 : vector<16xf32>
      %add3A_1548 = arith.addf %add3A_1535, %mul3A_1547 : vector<16xf32>
      %add3A_1549 = arith.constant 48 : i32
      %add3A_1550 = arith.addi %squeeze3A_1505, %add3A_1549 : i32
      %get3A_1551 = arith.index_cast %add3A_1503 : i32 to index
      %get3A_1552 = arith.index_cast %add3A_1550 : i32 to index
      %get3A_1553 = tpu.vector_load %arg12[%get3A_1551, %get3A_1552] {strides = array<i32>} : memref<256x128xf32, #tpu.memory_space<vmem>>, vector<16xf32>,
      %add3A_1554 = arith.constant 48 : i32
      %add3A_1555 = arith.addi %squeeze3A_1507, %add3A_1554 : i32
      %get3A_1556 = arith.index_cast %add3A_1503 : i32 to index
      %get3A_1557 = arith.index_cast %add3A_1555 : i32 to index
      %get3A_1558 = tpu.vector_load %arg13[%get3A_1556, %get3A_1557] {strides = array<i32>} : memref<256x128xf32, #tpu.memory_space<vmem>>, vector<16xf32>,
      %mul3A_1559 = arith.mulf %get3A_1553, %get3A_1558 : vector<16xf32>
      %mul3A_1560 = arith.mulf %mul3A_1559, %get3A_455 : vector<16xf32>
      %add3A_1561 = arith.addf %add3A_1548, %mul3A_1560 : vector<16xf32>
      %mul3A_1562 = arith.constant 16 : i32
      %mul3A_1563 = vector.broadcast %mul3A_1562 : i32 to vector<16xi32>
      %mul3A_1564 = arith.muli %iota3A, %mul3A_1563 : vector<16xi32>
      %add3A_1565 = arith.constant 13 : i32
      %add3A_1566 = vector.broadcast %add3A_1565 : i32 to vector<16xi32>
      %add3A_1567 = arith.addi %mul3A_1564, %add3A_1566 : vector<16xi32>
      tpu.vector_store_idx %arg16[%add3A_1567], %add3A_1561 : memref<256xf32, #tpu.memory_space<vmem>>[vector<16xi32>], vector<16xf32>,
      %mul3A_1568 = arith.constant 16 : i32
      %mul3A_1569 = arith.muli %scan3A_593, %mul3A_1568 : i32
      %add3A_1570 = arith.constant 14 : i32
      %add3A_1571 = arith.addi %mul3A_1569, %add3A_1570 : i32
      %slice3A_1572 = vector.extract_strided_slice %mul3A_604 {offsets = [14], sizes = [1], strides = [1]} : vector<16xi32> to vector<1xi32>
      %squeeze3A_1573 = vector.extract %slice3A_1572[0] : i32 from vector<1xi32>
      %slice3A_1574 = vector.extract_strided_slice %mul3A_616 {offsets = [14], sizes = [1], strides = [1]} : vector<16xi32> to vector<1xi32>
      %squeeze3A_1575 = vector.extract %slice3A_1574[0] : i32 from vector<1xi32>
      %broadcast_in_dim3A_1576 = arith.constant 0.000000e+00 : f32
      %broadcast_in_dim3A_1577 = vector.broadcast %broadcast_in_dim3A_1576 : f32 to vector<16xf32>
      %add3A_1578 = arith.constant 0 : i32
      %add3A_1579 = arith.addi %squeeze3A_1573, %add3A_1578 : i32
      %get3A_1580 = arith.index_cast %add3A_1571 : i32 to index
      %get3A_1581 = arith.index_cast %add3A_1579 : i32 to index
      %get3A_1582 = tpu.vector_load %arg12[%get3A_1580, %get3A_1581] {strides = array<i32>} : memref<256x128xf32, #tpu.memory_space<vmem>>, vector<16xf32>,
      %add3A_1583 = arith.constant 0 : i32
      %add3A_1584 = arith.addi %squeeze3A_1575, %add3A_1583 : i32
      %get3A_1585 = arith.index_cast %add3A_1571 : i32 to index
      %get3A_1586 = arith.index_cast %add3A_1584 : i32 to index
      %get3A_1587 = tpu.vector_load %arg13[%get3A_1585, %get3A_1586] {strides = array<i32>} : memref<256x128xf32, #tpu.memory_space<vmem>>, vector<16xf32>,
      %mul3A_1588 = arith.mulf %get3A_1582, %get3A_1587 : vector<16xf32>
      %mul3A_1589 = arith.mulf %mul3A_1588, %get3A_449 : vector<16xf32>
      %add3A_1590 = arith.addf %broadcast_in_dim3A_1577, %mul3A_1589 : vector<16xf32>
      %add3A_1591 = arith.constant 16 : i32
      %add3A_1592 = arith.addi %squeeze3A_1573, %add3A_1591 : i32
      %get3A_1593 = arith.index_cast %add3A_1571 : i32 to index
      %get3A_1594 = arith.index_cast %add3A_1592 : i32 to index
      %get3A_1595 = tpu.vector_load %arg12[%get3A_1593, %get3A_1594] {strides = array<i32>} : memref<256x128xf32, #tpu.memory_space<vmem>>, vector<16xf32>,
      %add3A_1596 = arith.constant 16 : i32
      %add3A_1597 = arith.addi %squeeze3A_1575, %add3A_1596 : i32
      %get3A_1598 = arith.index_cast %add3A_1571 : i32 to index
      %get3A_1599 = arith.index_cast %add3A_1597 : i32 to index
      %get3A_1600 = tpu.vector_load %arg13[%get3A_1598, %get3A_1599] {strides = array<i32>} : memref<256x128xf32, #tpu.memory_space<vmem>>, vector<16xf32>,
      %mul3A_1601 = arith.mulf %get3A_1595, %get3A_1600 : vector<16xf32>
      %mul3A_1602 = arith.mulf %mul3A_1601, %get3A_451 : vector<16xf32>
      %add3A_1603 = arith.addf %add3A_1590, %mul3A_1602 : vector<16xf32>
      %add3A_1604 = arith.constant 32 : i32
      %add3A_1605 = arith.addi %squeeze3A_1573, %add3A_1604 : i32
      %get3A_1606 = arith.index_cast %add3A_1571 : i32 to index
      %get3A_1607 = arith.index_cast %add3A_1605 : i32 to index
      %get3A_1608 = tpu.vector_load %arg12[%get3A_1606, %get3A_1607] {strides = array<i32>} : memref<256x128xf32, #tpu.memory_space<vmem>>, vector<16xf32>,
      %add3A_1609 = arith.constant 32 : i32
      %add3A_1610 = arith.addi %squeeze3A_1575, %add3A_1609 : i32
      %get3A_1611 = arith.index_cast %add3A_1571 : i32 to index
      %get3A_1612 = arith.index_cast %add3A_1610 : i32 to index
      %get3A_1613 = tpu.vector_load %arg13[%get3A_1611, %get3A_1612] {strides = array<i32>} : memref<256x128xf32, #tpu.memory_space<vmem>>, vector<16xf32>,
      %mul3A_1614 = arith.mulf %get3A_1608, %get3A_1613 : vector<16xf32>
      %mul3A_1615 = arith.mulf %mul3A_1614, %get3A_453 : vector<16xf32>
      %add3A_1616 = arith.addf %add3A_1603, %mul3A_1615 : vector<16xf32>
      %add3A_1617 = arith.constant 48 : i32
      %add3A_1618 = arith.addi %squeeze3A_1573, %add3A_1617 : i32
      %get3A_1619 = arith.index_cast %add3A_1571 : i32 to index
      %get3A_1620 = arith.index_cast %add3A_1618 : i32 to index
      %get3A_1621 = tpu.vector_load %arg12[%get3A_1619, %get3A_1620] {strides = array<i32>} : memref<256x128xf32, #tpu.memory_space<vmem>>, vector<16xf32>,
      %add3A_1622 = arith.constant 48 : i32
      %add3A_1623 = arith.addi %squeeze3A_1575, %add3A_1622 : i32
      %get3A_1624 = arith.index_cast %add3A_1571 : i32 to index
      %get3A_1625 = arith.index_cast %add3A_1623 : i32 to index
      %get3A_1626 = tpu.vector_load %arg13[%get3A_1624, %get3A_1625] {strides = array<i32>} : memref<256x128xf32, #tpu.memory_space<vmem>>, vector<16xf32>,
      %mul3A_1627 = arith.mulf %get3A_1621, %get3A_1626 : vector<16xf32>
      %mul3A_1628 = arith.mulf %mul3A_1627, %get3A_455 : vector<16xf32>
      %add3A_1629 = arith.addf %add3A_1616, %mul3A_1628 : vector<16xf32>
      %mul3A_1630 = arith.constant 16 : i32
      %mul3A_1631 = vector.broadcast %mul3A_1630 : i32 to vector<16xi32>
      %mul3A_1632 = arith.muli %iota3A, %mul3A_1631 : vector<16xi32>
      %add3A_1633 = arith.constant 14 : i32
      %add3A_1634 = vector.broadcast %add3A_1633 : i32 to vector<16xi32>
      %add3A_1635 = arith.addi %mul3A_1632, %add3A_1634 : vector<16xi32>
      tpu.vector_store_idx %arg16[%add3A_1635], %add3A_1629 : memref<256xf32, #tpu.memory_space<vmem>>[vector<16xi32>], vector<16xf32>,
      %mul3A_1636 = arith.constant 16 : i32
      %mul3A_1637 = arith.muli %scan3A_593, %mul3A_1636 : i32
      %add3A_1638 = arith.constant 15 : i32
      %add3A_1639 = arith.addi %mul3A_1637, %add3A_1638 : i32
      %slice3A_1640 = vector.extract_strided_slice %mul3A_604 {offsets = [15], sizes = [1], strides = [1]} : vector<16xi32> to vector<1xi32>
      %squeeze3A_1641 = vector.extract %slice3A_1640[0] : i32 from vector<1xi32>
      %slice3A_1642 = vector.extract_strided_slice %mul3A_616 {offsets = [15], sizes = [1], strides = [1]} : vector<16xi32> to vector<1xi32>
      %squeeze3A_1643 = vector.extract %slice3A_1642[0] : i32 from vector<1xi32>
      %broadcast_in_dim3A_1644 = arith.constant 0.000000e+00 : f32
      %broadcast_in_dim3A_1645 = vector.broadcast %broadcast_in_dim3A_1644 : f32 to vector<16xf32>
      %add3A_1646 = arith.constant 0 : i32
      %add3A_1647 = arith.addi %squeeze3A_1641, %add3A_1646 : i32
      %get3A_1648 = arith.index_cast %add3A_1639 : i32 to index
      %get3A_1649 = arith.index_cast %add3A_1647 : i32 to index
      %get3A_1650 = tpu.vector_load %arg12[%get3A_1648, %get3A_1649] {strides = array<i32>} : memref<256x128xf32, #tpu.memory_space<vmem>>, vector<16xf32>,
      %add3A_1651 = arith.constant 0 : i32
      %add3A_1652 = arith.addi %squeeze3A_1643, %add3A_1651 : i32
      %get3A_1653 = arith.index_cast %add3A_1639 : i32 to index
      %get3A_1654 = arith.index_cast %add3A_1652 : i32 to index
      %get3A_1655 = tpu.vector_load %arg13[%get3A_1653, %get3A_1654] {strides = array<i32>} : memref<256x128xf32, #tpu.memory_space<vmem>>, vector<16xf32>,
      %mul3A_1656 = arith.mulf %get3A_1650, %get3A_1655 : vector<16xf32>
      %mul3A_1657 = arith.mulf %mul3A_1656, %get3A_449 : vector<16xf32>
      %add3A_1658 = arith.addf %broadcast_in_dim3A_1645, %mul3A_1657 : vector<16xf32>
      %add3A_1659 = arith.constant 16 : i32
      %add3A_1660 = arith.addi %squeeze3A_1641, %add3A_1659 : i32
      %get3A_1661 = arith.index_cast %add3A_1639 : i32 to index
      %get3A_1662 = arith.index_cast %add3A_1660 : i32 to index
      %get3A_1663 = tpu.vector_load %arg12[%get3A_1661, %get3A_1662] {strides = array<i32>} : memref<256x128xf32, #tpu.memory_space<vmem>>, vector<16xf32>,
      %add3A_1664 = arith.constant 16 : i32
      %add3A_1665 = arith.addi %squeeze3A_1643, %add3A_1664 : i32
      %get3A_1666 = arith.index_cast %add3A_1639 : i32 to index
      %get3A_1667 = arith.index_cast %add3A_1665 : i32 to index
      %get3A_1668 = tpu.vector_load %arg13[%get3A_1666, %get3A_1667] {strides = array<i32>} : memref<256x128xf32, #tpu.memory_space<vmem>>, vector<16xf32>,
      %mul3A_1669 = arith.mulf %get3A_1663, %get3A_1668 : vector<16xf32>
      %mul3A_1670 = arith.mulf %mul3A_1669, %get3A_451 : vector<16xf32>
      %add3A_1671 = arith.addf %add3A_1658, %mul3A_1670 : vector<16xf32>
      %add3A_1672 = arith.constant 32 : i32
      %add3A_1673 = arith.addi %squeeze3A_1641, %add3A_1672 : i32
      %get3A_1674 = arith.index_cast %add3A_1639 : i32 to index
      %get3A_1675 = arith.index_cast %add3A_1673 : i32 to index
      %get3A_1676 = tpu.vector_load %arg12[%get3A_1674, %get3A_1675] {strides = array<i32>} : memref<256x128xf32, #tpu.memory_space<vmem>>, vector<16xf32>,
      %add3A_1677 = arith.constant 32 : i32
      %add3A_1678 = arith.addi %squeeze3A_1643, %add3A_1677 : i32
      %get3A_1679 = arith.index_cast %add3A_1639 : i32 to index
      %get3A_1680 = arith.index_cast %add3A_1678 : i32 to index
      %get3A_1681 = tpu.vector_load %arg13[%get3A_1679, %get3A_1680] {strides = array<i32>} : memref<256x128xf32, #tpu.memory_space<vmem>>, vector<16xf32>,
      %mul3A_1682 = arith.mulf %get3A_1676, %get3A_1681 : vector<16xf32>
      %mul3A_1683 = arith.mulf %mul3A_1682, %get3A_453 : vector<16xf32>
      %add3A_1684 = arith.addf %add3A_1671, %mul3A_1683 : vector<16xf32>
      %add3A_1685 = arith.constant 48 : i32
      %add3A_1686 = arith.addi %squeeze3A_1641, %add3A_1685 : i32
      %get3A_1687 = arith.index_cast %add3A_1639 : i32 to index
      %get3A_1688 = arith.index_cast %add3A_1686 : i32 to index
      %get3A_1689 = tpu.vector_load %arg12[%get3A_1687, %get3A_1688] {strides = array<i32>} : memref<256x128xf32, #tpu.memory_space<vmem>>, vector<16xf32>,
      %add3A_1690 = arith.constant 48 : i32
      %add3A_1691 = arith.addi %squeeze3A_1643, %add3A_1690 : i32
      %get3A_1692 = arith.index_cast %add3A_1639 : i32 to index
      %get3A_1693 = arith.index_cast %add3A_1691 : i32 to index
      %get3A_1694 = tpu.vector_load %arg13[%get3A_1692, %get3A_1693] {strides = array<i32>} : memref<256x128xf32, #tpu.memory_space<vmem>>, vector<16xf32>,
      %mul3A_1695 = arith.mulf %get3A_1689, %get3A_1694 : vector<16xf32>
      %mul3A_1696 = arith.mulf %mul3A_1695, %get3A_455 : vector<16xf32>
      %add3A_1697 = arith.addf %add3A_1684, %mul3A_1696 : vector<16xf32>
      %mul3A_1698 = arith.constant 16 : i32
      %mul3A_1699 = vector.broadcast %mul3A_1698 : i32 to vector<16xi32>
      %mul3A_1700 = arith.muli %iota3A, %mul3A_1699 : vector<16xi32>
      %add3A_1701 = arith.constant 15 : i32
      %add3A_1702 = vector.broadcast %add3A_1701 : i32 to vector<16xi32>
      %add3A_1703 = arith.addi %mul3A_1700, %add3A_1702 : vector<16xi32>
      tpu.vector_store_idx %arg16[%add3A_1703], %add3A_1697 : memref<256xf32, #tpu.memory_space<vmem>>[vector<16xi32>], vector<16xf32>,
      %broadcast_in_dim3A_1704 = vector.broadcast %squeeze3A : f32 to vector<16xf32>
      %get3A_1705 = arith.constant 0 : index
      %get3A_1706 = tpu.vector_load %arg16[%get3A_1705] {strides = array<i32>} : memref<256xf32, #tpu.memory_space<vmem>>, vector<16xf32>,
      %add3A_1707 = arith.addf %broadcast_in_dim3A_1704, %get3A_1706 : vector<16xf32>
      %get3A_1708 = arith.constant 16 : index
      %get3A_1709 = tpu.vector_load %arg16[%get3A_1708] {strides = array<i32>} : memref<256xf32, #tpu.memory_space<vmem>>, vector<16xf32>,
      %add3A_1710 = arith.addf %add3A_1707, %get3A_1709 : vector<16xf32>
      %get3A_1711 = arith.constant 32 : index
      %get3A_1712 = tpu.vector_load %arg16[%get3A_1711] {strides = array<i32>} : memref<256xf32, #tpu.memory_space<vmem>>, vector<16xf32>,
      %add3A_1713 = arith.addf %add3A_1710, %get3A_1712 : vector<16xf32>
      %get3A_1714 = arith.constant 48 : index
      %get3A_1715 = tpu.vector_load %arg16[%get3A_1714] {strides = array<i32>} : memref<256xf32, #tpu.memory_space<vmem>>, vector<16xf32>,
      %add3A_1716 = arith.addf %add3A_1713, %get3A_1715 : vector<16xf32>
      %get3A_1717 = arith.constant 64 : index
      %get3A_1718 = tpu.vector_load %arg16[%get3A_1717] {strides = array<i32>} : memref<256xf32, #tpu.memory_space<vmem>>, vector<16xf32>,
      %add3A_1719 = arith.addf %add3A_1716, %get3A_1718 : vector<16xf32>
      %get3A_1720 = arith.constant 80 : index
      %get3A_1721 = tpu.vector_load %arg16[%get3A_1720] {strides = array<i32>} : memref<256xf32, #tpu.memory_space<vmem>>, vector<16xf32>,
      %add3A_1722 = arith.addf %add3A_1719, %get3A_1721 : vector<16xf32>
      %get3A_1723 = arith.constant 96 : index
      %get3A_1724 = tpu.vector_load %arg16[%get3A_1723] {strides = array<i32>} : memref<256xf32, #tpu.memory_space<vmem>>, vector<16xf32>,
      %add3A_1725 = arith.addf %add3A_1722, %get3A_1724 : vector<16xf32>
      %get3A_1726 = arith.constant 112 : index
      %get3A_1727 = tpu.vector_load %arg16[%get3A_1726] {strides = array<i32>} : memref<256xf32, #tpu.memory_space<vmem>>, vector<16xf32>,
      %add3A_1728 = arith.addf %add3A_1725, %get3A_1727 : vector<16xf32>
      %get3A_1729 = arith.constant 128 : index
      %get3A_1730 = tpu.vector_load %arg16[%get3A_1729] {strides = array<i32>} : memref<256xf32, #tpu.memory_space<vmem>>, vector<16xf32>,
      %add3A_1731 = arith.addf %add3A_1728, %get3A_1730 : vector<16xf32>
      %get3A_1732 = arith.constant 144 : index
      %get3A_1733 = tpu.vector_load %arg16[%get3A_1732] {strides = array<i32>} : memref<256xf32, #tpu.memory_space<vmem>>, vector<16xf32>,
      %add3A_1734 = arith.addf %add3A_1731, %get3A_1733 : vector<16xf32>
      %get3A_1735 = arith.constant 160 : index
      %get3A_1736 = tpu.vector_load %arg16[%get3A_1735] {strides = array<i32>} : memref<256xf32, #tpu.memory_space<vmem>>, vector<16xf32>,
      %add3A_1737 = arith.addf %add3A_1734, %get3A_1736 : vector<16xf32>
      %get3A_1738 = arith.constant 176 : index
      %get3A_1739 = tpu.vector_load %arg16[%get3A_1738] {strides = array<i32>} : memref<256xf32, #tpu.memory_space<vmem>>, vector<16xf32>,
      %add3A_1740 = arith.addf %add3A_1737, %get3A_1739 : vector<16xf32>
      %get3A_1741 = arith.constant 192 : index
      %get3A_1742 = tpu.vector_load %arg16[%get3A_1741] {strides = array<i32>} : memref<256xf32, #tpu.memory_space<vmem>>, vector<16xf32>,
      %add3A_1743 = arith.addf %add3A_1740, %get3A_1742 : vector<16xf32>
      %get3A_1744 = arith.constant 208 : index
      %get3A_1745 = tpu.vector_load %arg16[%get3A_1744] {strides = array<i32>} : memref<256xf32, #tpu.memory_space<vmem>>, vector<16xf32>,
      %add3A_1746 = arith.addf %add3A_1743, %get3A_1745 : vector<16xf32>
      %get3A_1747 = arith.constant 224 : index
      %get3A_1748 = tpu.vector_load %arg16[%get3A_1747] {strides = array<i32>} : memref<256xf32, #tpu.memory_space<vmem>>, vector<16xf32>,
      %add3A_1749 = arith.addf %add3A_1746, %get3A_1748 : vector<16xf32>
      %get3A_1750 = arith.constant 240 : index
      %get3A_1751 = tpu.vector_load %arg16[%get3A_1750] {strides = array<i32>} : memref<256xf32, #tpu.memory_space<vmem>>, vector<16xf32>,
      %add3A_1752 = arith.addf %add3A_1749, %get3A_1751 : vector<16xf32>
      %mul3A_1753 = arith.constant 16 : i32
      %mul3A_1754 = arith.muli %scan3A_593, %mul3A_1753 : i32
      %add3A_1755 = arith.constant 256 : i32
      %add3A_1756 = arith.addi %add3A_1755, %mul3A_1754 : i32
      %swap3A_1757 = arith.index_cast %add3A_1756 : i32 to index
      %swap3A_1758 = tpu.vector_load %arg14[%swap3A_1757] {strides = array<i32>} : memref<512xf32, #tpu.memory_space<vmem>>, vector<16xf32>,
      tpu.vector_store %arg14[%swap3A_1757], %add3A_1752 {strides = array<i32>} : memref<512xf32, #tpu.memory_space<vmem>>, vector<16xf32>,
    }
    %scan3A_592 = arith.constant 16 : i32
    "tpu.region"() ({
      %run_scoped3A = tpu.sem_alloc : memref<!tpu.dma_semaphore, #tpu.memory_space<semaphore_mem>>
      %dma_start3A_593 = tpu.memref_slice %arg7[%mul3A_2] : memref<16384xf32, #tpu.memory_space<hbm>> -> memref<512xf32, #tpu.memory_space<hbm>>
      %dma_start3A_594 = tpu.memref_slice %arg7[%mul3A_2] : memref<16384xf32, #tpu.memory_space<hbm>> -> memref<512xf32, #tpu.memory_space<hbm>>
      tpu.enqueue_dma source(%arg14 : memref<512xf32, #tpu.memory_space<vmem>>) target(%dma_start3A_594 : memref<512xf32, #tpu.memory_space<hbm>>) target_semaphore(%run_scoped3A : memref<!tpu.dma_semaphore, #tpu.memory_space<semaphore_mem>>)
      %dma_wait3A_595 = tpu.memref_slice %arg7[%mul3A_2] : memref<16384xf32, #tpu.memory_space<hbm>> -> memref<512xf32, #tpu.memory_space<hbm>>
      %dma_wait3A_596 = tpu.memref_slice %arg7[%mul3A_2] : memref<16384xf32, #tpu.memory_space<hbm>> -> memref<512xf32, #tpu.memory_space<hbm>>
      tpu.wait_dma2 semaphore(%run_scoped3A : memref<!tpu.dma_semaphore, #tpu.memory_space<semaphore_mem>>) src(%arg14 : memref<512xf32, #tpu.memory_space<vmem>>) dst(%dma_wait3A_596 : memref<512xf32, #tpu.memory_space<hbm>>)
      tpu.yield
    }) : () -> ()
    return
  }
}

</mosaic_0001>

<sc_bundles>
// kernel: kernel.3.cloned.1.call-start
scs
__scs_entry_jumppad:
0x0: {  	(pc) =	sbr.rel $0x88, $3  }
0x1: {  	(tag) =	ssettag $0x0;
	lr =	simm.s32 $0x1  }
0x2: {  	[smem:$0x3F9B] =	sst lr;
	_ =	strace $0xD0000000  }
0x3: {  	_ = 	snop  }
0x4: {  	_ = 	snop  }
0x5: {  	_ = 	snop  }
0x6: {  	_ = 	snop  }
0x7: {  	_ = 	snop  }
__scs_overlays_trampoline_lowered:
0x8: {  	[smem:$0x3FAA] =	sst s0  }
0x9: {  	[smem:$0x3FAB] =	sst s1  }
0xa: {  	[smem:$0x3FAC] =	sst s2  }
0xb: {  	[smem:$0x3FAD] =	sst s3  }
0xc: {  	[smem:$0x3FAE] =	sst s4  }
0xd: {  	[smem:$0x3FAF] =	sst s5  }
0xe: {  	[smem:$0x3FB0] =	sst s6  }
0xf: {  	[smem:$0x3FB1] =	sst s7  }
0x10: {  	[smem:$0x3FB2] =	sst s8  }
0x11: {  	[smem:$0x3FB3] =	sst s9;
	s0 =	simm.s32 @!p0 $0x0  }
0x12: {  	s1 =	sld [smem:$0x3F99];
	s0 =	simm.s32 @p0 $0x1  }
0x13: {  	[smem:$0x3FB4] =	sst s0;
	s0 =	simm.s32 @!p1 $0x0  }
0x14: {  	s2 =	sld [smem:$0x3F98];
	s0 =	simm.s32 @p1 $0x1  }
0x15: {  	[smem:$0x3FB5] =	sst s0;
	s0 =	simm.s32 @!p2 $0x0  }
0x16: {  	s3 =	sld [smem:$0x3FDB];
	s0 =	simm.s32 @p2 $0x1  }
0x17: {  	s4 =	simm.s32 $0x1BF5;
	[smem:$0x3FB7] =	sst s0  }
0x18: {  	s0 =	sld [smem:$0x3F9A];
	_ =	swait.ge [sflag:s4], $0x0  }
0x19: {  	s7 =	sld [smem:$0x3F9B]  }
0x1a: {  	s8 =	sadd.s32 $0xFFFFE003, lr  }
0x1b: {  	s9 =	sadd.s32 $0xFFFFFEF7, lr;
	s5 =	simm.s32 $0xFFFFFFFF;
	p2 =	slt.u32 s8, $0xFFFFF086  }
0x1c: {  	p1 =	slt.u32 s9, $0xF7A;
	s5 =	simm.s32 @!p2 $0x0  }
0x1d: {  	s5 =	simm.s32 @p1 $0x1;
	p0 =	seq.s32 s7, s2  }
0x1e: {  	s7 =	smul.u32 @!p0 $0xF7A, s2;
	p2 =	seq.s32 @!p0 s5, $0x0  }
0x1f: {  	s9 =	smul.u32 $0xF7A, s1;
	s8 =	simm.s32 @!p0 $0x1BF5;
	p2 =	por !p2, p0  }
0x20: {  	[sflag:s8] =	ssyncset.s32 @!p0 $0xFFFFF086;
	s6 =	sadd.s32 @!p0 s3, s7;
	s7 =	simm.s32 @!p0 $0x108  }
0x21: {  	s3 =	sadd.s32 s3, s9;
	s6 =	sadd.s32 @!p0 $0x88, s6;
	s7 =	simm.s32 @p2 $0x1082  }
0x22: {  	[simem:s7], [sflag:s8] =	dma.local @!p0 [hbm:s6], $0xF7A  }
0x23: {  	s9 =	sor.u32 $0xD0000000, s2;
	s6 =	simm.s32 $0x108;
	_ =	swait.ge @!p0 [sflag:s8], $0x0  }
0x24: {  	s3 =	sadd.s32 $0x88, s3;
	s6 =	simm.s32 @!p1 $0x1082;
	[sflag:s4] =	ssyncset.s32 $0xFFFFF086  }
0x25: {  	[simem:s6], [sflag:s4] =	dma.local [hbm:s3], $0xF7A  }
0x26: {  	[smem:$0x3F9B] =	sst s1;
	(tag) =	ssettag s2;
	_ =	strace s9  }
0x27: {  	s1 =	sld [smem:$0x3FAB]  }
0x28: {  	s2 =	sld [smem:$0x3FAC]  }
0x29: {  	s4 =	sld [smem:$0x3FAE]  }
0x2a: {  	p0 =	seq.s32 s5, $0x0;
	s5 =	sld [smem:$0x3FAF]  }
0x2b: {  	s6 =	sld [smem:$0x3FB0]  }
0x2c: {  	s7 =	sld [smem:$0x3FB1]  }
0x2d: {  	s3 =	simm.s32 $0x108;
	s8 =	sld [smem:$0x3FB2]  }
0x2e: {  	s3 =	simm.s32 @!p0 $0x1082;
	s9 =	sld [smem:$0x3FB3]  }
0x2f: {  	lr =	sadd.s32 s0, s3;
	s0 =	sld [smem:$0x3FAA]  }
0x30: {  	s3 =	sld [smem:$0x3FAD]  }
0x31: {  	[smem:$0x3FB6] =	sst s10  }
0x32: {  	s10 =	sld [smem:$0x3FB4];
	_ =	sdelay $0x3  }
0x33: {  	p0 =	seq.s32 s10, $0x1;
	s10 =	sld [smem:$0x3FB6];
	_ =	sdelay $0x3  }
0x34: {  	[smem:$0x3FB6] =	sst s10  }
0x35: {  	s10 =	sld [smem:$0x3FB5];
	_ =	sdelay $0x3  }
0x36: {  	p1 =	seq.s32 s10, $0x1;
	s10 =	sld [smem:$0x3FB6];
	_ =	sdelay $0x3  }
0x37: {  	[smem:$0x3FB6] =	sst s10  }
0x38: {  	s10 =	sld [smem:$0x3FB7]  }
0x39: {  	_ = 	snop;
	(pc) =	sbr.ind lr, $3  }
0x3a: {  	_ = 	snop  }
0x3b: {  	_ = 	snop  }
0x3c: {  	p2 =	seq.s32 s10, $0x1;
	s10 =	sld [smem:$0x3FB6]  }
0x3d: {  	_ =	shalt  }
0x3e: {  	_ =	shalt  }
0x3f: {  	_ =	shalt  }
0x40: {  	_ =	shalt  }
0x41: {  	_ =	shalt  }
0x42: {  	_ =	shalt  }
0x43: {  	_ =	shalt  }
0x44: {  	_ =	shalt  }
0x45: {  	_ =	shalt  }
0x46: {  	_ =	shalt  }
0x47: {  	_ =	shalt  }
0x48: {  	_ =	shalt  }
0x49: {  	_ =	shalt  }
0x4a: {  	_ =	shalt  }
0x4b: {  	_ =	shalt  }
0x4c: {  	_ =	shalt  }
0x4d: {  	_ =	shalt  }
0x4e: {  	_ =	shalt  }
0x4f: {  	_ =	shalt  }
0x50: {  	_ =	shalt  }
0x51: {  	_ =	shalt  }
0x52: {  	_ =	shalt  }
0x53: {  	_ =	shalt  }
0x54: {  	_ =	shalt  }
0x55: {  	_ =	shalt  }
0x56: {  	_ =	shalt  }
0x57: {  	_ =	shalt  }
0x58: {  	_ =	shalt  }
0x59: {  	_ =	shalt  }
0x5a: {  	_ =	shalt  }
0x5b: {  	_ =	shalt  }
0x5c: {  	_ =	shalt  }
0x5d: {  	_ =	shalt  }
0x5e: {  	_ =	shalt  }
0x5f: {  	_ =	shalt  }
0x60: {  	_ =	shalt  }
0x61: {  	_ =	shalt  }
0x62: {  	_ =	shalt  }
0x63: {  	_ =	shalt  }
0x64: {  	_ =	shalt  }
0x65: {  	_ =	shalt  }
0x66: {  	_ =	shalt  }
0x67: {  	_ =	shalt  }
0x68: {  	_ =	shalt  }
0x69: {  	_ =	shalt  }
0x6a: {  	_ =	shalt  }
0x6b: {  	_ =	shalt  }
0x6c: {  	_ =	shalt  }
0x6d: {  	_ =	shalt  }
0x6e: {  	_ =	shalt  }
0x6f: {  	_ =	shalt  }
0x70: {  	_ =	shalt  }
0x71: {  	_ =	shalt  }
0x72: {  	_ =	shalt  }
0x73: {  	_ =	shalt  }
0x74: {  	_ =	shalt  }
0x75: {  	_ =	shalt  }
0x76: {  	_ =	shalt  }
0x77: {  	_ =	shalt  }
0x78: {  	_ =	shalt  }
0x79: {  	_ =	shalt  }
0x7a: {  	_ =	shalt  }
0x7b: {  	_ =	shalt  }
0x7c: {  	_ =	shalt  }
0x7d: {  	_ =	shalt  }
0x7e: {  	_ =	shalt  }
0x7f: {  	_ =	shalt  }
0x80: {  	_ =	shalt  }
0x81: {  	_ =	shalt  }
0x82: {  	_ =	shalt  }
0x83: {  	_ =	shalt  }
0x84: {  	_ =	shalt  }
0x85: {  	_ =	shalt  }
0x86: {  	_ =	shalt  }
0x87: {  	_ =	shalt  }
.Lfunc_end0:
.L_simem_size_0:
called_computation_lowered:
.L_overlay_start_0:
0x88: {  	s2 =	sld [smem:$0x3FD9]  }
0x89: {  	s3 =	sld [smem:$0x3FFE];
	_ =	sdelay $0x1  }
0x8a: {  	s1 =	srdreg.scid  }
0x8b: {  	s0 =	sand.u32 $0x1, s1  }
0x8c: {  	s17 =	sshll.u32 s0, $0xA;
	s2 =	sadd.s32 s3, s2  }
0x8d: {  	s2 =	sadd.s32 s2, s17  }
0x8e: {  	[smem:$0x3FC2] =	sst s2  }
0x8f: {  	_ = 	snop  }
0x90: {  	s2 =	sld [smem:$0x3FC9]  }
0x91: {  	s18 =	sld [smem:$0x3FC8]  }
0x92: {  	s4 =	sld [smem:$0x3FD0];
	(tm) =	ssettm $0x1  }
0x93: {  	s5 =	sld [smem:$0x3FFB];
	_ =	sdelay $0x3  }
0x94: {  	_ =	strace s5  }
0x95: {  	s5 =	sld [smem:$0x3FFC];
	_ =	sdelay $0x3  }
0x96: {  	_ =	strace s5  }
0x97: {  	s5 =	sld [smem:$0x3FFD];
	_ =	sdelay $0x3  }
0x98: {  	_ =	strace s5  }
0x99: {  	_ =	strace $0x8FFFFFFF  }
0x9a: {  	s19 =	sld [smem:$0x3FDB];
	_ =	sdelay $0x1  }
0x9b: {  	s6 =	simm.s32 $_scs_section_size  }
0x9c: {  	s7 =	simm.s32 $_size__tile_overlayer_lowered;
	s8 =	simm.s32 $_tile_overlayer_lowered  }
0x9d: {  	s22 =	simm.s32 $0x1BFF;
	s21 =	sshll.u32 s8, $0x1;
	s5 =	sadd.s32 s6, s19  }
0x9e: {  	s9 =	simm.s32 $0x0;
	s20 =	sshll.u32 s7, $0x1;
	s7 =	sadd.s32 s21, s5  }
0x9f: {  	[timem:s9], [sflag:s22] =	dma.local [hbm:s7], s20  }
0xa0: {  	_ =	swait.ge [sflag:s22], s20  }
0xa1: {  	s6 =	ssub.s32 $0x0, s20;
	[sflag:s22] =	ssyncset.done $0x0  }
0xa2: {  	[sflag:s22] =	ssyncadd.s32 s6;
	_ =	sdelay $0x1  }
0xa3: {  	s23 =	simm.s32 $0x1B8B  }
0xa4: {  	_ =	swait.ge [sflag:s23], $0x1  }
0xa5: {  	[sflag:s23] =	ssyncset.done $0x0  }
0xa6: {  	s25 =	simm.s32 $0x1B8E;
	s24 =	sld [smem:$0x3FFE];
	[sflag:s23] =	ssyncadd.s32 $0xFFFFFFFF  }
0xa7: {  	s26 =	simm.s32 $execute0_lowered;
	[smem:$0x3FD2] =	sst s25  }
0xa8: {  	s7 =	sshll.u32 s26, $0x1;
	_ =	strace $0x80000046;
	[dreg:$0x1] =	wrdreg $0xFFFFFFFF  }
0xa9: {  	s28 =	simm.s32 $_size_execute0_lowered;
	s5 =	sadd.s32 s5, s7;
	[dreg:$0x0] =	wrdreg $0x0  }
0xaa: {  	s7 =	sshll.u32 s28, $0x1;
	[dreg:$0x2] =	wrdreg s5  }
0xab: {  	[dreg:$0x3] =	wrdreg s7  }
0xac: {  	[dreg:$0x4] =	wrdreg $0xC0  }
0xad: {  	_ =	task [dreg:s9], $0x5FFFF  }
0xae: {  	[dreg:$0x1] =	wrdreg $0xFFFFFFFF  }
0xaf: {  	[dreg:$0x0] =	wrdreg $0x60  }
0xb0: {  	[dreg:$0x2] =	wrdreg s2  }
0xb1: {  	[dreg:$0x3] =	wrdreg s18  }
0xb2: {  	[dreg:$0x4] =	wrdreg s24  }
0xb3: {  	[dreg:$0x5] =	wrdreg s4  }
0xb4: {  	[dreg:$0x6] =	wrdreg $0x9  }
0xb5: {  	_ =	task.clear_ibuf [dreg:s9], $0x7FFFF;
	_ =	strace $0x90000046  }
0xb6: {  	s29 =	simm.s32 $0x9;
	_ =	strace $0x80000048  }
0xb7: {  	_ =	swait.ge [sflag:s29], $0x1  }
0xb8: {  	[sflag:s29] =	ssyncadd.s32 $0xFFFFFFFF  }
0xb9: {  	_ =	strace $0x90000048  }
0xba: {  	_ =	sfence  }
0xbb: {  	s30 =	sld [smem:$0x0];
	_ =	sdelay $0x2  }
0xbc: {  	s31 =	sshll.u32 s1, $0xD;
	s1 =	sshrl.u32 s1, $0x2  }
0xbd: {  	s3 =	sand.u32 $0x4000, s31;
	s1 =	sadd.s32 s1, s30  }
0xbe: {  	s0 =	sor.u32 s3, s0;
	s1 =	sshll.u32 s1, $0x11  }
0xbf: {  	s0 =	sor.u32 s1, s0  }
0xc0: {  	s0 =	sadd.s32 $0x8F2B, s0  }
0xc1: {  	[sflag:s0] =	ssyncadd.remote.s32 $0x1  }
0xc2: {  	_ =	sfence.sel $0xFFFF  }
0xc3: {  	[dreg:$0x0] =	wrdreg $0xFFFFFFFF;
	(pc) =	sbr.abs _section_cstart, $3  }
0xc4: {  	[dreg:$0x1] =	wrdreg $0xFFFFFFFF  }
0xc5: {  	_ =	task.clear_ibuf [dreg:s9], $0x2FFFF;
	_ =	strace $0x9FFFFFFF  }
0xc6: {  	(tm) =	ssettm $0x7FFFFFFF  }
0xc7: {  	_ =	shalt  }
tec
execute0_lowered:
.L_overlay_start_1:
0x0: {  	(tag) =	ssettag $0x1  }
0x1: {  	s0 =	rddreg [dreg:$0x0]  }
0x2: {  	s2 =	rddreg [dreg:$0x1]  }
0x3: {  	s5 =	rddreg [dreg:$0x2]  }
0x4: {  	s8 =	rddreg [dreg:$0x3];
	s1 =	simm.s32 $0x0  }
0x5: {  	s6 =	srdreg.scid;
	s9 =	stileid.u32;
	s12 =	simm.s32 $0x80  }
0x6: {  	s14 =	simm.s32 $0x800;
	s16 =	simm.s32 $0x8800;
	s18 =	simm.s32 $0x4800  }
0x7: {  	s19 =	simm.s32 $0x680;
	s20 =	simm.s32 $0xC800;
	s21 =	simm.s32 $0x1  }
0x8: {  	v0 =	vlaneseq.u32;
	s22 =	simm.s32 $0x10A80;
	s23 =	simm.s32 $0x500;
	s24 =	simm.s32 $0x700  }
0x9: {  	s25 =	simm.s32 $0x580;
	s26 =	simm.s32 $0x780;
	s28 =	simm.s32 $0x10800;
	v0 =	vmul.u32 $0x10, v0  }
0xa: {  	s29 =	simm.s32 $0x0;
	[smem:$0x7FF] =	sst s1;
	s3 =	sadd.s32 $0xF42A00, s5  }
0xb: {  	s4 =	sadd.s32 $0x16E3C00, s5;
	s6 =	sand.u32 $0x1, s6;
	s9 =	sshll.u32 s9, $0x7;
	v1 =	vor.u32 $0x1, v0;
	v2 =	vor.u32 $0x2, v0;
	v3 =	vor.u32 $0x3, v0  }
0xc: {  	s5 =	sadd.s32 $0x600, s5;
	s7 =	ssub.s32 $0x2, s6;
	s6 =	sshll.u32 s6, $0x6;
	v4 =	vor.u32 $0x4, v0;
	v5 =	vor.u32 $0x5, v0;
	v6 =	vor.u32 $0x6, v0  }
0xd: {  	_ =	strace $0x80000047;
	s10 =	sshrl.u32 s7, $0x1;
	s9 =	sor.u32 s6, s9;
	v7 =	vor.u32 $0x7, v0;
	v8 =	vor.u32 $0x8, v0;
	v9 =	vor.u32 $0x9, v0  }
0xe: {  	v10 =	vor.u32 $0xA, v0;
	v11 =	vor.u32 $0xB, v0;
	v12 =	vor.u32 $0xC, v0;
	s10 =	ssub.s32 s7, s10;
	s6 =	sadd.s32 s0, s9;
	s7 =	sadd.s32 s2, s9  }
0xf: {  	v13 =	vor.u32 $0xD, v0;
	v14 =	vor.u32 $0xE, v0;
	v15 =	vor.u32 $0xF, v0;
	s8 =	sadd.s32 s8, s9;
	s9 =	smax.u32 s10, $0x1;
	s10 =	simm.s32 $0x2  }
.LBB2_1:
0x10: {  	[tilespmem:s1], [sflag:$0x2] =	stream.linear.gather [hbm4b:s6+s1], $0x200, $0x38;
	[tilespmem:$0x10B80] =	vst v63  }
0x11: {  	_ =	swait.ge [sflag:s10], $0x200  }
0x12: {  	[sflag:s10] =	ssyncset.done $0x0  }
0x13: {  	s30 =	simm.s32 $0x200;
	[sflag:s10] =	ssyncadd.s32 $0xFFFFFE00  }
0x14: {  	[tilespmem:s30], [sflag:$0x2] =	stream.linear.gather [hbm4b:s7+s1], $0x200, $0x38;
	[tilespmem:$0x10B80] =	vst v63  }
0x15: {  	_ =	swait.ge [sflag:s10], $0x200  }
0x16: {  	[sflag:s10] =	ssyncset.done $0x0  }
0x17: {  	s0 =	simm.s32 $0x10A00;
	[sflag:s10] =	ssyncadd.s32 $0xFFFFFE00  }
0x18: {  	[tilespmem:s0], [sflag:$0x2] =	stream.linear.gather [hbm4b:s5+s1], $0x80, $0x38;
	[tilespmem:$0x10B80] =	vst v63  }
0x19: {  	_ =	swait.ge [sflag:s10], $0x80  }
0x1a: {  	[sflag:s10] =	ssyncset.done $0x0  }
0x1b: {  	[sflag:s10] =	ssyncadd.s32 $0xFFFFFF80  }
0x1c: {  	v16 =	vld [tilespmem:$0x0]  }
0x1d: {  	v17 =	vld [tilespmem:$0x200]  }
0x1e: {  	v18 =	vld [tilespmem:$0x10]  }
0x1f: {  	v19 =	vld [tilespmem:$0x210]  }
0x20: {  	v20 =	vld [tilespmem:$0x20]  }
0x21: {  	v21 =	vld [tilespmem:$0x220];
	v16 =	vshra.s32 v16, $0x1  }
0x22: {  	[tilespmem:$0x400] =	vst v16;
	v16 =	vshra.s32 v17, $0x1;
	v17 =	vld [tilespmem:$0x30]  }
0x23: {  	[tilespmem:$0x600] =	vst v16;
	v16 =	vshra.s32 v18, $0x1;
	v18 =	vld [tilespmem:$0x230]  }
0x24: {  	[tilespmem:$0x410] =	vst v16;
	v16 =	vshra.s32 v19, $0x1;
	v19 =	vld [tilespmem:$0x40]  }
0x25: {  	[tilespmem:$0x610] =	vst v16;
	v16 =	vshra.s32 v20, $0x1;
	v20 =	vld [tilespmem:$0x240]  }
0x26: {  	[tilespmem:$0x420] =	vst v16;
	v16 =	vshra.s32 v21, $0x1;
	v21 =	vld [tilespmem:$0x50]  }
0x27: {  	[tilespmem:$0x620] =	vst v16;
	v16 =	vshra.s32 v17, $0x1;
	v17 =	vld [tilespmem:$0x250]  }
0x28: {  	[tilespmem:$0x430] =	vst v16;
	v16 =	vshra.s32 v18, $0x1;
	v18 =	vld [tilespmem:$0x60]  }
0x29: {  	[tilespmem:$0x630] =	vst v16;
	v16 =	vshra.s32 v19, $0x1;
	v19 =	vld [tilespmem:$0x260]  }
0x2a: {  	[tilespmem:$0x440] =	vst v16;
	v16 =	vshra.s32 v20, $0x1;
	v20 =	vld [tilespmem:$0x70]  }
0x2b: {  	[tilespmem:$0x640] =	vst v16;
	v16 =	vshra.s32 v21, $0x1;
	v21 =	vld [tilespmem:$0x270]  }
0x2c: {  	[tilespmem:$0x450] =	vst v16;
	v16 =	vshra.s32 v17, $0x1;
	v17 =	vld [tilespmem:$0x80]  }
0x2d: {  	[tilespmem:$0x650] =	vst v16;
	v16 =	vshra.s32 v18, $0x1;
	v18 =	vld [tilespmem:$0x280]  }
0x2e: {  	[tilespmem:$0x460] =	vst v16;
	v16 =	vshra.s32 v19, $0x1;
	v19 =	vld [tilespmem:$0x90]  }
0x2f: {  	[tilespmem:$0x660] =	vst v16;
	v16 =	vshra.s32 v20, $0x1;
	v20 =	vld [tilespmem:$0x290]  }
0x30: {  	[tilespmem:$0x470] =	vst v16;
	v16 =	vshra.s32 v21, $0x1;
	v21 =	vld [tilespmem:$0xA0]  }
0x31: {  	[tilespmem:$0x670] =	vst v16;
	v16 =	vshra.s32 v17, $0x1;
	v17 =	vld [tilespmem:$0x2A0]  }
0x32: {  	[tilespmem:$0x480] =	vst v16;
	v16 =	vshra.s32 v18, $0x1;
	v18 =	vld [tilespmem:$0xB0]  }
0x33: {  	[tilespmem:$0x680] =	vst v16;
	v16 =	vshra.s32 v19, $0x1;
	v19 =	vld [tilespmem:$0x2B0]  }
0x34: {  	[tilespmem:$0x490] =	vst v16;
	v16 =	vshra.s32 v20, $0x1;
	v20 =	vld [tilespmem:$0xC0]  }
0x35: {  	[tilespmem:$0x690] =	vst v16;
	v16 =	vshra.s32 v21, $0x1;
	v21 =	vld [tilespmem:$0x2C0]  }
0x36: {  	[tilespmem:$0x4A0] =	vst v16;
	v16 =	vshra.s32 v17, $0x1;
	v17 =	vld [tilespmem:$0xD0]  }
0x37: {  	[tilespmem:$0x6A0] =	vst v16;
	v16 =	vshra.s32 v18, $0x1;
	v18 =	vld [tilespmem:$0x2D0]  }
0x38: {  	[tilespmem:$0x4B0] =	vst v16;
	v16 =	vshra.s32 v19, $0x1;
	v19 =	vld [tilespmem:$0xE0]  }
0x39: {  	[tilespmem:$0x6B0] =	vst v16;
	v16 =	vshra.s32 v20, $0x1;
	v20 =	vld [tilespmem:$0x2E0]  }
0x3a: {  	[tilespmem:$0x4C0] =	vst v16;
	v16 =	vshra.s32 v21, $0x1;
	v21 =	vld [tilespmem:$0xF0]  }
0x3b: {  	[tilespmem:$0x6C0] =	vst v16;
	v16 =	vshra.s32 v17, $0x1;
	v17 =	vld [tilespmem:$0x2F0]  }
0x3c: {  	[tilespmem:$0x4D0] =	vst v16;
	v16 =	vshra.s32 v18, $0x1;
	v18 =	vld [tilespmem:$0x100]  }
0x3d: {  	[tilespmem:$0x6D0] =	vst v16;
	v16 =	vshra.s32 v19, $0x1;
	v19 =	vld [tilespmem:$0x300]  }
0x3e: {  	[tilespmem:$0x4E0] =	vst v16;
	v16 =	vshra.s32 v20, $0x1;
	v20 =	vld [tilespmem:$0x110]  }
0x3f: {  	[tilespmem:$0x6E0] =	vst v16;
	v16 =	vshra.s32 v21, $0x1;
	v21 =	vld [tilespmem:$0x310]  }
0x40: {  	[tilespmem:$0x4F0] =	vst v16;
	v16 =	vshra.s32 v17, $0x1;
	v17 =	vld [tilespmem:$0x120]  }
0x41: {  	[tilespmem:$0x6F0] =	vst v16;
	v16 =	vshra.s32 v18, $0x1;
	v18 =	vld [tilespmem:$0x320]  }
0x42: {  	[tilespmem:$0x500] =	vst v16;
	v16 =	vshra.s32 v19, $0x1;
	v19 =	vld [tilespmem:$0x130]  }
0x43: {  	[tilespmem:$0x700] =	vst v16;
	v16 =	vshra.s32 v20, $0x1;
	v20 =	vld [tilespmem:$0x330]  }
0x44: {  	[tilespmem:$0x510] =	vst v16;
	v16 =	vshra.s32 v21, $0x1;
	v21 =	vld [tilespmem:$0x140]  }
0x45: {  	[tilespmem:$0x710] =	vst v16;
	v16 =	vshra.s32 v17, $0x1;
	v17 =	vld [tilespmem:$0x340]  }
0x46: {  	[tilespmem:$0x520] =	vst v16;
	v16 =	vshra.s32 v18, $0x1;
	v18 =	vld [tilespmem:$0x150]  }
0x47: {  	[tilespmem:$0x720] =	vst v16;
	v16 =	vshra.s32 v19, $0x1;
	v19 =	vld [tilespmem:$0x350]  }
0x48: {  	[tilespmem:$0x530] =	vst v16;
	v16 =	vshra.s32 v20, $0x1;
	v20 =	vld [tilespmem:$0x160]  }
0x49: {  	[tilespmem:$0x730] =	vst v16;
	v16 =	vshra.s32 v21, $0x1;
	v21 =	vld [tilespmem:$0x360]  }
0x4a: {  	[tilespmem:$0x540] =	vst v16;
	v16 =	vshra.s32 v17, $0x1;
	v17 =	vld [tilespmem:$0x170]  }
0x4b: {  	[tilespmem:$0x740] =	vst v16;
	v16 =	vshra.s32 v18, $0x1;
	v18 =	vld [tilespmem:$0x370]  }
0x4c: {  	[tilespmem:$0x550] =	vst v16;
	v16 =	vshra.s32 v19, $0x1;
	v19 =	vld [tilespmem:$0x180]  }
0x4d: {  	[tilespmem:$0x750] =	vst v16;
	v16 =	vshra.s32 v20, $0x1;
	v20 =	vld [tilespmem:$0x380]  }
0x4e: {  	[tilespmem:$0x560] =	vst v16;
	v16 =	vshra.s32 v21, $0x1;
	v21 =	vld [tilespmem:$0x190]  }
0x4f: {  	[tilespmem:$0x760] =	vst v16;
	v16 =	vshra.s32 v17, $0x1;
	v17 =	vld [tilespmem:$0x390]  }
0x50: {  	[tilespmem:$0x570] =	vst v16;
	v16 =	vshra.s32 v18, $0x1;
	v18 =	vld [tilespmem:$0x1A0]  }
0x51: {  	[tilespmem:$0x770] =	vst v16;
	v16 =	vshra.s32 v19, $0x1;
	v19 =	vld [tilespmem:$0x3A0]  }
0x52: {  	[tilespmem:$0x580] =	vst v16;
	v16 =	vshra.s32 v20, $0x1;
	v20 =	vld [tilespmem:$0x1B0]  }
0x53: {  	[tilespmem:$0x780] =	vst v16;
	v16 =	vshra.s32 v21, $0x1;
	v21 =	vld [tilespmem:$0x3B0]  }
0x54: {  	[tilespmem:$0x590] =	vst v16;
	v16 =	vshra.s32 v17, $0x1;
	v17 =	vld [tilespmem:$0x1C0]  }
0x55: {  	[tilespmem:$0x790] =	vst v16;
	v16 =	vshra.s32 v18, $0x1;
	v18 =	vld [tilespmem:$0x3C0]  }
0x56: {  	[tilespmem:$0x5A0] =	vst v16;
	v16 =	vshra.s32 v19, $0x1;
	v19 =	vld [tilespmem:$0x1D0]  }
0x57: {  	[tilespmem:$0x7A0] =	vst v16;
	v16 =	vshra.s32 v20, $0x1;
	v20 =	vld [tilespmem:$0x3D0]  }
0x58: {  	[tilespmem:$0x5B0] =	vst v16;
	v16 =	vshra.s32 v21, $0x1;
	v21 =	vld [tilespmem:$0x1E0]  }
0x59: {  	[tilespmem:$0x7B0] =	vst v16;
	v16 =	vshra.s32 v17, $0x1;
	v17 =	vld [tilespmem:$0x3E0]  }
0x5a: {  	[tilespmem:$0x5C0] =	vst v16;
	v16 =	vshra.s32 v18, $0x1;
	v18 =	vld [tilespmem:$0x1F0]  }
0x5b: {  	[tilespmem:$0x7C0] =	vst v16;
	v16 =	vshra.s32 v19, $0x1;
	v19 =	vld [tilespmem:$0x3F0]  }
0x5c: {  	[tilespmem:$0x5D0] =	vst v16;
	v16 =	vshra.s32 v20, $0x1  }
0x5d: {  	[tilespmem:$0x7D0] =	vst v16;
	v16 =	vshra.s32 v21, $0x1  }
0x5e: {  	[tilespmem:$0x5E0] =	vst v16;
	v17 =	vshra.s32 v17, $0x1;
	v16 =	vld [tilespmem:$0x10A00]  }
0x5f: {  	[tilespmem:$0x7E0] =	vst v17;
	v18 =	vshra.s32 v18, $0x1;
	v17 =	vld [tilespmem:$0x10A10]  }
0x60: {  	[tilespmem:$0x5F0] =	vst v18;
	v19 =	vshra.s32 v19, $0x1;
	v18 =	vld [tilespmem:$0x10A20]  }
0x61: {  	s13 =	simm.s32 $0x400;
	[tilespmem:$0x7F0] =	vst v19;
	v19 =	vld [tilespmem:$0x10A30]  }
0x62: {  	v20 =	vld.msk [tilespmem:$0x10A40 ss:$0x0], $0xffff;
	[tilespmem:s14], [sflag:$0x1] =	stream.indirect.gather [hbm4b:s3+s12], $0x80, s13, s12, $0xb8  }
0x63: {  	s15 =	simm.s32 $0x600  }
0x64: {  	[tilespmem:s16], [sflag:$0x1] =	stream.indirect.gather [hbm4b:s4+s12], $0x80, s15, s12, $0xb8;
	[tilespmem:$0x10B80] =	vst v63  }
0x65: {  	s17 =	simm.s32 $0x480  }
0x66: {  	[tilespmem:s18], [sflag:$0x1] =	stream.indirect.gather [hbm4b:s3+s12], $0x80, s17, s12, $0xb8;
	[tilespmem:$0x10B80] =	vst v63  }
0x67: {  	_ = 	snop  }
0x68: {  	[tilespmem:s20], [sflag:$0x1] =	stream.indirect.gather [hbm4b:s4+s12], $0x80, s19, s12, $0xb8;
	[tilespmem:$0x10B80] =	vst v63  }
0x69: {  	_ =	swait.ge [sflag:s21], $0x4000  }
0x6a: {  	[sflag:s21] =	ssyncset.done $0x0  }
0x6b: {  	[sflag:s21] =	ssyncadd.s32 $0xFFFFC000  }
0x6c: {  	_ =	swait.ge [sflag:s21], $0x4000  }
0x6d: {  	[sflag:s21] =	ssyncset.done $0x0  }
0x6e: {  	[sflag:s21] =	ssyncadd.s32 $0xFFFFC000  }
0x6f: {  	_ =	swait.ge [sflag:s21], $0x4000  }
0x70: {  	[sflag:s21] =	ssyncset.done $0x0  }
0x71: {  	[sflag:s21] =	ssyncadd.s32 $0xFFFFC000  }
0x72: {  	_ =	swait.ge [sflag:s21], $0x4000  }
0x73: {  	s31 =	simm.s32 $0x10800;
	[sflag:s21] =	ssyncset.done $0x0  }
0x74: {  	s2 =	simm.s32 $0x0;
	s0 =	simm.s32 $0x0;
	[sflag:s21] =	ssyncadd.s32 $0xFFFFC000  }
.LBB2_2:
0x75: {  	v21 =	vld [tilespmem:s0+$0x0];
	_ =	sdelay $0x1  }
0x76: {  	v22 =	vld [tilespmem:s30+$0x0];
	_ =	sdelay $0x2  }
0x77: {  	v21 =	vshll.u32 v21, $0x6  }
0x78: {  	s11 =	sshra.s32 s2, $0x2;
	v21 =	vand.u32 $0x40, v21  }
0x79: {  	v22 =	vshll.u32 v22, $0x6;
	v21 =	vadd.s32 s11, v21  }
0x7a: {  	v22 =	vand.u32 $0x40, v22;
	(v2sf) =	vpush v21, $0x1  }
0x7b: {  	v22 =	vadd.s32 s11, v22;
	(v2sf) =	vpush v21, $0x0  }
0x7c: {  	(v2sf) =	vpush v22, $0x1  }
0x7d: {  	(v2sf) =	vpush v22, $0x0;
	_ =	sdelay $0xb  }
0x7e: {  	s11 =	spop (v2sf)  }
0x7f: {  	s13 =	spop (v2sf)  }
0x80: {  	s15 =	spop (v2sf)  }
0x81: {  	v23 =	vld [tilespmem:s13+$0x800];
	s17 =	spop (v2sf)  }
0x82: {  	v24 =	vld [tilespmem:s17+$0x8800]  }
0x83: {  	v25 =	vld [tilespmem:s13+$0x810]  }
0x84: {  	v26 =	vld [tilespmem:s17+$0x8810]  }
0x85: {  	v27 =	vld [tilespmem:s13+$0x820]  }
0x86: {  	v28 =	vld [tilespmem:s17+$0x8820]  }
0x87: {  	v63 =	vld [tilespmem:s13+$0x830];
	v23 =	vmul.f32 v24, v23  }
0x88: {  	v29 =	vld [tilespmem:s17+$0x8830]  }
0x89: {  	v25 =	vmul.f32 v26, v25;
	v23 =	vmul.f32 v23, v16;
	_ =	sdelay $0x1  }
0x8a: {  	v30 =	vmul.f32 v28, v27;
	v25 =	vmul.f32 v25, v17;
	v23 =	vadd.f32 $0.0e+00, v23;
	_ =	sdelay $0x1  }
0x8b: {  	v24 =	vmul.f32 v29, v63;
	v31 =	vmul.f32 v30, v18;
	v23 =	vadd.f32 v25, v23;
	_ =	sdelay $0x1  }
0x8c: {  	v24 =	vmul.f32 v24, v19;
	v23 =	vadd.f32 v31, v23;
	_ =	sdelay $0x1  }
0x8d: {  	v23 =	vadd.f32 v24, v23;
	_ =	sdelay $0x1  }
0x8e: {  	[tilespmem:v0+s22+$0x0] =	vst.idx.msk $0xffff, v23  }
0x8f: {  	v23 =	vld [tilespmem:s11+$0x880]  }
0x90: {  	(v2sf) =	vpush v21, $0x3;
	v32 =	vld [tilespmem:s15+$0x8880]  }
0x91: {  	(v2sf) =	vpush v21, $0x2;
	v33 =	vld [tilespmem:s11+$0x890]  }
0x92: {  	(v2sf) =	vpush v22, $0x3;
	v34 =	vld [tilespmem:s15+$0x8890]  }
0x93: {  	(v2sf) =	vpush v22, $0x2;
	v35 =	vld [tilespmem:s11+$0x8A0]  }
0x94: {  	v36 =	vld [tilespmem:s15+$0x88A0]  }
0x95: {  	v37 =	vld [tilespmem:s11+$0x8B0];
	v23 =	vmul.f32 v32, v23  }
0x96: {  	v38 =	vld [tilespmem:s15+$0x88B0]  }
0x97: {  	v25 =	vmul.f32 v34, v33;
	v23 =	vmul.f32 v23, v16;
	_ =	sdelay $0x1  }
0x98: {  	v39 =	vmul.f32 v36, v35;
	v25 =	vmul.f32 v25, v17;
	v23 =	vadd.f32 $0.0e+00, v23;
	_ =	sdelay $0x1  }
0x99: {  	v24 =	vmul.f32 v38, v37;
	v40 =	vmul.f32 v39, v18;
	v23 =	vadd.f32 v25, v23;
	_ =	sdelay $0x1  }
0x9a: {  	v24 =	vmul.f32 v24, v19;
	v23 =	vadd.f32 v40, v23;
	_ =	sdelay $0x1  }
0x9b: {  	s11 =	spop (v2sf);
	v23 =	vadd.f32 v24, v23  }
0x9c: {  	s13 =	spop (v2sf)  }
0x9d: {  	s15 =	spop (v2sf);
	[tilespmem:v1+s22+$0x0] =	vst.idx.msk $0xffff, v23  }
0x9e: {  	s17 =	spop (v2sf);
	v23 =	vld [tilespmem:s13+$0x900]  }
0x9f: {  	v41 =	vld [tilespmem:s17+$0x8900]  }
0xa0: {  	v42 =	vld [tilespmem:s13+$0x910]  }
0xa1: {  	v43 =	vld [tilespmem:s17+$0x8910]  }
0xa2: {  	v44 =	vld [tilespmem:s13+$0x920]  }
0xa3: {  	v45 =	vld [tilespmem:s17+$0x8920]  }
0xa4: {  	v46 =	vld [tilespmem:s13+$0x930];
	v23 =	vmul.f32 v41, v23  }
0xa5: {  	v47 =	vld [tilespmem:s17+$0x8930]  }
0xa6: {  	v25 =	vmul.f32 v43, v42;
	v23 =	vmul.f32 v23, v16;
	_ =	sdelay $0x1  }
0xa7: {  	v48 =	vmul.f32 v45, v44;
	v25 =	vmul.f32 v25, v17;
	v23 =	vadd.f32 $0.0e+00, v23;
	_ =	sdelay $0x1  }
0xa8: {  	v24 =	vmul.f32 v47, v46;
	v49 =	vmul.f32 v48, v18;
	v23 =	vadd.f32 v25, v23;
	_ =	sdelay $0x1  }
0xa9: {  	v24 =	vmul.f32 v24, v19;
	v23 =	vadd.f32 v49, v23;
	_ =	sdelay $0x1  }
0xaa: {  	v23 =	vadd.f32 v24, v23;
	_ =	sdelay $0x1  }
0xab: {  	[tilespmem:v2+s22+$0x0] =	vst.idx.msk $0xffff, v23  }
0xac: {  	v23 =	vld [tilespmem:s11+$0x980]  }
0xad: {  	(v2sf) =	vpush v21, $0x5;
	v50 =	vld [tilespmem:s15+$0x8980]  }
0xae: {  	(v2sf) =	vpush v21, $0x4;
	v51 =	vld [tilespmem:s11+$0x990]  }
0xaf: {  	(v2sf) =	vpush v22, $0x5;
	v52 =	vld [tilespmem:s15+$0x8990]  }
0xb0: {  	(v2sf) =	vpush v22, $0x4;
	v53 =	vld [tilespmem:s11+$0x9A0]  }
0xb1: {  	v54 =	vld [tilespmem:s15+$0x89A0]  }
0xb2: {  	v55 =	vld [tilespmem:s11+$0x9B0];
	v23 =	vmul.f32 v50, v23  }
0xb3: {  	v56 =	vld [tilespmem:s15+$0x89B0]  }
0xb4: {  	v25 =	vmul.f32 v52, v51;
	v23 =	vmul.f32 v23, v16;
	_ =	sdelay $0x1  }
0xb5: {  	v57 =	vmul.f32 v54, v53;
	v25 =	vmul.f32 v25, v17;
	v23 =	vadd.f32 $0.0e+00, v23;
	_ =	sdelay $0x1  }
0xb6: {  	v24 =	vmul.f32 v56, v55;
	v58 =	vmul.f32 v57, v18;
	v23 =	vadd.f32 v25, v23;
	_ =	sdelay $0x1  }
0xb7: {  	v24 =	vmul.f32 v24, v19;
	v23 =	vadd.f32 v58, v23;
	_ =	sdelay $0x1  }
0xb8: {  	s11 =	spop (v2sf);
	v23 =	vadd.f32 v24, v23  }
0xb9: {  	s13 =	spop (v2sf)  }
0xba: {  	s15 =	spop (v2sf);
	[tilespmem:v3+s22+$0x0] =	vst.idx.msk $0xffff, v23  }
0xbb: {  	s17 =	spop (v2sf);
	v23 =	vld [tilespmem:s13+$0xA00]  }
0xbc: {  	v59 =	vld [tilespmem:s17+$0x8A00]  }
0xbd: {  	v60 =	vld [tilespmem:s13+$0xA10]  }
0xbe: {  	v61 =	vld [tilespmem:s17+$0x8A10]  }
0xbf: {  	v62 =	vld [tilespmem:s13+$0xA20]  }
0xc0: {  	v63 =	vld [tilespmem:s17+$0x8A20]  }
0xc1: {  	v32 =	vld [tilespmem:s13+$0xA30];
	v23 =	vmul.f32 v59, v23  }
0xc2: {  	v33 =	vld [tilespmem:s17+$0x8A30]  }
0xc3: {  	v25 =	vmul.f32 v61, v60;
	v23 =	vmul.f32 v23, v16;
	_ =	sdelay $0x1  }
0xc4: {  	v34 =	vmul.f32 v63, v62;
	v25 =	vmul.f32 v25, v17;
	v23 =	vadd.f32 $0.0e+00, v23;
	_ =	sdelay $0x1  }
0xc5: {  	v24 =	vmul.f32 v33, v32;
	v35 =	vmul.f32 v34, v18;
	v23 =	vadd.f32 v25, v23;
	_ =	sdelay $0x1  }
0xc6: {  	v24 =	vmul.f32 v24, v19;
	v23 =	vadd.f32 v35, v23;
	_ =	sdelay $0x1  }
0xc7: {  	v23 =	vadd.f32 v24, v23;
	_ =	sdelay $0x1  }
0xc8: {  	[tilespmem:v4+s22+$0x0] =	vst.idx.msk $0xffff, v23  }
0xc9: {  	v23 =	vld [tilespmem:s11+$0xA80]  }
0xca: {  	(v2sf) =	vpush v21, $0x7;
	v36 =	vld [tilespmem:s15+$0x8A80]  }
0xcb: {  	(v2sf) =	vpush v21, $0x6;
	v37 =	vld [tilespmem:s11+$0xA90]  }
0xcc: {  	(v2sf) =	vpush v22, $0x7;
	v38 =	vld [tilespmem:s15+$0x8A90]  }
0xcd: {  	(v2sf) =	vpush v22, $0x6;
	v39 =	vld [tilespmem:s11+$0xAA0]  }
0xce: {  	v40 =	vld [tilespmem:s15+$0x8AA0]  }
0xcf: {  	v41 =	vld [tilespmem:s11+$0xAB0];
	v23 =	vmul.f32 v36, v23  }
0xd0: {  	v42 =	vld [tilespmem:s15+$0x8AB0]  }
0xd1: {  	v25 =	vmul.f32 v38, v37;
	v23 =	vmul.f32 v23, v16;
	_ =	sdelay $0x1  }
0xd2: {  	v43 =	vmul.f32 v40, v39;
	v25 =	vmul.f32 v25, v17;
	v23 =	vadd.f32 $0.0e+00, v23;
	_ =	sdelay $0x1  }
0xd3: {  	v24 =	vmul.f32 v42, v41;
	v44 =	vmul.f32 v43, v18;
	v23 =	vadd.f32 v25, v23;
	_ =	sdelay $0x1  }
0xd4: {  	v24 =	vmul.f32 v24, v19;
	v23 =	vadd.f32 v44, v23;
	_ =	sdelay $0x1  }
0xd5: {  	s11 =	spop (v2sf);
	v23 =	vadd.f32 v24, v23  }
0xd6: {  	s13 =	spop (v2sf)  }
0xd7: {  	s15 =	spop (v2sf);
	[tilespmem:v5+s22+$0x0] =	vst.idx.msk $0xffff, v23  }
0xd8: {  	s17 =	spop (v2sf);
	v23 =	vld [tilespmem:s13+$0xB00]  }
0xd9: {  	v45 =	vld [tilespmem:s17+$0x8B00]  }
0xda: {  	v46 =	vld [tilespmem:s13+$0xB10]  }
0xdb: {  	v47 =	vld [tilespmem:s17+$0x8B10]  }
0xdc: {  	v48 =	vld [tilespmem:s13+$0xB20]  }
0xdd: {  	v49 =	vld [tilespmem:s17+$0x8B20]  }
0xde: {  	v50 =	vld [tilespmem:s13+$0xB30];
	v23 =	vmul.f32 v45, v23  }
0xdf: {  	v51 =	vld [tilespmem:s17+$0x8B30]  }
0xe0: {  	v25 =	vmul.f32 v47, v46;
	v23 =	vmul.f32 v23, v16;
	_ =	sdelay $0x1  }
0xe1: {  	v52 =	vmul.f32 v49, v48;
	v25 =	vmul.f32 v25, v17;
	v23 =	vadd.f32 $0.0e+00, v23;
	_ =	sdelay $0x1  }
0xe2: {  	v24 =	vmul.f32 v51, v50;
	v53 =	vmul.f32 v52, v18;
	v23 =	vadd.f32 v25, v23;
	_ =	sdelay $0x1  }
0xe3: {  	v24 =	vmul.f32 v24, v19;
	v23 =	vadd.f32 v53, v23;
	_ =	sdelay $0x1  }
0xe4: {  	v23 =	vadd.f32 v24, v23;
	_ =	sdelay $0x1  }
0xe5: {  	[tilespmem:v6+s22+$0x0] =	vst.idx.msk $0xffff, v23  }
0xe6: {  	v23 =	vld [tilespmem:s11+$0xB80]  }
0xe7: {  	(v2sf) =	vpush v21, $0x9;
	v54 =	vld [tilespmem:s15+$0x8B80]  }
0xe8: {  	(v2sf) =	vpush v21, $0x8;
	v55 =	vld [tilespmem:s11+$0xB90]  }
0xe9: {  	(v2sf) =	vpush v22, $0x9;
	v56 =	vld [tilespmem:s15+$0x8B90]  }
0xea: {  	(v2sf) =	vpush v22, $0x8;
	v57 =	vld [tilespmem:s11+$0xBA0]  }
0xeb: {  	v58 =	vld [tilespmem:s15+$0x8BA0]  }
0xec: {  	v59 =	vld [tilespmem:s11+$0xBB0];
	v23 =	vmul.f32 v54, v23  }
0xed: {  	v60 =	vld [tilespmem:s15+$0x8BB0]  }
0xee: {  	v25 =	vmul.f32 v56, v55;
	v23 =	vmul.f32 v23, v16;
	_ =	sdelay $0x1  }
0xef: {  	v61 =	vmul.f32 v58, v57;
	v25 =	vmul.f32 v25, v17;
	v23 =	vadd.f32 $0.0e+00, v23;
	_ =	sdelay $0x1  }
0xf0: {  	v24 =	vmul.f32 v60, v59;
	v62 =	vmul.f32 v61, v18;
	v23 =	vadd.f32 v25, v23;
	_ =	sdelay $0x1  }
0xf1: {  	v24 =	vmul.f32 v24, v19;
	v23 =	vadd.f32 v62, v23;
	_ =	sdelay $0x1  }
0xf2: {  	s11 =	spop (v2sf);
	v23 =	vadd.f32 v24, v23  }
0xf3: {  	s13 =	spop (v2sf)  }
0xf4: {  	s15 =	spop (v2sf);
	[tilespmem:v7+s22+$0x0] =	vst.idx.msk $0xffff, v23  }
0xf5: {  	s17 =	spop (v2sf);
	v23 =	vld [tilespmem:s13+$0xC00]  }
0xf6: {  	v63 =	vld [tilespmem:s17+$0x8C00]  }
0xf7: {  	v32 =	vld [tilespmem:s13+$0xC10]  }
0xf8: {  	v33 =	vld [tilespmem:s17+$0x8C10]  }
0xf9: {  	v34 =	vld [tilespmem:s13+$0xC20]  }
0xfa: {  	v35 =	vld [tilespmem:s17+$0x8C20]  }
0xfb: {  	v36 =	vld [tilespmem:s13+$0xC30];
	v23 =	vmul.f32 v63, v23  }
0xfc: {  	v37 =	vld [tilespmem:s17+$0x8C30]  }
0xfd: {  	v25 =	vmul.f32 v33, v32;
	v23 =	vmul.f32 v23, v16;
	_ =	sdelay $0x1  }
0xfe: {  	v38 =	vmul.f32 v35, v34;
	v25 =	vmul.f32 v25, v17;
	v23 =	vadd.f32 $0.0e+00, v23;
	_ =	sdelay $0x1  }
0xff: {  	v24 =	vmul.f32 v37, v36;
	v39 =	vmul.f32 v38, v18;
	v23 =	vadd.f32 v25, v23;
	_ =	sdelay $0x1  }
0x100: {  	v24 =	vmul.f32 v24, v19;
	v23 =	vadd.f32 v39, v23;
	_ =	sdelay $0x1  }
0x101: {  	v23 =	vadd.f32 v24, v23;
	_ =	sdelay $0x1  }
0x102: {  	[tilespmem:v8+s22+$0x0] =	vst.idx.msk $0xffff, v23  }
0x103: {  	v23 =	vld [tilespmem:s11+$0xC80]  }
0x104: {  	(v2sf) =	vpush v21, $0xB;
	v40 =	vld [tilespmem:s15+$0x8C80]  }
0x105: {  	(v2sf) =	vpush v21, $0xA;
	v41 =	vld [tilespmem:s11+$0xC90]  }
0x106: {  	(v2sf) =	vpush v22, $0xB;
	v42 =	vld [tilespmem:s15+$0x8C90]  }
0x107: {  	(v2sf) =	vpush v22, $0xA;
	v43 =	vld [tilespmem:s11+$0xCA0]  }
0x108: {  	v44 =	vld [tilespmem:s15+$0x8CA0]  }
0x109: {  	v45 =	vld [tilespmem:s11+$0xCB0];
	v23 =	vmul.f32 v40, v23  }
0x10a: {  	v46 =	vld [tilespmem:s15+$0x8CB0]  }
0x10b: {  	v25 =	vmul.f32 v42, v41;
	v23 =	vmul.f32 v23, v16;
	_ =	sdelay $0x1  }
0x10c: {  	v47 =	vmul.f32 v44, v43;
	v25 =	vmul.f32 v25, v17;
	v23 =	vadd.f32 $0.0e+00, v23;
	_ =	sdelay $0x1  }
0x10d: {  	v24 =	vmul.f32 v46, v45;
	v48 =	vmul.f32 v47, v18;
	v23 =	vadd.f32 v25, v23;
	_ =	sdelay $0x1  }
0x10e: {  	v24 =	vmul.f32 v24, v19;
	v23 =	vadd.f32 v48, v23;
	_ =	sdelay $0x1  }
0x10f: {  	s11 =	spop (v2sf);
	v23 =	vadd.f32 v24, v23  }
0x110: {  	s13 =	spop (v2sf)  }
0x111: {  	s15 =	spop (v2sf);
	[tilespmem:v9+s22+$0x0] =	vst.idx.msk $0xffff, v23  }
0x112: {  	s17 =	spop (v2sf);
	v23 =	vld [tilespmem:s13+$0xD00]  }
0x113: {  	v49 =	vld [tilespmem:s17+$0x8D00]  }
0x114: {  	v50 =	vld [tilespmem:s13+$0xD10]  }
0x115: {  	v51 =	vld [tilespmem:s17+$0x8D10]  }
0x116: {  	v52 =	vld [tilespmem:s13+$0xD20]  }
0x117: {  	v53 =	vld [tilespmem:s17+$0x8D20]  }
0x118: {  	v54 =	vld [tilespmem:s13+$0xD30];
	v23 =	vmul.f32 v49, v23  }
0x119: {  	v55 =	vld [tilespmem:s17+$0x8D30]  }
0x11a: {  	v25 =	vmul.f32 v51, v50;
	v23 =	vmul.f32 v23, v16;
	_ =	sdelay $0x1  }
0x11b: {  	v56 =	vmul.f32 v53, v52;
	v25 =	vmul.f32 v25, v17;
	v23 =	vadd.f32 $0.0e+00, v23;
	_ =	sdelay $0x1  }
0x11c: {  	v24 =	vmul.f32 v55, v54;
	v57 =	vmul.f32 v56, v18;
	v23 =	vadd.f32 v25, v23;
	_ =	sdelay $0x1  }
0x11d: {  	v24 =	vmul.f32 v24, v19;
	v23 =	vadd.f32 v57, v23;
	_ =	sdelay $0x1  }
0x11e: {  	v23 =	vadd.f32 v24, v23;
	_ =	sdelay $0x1  }
0x11f: {  	[tilespmem:v10+s22+$0x0] =	vst.idx.msk $0xffff, v23  }
0x120: {  	v23 =	vld [tilespmem:s11+$0xD80]  }
0x121: {  	(v2sf) =	vpush v21, $0xD;
	v58 =	vld [tilespmem:s15+$0x8D80]  }
0x122: {  	(v2sf) =	vpush v21, $0xC;
	v59 =	vld [tilespmem:s11+$0xD90]  }
0x123: {  	(v2sf) =	vpush v22, $0xD;
	v60 =	vld [tilespmem:s15+$0x8D90]  }
0x124: {  	(v2sf) =	vpush v22, $0xC;
	v61 =	vld [tilespmem:s11+$0xDA0]  }
0x125: {  	v62 =	vld [tilespmem:s15+$0x8DA0]  }
0x126: {  	v63 =	vld [tilespmem:s11+$0xDB0];
	v23 =	vmul.f32 v58, v23  }
0x127: {  	v32 =	vld [tilespmem:s15+$0x8DB0]  }
0x128: {  	v25 =	vmul.f32 v60, v59;
	v23 =	vmul.f32 v23, v16;
	_ =	sdelay $0x1  }
0x129: {  	v33 =	vmul.f32 v62, v61;
	v25 =	vmul.f32 v25, v17;
	v23 =	vadd.f32 $0.0e+00, v23;
	_ =	sdelay $0x1  }
0x12a: {  	v24 =	vmul.f32 v32, v63;
	v34 =	vmul.f32 v33, v18;
	v23 =	vadd.f32 v25, v23;
	_ =	sdelay $0x1  }
0x12b: {  	v24 =	vmul.f32 v24, v19;
	v23 =	vadd.f32 v34, v23;
	_ =	sdelay $0x1  }
0x12c: {  	s11 =	spop (v2sf);
	v23 =	vadd.f32 v24, v23  }
0x12d: {  	s13 =	spop (v2sf)  }
0x12e: {  	s15 =	spop (v2sf);
	[tilespmem:v11+s22+$0x0] =	vst.idx.msk $0xffff, v23  }
0x12f: {  	s17 =	spop (v2sf);
	v23 =	vld [tilespmem:s13+$0xE00]  }
0x130: {  	v35 =	vld [tilespmem:s17+$0x8E00]  }
0x131: {  	v36 =	vld [tilespmem:s13+$0xE10]  }
0x132: {  	v37 =	vld [tilespmem:s17+$0x8E10]  }
0x133: {  	v38 =	vld [tilespmem:s13+$0xE20]  }
0x134: {  	v39 =	vld [tilespmem:s17+$0x8E20]  }
0x135: {  	v40 =	vld [tilespmem:s13+$0xE30];
	v23 =	vmul.f32 v35, v23  }
0x136: {  	v41 =	vld [tilespmem:s17+$0x8E30]  }
0x137: {  	v25 =	vmul.f32 v37, v36;
	v23 =	vmul.f32 v23, v16;
	_ =	sdelay $0x1  }
0x138: {  	v42 =	vmul.f32 v39, v38;
	v25 =	vmul.f32 v25, v17;
	v23 =	vadd.f32 $0.0e+00, v23;
	_ =	sdelay $0x1  }
0x139: {  	v24 =	vmul.f32 v41, v40;
	v43 =	vmul.f32 v42, v18;
	v23 =	vadd.f32 v25, v23;
	_ =	sdelay $0x1  }
0x13a: {  	v24 =	vmul.f32 v24, v19;
	v23 =	vadd.f32 v43, v23;
	_ =	sdelay $0x1  }
0x13b: {  	v23 =	vadd.f32 v24, v23;
	_ =	sdelay $0x1  }
0x13c: {  	[tilespmem:v12+s22+$0x0] =	vst.idx.msk $0xffff, v23  }
0x13d: {  	v23 =	vld [tilespmem:s11+$0xE80]  }
0x13e: {  	(v2sf) =	vpush v21, $0xF;
	v44 =	vld [tilespmem:s15+$0x8E80]  }
0x13f: {  	(v2sf) =	vpush v21, $0xE;
	v45 =	vld [tilespmem:s11+$0xE90]  }
0x140: {  	(v2sf) =	vpush v22, $0xF;
	v21 =	vld [tilespmem:s15+$0x8E90]  }
0x141: {  	(v2sf) =	vpush v22, $0xE;
	v46 =	vld [tilespmem:s11+$0xEA0]  }
0x142: {  	v22 =	vld [tilespmem:s15+$0x8EA0]  }
0x143: {  	v47 =	vld [tilespmem:s11+$0xEB0];
	v23 =	vmul.f32 v44, v23  }
0x144: {  	v48 =	vld [tilespmem:s15+$0x8EB0]  }
0x145: {  	v21 =	vmul.f32 v21, v45;
	v23 =	vmul.f32 v23, v16;
	_ =	sdelay $0x1  }
0x146: {  	v22 =	vmul.f32 v22, v46;
	v21 =	vmul.f32 v21, v17;
	v23 =	vadd.f32 $0.0e+00, v23;
	_ =	sdelay $0x1  }
0x147: {  	v22 =	vmul.f32 v22, v18;
	v21 =	vadd.f32 v21, v23;
	v23 =	vmul.f32 v48, v47;
	_ =	sdelay $0x1  }
0x148: {  	v21 =	vadd.f32 v22, v21;
	v22 =	vmul.f32 v23, v19;
	_ =	sdelay $0x1  }
0x149: {  	s11 =	spop (v2sf);
	v21 =	vadd.f32 v22, v21  }
0x14a: {  	s13 =	spop (v2sf)  }
0x14b: {  	s15 =	spop (v2sf);
	[tilespmem:v13+s22+$0x0] =	vst.idx.msk $0xffff, v21  }
0x14c: {  	s17 =	spop (v2sf);
	v21 =	vld [tilespmem:s13+$0xF00]  }
0x14d: {  	v22 =	vld [tilespmem:s17+$0x8F00]  }
0x14e: {  	v23 =	vld [tilespmem:s13+$0xF10]  }
0x14f: {  	v49 =	vld [tilespmem:s17+$0x8F10]  }
0x150: {  	v50 =	vld [tilespmem:s13+$0xF20]  }
0x151: {  	v51 =	vld [tilespmem:s17+$0x8F20]  }
0x152: {  	v52 =	vld [tilespmem:s17+$0x8F30];
	v21 =	vmul.f32 v22, v21  }
0x153: {  	v22 =	vld [tilespmem:s13+$0xF30]  }
0x154: {  	v23 =	vmul.f32 v49, v23;
	v21 =	vmul.f32 v21, v16;
	_ =	sdelay $0x1  }
0x155: {  	v53 =	vmul.f32 v51, v50;
	v23 =	vmul.f32 v23, v17;
	v21 =	vadd.f32 $0.0e+00, v21;
	_ =	sdelay $0x1  }
0x156: {  	v22 =	vmul.f32 v52, v22;
	v21 =	vadd.f32 v23, v21;
	v23 =	vmul.f32 v53, v18;
	_ =	sdelay $0x1  }
0x157: {  	v22 =	vmul.f32 v22, v19;
	v21 =	vadd.f32 v23, v21;
	_ =	sdelay $0x1  }
0x158: {  	v21 =	vadd.f32 v22, v21;
	_ =	sdelay $0x1  }
0x159: {  	[tilespmem:v14+s22+$0x0] =	vst.idx.msk $0xffff, v21  }
0x15a: {  	v21 =	vld [tilespmem:s11+$0xF80]  }
0x15b: {  	v22 =	vld [tilespmem:s15+$0x8F80]  }
0x15c: {  	v23 =	vld [tilespmem:s11+$0xF90]  }
0x15d: {  	v54 =	vld [tilespmem:s15+$0x8F90]  }
0x15e: {  	v55 =	vld [tilespmem:s11+$0xFA0]  }
0x15f: {  	v56 =	vld [tilespmem:s15+$0x8FA0]  }
0x160: {  	v57 =	vld [tilespmem:s15+$0x8FB0];
	v21 =	vmul.f32 v22, v21  }
0x161: {  	v22 =	vld [tilespmem:s11+$0xFB0]  }
0x162: {  	v23 =	vmul.f32 v54, v23;
	v21 =	vmul.f32 v21, v16;
	_ =	sdelay $0x1  }
0x163: {  	v58 =	vmul.f32 v56, v55;
	v23 =	vmul.f32 v23, v17;
	v21 =	vadd.f32 $0.0e+00, v21;
	_ =	sdelay $0x1  }
0x164: {  	v22 =	vmul.f32 v57, v22;
	v21 =	vadd.f32 v23, v21;
	v23 =	vmul.f32 v58, v18;
	_ =	sdelay $0x1  }
0x165: {  	v22 =	vmul.f32 v22, v19;
	v21 =	vadd.f32 v23, v21;
	_ =	sdelay $0x1  }
0x166: {  	v21 =	vadd.f32 v22, v21;
	_ =	sdelay $0x1  }
0x167: {  	[tilespmem:v15+s22+$0x0] =	vst.idx.msk $0xffff, v21  }
0x168: {  	v21 =	vld [tilespmem:$0x10A80];
	_ =	sdelay $0x1  }
0x169: {  	v22 =	vld [tilespmem:$0x10A90];
	_ =	sdelay $0x1  }
0x16a: {  	v23 =	vld [tilespmem:$0x10AA0]  }
0x16b: {  	v21 =	vadd.f32 v21, v20  }
0x16c: {  	v59 =	vld [tilespmem:$0x10AB0]  }
0x16d: {  	v21 =	vadd.f32 v22, v21  }
0x16e: {  	v22 =	vld [tilespmem:$0x10AC0]  }
0x16f: {  	v21 =	vadd.f32 v23, v21  }
0x170: {  	v23 =	vld [tilespmem:$0x10AD0]  }
0x171: {  	v21 =	vadd.f32 v59, v21  }
0x172: {  	v60 =	vld [tilespmem:$0x10AE0]  }
0x173: {  	v21 =	vadd.f32 v22, v21  }
0x174: {  	v22 =	vld [tilespmem:$0x10AF0]  }
0x175: {  	v21 =	vadd.f32 v23, v21  }
0x176: {  	v23 =	vld [tilespmem:$0x10B00]  }
0x177: {  	v21 =	vadd.f32 v60, v21  }
0x178: {  	v61 =	vld [tilespmem:$0x10B10]  }
0x179: {  	v21 =	vadd.f32 v22, v21  }
0x17a: {  	v22 =	vld [tilespmem:$0x10B20]  }
0x17b: {  	v21 =	vadd.f32 v23, v21  }
0x17c: {  	v23 =	vld [tilespmem:$0x10B30]  }
0x17d: {  	v21 =	vadd.f32 v61, v21  }
0x17e: {  	v62 =	vld [tilespmem:$0x10B40]  }
0x17f: {  	v21 =	vadd.f32 v22, v21  }
0x180: {  	v22 =	vld [tilespmem:$0x10B50]  }
0x181: {  	v21 =	vadd.f32 v23, v21  }
0x182: {  	v23 =	vld [tilespmem:$0x10B60]  }
0x183: {  	v21 =	vadd.f32 v62, v21  }
0x184: {  	v63 =	vld [tilespmem:$0x10B70]  }
0x185: {  	v21 =	vadd.f32 v22, v21  }
0x186: {  	p0 =	sne.s32 s2, $0x1E000  }
.Ltmp0:
0x187: {  	v21 =	vadd.f32 v23, v21;
	(pc) =	sbr.rel @p0 .LBB2_2-.Ltmp0, $4  }
0x188: {  	_ = 	snop  }
0x189: {  	v21 =	vadd.f32 v63, v21  }
0x18a: {  	s0 =	sadd.s32 $0x10, s0  }
0x18b: {  	s30 =	sadd.s32 $0x10, s30;
	s2 =	sadd.s32 $0x2000, s2;
	[tilespmem:s31+$0x0] =	vst v21;
	s31 =	sadd.s32 $0x10, s31  }
0x18c: {  	[tilespmem:s14], [sflag:$0x1] =	stream.indirect.gather [hbm4b:s3+s12], $0x80, s23, s12, $0xb8;
	[tilespmem:$0x10B80] =	vst v63  }
0x18d: {  	_ = 	snop  }
0x18e: {  	[tilespmem:s16], [sflag:$0x1] =	stream.indirect.gather [hbm4b:s4+s12], $0x80, s24, s12, $0xb8;
	[tilespmem:$0x10B80] =	vst v63  }
0x18f: {  	_ = 	snop  }
0x190: {  	[tilespmem:s18], [sflag:$0x1] =	stream.indirect.gather [hbm4b:s3+s12], $0x80, s25, s12, $0xb8;
	[tilespmem:$0x10B80] =	vst v63  }
0x191: {  	_ = 	snop  }
0x192: {  	[tilespmem:s20], [sflag:$0x1] =	stream.indirect.gather [hbm4b:s4+s12], $0x80, s26, s12, $0xb8;
	[tilespmem:$0x10B80] =	vst v63  }
0x193: {  	_ =	swait.ge [sflag:s21], $0x4000  }
0x194: {  	[sflag:s21] =	ssyncset.done $0x0  }
0x195: {  	[sflag:s21] =	ssyncadd.s32 $0xFFFFC000  }
0x196: {  	_ =	swait.ge [sflag:s21], $0x4000  }
0x197: {  	[sflag:s21] =	ssyncset.done $0x0  }
0x198: {  	[sflag:s21] =	ssyncadd.s32 $0xFFFFC000  }
0x199: {  	_ =	swait.ge [sflag:s21], $0x4000  }
0x19a: {  	[sflag:s21] =	ssyncset.done $0x0  }
0x19b: {  	[sflag:s21] =	ssyncadd.s32 $0xFFFFC000  }
0x19c: {  	_ =	swait.ge [sflag:s21], $0x4000  }
0x19d: {  	s30 =	simm.s32 $0x0;
	s31 =	simm.s32 $0x100;
	[sflag:s21] =	ssyncset.done $0x0  }
0x19e: {  	s0 =	simm.s32 $0x300;
	s2 =	simm.s32 $0x10900;
	[sflag:s21] =	ssyncadd.s32 $0xFFFFC000  }
.LBB2_4:
0x19f: {  	v21 =	vld [tilespmem:s31+$0x0];
	_ =	sdelay $0x1  }
0x1a0: {  	v22 =	vld [tilespmem:s0+$0x0];
	_ =	sdelay $0x2  }
0x1a1: {  	v21 =	vshll.u32 v21, $0x6  }
0x1a2: {  	s11 =	sshra.s32 s30, $0x2;
	v21 =	vand.u32 $0x40, v21  }
0x1a3: {  	v22 =	vshll.u32 v22, $0x6;
	v21 =	vadd.s32 s11, v21  }
0x1a4: {  	v22 =	vand.u32 $0x40, v22;
	(v2sf) =	vpush v21, $0x1  }
0x1a5: {  	v22 =	vadd.s32 s11, v22;
	(v2sf) =	vpush v21, $0x0  }
0x1a6: {  	(v2sf) =	vpush v22, $0x1  }
0x1a7: {  	(v2sf) =	vpush v22, $0x0;
	_ =	sdelay $0xb  }
0x1a8: {  	s11 =	spop (v2sf)  }
0x1a9: {  	s13 =	spop (v2sf)  }
0x1aa: {  	s15 =	spop (v2sf)  }
0x1ab: {  	v23 =	vld [tilespmem:s13+$0x800];
	s17 =	spop (v2sf)  }
0x1ac: {  	v24 =	vld [tilespmem:s17+$0x8800]  }
0x1ad: {  	v25 =	vld [tilespmem:s13+$0x810]  }
0x1ae: {  	v26 =	vld [tilespmem:s17+$0x8810]  }
0x1af: {  	v27 =	vld [tilespmem:s13+$0x820]  }
0x1b0: {  	v28 =	vld [tilespmem:s17+$0x8820]  }
0x1b1: {  	v63 =	vld [tilespmem:s13+$0x830];
	v23 =	vmul.f32 v24, v23  }
0x1b2: {  	v29 =	vld [tilespmem:s17+$0x8830]  }
0x1b3: {  	v25 =	vmul.f32 v26, v25;
	v23 =	vmul.f32 v23, v16;
	_ =	sdelay $0x1  }
0x1b4: {  	v30 =	vmul.f32 v28, v27;
	v25 =	vmul.f32 v25, v17;
	v23 =	vadd.f32 $0.0e+00, v23;
	_ =	sdelay $0x1  }
0x1b5: {  	v24 =	vmul.f32 v29, v63;
	v31 =	vmul.f32 v30, v18;
	v23 =	vadd.f32 v25, v23;
	_ =	sdelay $0x1  }
0x1b6: {  	v24 =	vmul.f32 v24, v19;
	v23 =	vadd.f32 v31, v23;
	_ =	sdelay $0x1  }
0x1b7: {  	v23 =	vadd.f32 v24, v23;
	_ =	sdelay $0x1  }
0x1b8: {  	[tilespmem:v0+s22+$0x0] =	vst.idx.msk $0xffff, v23  }
0x1b9: {  	v23 =	vld [tilespmem:s11+$0x880]  }
0x1ba: {  	(v2sf) =	vpush v21, $0x3;
	v32 =	vld [tilespmem:s15+$0x8880]  }
0x1bb: {  	(v2sf) =	vpush v21, $0x2;
	v33 =	vld [tilespmem:s11+$0x890]  }
0x1bc: {  	(v2sf) =	vpush v22, $0x3;
	v34 =	vld [tilespmem:s15+$0x8890]  }
0x1bd: {  	(v2sf) =	vpush v22, $0x2;
	v35 =	vld [tilespmem:s11+$0x8A0]  }
0x1be: {  	v36 =	vld [tilespmem:s15+$0x88A0]  }
0x1bf: {  	v37 =	vld [tilespmem:s11+$0x8B0];
	v23 =	vmul.f32 v32, v23  }
0x1c0: {  	v38 =	vld [tilespmem:s15+$0x88B0]  }
0x1c1: {  	v25 =	vmul.f32 v34, v33;
	v23 =	vmul.f32 v23, v16;
	_ =	sdelay $0x1  }
0x1c2: {  	v39 =	vmul.f32 v36, v35;
	v25 =	vmul.f32 v25, v17;
	v23 =	vadd.f32 $0.0e+00, v23;
	_ =	sdelay $0x1  }
0x1c3: {  	v24 =	vmul.f32 v38, v37;
	v40 =	vmul.f32 v39, v18;
	v23 =	vadd.f32 v25, v23;
	_ =	sdelay $0x1  }
0x1c4: {  	v24 =	vmul.f32 v24, v19;
	v23 =	vadd.f32 v40, v23;
	_ =	sdelay $0x1  }
0x1c5: {  	s11 =	spop (v2sf);
	v23 =	vadd.f32 v24, v23  }
0x1c6: {  	s13 =	spop (v2sf)  }
0x1c7: {  	s15 =	spop (v2sf);
	[tilespmem:v1+s22+$0x0] =	vst.idx.msk $0xffff, v23  }
0x1c8: {  	s17 =	spop (v2sf);
	v23 =	vld [tilespmem:s13+$0x900]  }
0x1c9: {  	v41 =	vld [tilespmem:s17+$0x8900]  }
0x1ca: {  	v42 =	vld [tilespmem:s13+$0x910]  }
0x1cb: {  	v43 =	vld [tilespmem:s17+$0x8910]  }
0x1cc: {  	v44 =	vld [tilespmem:s13+$0x920]  }
0x1cd: {  	v45 =	vld [tilespmem:s17+$0x8920]  }
0x1ce: {  	v46 =	vld [tilespmem:s13+$0x930];
	v23 =	vmul.f32 v41, v23  }
0x1cf: {  	v47 =	vld [tilespmem:s17+$0x8930]  }
0x1d0: {  	v25 =	vmul.f32 v43, v42;
	v23 =	vmul.f32 v23, v16;
	_ =	sdelay $0x1  }
0x1d1: {  	v48 =	vmul.f32 v45, v44;
	v25 =	vmul.f32 v25, v17;
	v23 =	vadd.f32 $0.0e+00, v23;
	_ =	sdelay $0x1  }
0x1d2: {  	v24 =	vmul.f32 v47, v46;
	v49 =	vmul.f32 v48, v18;
	v23 =	vadd.f32 v25, v23;
	_ =	sdelay $0x1  }
0x1d3: {  	v24 =	vmul.f32 v24, v19;
	v23 =	vadd.f32 v49, v23;
	_ =	sdelay $0x1  }
0x1d4: {  	v23 =	vadd.f32 v24, v23;
	_ =	sdelay $0x1  }
0x1d5: {  	[tilespmem:v2+s22+$0x0] =	vst.idx.msk $0xffff, v23  }
0x1d6: {  	v23 =	vld [tilespmem:s11+$0x980]  }
0x1d7: {  	(v2sf) =	vpush v21, $0x5;
	v50 =	vld [tilespmem:s15+$0x8980]  }
0x1d8: {  	(v2sf) =	vpush v21, $0x4;
	v51 =	vld [tilespmem:s11+$0x990]  }
0x1d9: {  	(v2sf) =	vpush v22, $0x5;
	v52 =	vld [tilespmem:s15+$0x8990]  }
0x1da: {  	(v2sf) =	vpush v22, $0x4;
	v53 =	vld [tilespmem:s11+$0x9A0]  }
0x1db: {  	v54 =	vld [tilespmem:s15+$0x89A0]  }
0x1dc: {  	v55 =	vld [tilespmem:s11+$0x9B0];
	v23 =	vmul.f32 v50, v23  }
0x1dd: {  	v56 =	vld [tilespmem:s15+$0x89B0]  }
0x1de: {  	v25 =	vmul.f32 v52, v51;
	v23 =	vmul.f32 v23, v16;
	_ =	sdelay $0x1  }
0x1df: {  	v57 =	vmul.f32 v54, v53;
	v25 =	vmul.f32 v25, v17;
	v23 =	vadd.f32 $0.0e+00, v23;
	_ =	sdelay $0x1  }
0x1e0: {  	v24 =	vmul.f32 v56, v55;
	v58 =	vmul.f32 v57, v18;
	v23 =	vadd.f32 v25, v23;
	_ =	sdelay $0x1  }
0x1e1: {  	v24 =	vmul.f32 v24, v19;
	v23 =	vadd.f32 v58, v23;
	_ =	sdelay $0x1  }
0x1e2: {  	s11 =	spop (v2sf);
	v23 =	vadd.f32 v24, v23  }
0x1e3: {  	s13 =	spop (v2sf)  }
0x1e4: {  	s15 =	spop (v2sf);
	[tilespmem:v3+s22+$0x0] =	vst.idx.msk $0xffff, v23  }
0x1e5: {  	s17 =	spop (v2sf);
	v23 =	vld [tilespmem:s13+$0xA00]  }
0x1e6: {  	v59 =	vld [tilespmem:s17+$0x8A00]  }
0x1e7: {  	v60 =	vld [tilespmem:s13+$0xA10]  }
0x1e8: {  	v61 =	vld [tilespmem:s17+$0x8A10]  }
0x1e9: {  	v62 =	vld [tilespmem:s13+$0xA20]  }
0x1ea: {  	v63 =	vld [tilespmem:s17+$0x8A20]  }
0x1eb: {  	v32 =	vld [tilespmem:s13+$0xA30];
	v23 =	vmul.f32 v59, v23  }
0x1ec: {  	v33 =	vld [tilespmem:s17+$0x8A30]  }
0x1ed: {  	v25 =	vmul.f32 v61, v60;
	v23 =	vmul.f32 v23, v16;
	_ =	sdelay $0x1  }
0x1ee: {  	v34 =	vmul.f32 v63, v62;
	v25 =	vmul.f32 v25, v17;
	v23 =	vadd.f32 $0.0e+00, v23;
	_ =	sdelay $0x1  }
0x1ef: {  	v24 =	vmul.f32 v33, v32;
	v35 =	vmul.f32 v34, v18;
	v23 =	vadd.f32 v25, v23;
	_ =	sdelay $0x1  }
0x1f0: {  	v24 =	vmul.f32 v24, v19;
	v23 =	vadd.f32 v35, v23;
	_ =	sdelay $0x1  }
0x1f1: {  	v23 =	vadd.f32 v24, v23;
	_ =	sdelay $0x1  }
0x1f2: {  	[tilespmem:v4+s22+$0x0] =	vst.idx.msk $0xffff, v23  }
0x1f3: {  	v23 =	vld [tilespmem:s11+$0xA80]  }
0x1f4: {  	(v2sf) =	vpush v21, $0x7;
	v36 =	vld [tilespmem:s15+$0x8A80]  }
0x1f5: {  	(v2sf) =	vpush v21, $0x6;
	v37 =	vld [tilespmem:s11+$0xA90]  }
0x1f6: {  	(v2sf) =	vpush v22, $0x7;
	v38 =	vld [tilespmem:s15+$0x8A90]  }
0x1f7: {  	(v2sf) =	vpush v22, $0x6;
	v39 =	vld [tilespmem:s11+$0xAA0]  }
0x1f8: {  	v40 =	vld [tilespmem:s15+$0x8AA0]  }
0x1f9: {  	v41 =	vld [tilespmem:s11+$0xAB0];
	v23 =	vmul.f32 v36, v23  }
0x1fa: {  	v42 =	vld [tilespmem:s15+$0x8AB0]  }
0x1fb: {  	v25 =	vmul.f32 v38, v37;
	v23 =	vmul.f32 v23, v16;
	_ =	sdelay $0x1  }
0x1fc: {  	v43 =	vmul.f32 v40, v39;
	v25 =	vmul.f32 v25, v17;
	v23 =	vadd.f32 $0.0e+00, v23;
	_ =	sdelay $0x1  }
0x1fd: {  	v24 =	vmul.f32 v42, v41;
	v44 =	vmul.f32 v43, v18;
	v23 =	vadd.f32 v25, v23;
	_ =	sdelay $0x1  }
0x1fe: {  	v24 =	vmul.f32 v24, v19;
	v23 =	vadd.f32 v44, v23;
	_ =	sdelay $0x1  }
0x1ff: {  	s11 =	spop (v2sf);
	v23 =	vadd.f32 v24, v23  }
0x200: {  	s13 =	spop (v2sf)  }
0x201: {  	s15 =	spop (v2sf);
	[tilespmem:v5+s22+$0x0] =	vst.idx.msk $0xffff, v23  }
0x202: {  	s17 =	spop (v2sf);
	v23 =	vld [tilespmem:s13+$0xB00]  }
0x203: {  	v45 =	vld [tilespmem:s17+$0x8B00]  }
0x204: {  	v46 =	vld [tilespmem:s13+$0xB10]  }
0x205: {  	v47 =	vld [tilespmem:s17+$0x8B10]  }
0x206: {  	v48 =	vld [tilespmem:s13+$0xB20]  }
0x207: {  	v49 =	vld [tilespmem:s17+$0x8B20]  }
0x208: {  	v50 =	vld [tilespmem:s13+$0xB30];
	v23 =	vmul.f32 v45, v23  }
0x209: {  	v51 =	vld [tilespmem:s17+$0x8B30]  }
0x20a: {  	v25 =	vmul.f32 v47, v46;
	v23 =	vmul.f32 v23, v16;
	_ =	sdelay $0x1  }
0x20b: {  	v52 =	vmul.f32 v49, v48;
	v25 =	vmul.f32 v25, v17;
	v23 =	vadd.f32 $0.0e+00, v23;
	_ =	sdelay $0x1  }
0x20c: {  	v24 =	vmul.f32 v51, v50;
	v53 =	vmul.f32 v52, v18;
	v23 =	vadd.f32 v25, v23;
	_ =	sdelay $0x1  }
0x20d: {  	v24 =	vmul.f32 v24, v19;
	v23 =	vadd.f32 v53, v23;
	_ =	sdelay $0x1  }
0x20e: {  	v23 =	vadd.f32 v24, v23;
	_ =	sdelay $0x1  }
0x20f: {  	[tilespmem:v6+s22+$0x0] =	vst.idx.msk $0xffff, v23  }
0x210: {  	v23 =	vld [tilespmem:s11+$0xB80]  }
0x211: {  	(v2sf) =	vpush v21, $0x9;
	v54 =	vld [tilespmem:s15+$0x8B80]  }
0x212: {  	(v2sf) =	vpush v21, $0x8;
	v55 =	vld [tilespmem:s11+$0xB90]  }
0x213: {  	(v2sf) =	vpush v22, $0x9;
	v56 =	vld [tilespmem:s15+$0x8B90]  }
0x214: {  	(v2sf) =	vpush v22, $0x8;
	v57 =	vld [tilespmem:s11+$0xBA0]  }
0x215: {  	v58 =	vld [tilespmem:s15+$0x8BA0]  }
0x216: {  	v59 =	vld [tilespmem:s11+$0xBB0];
	v23 =	vmul.f32 v54, v23  }
0x217: {  	v60 =	vld [tilespmem:s15+$0x8BB0]  }
0x218: {  	v25 =	vmul.f32 v56, v55;
	v23 =	vmul.f32 v23, v16;
	_ =	sdelay $0x1  }
0x219: {  	v61 =	vmul.f32 v58, v57;
	v25 =	vmul.f32 v25, v17;
	v23 =	vadd.f32 $0.0e+00, v23;
	_ =	sdelay $0x1  }
0x21a: {  	v24 =	vmul.f32 v60, v59;
	v62 =	vmul.f32 v61, v18;
	v23 =	vadd.f32 v25, v23;
	_ =	sdelay $0x1  }
0x21b: {  	v24 =	vmul.f32 v24, v19;
	v23 =	vadd.f32 v62, v23;
	_ =	sdelay $0x1  }
0x21c: {  	s11 =	spop (v2sf);
	v23 =	vadd.f32 v24, v23  }
0x21d: {  	s13 =	spop (v2sf)  }
0x21e: {  	s15 =	spop (v2sf);
	[tilespmem:v7+s22+$0x0] =	vst.idx.msk $0xffff, v23  }
0x21f: {  	s17 =	spop (v2sf);
	v23 =	vld [tilespmem:s13+$0xC00]  }
0x220: {  	v63 =	vld [tilespmem:s17+$0x8C00]  }
0x221: {  	v32 =	vld [tilespmem:s13+$0xC10]  }
0x222: {  	v33 =	vld [tilespmem:s17+$0x8C10]  }
0x223: {  	v34 =	vld [tilespmem:s13+$0xC20]  }
0x224: {  	v35 =	vld [tilespmem:s17+$0x8C20]  }
0x225: {  	v36 =	vld [tilespmem:s13+$0xC30];
	v23 =	vmul.f32 v63, v23  }
0x226: {  	v37 =	vld [tilespmem:s17+$0x8C30]  }
0x227: {  	v25 =	vmul.f32 v33, v32;
	v23 =	vmul.f32 v23, v16;
	_ =	sdelay $0x1  }
0x228: {  	v38 =	vmul.f32 v35, v34;
	v25 =	vmul.f32 v25, v17;
	v23 =	vadd.f32 $0.0e+00, v23;
	_ =	sdelay $0x1  }
0x229: {  	v24 =	vmul.f32 v37, v36;
	v39 =	vmul.f32 v38, v18;
	v23 =	vadd.f32 v25, v23;
	_ =	sdelay $0x1  }
0x22a: {  	v24 =	vmul.f32 v24, v19;
	v23 =	vadd.f32 v39, v23;
	_ =	sdelay $0x1  }
0x22b: {  	v23 =	vadd.f32 v24, v23;
	_ =	sdelay $0x1  }
0x22c: {  	[tilespmem:v8+s22+$0x0] =	vst.idx.msk $0xffff, v23  }
0x22d: {  	v23 =	vld [tilespmem:s11+$0xC80]  }
0x22e: {  	(v2sf) =	vpush v21, $0xB;
	v40 =	vld [tilespmem:s15+$0x8C80]  }
0x22f: {  	(v2sf) =	vpush v21, $0xA;
	v41 =	vld [tilespmem:s11+$0xC90]  }
0x230: {  	(v2sf) =	vpush v22, $0xB;
	v42 =	vld [tilespmem:s15+$0x8C90]  }
0x231: {  	(v2sf) =	vpush v22, $0xA;
	v43 =	vld [tilespmem:s11+$0xCA0]  }
0x232: {  	v44 =	vld [tilespmem:s15+$0x8CA0]  }
0x233: {  	v45 =	vld [tilespmem:s11+$0xCB0];
	v23 =	vmul.f32 v40, v23  }
0x234: {  	v46 =	vld [tilespmem:s15+$0x8CB0]  }
0x235: {  	v25 =	vmul.f32 v42, v41;
	v23 =	vmul.f32 v23, v16;
	_ =	sdelay $0x1  }
0x236: {  	v47 =	vmul.f32 v44, v43;
	v25 =	vmul.f32 v25, v17;
	v23 =	vadd.f32 $0.0e+00, v23;
	_ =	sdelay $0x1  }
0x237: {  	v24 =	vmul.f32 v46, v45;
	v48 =	vmul.f32 v47, v18;
	v23 =	vadd.f32 v25, v23;
	_ =	sdelay $0x1  }
0x238: {  	v24 =	vmul.f32 v24, v19;
	v23 =	vadd.f32 v48, v23;
	_ =	sdelay $0x1  }
0x239: {  	s11 =	spop (v2sf);
	v23 =	vadd.f32 v24, v23  }
0x23a: {  	s13 =	spop (v2sf)  }
0x23b: {  	s15 =	spop (v2sf);
	[tilespmem:v9+s22+$0x0] =	vst.idx.msk $0xffff, v23  }
0x23c: {  	s17 =	spop (v2sf);
	v23 =	vld [tilespmem:s13+$0xD00]  }
0x23d: {  	v49 =	vld [tilespmem:s17+$0x8D00]  }
0x23e: {  	v50 =	vld [tilespmem:s13+$0xD10]  }
0x23f: {  	v51 =	vld [tilespmem:s17+$0x8D10]  }
0x240: {  	v52 =	vld [tilespmem:s13+$0xD20]  }
0x241: {  	v53 =	vld [tilespmem:s17+$0x8D20]  }
0x242: {  	v54 =	vld [tilespmem:s13+$0xD30];
	v23 =	vmul.f32 v49, v23  }
0x243: {  	v55 =	vld [tilespmem:s17+$0x8D30]  }
0x244: {  	v25 =	vmul.f32 v51, v50;
	v23 =	vmul.f32 v23, v16;
	_ =	sdelay $0x1  }
0x245: {  	v56 =	vmul.f32 v53, v52;
	v25 =	vmul.f32 v25, v17;
	v23 =	vadd.f32 $0.0e+00, v23;
	_ =	sdelay $0x1  }
0x246: {  	v24 =	vmul.f32 v55, v54;
	v57 =	vmul.f32 v56, v18;
	v23 =	vadd.f32 v25, v23;
	_ =	sdelay $0x1  }
0x247: {  	v24 =	vmul.f32 v24, v19;
	v23 =	vadd.f32 v57, v23;
	_ =	sdelay $0x1  }
0x248: {  	v23 =	vadd.f32 v24, v23;
	_ =	sdelay $0x1  }
0x249: {  	[tilespmem:v10+s22+$0x0] =	vst.idx.msk $0xffff, v23  }
0x24a: {  	v23 =	vld [tilespmem:s11+$0xD80]  }
0x24b: {  	(v2sf) =	vpush v21, $0xD;
	v58 =	vld [tilespmem:s15+$0x8D80]  }
0x24c: {  	(v2sf) =	vpush v21, $0xC;
	v59 =	vld [tilespmem:s11+$0xD90]  }
0x24d: {  	(v2sf) =	vpush v22, $0xD;
	v60 =	vld [tilespmem:s15+$0x8D90]  }
0x24e: {  	(v2sf) =	vpush v22, $0xC;
	v61 =	vld [tilespmem:s11+$0xDA0]  }
0x24f: {  	v62 =	vld [tilespmem:s15+$0x8DA0]  }
0x250: {  	v63 =	vld [tilespmem:s11+$0xDB0];
	v23 =	vmul.f32 v58, v23  }
0x251: {  	v32 =	vld [tilespmem:s15+$0x8DB0]  }
0x252: {  	v25 =	vmul.f32 v60, v59;
	v23 =	vmul.f32 v23, v16;
	_ =	sdelay $0x1  }
0x253: {  	v33 =	vmul.f32 v62, v61;
	v25 =	vmul.f32 v25, v17;
	v23 =	vadd.f32 $0.0e+00, v23;
	_ =	sdelay $0x1  }
0x254: {  	v24 =	vmul.f32 v32, v63;
	v34 =	vmul.f32 v33, v18;
	v23 =	vadd.f32 v25, v23;
	_ =	sdelay $0x1  }
0x255: {  	v24 =	vmul.f32 v24, v19;
	v23 =	vadd.f32 v34, v23;
	_ =	sdelay $0x1  }
0x256: {  	s11 =	spop (v2sf);
	v23 =	vadd.f32 v24, v23  }
0x257: {  	s13 =	spop (v2sf)  }
0x258: {  	s15 =	spop (v2sf);
	[tilespmem:v11+s22+$0x0] =	vst.idx.msk $0xffff, v23  }
0x259: {  	s17 =	spop (v2sf);
	v23 =	vld [tilespmem:s13+$0xE00]  }
0x25a: {  	v35 =	vld [tilespmem:s17+$0x8E00]  }
0x25b: {  	v36 =	vld [tilespmem:s13+$0xE10]  }
0x25c: {  	v37 =	vld [tilespmem:s17+$0x8E10]  }
0x25d: {  	v38 =	vld [tilespmem:s13+$0xE20]  }
0x25e: {  	v39 =	vld [tilespmem:s17+$0x8E20]  }
0x25f: {  	v40 =	vld [tilespmem:s13+$0xE30];
	v23 =	vmul.f32 v35, v23  }
0x260: {  	v41 =	vld [tilespmem:s17+$0x8E30]  }
0x261: {  	v25 =	vmul.f32 v37, v36;
	v23 =	vmul.f32 v23, v16;
	_ =	sdelay $0x1  }
0x262: {  	v42 =	vmul.f32 v39, v38;
	v25 =	vmul.f32 v25, v17;
	v23 =	vadd.f32 $0.0e+00, v23;
	_ =	sdelay $0x1  }
0x263: {  	v24 =	vmul.f32 v41, v40;
	v43 =	vmul.f32 v42, v18;
	v23 =	vadd.f32 v25, v23;
	_ =	sdelay $0x1  }
0x264: {  	v24 =	vmul.f32 v24, v19;
	v23 =	vadd.f32 v43, v23;
	_ =	sdelay $0x1  }
0x265: {  	v23 =	vadd.f32 v24, v23;
	_ =	sdelay $0x1  }
0x266: {  	[tilespmem:v12+s22+$0x0] =	vst.idx.msk $0xffff, v23  }
0x267: {  	v23 =	vld [tilespmem:s11+$0xE80]  }
0x268: {  	(v2sf) =	vpush v21, $0xF;
	v44 =	vld [tilespmem:s15+$0x8E80]  }
0x269: {  	(v2sf) =	vpush v21, $0xE;
	v45 =	vld [tilespmem:s11+$0xE90]  }
0x26a: {  	(v2sf) =	vpush v22, $0xF;
	v21 =	vld [tilespmem:s15+$0x8E90]  }
0x26b: {  	(v2sf) =	vpush v22, $0xE;
	v46 =	vld [tilespmem:s11+$0xEA0]  }
0x26c: {  	v22 =	vld [tilespmem:s15+$0x8EA0]  }
0x26d: {  	v47 =	vld [tilespmem:s11+$0xEB0];
	v23 =	vmul.f32 v44, v23  }
0x26e: {  	v48 =	vld [tilespmem:s15+$0x8EB0]  }
0x26f: {  	v21 =	vmul.f32 v21, v45;
	v23 =	vmul.f32 v23, v16;
	_ =	sdelay $0x1  }
0x270: {  	v22 =	vmul.f32 v22, v46;
	v21 =	vmul.f32 v21, v17;
	v23 =	vadd.f32 $0.0e+00, v23;
	_ =	sdelay $0x1  }
0x271: {  	v22 =	vmul.f32 v22, v18;
	v21 =	vadd.f32 v21, v23;
	v23 =	vmul.f32 v48, v47;
	_ =	sdelay $0x1  }
0x272: {  	v21 =	vadd.f32 v22, v21;
	v22 =	vmul.f32 v23, v19;
	_ =	sdelay $0x1  }
0x273: {  	s11 =	spop (v2sf);
	v21 =	vadd.f32 v22, v21  }
0x274: {  	s13 =	spop (v2sf)  }
0x275: {  	s15 =	spop (v2sf);
	[tilespmem:v13+s22+$0x0] =	vst.idx.msk $0xffff, v21  }
0x276: {  	s17 =	spop (v2sf);
	v21 =	vld [tilespmem:s13+$0xF00]  }
0x277: {  	v22 =	vld [tilespmem:s17+$0x8F00]  }
0x278: {  	v23 =	vld [tilespmem:s13+$0xF10]  }
0x279: {  	v49 =	vld [tilespmem:s17+$0x8F10]  }
0x27a: {  	v50 =	vld [tilespmem:s13+$0xF20]  }
0x27b: {  	v51 =	vld [tilespmem:s17+$0x8F20]  }
0x27c: {  	v52 =	vld [tilespmem:s17+$0x8F30];
	v21 =	vmul.f32 v22, v21  }
0x27d: {  	v22 =	vld [tilespmem:s13+$0xF30]  }
0x27e: {  	v23 =	vmul.f32 v49, v23;
	v21 =	vmul.f32 v21, v16;
	_ =	sdelay $0x1  }
0x27f: {  	v53 =	vmul.f32 v51, v50;
	v23 =	vmul.f32 v23, v17;
	v21 =	vadd.f32 $0.0e+00, v21;
	_ =	sdelay $0x1  }
0x280: {  	v22 =	vmul.f32 v52, v22;
	v21 =	vadd.f32 v23, v21;
	v23 =	vmul.f32 v53, v18;
	_ =	sdelay $0x1  }
0x281: {  	v22 =	vmul.f32 v22, v19;
	v21 =	vadd.f32 v23, v21;
	_ =	sdelay $0x1  }
0x282: {  	v21 =	vadd.f32 v22, v21;
	_ =	sdelay $0x1  }
0x283: {  	[tilespmem:v14+s22+$0x0] =	vst.idx.msk $0xffff, v21  }
0x284: {  	v21 =	vld [tilespmem:s11+$0xF80]  }
0x285: {  	v22 =	vld [tilespmem:s15+$0x8F80]  }
0x286: {  	v23 =	vld [tilespmem:s11+$0xF90]  }
0x287: {  	v54 =	vld [tilespmem:s15+$0x8F90]  }
0x288: {  	v55 =	vld [tilespmem:s11+$0xFA0]  }
0x289: {  	v56 =	vld [tilespmem:s15+$0x8FA0]  }
0x28a: {  	v57 =	vld [tilespmem:s15+$0x8FB0];
	v21 =	vmul.f32 v22, v21  }
0x28b: {  	v22 =	vld [tilespmem:s11+$0xFB0]  }
0x28c: {  	v23 =	vmul.f32 v54, v23;
	v21 =	vmul.f32 v21, v16;
	_ =	sdelay $0x1  }
0x28d: {  	v58 =	vmul.f32 v56, v55;
	v23 =	vmul.f32 v23, v17;
	v21 =	vadd.f32 $0.0e+00, v21;
	_ =	sdelay $0x1  }
0x28e: {  	v22 =	vmul.f32 v57, v22;
	v21 =	vadd.f32 v23, v21;
	v23 =	vmul.f32 v58, v18;
	_ =	sdelay $0x1  }
0x28f: {  	v22 =	vmul.f32 v22, v19;
	v21 =	vadd.f32 v23, v21;
	_ =	sdelay $0x1  }
0x290: {  	v21 =	vadd.f32 v22, v21;
	_ =	sdelay $0x1  }
0x291: {  	[tilespmem:v15+s22+$0x0] =	vst.idx.msk $0xffff, v21  }
0x292: {  	v21 =	vld [tilespmem:$0x10A80];
	_ =	sdelay $0x1  }
0x293: {  	v22 =	vld [tilespmem:$0x10A90];
	_ =	sdelay $0x1  }
0x294: {  	v23 =	vld [tilespmem:$0x10AA0]  }
0x295: {  	v21 =	vadd.f32 v21, v20  }
0x296: {  	v59 =	vld [tilespmem:$0x10AB0]  }
0x297: {  	v21 =	vadd.f32 v22, v21  }
0x298: {  	v22 =	vld [tilespmem:$0x10AC0]  }
0x299: {  	v21 =	vadd.f32 v23, v21  }
0x29a: {  	v23 =	vld [tilespmem:$0x10AD0]  }
0x29b: {  	v21 =	vadd.f32 v59, v21  }
0x29c: {  	v60 =	vld [tilespmem:$0x10AE0]  }
0x29d: {  	v21 =	vadd.f32 v22, v21  }
0x29e: {  	v22 =	vld [tilespmem:$0x10AF0]  }
0x29f: {  	v21 =	vadd.f32 v23, v21  }
0x2a0: {  	v23 =	vld [tilespmem:$0x10B00]  }
0x2a1: {  	v21 =	vadd.f32 v60, v21  }
0x2a2: {  	v61 =	vld [tilespmem:$0x10B10]  }
0x2a3: {  	v21 =	vadd.f32 v22, v21  }
0x2a4: {  	v22 =	vld [tilespmem:$0x10B20]  }
0x2a5: {  	v21 =	vadd.f32 v23, v21  }
0x2a6: {  	v23 =	vld [tilespmem:$0x10B30]  }
0x2a7: {  	v21 =	vadd.f32 v61, v21  }
0x2a8: {  	v62 =	vld [tilespmem:$0x10B40]  }
0x2a9: {  	v21 =	vadd.f32 v22, v21  }
0x2aa: {  	v22 =	vld [tilespmem:$0x10B50]  }
0x2ab: {  	v21 =	vadd.f32 v23, v21  }
0x2ac: {  	v23 =	vld [tilespmem:$0x10B60]  }
0x2ad: {  	v21 =	vadd.f32 v62, v21  }
0x2ae: {  	v63 =	vld [tilespmem:$0x10B70]  }
0x2af: {  	v21 =	vadd.f32 v22, v21  }
0x2b0: {  	p0 =	sne.s32 s30, $0x1E000  }
.Ltmp1:
0x2b1: {  	v21 =	vadd.f32 v23, v21;
	(pc) =	sbr.rel @p0 .LBB2_4-.Ltmp1, $4  }
0x2b2: {  	_ = 	snop  }
0x2b3: {  	v21 =	vadd.f32 v63, v21  }
0x2b4: {  	s31 =	sadd.s32 $0x10, s31  }
0x2b5: {  	s0 =	sadd.s32 $0x10, s0;
	s30 =	sadd.s32 $0x2000, s30;
	[tilespmem:s2+$0x0] =	vst v21;
	s2 =	sadd.s32 $0x10, s2  }
0x2b6: {  	s29 =	sadd.s32 $0x1, s29  }
0x2b7: {  	p0 =	sne.s32 s29, s9  }
.Ltmp2:
0x2b8: {  	_ = 	snop;
	(pc) =	sbr.rel @p0 .LBB2_1-.Ltmp2, $4  }
0x2b9: {  	[hbm4b:s8+s1] =	stream.linear.scatter [tilespmem:s28], [sflag:$0x2], $0x200, $0x38;
	[tilespmem:$0x10B80] =	vst v63  }
0x2ba: {  	_ =	swait.ge [sflag:s10], $0x200  }
0x2bb: {  	[sflag:s10] =	ssyncset.done $0x0  }
0x2bc: {  	[sflag:s10] =	ssyncadd.s32 $0xFFFFFE00  }
0x2bd: {  	_ =	sfence.sel $0x180000  }
0x2be: {  	[bflag:$0x0] =	sbarrier.arrive $0xFFFF  }
0x2bf: {  	_ =	strace $0x90000047  }
0x2c0: {  	s0 =	stileid.u32;
	[bflag:$0x2] =	sbarrier.arrive $0xFFFF  }
0x2c1: {  	p0 =	sne.s32 s0, $0x0;
	s0 =	rddreg [dreg:$0x4]  }
0x2c2: {  	s0 =	sadd.s32 @!p0 $0x100000, s0  }
0x2c3: {  	[sflag:s0] =	ssyncadd.tile.s32 @!p0 $0x1;
	_ =	shalt  }
.Lfunc_end2:
_tile_overlayer_lowered:
.L_overlay_start_2:
0x2c4: {  	(tag) =	ssettag $0x2  }
0x2c5: {  	s0 =	rddreg [dreg:$0x0];
	s2 =	stileid.u32  }
0x2c6: {  	s1 =	rddreg [dreg:$0x1];
	p0 =	sne.s32 s2, $0x0  }
0x2c7: {  	s3 =	rddreg [dreg:$0x2];
	[bflag:$0x3] =	sbarrier.arrive $0xFFFF;
	s2 =	simm.s32 @!p0 $0x1C02  }
0x2c8: {  	[timem:s3], [sflag:s2] =	dma.local @!p0 [hbm:s0], s1  }
0x2c9: {  	s0 =	simm.s32 @!p0 $0x2  }
0x2ca: {  	_ =	swait.ge @!p0 [sflag:s0], s1  }
0x2cb: {  	s1 =	ssub.s32 @!p0 $0x0, s1;
	[sflag:s0] =	ssyncset.done @!p0 $0x0  }
0x2cc: {  	[sflag:s0] =	ssyncadd.s32 @!p0 s1  }
0x2cd: {  	[bflag:$0x3] =	sbarrier.arrive $0xFFFF  }
0x2ce: {  	_ =	shalt  }

</sc_bundles>
